<compile_context>
chip_gen: v7x
topology: tpu7x:2x2x1
jax: 0.10.2.dev20260603
libtpu: 0.0.44.dev20260713+nightly
codegen_flags: <defaults>
</compile_context>

<pallas_src>
import dataclasses
import functools

import jax
import jax.numpy as jnp
from jax import lax
from jax.experimental import pallas as pl
from jax.experimental.pallas import tpu as pltpu
from jax.experimental.pallas import tpu_sc as plsc

C = 64
D = 512
NSUP = 8192
NQ = 16384
NC = 2
NT = 16
NW = NC * NT
ROWS_PER_TILE = NSUP // NW
CHUNK = 64
NCHUNK = ROWS_PER_TILE // CHUNK
QBLK = 4096


def _segment_sums_sc(x_support, y_support):
    mesh = plsc.VectorSubcoreMesh(core_axis_name="c", subcore_axis_name="s")
    cp = pltpu.CompilerParams()
    if "needs_layout_passes" in pltpu.CompilerParams.__dataclass_fields__:
        cp = dataclasses.replace(cp, needs_layout_passes=False)

    @functools.partial(
        pl.kernel,
        out_type=(
            jax.ShapeDtypeStruct((NW, C, D), jnp.float32),
            jax.ShapeDtypeStruct((NW, C), jnp.float32),
        ),
        mesh=mesh,
        scratch_types=[
            pltpu.VMEM((2, CHUNK, D), jnp.float32),
            pltpu.VMEM((2, CHUNK), jnp.int32),
            pltpu.VMEM((C, D), jnp.float32),
            pltpu.VMEM((C,), jnp.float32),
            pltpu.SemaphoreType.DMA,
            pltpu.SemaphoreType.DMA,
            pltpu.SemaphoreType.DMA,
            pltpu.SemaphoreType.DMA,
        ],
        compiler_params=cp,
    )
    def seg_kernel(x_hbm, y_hbm, sums_hbm, cnt_hbm, rows_v, idx_v, acc_v,
                   hist_v, semr0, semr1, semi0, semi1):
        cid = lax.axis_index("c")
        sid = lax.axis_index("s")
        wid = cid * NT + sid
        semr = (semr0, semr1)
        semi = (semi0, semi1)

        def start_fetch(k):
            b = k % 2
            off = wid * ROWS_PER_TILE + k * CHUNK
            hr = pltpu.async_copy(
                x_hbm.at[pl.ds(off, CHUNK)], rows_v.at[b], semr[b])
            hi = pltpu.async_copy(
                y_hbm.at[pl.ds(off, CHUNK)], idx_v.at[b], semi[b])
            return hr, hi

        inflight = start_fetch(0)

        zero16 = jnp.zeros((16,), jnp.float32)

        @pl.loop(0, C)
        def _(i):
            for u in range(D // 16):
                acc_v[i, pl.ds(u * 16, 16)] = zero16

        for u in range(C // 16):
            hist_v[pl.ds(u * 16, 16)] = zero16

        col0 = lax.broadcasted_iota(jnp.int32, (16,), 0)
        lane0 = col0 == 0
        ones16 = jnp.full((16,), 1.0, jnp.float32)
        zeroi16 = jnp.zeros((16,), jnp.int32)

        for k in range(NCHUNK):
            b = k % 2
            hr, hi = inflight
            hr.wait()
            hi.wait()
            if k + 1 < NCHUNK:
                inflight = start_fetch(k + 1)

            @plsc.parallel_loop(0, CHUNK, unroll=8)
            def _(r):
                lbl = plsc.load_gather(idx_v.at[b], [zeroi16 + r])
                plsc.addupdate_scatter(hist_v, [lbl], ones16, mask=lane0)
                for j in range(D // 16):
                    data = rows_v[b, r, pl.ds(j * 16, 16)]
                    plsc.addupdate_scatter(
                        acc_v, [lbl, col0 + j * 16], data)

        pltpu.sync_copy(acc_v, sums_hbm.at[wid])
        pltpu.sync_copy(hist_v, cnt_hbm.at[wid])

    return seg_kernel(x_support, y_support)


def _distances_tc(partial_sums, partial_counts, x_query):

    def body(ps_ref, pc_ref, q_ref, out_ref, proto_ref, pn_ref):
        @pl.when(pl.program_id(0) == 0)
        def _():
            sums = ps_ref[0]
            for w in range(1, NW):
                sums = sums + ps_ref[w]
            counts = jnp.sum(pc_ref[...], axis=0)
            proto = sums * (1.0 / counts)[:, None]
            proto_ref[...] = proto.astype(jnp.bfloat16)
            pn_ref[...] = jnp.sum(proto * proto, axis=1)[None, :]

        q = q_ref[...]
        qn = jnp.sum(q * q, axis=1, keepdims=True)
        dot = lax.dot_general(
            q.astype(jnp.bfloat16), proto_ref[...],
            (((1,), (1,)), ((), ())),
            preferred_element_type=jnp.float32,
        )
        out_ref[...] = qn - 2.0 * dot + pn_ref[...]

    return pl.pallas_call(
        body,
        grid=(NQ // QBLK,),
        in_specs=[
            pl.BlockSpec((NW, C, D), lambda i: (0, 0, 0)),
            pl.BlockSpec((NW, C), lambda i: (0, 0)),
            pl.BlockSpec((QBLK, D), lambda i: (i, 0)),
        ],
        out_specs=pl.BlockSpec((QBLK, C), lambda i: (i, 0)),
        out_shape=jax.ShapeDtypeStruct((NQ, C), jnp.float32),
        scratch_shapes=[
            pltpu.VMEM((C, D), jnp.bfloat16),
            pltpu.VMEM((1, C), jnp.float32),
        ],
    )(partial_sums, partial_counts, x_query)


def kernel(x_support, y_support, x_query):
    sums, counts = _segment_sums_sc(
        x_support, y_support.astype(jnp.int32))
    return _distances_tc(sums, counts, x_query)

# --- scband reference (transcript-rebuilt; emitter-appended) ---
"""Pipeline reference for scband-prototype-net-57921928953924 (READ-ONLY COPY).

The authoritative reference and input builder live on the scoring server;
editing this copy changes nothing except your own understanding.
"""

import jax, jax.numpy as jnp
import numpy as np

NUM_CLASSES = 64

def setup_inputs(seed: int = 0) -> dict:
    key = jax.random.key(seed)
    k1, k2, k3 = jax.random.split(key, 3)
    x_support = jax.random.normal(k1, (8192, 512), dtype=jnp.float32)
    y_support = jax.random.randint(k2, (8192,), 0, NUM_CLASSES)
    x_query = jax.random.normal(k3, (16384, 512), dtype=jnp.float32)
    return {"x_support": x_support, "y_support": y_support, "x_query": x_query}

def reference(x_support, y_support, x_query):
    # calculate_prototypes: per-class masked mean == segment mean over labels
    sums = jax.ops.segment_sum(x_support, y_support, num_segments=NUM_CLASSES)
    counts = jax.ops.segment_sum(jnp.ones((x_support.shape[0],), dtype=jnp.float32), y_support, num_segments=NUM_CLASSES)
    prototypes = sums / counts[:, None]
    # euclidean_dist: pairwise squared L2 between queries and prototypes
    xq = x_query.reshape(x_query.shape[0], -1)
    p = prototypes.reshape(prototypes.shape[0], -1)
    diff = xq[:, None, :] - p[None, :, :]
    dists = jnp.sum(diff ** 2, axis=2)
    return dists

if __name__ == "__main__":
    import jax
    _d = setup_inputs()
    print(jax.jit(kernel)(*tuple(_d.values())))

</pallas_src>

<mosaic_0001>
#map = affine_map<(d0, d1) -> (0, 0)>
#map1 = affine_map<(d0, d1) -> (0)>
#map2 = affine_map<(d0, d1) -> (0, 0, 0)>
module attributes {stable_mosaic.version = 14 : i64} {
  func.func @seg_kernel(%arg0: i32, %arg1: i32, %arg2: memref<8192x512xf32, #tpu.memory_space<hbm>>, %arg3: memref<8192xi32, #tpu.memory_space<hbm>>, %arg4: memref<32x64x512xf32, #tpu.memory_space<hbm>>, %arg5: memref<32x64xf32, #tpu.memory_space<hbm>>, %arg6: memref<2x64x512xf32, #tpu.memory_space<vmem>>, %arg7: memref<2x64xi32, #tpu.memory_space<vmem>>, %arg8: memref<64x512xf32, #tpu.memory_space<vmem>>, %arg9: memref<64xf32, #tpu.memory_space<vmem>>, %arg10: memref<!tpu.dma_semaphore, #tpu.memory_space<semaphore_mem>>, %arg11: memref<!tpu.dma_semaphore, #tpu.memory_space<semaphore_mem>>, %arg12: memref<!tpu.dma_semaphore, #tpu.memory_space<semaphore_mem>>, %arg13: memref<!tpu.dma_semaphore, #tpu.memory_space<semaphore_mem>>) attributes {dimension_semantics = [#tpu.dimension_semantics<core_parallel>, #tpu.dimension_semantics<subcore_parallel>], iteration_bounds = array<i64: 2, 16>, scalar_prefetch = 0 : i64, scratch_operands = 8 : i64, tpu.core_type = #tpu.core_type<sc_vector_subcore>, window_params = [{transform_indices = #map}, {transform_indices = #map1}, {transform_indices = #map2}, {transform_indices = #map}]} {
    %mul3A = arith.constant 16 : i32
    %mul3A_0 = arith.muli %arg0, %mul3A : i32
    %add3A = arith.addi %mul3A_0, %arg1 : i32
    %mul3A_1 = arith.constant 256 : i32
    %mul3A_2 = arith.muli %add3A, %mul3A_1 : i32
    %add3A_3 = arith.constant 0 : i32
    %add3A_4 = arith.addi %mul3A_2, %add3A_3 : i32
    %dma_start3A = arith.constant 0 : i32
    %dma_start3A_5 = arith.constant 0 : i32
    %dma_start3A_6 = arith.constant 0 : i32
    %dma_start3A_7 = tpu.memref_slice %arg6[%dma_start3A, %dma_start3A_5, %dma_start3A_6] : memref<2x64x512xf32, #tpu.memory_space<vmem>> -> memref<1x64x512xf32, #tpu.memory_space<vmem>>
    %dma_start3A_8 = tpu.memref_squeeze %dma_start3A_7 : memref<1x64x512xf32, #tpu.memory_space<vmem>> -> memref<64x512xf32, #tpu.memory_space<vmem>>
    %dma_start3A_9 = arith.constant 0 : i32
    %dma_start3A_10 = tpu.memref_slice %arg2[%add3A_4, %dma_start3A_9] : memref<8192x512xf32, #tpu.memory_space<hbm>> -> memref<64x512xf32, #tpu.memory_space<hbm>>
    %dma_start3A_11 = arith.constant 0 : i32
    %dma_start3A_12 = arith.constant 0 : i32
    %dma_start3A_13 = tpu.memref_slice %arg6[%dma_start3A, %dma_start3A_11, %dma_start3A_12] : memref<2x64x512xf32, #tpu.memory_space<vmem>> -> memref<1x64x512xf32, #tpu.memory_space<vmem>>
    %dma_start3A_14 = tpu.memref_squeeze %dma_start3A_13 : memref<1x64x512xf32, #tpu.memory_space<vmem>> -> memref<64x512xf32, #tpu.memory_space<vmem>>
    %dma_start3A_15 = arith.constant 0 : i32
    %dma_start3A_16 = tpu.memref_slice %arg2[%add3A_4, %dma_start3A_15] : memref<8192x512xf32, #tpu.memory_space<hbm>> -> memref<64x512xf32, #tpu.memory_space<hbm>>
    tpu.enqueue_dma source(%dma_start3A_16 : memref<64x512xf32, #tpu.memory_space<hbm>>) target(%dma_start3A_14 : memref<64x512xf32, #tpu.memory_space<vmem>>) target_semaphore(%arg10 : memref<!tpu.dma_semaphore, #tpu.memory_space<semaphore_mem>>)
    %dma_start3A_17 = arith.constant 0 : i32
    %dma_start3A_18 = arith.constant 0 : i32
    %dma_start3A_19 = tpu.memref_slice %arg7[%dma_start3A_17, %dma_start3A_18] : memref<2x64xi32, #tpu.memory_space<vmem>> -> memref<1x64xi32, #tpu.memory_space<vmem>>
    %dma_start3A_20 = tpu.memref_squeeze %dma_start3A_19 : memref<1x64xi32, #tpu.memory_space<vmem>> -> memref<64xi32, #tpu.memory_space<vmem>>
    %dma_start3A_21 = tpu.memref_slice %arg3[%add3A_4] : memref<8192xi32, #tpu.memory_space<hbm>> -> memref<64xi32, #tpu.memory_space<hbm>>
    %dma_start3A_22 = arith.constant 0 : i32
    %dma_start3A_23 = tpu.memref_slice %arg7[%dma_start3A_17, %dma_start3A_22] : memref<2x64xi32, #tpu.memory_space<vmem>> -> memref<1x64xi32, #tpu.memory_space<vmem>>
    %dma_start3A_24 = tpu.memref_squeeze %dma_start3A_23 : memref<1x64xi32, #tpu.memory_space<vmem>> -> memref<64xi32, #tpu.memory_space<vmem>>
    %dma_start3A_25 = tpu.memref_slice %arg3[%add3A_4] : memref<8192xi32, #tpu.memory_space<hbm>> -> memref<64xi32, #tpu.memory_space<hbm>>
    tpu.enqueue_dma source(%dma_start3A_25 : memref<64xi32, #tpu.memory_space<hbm>>) target(%dma_start3A_24 : memref<64xi32, #tpu.memory_space<vmem>>) target_semaphore(%arg12 : memref<!tpu.dma_semaphore, #tpu.memory_space<semaphore_mem>>)
    %broadcast_in_dim3A = arith.constant 0.000000e+00 : f32
    %broadcast_in_dim3A_26 = vector.broadcast %broadcast_in_dim3A : f32 to vector<16xf32>
    %scan3A = arith.constant 0 : i32
    %scan3A_27 = arith.constant 64 : i32
    %scan3A_28 = arith.addi %scan3A, %scan3A_27 : i32
    %scan3A_29 = arith.constant 1 : i32
    scf.for %scan3A_220 = %scan3A to %scan3A_28 step %scan3A_29  : i32 {
      %mul3A_221 = arith.constant 1 : i32
      %mul3A_222 = arith.muli %scan3A_220, %mul3A_221 : i32
      %add3A_223 = arith.constant 0 : i32
      %add3A_224 = arith.addi %add3A_223, %mul3A_222 : i32
      %swap3A_225 = arith.index_cast %add3A_224 : i32 to index
      %swap3A_226 = arith.constant 0 : index
      %swap3A_227 = tpu.vector_load %arg8[%swap3A_225, %swap3A_226] {strides = array<i32>} : memref<64x512xf32, #tpu.memory_space<vmem>>, vector<16xf32>,
      tpu.vector_store %arg8[%swap3A_225, %swap3A_226], %broadcast_in_dim3A_26 {strides = array<i32>} : memref<64x512xf32, #tpu.memory_space<vmem>>, vector<16xf32>,
      %swap3A_228 = arith.index_cast %add3A_224 : i32 to index
      %swap3A_229 = arith.constant 16 : index
      %swap3A_230 = tpu.vector_load %arg8[%swap3A_228, %swap3A_229] {strides = array<i32>} : memref<64x512xf32, #tpu.memory_space<vmem>>, vector<16xf32>,
      tpu.vector_store %arg8[%swap3A_228, %swap3A_229], %broadcast_in_dim3A_26 {strides = array<i32>} : memref<64x512xf32, #tpu.memory_space<vmem>>, vector<16xf32>,
      %swap3A_231 = arith.index_cast %add3A_224 : i32 to index
      %swap3A_232 = arith.constant 32 : index
      %swap3A_233 = tpu.vector_load %arg8[%swap3A_231, %swap3A_232] {strides = array<i32>} : memref<64x512xf32, #tpu.memory_space<vmem>>, vector<16xf32>,
      tpu.vector_store %arg8[%swap3A_231, %swap3A_232], %broadcast_in_dim3A_26 {strides = array<i32>} : memref<64x512xf32, #tpu.memory_space<vmem>>, vector<16xf32>,
      %swap3A_234 = arith.index_cast %add3A_224 : i32 to index
      %swap3A_235 = arith.constant 48 : index
      %swap3A_236 = tpu.vector_load %arg8[%swap3A_234, %swap3A_235] {strides = array<i32>} : memref<64x512xf32, #tpu.memory_space<vmem>>, vector<16xf32>,
      tpu.vector_store %arg8[%swap3A_234, %swap3A_235], %broadcast_in_dim3A_26 {strides = array<i32>} : memref<64x512xf32, #tpu.memory_space<vmem>>, vector<16xf32>,
      %swap3A_237 = arith.index_cast %add3A_224 : i32 to index
      %swap3A_238 = arith.constant 64 : index
      %swap3A_239 = tpu.vector_load %arg8[%swap3A_237, %swap3A_238] {strides = array<i32>} : memref<64x512xf32, #tpu.memory_space<vmem>>, vector<16xf32>,
      tpu.vector_store %arg8[%swap3A_237, %swap3A_238], %broadcast_in_dim3A_26 {strides = array<i32>} : memref<64x512xf32, #tpu.memory_space<vmem>>, vector<16xf32>,
      %swap3A_240 = arith.index_cast %add3A_224 : i32 to index
      %swap3A_241 = arith.constant 80 : index
      %swap3A_242 = tpu.vector_load %arg8[%swap3A_240, %swap3A_241] {strides = array<i32>} : memref<64x512xf32, #tpu.memory_space<vmem>>, vector<16xf32>,
      tpu.vector_store %arg8[%swap3A_240, %swap3A_241], %broadcast_in_dim3A_26 {strides = array<i32>} : memref<64x512xf32, #tpu.memory_space<vmem>>, vector<16xf32>,
      %swap3A_243 = arith.index_cast %add3A_224 : i32 to index
      %swap3A_244 = arith.constant 96 : index
      %swap3A_245 = tpu.vector_load %arg8[%swap3A_243, %swap3A_244] {strides = array<i32>} : memref<64x512xf32, #tpu.memory_space<vmem>>, vector<16xf32>,
      tpu.vector_store %arg8[%swap3A_243, %swap3A_244], %broadcast_in_dim3A_26 {strides = array<i32>} : memref<64x512xf32, #tpu.memory_space<vmem>>, vector<16xf32>,
      %swap3A_246 = arith.index_cast %add3A_224 : i32 to index
      %swap3A_247 = arith.constant 112 : index
      %swap3A_248 = tpu.vector_load %arg8[%swap3A_246, %swap3A_247] {strides = array<i32>} : memref<64x512xf32, #tpu.memory_space<vmem>>, vector<16xf32>,
      tpu.vector_store %arg8[%swap3A_246, %swap3A_247], %broadcast_in_dim3A_26 {strides = array<i32>} : memref<64x512xf32, #tpu.memory_space<vmem>>, vector<16xf32>,
      %swap3A_249 = arith.index_cast %add3A_224 : i32 to index
      %swap3A_250 = arith.constant 128 : index
      %swap3A_251 = tpu.vector_load %arg8[%swap3A_249, %swap3A_250] {strides = array<i32>} : memref<64x512xf32, #tpu.memory_space<vmem>>, vector<16xf32>,
      tpu.vector_store %arg8[%swap3A_249, %swap3A_250], %broadcast_in_dim3A_26 {strides = array<i32>} : memref<64x512xf32, #tpu.memory_space<vmem>>, vector<16xf32>,
      %swap3A_252 = arith.index_cast %add3A_224 : i32 to index
      %swap3A_253 = arith.constant 144 : index
      %swap3A_254 = tpu.vector_load %arg8[%swap3A_252, %swap3A_253] {strides = array<i32>} : memref<64x512xf32, #tpu.memory_space<vmem>>, vector<16xf32>,
      tpu.vector_store %arg8[%swap3A_252, %swap3A_253], %broadcast_in_dim3A_26 {strides = array<i32>} : memref<64x512xf32, #tpu.memory_space<vmem>>, vector<16xf32>,
      %swap3A_255 = arith.index_cast %add3A_224 : i32 to index
      %swap3A_256 = arith.constant 160 : index
      %swap3A_257 = tpu.vector_load %arg8[%swap3A_255, %swap3A_256] {strides = array<i32>} : memref<64x512xf32, #tpu.memory_space<vmem>>, vector<16xf32>,
      tpu.vector_store %arg8[%swap3A_255, %swap3A_256], %broadcast_in_dim3A_26 {strides = array<i32>} : memref<64x512xf32, #tpu.memory_space<vmem>>, vector<16xf32>,
      %swap3A_258 = arith.index_cast %add3A_224 : i32 to index
      %swap3A_259 = arith.constant 176 : index
      %swap3A_260 = tpu.vector_load %arg8[%swap3A_258, %swap3A_259] {strides = array<i32>} : memref<64x512xf32, #tpu.memory_space<vmem>>, vector<16xf32>,
      tpu.vector_store %arg8[%swap3A_258, %swap3A_259], %broadcast_in_dim3A_26 {strides = array<i32>} : memref<64x512xf32, #tpu.memory_space<vmem>>, vector<16xf32>,
      %swap3A_261 = arith.index_cast %add3A_224 : i32 to index
      %swap3A_262 = arith.constant 192 : index
      %swap3A_263 = tpu.vector_load %arg8[%swap3A_261, %swap3A_262] {strides = array<i32>} : memref<64x512xf32, #tpu.memory_space<vmem>>, vector<16xf32>,
      tpu.vector_store %arg8[%swap3A_261, %swap3A_262], %broadcast_in_dim3A_26 {strides = array<i32>} : memref<64x512xf32, #tpu.memory_space<vmem>>, vector<16xf32>,
      %swap3A_264 = arith.index_cast %add3A_224 : i32 to index
      %swap3A_265 = arith.constant 208 : index
      %swap3A_266 = tpu.vector_load %arg8[%swap3A_264, %swap3A_265] {strides = array<i32>} : memref<64x512xf32, #tpu.memory_space<vmem>>, vector<16xf32>,
      tpu.vector_store %arg8[%swap3A_264, %swap3A_265], %broadcast_in_dim3A_26 {strides = array<i32>} : memref<64x512xf32, #tpu.memory_space<vmem>>, vector<16xf32>,
      %swap3A_267 = arith.index_cast %add3A_224 : i32 to index
      %swap3A_268 = arith.constant 224 : index
      %swap3A_269 = tpu.vector_load %arg8[%swap3A_267, %swap3A_268] {strides = array<i32>} : memref<64x512xf32, #tpu.memory_space<vmem>>, vector<16xf32>,
      tpu.vector_store %arg8[%swap3A_267, %swap3A_268], %broadcast_in_dim3A_26 {strides = array<i32>} : memref<64x512xf32, #tpu.memory_space<vmem>>, vector<16xf32>,
      %swap3A_270 = arith.index_cast %add3A_224 : i32 to index
      %swap3A_271 = arith.constant 240 : index
      %swap3A_272 = tpu.vector_load %arg8[%swap3A_270, %swap3A_271] {strides = array<i32>} : memref<64x512xf32, #tpu.memory_space<vmem>>, vector<16xf32>,
      tpu.vector_store %arg8[%swap3A_270, %swap3A_271], %broadcast_in_dim3A_26 {strides = array<i32>} : memref<64x512xf32, #tpu.memory_space<vmem>>, vector<16xf32>,
      %swap3A_273 = arith.index_cast %add3A_224 : i32 to index
      %swap3A_274 = arith.constant 256 : index
      %swap3A_275 = tpu.vector_load %arg8[%swap3A_273, %swap3A_274] {strides = array<i32>} : memref<64x512xf32, #tpu.memory_space<vmem>>, vector<16xf32>,
      tpu.vector_store %arg8[%swap3A_273, %swap3A_274], %broadcast_in_dim3A_26 {strides = array<i32>} : memref<64x512xf32, #tpu.memory_space<vmem>>, vector<16xf32>,
      %swap3A_276 = arith.index_cast %add3A_224 : i32 to index
      %swap3A_277 = arith.constant 272 : index
      %swap3A_278 = tpu.vector_load %arg8[%swap3A_276, %swap3A_277] {strides = array<i32>} : memref<64x512xf32, #tpu.memory_space<vmem>>, vector<16xf32>,
      tpu.vector_store %arg8[%swap3A_276, %swap3A_277], %broadcast_in_dim3A_26 {strides = array<i32>} : memref<64x512xf32, #tpu.memory_space<vmem>>, vector<16xf32>,
      %swap3A_279 = arith.index_cast %add3A_224 : i32 to index
      %swap3A_280 = arith.constant 288 : index
      %swap3A_281 = tpu.vector_load %arg8[%swap3A_279, %swap3A_280] {strides = array<i32>} : memref<64x512xf32, #tpu.memory_space<vmem>>, vector<16xf32>,
      tpu.vector_store %arg8[%swap3A_279, %swap3A_280], %broadcast_in_dim3A_26 {strides = array<i32>} : memref<64x512xf32, #tpu.memory_space<vmem>>, vector<16xf32>,
      %swap3A_282 = arith.index_cast %add3A_224 : i32 to index
      %swap3A_283 = arith.constant 304 : index
      %swap3A_284 = tpu.vector_load %arg8[%swap3A_282, %swap3A_283] {strides = array<i32>} : memref<64x512xf32, #tpu.memory_space<vmem>>, vector<16xf32>,
      tpu.vector_store %arg8[%swap3A_282, %swap3A_283], %broadcast_in_dim3A_26 {strides = array<i32>} : memref<64x512xf32, #tpu.memory_space<vmem>>, vector<16xf32>,
      %swap3A_285 = arith.index_cast %add3A_224 : i32 to index
      %swap3A_286 = arith.constant 320 : index
      %swap3A_287 = tpu.vector_load %arg8[%swap3A_285, %swap3A_286] {strides = array<i32>} : memref<64x512xf32, #tpu.memory_space<vmem>>, vector<16xf32>,
      tpu.vector_store %arg8[%swap3A_285, %swap3A_286], %broadcast_in_dim3A_26 {strides = array<i32>} : memref<64x512xf32, #tpu.memory_space<vmem>>, vector<16xf32>,
      %swap3A_288 = arith.index_cast %add3A_224 : i32 to index
      %swap3A_289 = arith.constant 336 : index
      %swap3A_290 = tpu.vector_load %arg8[%swap3A_288, %swap3A_289] {strides = array<i32>} : memref<64x512xf32, #tpu.memory_space<vmem>>, vector<16xf32>,
      tpu.vector_store %arg8[%swap3A_288, %swap3A_289], %broadcast_in_dim3A_26 {strides = array<i32>} : memref<64x512xf32, #tpu.memory_space<vmem>>, vector<16xf32>,
      %swap3A_291 = arith.index_cast %add3A_224 : i32 to index
      %swap3A_292 = arith.constant 352 : index
      %swap3A_293 = tpu.vector_load %arg8[%swap3A_291, %swap3A_292] {strides = array<i32>} : memref<64x512xf32, #tpu.memory_space<vmem>>, vector<16xf32>,
      tpu.vector_store %arg8[%swap3A_291, %swap3A_292], %broadcast_in_dim3A_26 {strides = array<i32>} : memref<64x512xf32, #tpu.memory_space<vmem>>, vector<16xf32>,
      %swap3A_294 = arith.index_cast %add3A_224 : i32 to index
      %swap3A_295 = arith.constant 368 : index
      %swap3A_296 = tpu.vector_load %arg8[%swap3A_294, %swap3A_295] {strides = array<i32>} : memref<64x512xf32, #tpu.memory_space<vmem>>, vector<16xf32>,
      tpu.vector_store %arg8[%swap3A_294, %swap3A_295], %broadcast_in_dim3A_26 {strides = array<i32>} : memref<64x512xf32, #tpu.memory_space<vmem>>, vector<16xf32>,
      %swap3A_297 = arith.index_cast %add3A_224 : i32 to index
      %swap3A_298 = arith.constant 384 : index
      %swap3A_299 = tpu.vector_load %arg8[%swap3A_297, %swap3A_298] {strides = array<i32>} : memref<64x512xf32, #tpu.memory_space<vmem>>, vector<16xf32>,
      tpu.vector_store %arg8[%swap3A_297, %swap3A_298], %broadcast_in_dim3A_26 {strides = array<i32>} : memref<64x512xf32, #tpu.memory_space<vmem>>, vector<16xf32>,
      %swap3A_300 = arith.index_cast %add3A_224 : i32 to index
      %swap3A_301 = arith.constant 400 : index
      %swap3A_302 = tpu.vector_load %arg8[%swap3A_300, %swap3A_301] {strides = array<i32>} : memref<64x512xf32, #tpu.memory_space<vmem>>, vector<16xf32>,
      tpu.vector_store %arg8[%swap3A_300, %swap3A_301], %broadcast_in_dim3A_26 {strides = array<i32>} : memref<64x512xf32, #tpu.memory_space<vmem>>, vector<16xf32>,
      %swap3A_303 = arith.index_cast %add3A_224 : i32 to index
      %swap3A_304 = arith.constant 416 : index
      %swap3A_305 = tpu.vector_load %arg8[%swap3A_303, %swap3A_304] {strides = array<i32>} : memref<64x512xf32, #tpu.memory_space<vmem>>, vector<16xf32>,
      tpu.vector_store %arg8[%swap3A_303, %swap3A_304], %broadcast_in_dim3A_26 {strides = array<i32>} : memref<64x512xf32, #tpu.memory_space<vmem>>, vector<16xf32>,
      %swap3A_306 = arith.index_cast %add3A_224 : i32 to index
      %swap3A_307 = arith.constant 432 : index
      %swap3A_308 = tpu.vector_load %arg8[%swap3A_306, %swap3A_307] {strides = array<i32>} : memref<64x512xf32, #tpu.memory_space<vmem>>, vector<16xf32>,
      tpu.vector_store %arg8[%swap3A_306, %swap3A_307], %broadcast_in_dim3A_26 {strides = array<i32>} : memref<64x512xf32, #tpu.memory_space<vmem>>, vector<16xf32>,
      %swap3A_309 = arith.index_cast %add3A_224 : i32 to index
      %swap3A_310 = arith.constant 448 : index
      %swap3A_311 = tpu.vector_load %arg8[%swap3A_309, %swap3A_310] {strides = array<i32>} : memref<64x512xf32, #tpu.memory_space<vmem>>, vector<16xf32>,
      tpu.vector_store %arg8[%swap3A_309, %swap3A_310], %broadcast_in_dim3A_26 {strides = array<i32>} : memref<64x512xf32, #tpu.memory_space<vmem>>, vector<16xf32>,
      %swap3A_312 = arith.index_cast %add3A_224 : i32 to index
      %swap3A_313 = arith.constant 464 : index
      %swap3A_314 = tpu.vector_load %arg8[%swap3A_312, %swap3A_313] {strides = array<i32>} : memref<64x512xf32, #tpu.memory_space<vmem>>, vector<16xf32>,
      tpu.vector_store %arg8[%swap3A_312, %swap3A_313], %broadcast_in_dim3A_26 {strides = array<i32>} : memref<64x512xf32, #tpu.memory_space<vmem>>, vector<16xf32>,
      %swap3A_315 = arith.index_cast %add3A_224 : i32 to index
      %swap3A_316 = arith.constant 480 : index
      %swap3A_317 = tpu.vector_load %arg8[%swap3A_315, %swap3A_316] {strides = array<i32>} : memref<64x512xf32, #tpu.memory_space<vmem>>, vector<16xf32>,
      tpu.vector_store %arg8[%swap3A_315, %swap3A_316], %broadcast_in_dim3A_26 {strides = array<i32>} : memref<64x512xf32, #tpu.memory_space<vmem>>, vector<16xf32>,
      %swap3A_318 = arith.index_cast %add3A_224 : i32 to index
      %swap3A_319 = arith.constant 496 : index
      %swap3A_320 = tpu.vector_load %arg8[%swap3A_318, %swap3A_319] {strides = array<i32>} : memref<64x512xf32, #tpu.memory_space<vmem>>, vector<16xf32>,
      tpu.vector_store %arg8[%swap3A_318, %swap3A_319], %broadcast_in_dim3A_26 {strides = array<i32>} : memref<64x512xf32, #tpu.memory_space<vmem>>, vector<16xf32>,
    }
    %scan3A_30 = arith.constant 64 : i32
    %swap3A = arith.constant 0 : index
    %swap3A_31 = tpu.vector_load %arg9[%swap3A] {strides = array<i32>} : memref<64xf32, #tpu.memory_space<vmem>>, vector<16xf32>,
    tpu.vector_store %arg9[%swap3A], %broadcast_in_dim3A_26 {strides = array<i32>} : memref<64xf32, #tpu.memory_space<vmem>>, vector<16xf32>,
    %swap3A_32 = arith.constant 16 : index
    %swap3A_33 = tpu.vector_load %arg9[%swap3A_32] {strides = array<i32>} : memref<64xf32, #tpu.memory_space<vmem>>, vector<16xf32>,
    tpu.vector_store %arg9[%swap3A_32], %broadcast_in_dim3A_26 {strides = array<i32>} : memref<64xf32, #tpu.memory_space<vmem>>, vector<16xf32>,
    %swap3A_34 = arith.constant 32 : index
    %swap3A_35 = tpu.vector_load %arg9[%swap3A_34] {strides = array<i32>} : memref<64xf32, #tpu.memory_space<vmem>>, vector<16xf32>,
    tpu.vector_store %arg9[%swap3A_34], %broadcast_in_dim3A_26 {strides = array<i32>} : memref<64xf32, #tpu.memory_space<vmem>>, vector<16xf32>,
    %swap3A_36 = arith.constant 48 : index
    %swap3A_37 = tpu.vector_load %arg9[%swap3A_36] {strides = array<i32>} : memref<64xf32, #tpu.memory_space<vmem>>, vector<16xf32>,
    tpu.vector_store %arg9[%swap3A_36], %broadcast_in_dim3A_26 {strides = array<i32>} : memref<64xf32, #tpu.memory_space<vmem>>, vector<16xf32>,
    %iota3A = tpu.iota {dimensions = array<i32: 0>} : vector<16xi32>
    %eq3A = arith.constant 0 : i32
    %eq3A_38 = vector.broadcast %eq3A : i32 to vector<16xi32>
    %eq3A_39 = arith.cmpi eq, %iota3A, %eq3A_38 : vector<16xi32>
    %broadcast_in_dim3A_40 = arith.constant 1.000000e+00 : f32
    %broadcast_in_dim3A_41 = vector.broadcast %broadcast_in_dim3A_40 : f32 to vector<16xf32>
    %broadcast_in_dim3A_42 = arith.constant 0 : i32
    %broadcast_in_dim3A_43 = vector.broadcast %broadcast_in_dim3A_42 : i32 to vector<16xi32>
    %dma_wait3A = arith.constant 0 : i32
    %dma_wait3A_44 = arith.constant 0 : i32
    %dma_wait3A_45 = arith.constant 0 : i32
    %dma_wait3A_46 = tpu.memref_slice %arg6[%dma_wait3A, %dma_wait3A_44, %dma_wait3A_45] : memref<2x64x512xf32, #tpu.memory_space<vmem>> -> memref<1x64x512xf32, #tpu.memory_space<vmem>>
    %dma_wait3A_47 = tpu.memref_squeeze %dma_wait3A_46 : memref<1x64x512xf32, #tpu.memory_space<vmem>> -> memref<64x512xf32, #tpu.memory_space<vmem>>
    %dma_wait3A_48 = arith.constant 0 : i32
    %dma_wait3A_49 = tpu.memref_slice %arg2[%add3A_4, %dma_wait3A_48] : memref<8192x512xf32, #tpu.memory_space<hbm>> -> memref<64x512xf32, #tpu.memory_space<hbm>>
    %dma_wait3A_50 = arith.constant 0 : i32
    %dma_wait3A_51 = arith.constant 0 : i32
    %dma_wait3A_52 = tpu.memref_slice %arg6[%dma_wait3A, %dma_wait3A_50, %dma_wait3A_51] : memref<2x64x512xf32, #tpu.memory_space<vmem>> -> memref<1x64x512xf32, #tpu.memory_space<vmem>>
    %dma_wait3A_53 = tpu.memref_squeeze %dma_wait3A_52 : memref<1x64x512xf32, #tpu.memory_space<vmem>> -> memref<64x512xf32, #tpu.memory_space<vmem>>
    %dma_wait3A_54 = arith.constant 0 : i32
    %dma_wait3A_55 = tpu.memref_slice %arg2[%add3A_4, %dma_wait3A_54] : memref<8192x512xf32, #tpu.memory_space<hbm>> -> memref<64x512xf32, #tpu.memory_space<hbm>>
    tpu.wait_dma2 semaphore(%arg10 : memref<!tpu.dma_semaphore, #tpu.memory_space<semaphore_mem>>) src(%dma_wait3A_55 : memref<64x512xf32, #tpu.memory_space<hbm>>) dst(%dma_wait3A_53 : memref<64x512xf32, #tpu.memory_space<vmem>>)
    %dma_wait3A_56 = arith.constant 0 : i32
    %dma_wait3A_57 = arith.constant 0 : i32
    %dma_wait3A_58 = tpu.memref_slice %arg7[%dma_wait3A_56, %dma_wait3A_57] : memref<2x64xi32, #tpu.memory_space<vmem>> -> memref<1x64xi32, #tpu.memory_space<vmem>>
    %dma_wait3A_59 = tpu.memref_squeeze %dma_wait3A_58 : memref<1x64xi32, #tpu.memory_space<vmem>> -> memref<64xi32, #tpu.memory_space<vmem>>
    %dma_wait3A_60 = tpu.memref_slice %arg3[%add3A_4] : memref<8192xi32, #tpu.memory_space<hbm>> -> memref<64xi32, #tpu.memory_space<hbm>>
    %dma_wait3A_61 = arith.constant 0 : i32
    %dma_wait3A_62 = tpu.memref_slice %arg7[%dma_wait3A_56, %dma_wait3A_61] : memref<2x64xi32, #tpu.memory_space<vmem>> -> memref<1x64xi32, #tpu.memory_space<vmem>>
    %dma_wait3A_63 = tpu.memref_squeeze %dma_wait3A_62 : memref<1x64xi32, #tpu.memory_space<vmem>> -> memref<64xi32, #tpu.memory_space<vmem>>
    %dma_wait3A_64 = tpu.memref_slice %arg3[%add3A_4] : memref<8192xi32, #tpu.memory_space<hbm>> -> memref<64xi32, #tpu.memory_space<hbm>>
    tpu.wait_dma2 semaphore(%arg12 : memref<!tpu.dma_semaphore, #tpu.memory_space<semaphore_mem>>) src(%dma_wait3A_64 : memref<64xi32, #tpu.memory_space<hbm>>) dst(%dma_wait3A_63 : memref<64xi32, #tpu.memory_space<vmem>>)
    %mul3A_65 = arith.constant 256 : i32
    %mul3A_66 = arith.muli %add3A, %mul3A_65 : i32
    %add3A_67 = arith.constant 64 : i32
    %add3A_68 = arith.addi %mul3A_66, %add3A_67 : i32
    %dma_start3A_69 = arith.constant 1 : i32
    %dma_start3A_70 = arith.constant 0 : i32
    %dma_start3A_71 = arith.constant 0 : i32
    %dma_start3A_72 = tpu.memref_slice %arg6[%dma_start3A_69, %dma_start3A_70, %dma_start3A_71] : memref<2x64x512xf32, #tpu.memory_space<vmem>> -> memref<1x64x512xf32, #tpu.memory_space<vmem>>
    %dma_start3A_73 = tpu.memref_squeeze %dma_start3A_72 : memref<1x64x512xf32, #tpu.memory_space<vmem>> -> memref<64x512xf32, #tpu.memory_space<vmem>>
    %dma_start3A_74 = arith.constant 0 : i32
    %dma_start3A_75 = tpu.memref_slice %arg2[%add3A_68, %dma_start3A_74] : memref<8192x512xf32, #tpu.memory_space<hbm>> -> memref<64x512xf32, #tpu.memory_space<hbm>>
    %dma_start3A_76 = arith.constant 0 : i32
    %dma_start3A_77 = arith.constant 0 : i32
    %dma_start3A_78 = tpu.memref_slice %arg6[%dma_start3A_69, %dma_start3A_76, %dma_start3A_77] : memref<2x64x512xf32, #tpu.memory_space<vmem>> -> memref<1x64x512xf32, #tpu.memory_space<vmem>>
    %dma_start3A_79 = tpu.memref_squeeze %dma_start3A_78 : memref<1x64x512xf32, #tpu.memory_space<vmem>> -> memref<64x512xf32, #tpu.memory_space<vmem>>
    %dma_start3A_80 = arith.constant 0 : i32
    %dma_start3A_81 = tpu.memref_slice %arg2[%add3A_68, %dma_start3A_80] : memref<8192x512xf32, #tpu.memory_space<hbm>> -> memref<64x512xf32, #tpu.memory_space<hbm>>
    tpu.enqueue_dma source(%dma_start3A_81 : memref<64x512xf32, #tpu.memory_space<hbm>>) target(%dma_start3A_79 : memref<64x512xf32, #tpu.memory_space<vmem>>) target_semaphore(%arg11 : memref<!tpu.dma_semaphore, #tpu.memory_space<semaphore_mem>>)
    %dma_start3A_82 = arith.constant 1 : i32
    %dma_start3A_83 = arith.constant 0 : i32
    %dma_start3A_84 = tpu.memref_slice %arg7[%dma_start3A_82, %dma_start3A_83] : memref<2x64xi32, #tpu.memory_space<vmem>> -> memref<1x64xi32, #tpu.memory_space<vmem>>
    %dma_start3A_85 = tpu.memref_squeeze %dma_start3A_84 : memref<1x64xi32, #tpu.memory_space<vmem>> -> memref<64xi32, #tpu.memory_space<vmem>>
    %dma_start3A_86 = tpu.memref_slice %arg3[%add3A_68] : memref<8192xi32, #tpu.memory_space<hbm>> -> memref<64xi32, #tpu.memory_space<hbm>>
    %dma_start3A_87 = arith.constant 0 : i32
    %dma_start3A_88 = tpu.memref_slice %arg7[%dma_start3A_82, %dma_start3A_87] : memref<2x64xi32, #tpu.memory_space<vmem>> -> memref<1x64xi32, #tpu.memory_space<vmem>>
    %dma_start3A_89 = tpu.memref_squeeze %dma_start3A_88 : memref<1x64xi32, #tpu.memory_space<vmem>> -> memref<64xi32, #tpu.memory_space<vmem>>
    %dma_start3A_90 = tpu.memref_slice %arg3[%add3A_68] : memref<8192xi32, #tpu.memory_space<hbm>> -> memref<64xi32, #tpu.memory_space<hbm>>
    tpu.enqueue_dma source(%dma_start3A_90 : memref<64xi32, #tpu.memory_space<hbm>>) target(%dma_start3A_89 : memref<64xi32, #tpu.memory_space<vmem>>) target_semaphore(%arg13 : memref<!tpu.dma_semaphore, #tpu.memory_space<semaphore_mem>>)
    %parallel_loop3A = arith.constant 0 : i32
    %parallel_loop3A_91 = arith.constant 64 : i32
    %parallel_loop3A_92 = arith.constant 1 : i32
    scf.for %parallel_loop3A_220 = %parallel_loop3A to %parallel_loop3A_91 step %parallel_loop3A_92  : i32 {
      %parallel_loop3A_221 = vector.broadcast %parallel_loop3A_220 : i32 to vector<16xi32>
      %parallel_loop3A_222 = arith.addi %broadcast_in_dim3A_43, %parallel_loop3A_221 : vector<16xi32>
      %parallel_loop3A_223 = arith.constant 0 : i32
      %parallel_loop3A_224 = arith.constant 0 : i32
      %parallel_loop3A_225 = tpu.memref_slice %arg7[%parallel_loop3A_223, %parallel_loop3A_224] : memref<2x64xi32, #tpu.memory_space<vmem>> -> memref<1x64xi32, #tpu.memory_space<vmem>>
      %parallel_loop3A_226 = tpu.memref_squeeze %parallel_loop3A_225 : memref<1x64xi32, #tpu.memory_space<vmem>> -> memref<64xi32, #tpu.memory_space<vmem>>
      %parallel_loop3A_227 = tpu.vector_load_idx %parallel_loop3A_226[%parallel_loop3A_222] : memref<64xi32, #tpu.memory_space<vmem>>[vector<16xi32>], vector<16xi32>,
      tpu.vector_store_idx %arg9[%parallel_loop3A_227], %broadcast_in_dim3A_41 masked %eq3A_39 {add = true} : memref<64xf32, #tpu.memory_space<vmem>>[vector<16xi32>], vector<16xf32>, vector<16xi1>
      %parallel_loop3A_228 = arith.constant 0 : i32
      %parallel_loop3A_229 = arith.index_cast %parallel_loop3A_228 : i32 to index
      %parallel_loop3A_230 = arith.index_cast %parallel_loop3A_220 : i32 to index
      %parallel_loop3A_231 = arith.constant 0 : index
      %parallel_loop3A_232 = tpu.vector_load %arg6[%parallel_loop3A_229, %parallel_loop3A_230, %parallel_loop3A_231] {strides = array<i32>} : memref<2x64x512xf32, #tpu.memory_space<vmem>>, vector<16xf32>,
      %parallel_loop3A_233 = arith.constant 0 : i32
      %parallel_loop3A_234 = vector.broadcast %parallel_loop3A_233 : i32 to vector<16xi32>
      %parallel_loop3A_235 = arith.addi %iota3A, %parallel_loop3A_234 : vector<16xi32>
      tpu.vector_store_idx %arg8[%parallel_loop3A_227, %parallel_loop3A_235], %parallel_loop3A_232 {add = true} : memref<64x512xf32, #tpu.memory_space<vmem>>[vector<16xi32>, vector<16xi32>], vector<16xf32>,
      %parallel_loop3A_236 = arith.constant 0 : i32
      %parallel_loop3A_237 = arith.index_cast %parallel_loop3A_236 : i32 to index
      %parallel_loop3A_238 = arith.index_cast %parallel_loop3A_220 : i32 to index
      %parallel_loop3A_239 = arith.constant 16 : index
      %parallel_loop3A_240 = tpu.vector_load %arg6[%parallel_loop3A_237, %parallel_loop3A_238, %parallel_loop3A_239] {strides = array<i32>} : memref<2x64x512xf32, #tpu.memory_space<vmem>>, vector<16xf32>,
      %parallel_loop3A_241 = arith.constant 16 : i32
      %parallel_loop3A_242 = vector.broadcast %parallel_loop3A_241 : i32 to vector<16xi32>
      %parallel_loop3A_243 = arith.addi %iota3A, %parallel_loop3A_242 : vector<16xi32>
      tpu.vector_store_idx %arg8[%parallel_loop3A_227, %parallel_loop3A_243], %parallel_loop3A_240 {add = true} : memref<64x512xf32, #tpu.memory_space<vmem>>[vector<16xi32>, vector<16xi32>], vector<16xf32>,
      %parallel_loop3A_244 = arith.constant 0 : i32
      %parallel_loop3A_245 = arith.index_cast %parallel_loop3A_244 : i32 to index
      %parallel_loop3A_246 = arith.index_cast %parallel_loop3A_220 : i32 to index
      %parallel_loop3A_247 = arith.constant 32 : index
      %parallel_loop3A_248 = tpu.vector_load %arg6[%parallel_loop3A_245, %parallel_loop3A_246, %parallel_loop3A_247] {strides = array<i32>} : memref<2x64x512xf32, #tpu.memory_space<vmem>>, vector<16xf32>,
      %parallel_loop3A_249 = arith.constant 32 : i32
      %parallel_loop3A_250 = vector.broadcast %parallel_loop3A_249 : i32 to vector<16xi32>
      %parallel_loop3A_251 = arith.addi %iota3A, %parallel_loop3A_250 : vector<16xi32>
      tpu.vector_store_idx %arg8[%parallel_loop3A_227, %parallel_loop3A_251], %parallel_loop3A_248 {add = true} : memref<64x512xf32, #tpu.memory_space<vmem>>[vector<16xi32>, vector<16xi32>], vector<16xf32>,
      %parallel_loop3A_252 = arith.constant 0 : i32
      %parallel_loop3A_253 = arith.index_cast %parallel_loop3A_252 : i32 to index
      %parallel_loop3A_254 = arith.index_cast %parallel_loop3A_220 : i32 to index
      %parallel_loop3A_255 = arith.constant 48 : index
      %parallel_loop3A_256 = tpu.vector_load %arg6[%parallel_loop3A_253, %parallel_loop3A_254, %parallel_loop3A_255] {strides = array<i32>} : memref<2x64x512xf32, #tpu.memory_space<vmem>>, vector<16xf32>,
      %parallel_loop3A_257 = arith.constant 48 : i32
      %parallel_loop3A_258 = vector.broadcast %parallel_loop3A_257 : i32 to vector<16xi32>
      %parallel_loop3A_259 = arith.addi %iota3A, %parallel_loop3A_258 : vector<16xi32>
      tpu.vector_store_idx %arg8[%parallel_loop3A_227, %parallel_loop3A_259], %parallel_loop3A_256 {add = true} : memref<64x512xf32, #tpu.memory_space<vmem>>[vector<16xi32>, vector<16xi32>], vector<16xf32>,
      %parallel_loop3A_260 = arith.constant 0 : i32
      %parallel_loop3A_261 = arith.index_cast %parallel_loop3A_260 : i32 to index
      %parallel_loop3A_262 = arith.index_cast %parallel_loop3A_220 : i32 to index
      %parallel_loop3A_263 = arith.constant 64 : index
      %parallel_loop3A_264 = tpu.vector_load %arg6[%parallel_loop3A_261, %parallel_loop3A_262, %parallel_loop3A_263] {strides = array<i32>} : memref<2x64x512xf32, #tpu.memory_space<vmem>>, vector<16xf32>,
      %parallel_loop3A_265 = arith.constant 64 : i32
      %parallel_loop3A_266 = vector.broadcast %parallel_loop3A_265 : i32 to vector<16xi32>
      %parallel_loop3A_267 = arith.addi %iota3A, %parallel_loop3A_266 : vector<16xi32>
      tpu.vector_store_idx %arg8[%parallel_loop3A_227, %parallel_loop3A_267], %parallel_loop3A_264 {add = true} : memref<64x512xf32, #tpu.memory_space<vmem>>[vector<16xi32>, vector<16xi32>], vector<16xf32>,
      %parallel_loop3A_268 = arith.constant 0 : i32
      %parallel_loop3A_269 = arith.index_cast %parallel_loop3A_268 : i32 to index
      %parallel_loop3A_270 = arith.index_cast %parallel_loop3A_220 : i32 to index
      %parallel_loop3A_271 = arith.constant 80 : index
      %parallel_loop3A_272 = tpu.vector_load %arg6[%parallel_loop3A_269, %parallel_loop3A_270, %parallel_loop3A_271] {strides = array<i32>} : memref<2x64x512xf32, #tpu.memory_space<vmem>>, vector<16xf32>,
      %parallel_loop3A_273 = arith.constant 80 : i32
      %parallel_loop3A_274 = vector.broadcast %parallel_loop3A_273 : i32 to vector<16xi32>
      %parallel_loop3A_275 = arith.addi %iota3A, %parallel_loop3A_274 : vector<16xi32>
      tpu.vector_store_idx %arg8[%parallel_loop3A_227, %parallel_loop3A_275], %parallel_loop3A_272 {add = true} : memref<64x512xf32, #tpu.memory_space<vmem>>[vector<16xi32>, vector<16xi32>], vector<16xf32>,
      %parallel_loop3A_276 = arith.constant 0 : i32
      %parallel_loop3A_277 = arith.index_cast %parallel_loop3A_276 : i32 to index
      %parallel_loop3A_278 = arith.index_cast %parallel_loop3A_220 : i32 to index
      %parallel_loop3A_279 = arith.constant 96 : index
      %parallel_loop3A_280 = tpu.vector_load %arg6[%parallel_loop3A_277, %parallel_loop3A_278, %parallel_loop3A_279] {strides = array<i32>} : memref<2x64x512xf32, #tpu.memory_space<vmem>>, vector<16xf32>,
      %parallel_loop3A_281 = arith.constant 96 : i32
      %parallel_loop3A_282 = vector.broadcast %parallel_loop3A_281 : i32 to vector<16xi32>
      %parallel_loop3A_283 = arith.addi %iota3A, %parallel_loop3A_282 : vector<16xi32>
      tpu.vector_store_idx %arg8[%parallel_loop3A_227, %parallel_loop3A_283], %parallel_loop3A_280 {add = true} : memref<64x512xf32, #tpu.memory_space<vmem>>[vector<16xi32>, vector<16xi32>], vector<16xf32>,
      %parallel_loop3A_284 = arith.constant 0 : i32
      %parallel_loop3A_285 = arith.index_cast %parallel_loop3A_284 : i32 to index
      %parallel_loop3A_286 = arith.index_cast %parallel_loop3A_220 : i32 to index
      %parallel_loop3A_287 = arith.constant 112 : index
      %parallel_loop3A_288 = tpu.vector_load %arg6[%parallel_loop3A_285, %parallel_loop3A_286, %parallel_loop3A_287] {strides = array<i32>} : memref<2x64x512xf32, #tpu.memory_space<vmem>>, vector<16xf32>,
      %parallel_loop3A_289 = arith.constant 112 : i32
      %parallel_loop3A_290 = vector.broadcast %parallel_loop3A_289 : i32 to vector<16xi32>
      %parallel_loop3A_291 = arith.addi %iota3A, %parallel_loop3A_290 : vector<16xi32>
      tpu.vector_store_idx %arg8[%parallel_loop3A_227, %parallel_loop3A_291], %parallel_loop3A_288 {add = true} : memref<64x512xf32, #tpu.memory_space<vmem>>[vector<16xi32>, vector<16xi32>], vector<16xf32>,
      %parallel_loop3A_292 = arith.constant 0 : i32
      %parallel_loop3A_293 = arith.index_cast %parallel_loop3A_292 : i32 to index
      %parallel_loop3A_294 = arith.index_cast %parallel_loop3A_220 : i32 to index
      %parallel_loop3A_295 = arith.constant 128 : index
      %parallel_loop3A_296 = tpu.vector_load %arg6[%parallel_loop3A_293, %parallel_loop3A_294, %parallel_loop3A_295] {strides = array<i32>} : memref<2x64x512xf32, #tpu.memory_space<vmem>>, vector<16xf32>,
      %parallel_loop3A_297 = arith.constant 128 : i32
      %parallel_loop3A_298 = vector.broadcast %parallel_loop3A_297 : i32 to vector<16xi32>
      %parallel_loop3A_299 = arith.addi %iota3A, %parallel_loop3A_298 : vector<16xi32>
      tpu.vector_store_idx %arg8[%parallel_loop3A_227, %parallel_loop3A_299], %parallel_loop3A_296 {add = true} : memref<64x512xf32, #tpu.memory_space<vmem>>[vector<16xi32>, vector<16xi32>], vector<16xf32>,
      %parallel_loop3A_300 = arith.constant 0 : i32
      %parallel_loop3A_301 = arith.index_cast %parallel_loop3A_300 : i32 to index
      %parallel_loop3A_302 = arith.index_cast %parallel_loop3A_220 : i32 to index
      %parallel_loop3A_303 = arith.constant 144 : index
      %parallel_loop3A_304 = tpu.vector_load %arg6[%parallel_loop3A_301, %parallel_loop3A_302, %parallel_loop3A_303] {strides = array<i32>} : memref<2x64x512xf32, #tpu.memory_space<vmem>>, vector<16xf32>,
      %parallel_loop3A_305 = arith.constant 144 : i32
      %parallel_loop3A_306 = vector.broadcast %parallel_loop3A_305 : i32 to vector<16xi32>
      %parallel_loop3A_307 = arith.addi %iota3A, %parallel_loop3A_306 : vector<16xi32>
      tpu.vector_store_idx %arg8[%parallel_loop3A_227, %parallel_loop3A_307], %parallel_loop3A_304 {add = true} : memref<64x512xf32, #tpu.memory_space<vmem>>[vector<16xi32>, vector<16xi32>], vector<16xf32>,
      %parallel_loop3A_308 = arith.constant 0 : i32
      %parallel_loop3A_309 = arith.index_cast %parallel_loop3A_308 : i32 to index
      %parallel_loop3A_310 = arith.index_cast %parallel_loop3A_220 : i32 to index
      %parallel_loop3A_311 = arith.constant 160 : index
      %parallel_loop3A_312 = tpu.vector_load %arg6[%parallel_loop3A_309, %parallel_loop3A_310, %parallel_loop3A_311] {strides = array<i32>} : memref<2x64x512xf32, #tpu.memory_space<vmem>>, vector<16xf32>,
      %parallel_loop3A_313 = arith.constant 160 : i32
      %parallel_loop3A_314 = vector.broadcast %parallel_loop3A_313 : i32 to vector<16xi32>
      %parallel_loop3A_315 = arith.addi %iota3A, %parallel_loop3A_314 : vector<16xi32>
      tpu.vector_store_idx %arg8[%parallel_loop3A_227, %parallel_loop3A_315], %parallel_loop3A_312 {add = true} : memref<64x512xf32, #tpu.memory_space<vmem>>[vector<16xi32>, vector<16xi32>], vector<16xf32>,
      %parallel_loop3A_316 = arith.constant 0 : i32
      %parallel_loop3A_317 = arith.index_cast %parallel_loop3A_316 : i32 to index
      %parallel_loop3A_318 = arith.index_cast %parallel_loop3A_220 : i32 to index
      %parallel_loop3A_319 = arith.constant 176 : index
      %parallel_loop3A_320 = tpu.vector_load %arg6[%parallel_loop3A_317, %parallel_loop3A_318, %parallel_loop3A_319] {strides = array<i32>} : memref<2x64x512xf32, #tpu.memory_space<vmem>>, vector<16xf32>,
      %parallel_loop3A_321 = arith.constant 176 : i32
      %parallel_loop3A_322 = vector.broadcast %parallel_loop3A_321 : i32 to vector<16xi32>
      %parallel_loop3A_323 = arith.addi %iota3A, %parallel_loop3A_322 : vector<16xi32>
      tpu.vector_store_idx %arg8[%parallel_loop3A_227, %parallel_loop3A_323], %parallel_loop3A_320 {add = true} : memref<64x512xf32, #tpu.memory_space<vmem>>[vector<16xi32>, vector<16xi32>], vector<16xf32>,
      %parallel_loop3A_324 = arith.constant 0 : i32
      %parallel_loop3A_325 = arith.index_cast %parallel_loop3A_324 : i32 to index
      %parallel_loop3A_326 = arith.index_cast %parallel_loop3A_220 : i32 to index
      %parallel_loop3A_327 = arith.constant 192 : index
      %parallel_loop3A_328 = tpu.vector_load %arg6[%parallel_loop3A_325, %parallel_loop3A_326, %parallel_loop3A_327] {strides = array<i32>} : memref<2x64x512xf32, #tpu.memory_space<vmem>>, vector<16xf32>,
      %parallel_loop3A_329 = arith.constant 192 : i32
      %parallel_loop3A_330 = vector.broadcast %parallel_loop3A_329 : i32 to vector<16xi32>
      %parallel_loop3A_331 = arith.addi %iota3A, %parallel_loop3A_330 : vector<16xi32>
      tpu.vector_store_idx %arg8[%parallel_loop3A_227, %parallel_loop3A_331], %parallel_loop3A_328 {add = true} : memref<64x512xf32, #tpu.memory_space<vmem>>[vector<16xi32>, vector<16xi32>], vector<16xf32>,
      %parallel_loop3A_332 = arith.constant 0 : i32
      %parallel_loop3A_333 = arith.index_cast %parallel_loop3A_332 : i32 to index
      %parallel_loop3A_334 = arith.index_cast %parallel_loop3A_220 : i32 to index
      %parallel_loop3A_335 = arith.constant 208 : index
      %parallel_loop3A_336 = tpu.vector_load %arg6[%parallel_loop3A_333, %parallel_loop3A_334, %parallel_loop3A_335] {strides = array<i32>} : memref<2x64x512xf32, #tpu.memory_space<vmem>>, vector<16xf32>,
      %parallel_loop3A_337 = arith.constant 208 : i32
      %parallel_loop3A_338 = vector.broadcast %parallel_loop3A_337 : i32 to vector<16xi32>
      %parallel_loop3A_339 = arith.addi %iota3A, %parallel_loop3A_338 : vector<16xi32>
      tpu.vector_store_idx %arg8[%parallel_loop3A_227, %parallel_loop3A_339], %parallel_loop3A_336 {add = true} : memref<64x512xf32, #tpu.memory_space<vmem>>[vector<16xi32>, vector<16xi32>], vector<16xf32>,
      %parallel_loop3A_340 = arith.constant 0 : i32
      %parallel_loop3A_341 = arith.index_cast %parallel_loop3A_340 : i32 to index
      %parallel_loop3A_342 = arith.index_cast %parallel_loop3A_220 : i32 to index
      %parallel_loop3A_343 = arith.constant 224 : index
      %parallel_loop3A_344 = tpu.vector_load %arg6[%parallel_loop3A_341, %parallel_loop3A_342, %parallel_loop3A_343] {strides = array<i32>} : memref<2x64x512xf32, #tpu.memory_space<vmem>>, vector<16xf32>,
      %parallel_loop3A_345 = arith.constant 224 : i32
      %parallel_loop3A_346 = vector.broadcast %parallel_loop3A_345 : i32 to vector<16xi32>
      %parallel_loop3A_347 = arith.addi %iota3A, %parallel_loop3A_346 : vector<16xi32>
      tpu.vector_store_idx %arg8[%parallel_loop3A_227, %parallel_loop3A_347], %parallel_loop3A_344 {add = true} : memref<64x512xf32, #tpu.memory_space<vmem>>[vector<16xi32>, vector<16xi32>], vector<16xf32>,
      %parallel_loop3A_348 = arith.constant 0 : i32
      %parallel_loop3A_349 = arith.index_cast %parallel_loop3A_348 : i32 to index
      %parallel_loop3A_350 = arith.index_cast %parallel_loop3A_220 : i32 to index
      %parallel_loop3A_351 = arith.constant 240 : index
      %parallel_loop3A_352 = tpu.vector_load %arg6[%parallel_loop3A_349, %parallel_loop3A_350, %parallel_loop3A_351] {strides = array<i32>} : memref<2x64x512xf32, #tpu.memory_space<vmem>>, vector<16xf32>,
      %parallel_loop3A_353 = arith.constant 240 : i32
      %parallel_loop3A_354 = vector.broadcast %parallel_loop3A_353 : i32 to vector<16xi32>
      %parallel_loop3A_355 = arith.addi %iota3A, %parallel_loop3A_354 : vector<16xi32>
      tpu.vector_store_idx %arg8[%parallel_loop3A_227, %parallel_loop3A_355], %parallel_loop3A_352 {add = true} : memref<64x512xf32, #tpu.memory_space<vmem>>[vector<16xi32>, vector<16xi32>], vector<16xf32>,
      %parallel_loop3A_356 = arith.constant 0 : i32
      %parallel_loop3A_357 = arith.index_cast %parallel_loop3A_356 : i32 to index
      %parallel_loop3A_358 = arith.index_cast %parallel_loop3A_220 : i32 to index
      %parallel_loop3A_359 = arith.constant 256 : index
      %parallel_loop3A_360 = tpu.vector_load %arg6[%parallel_loop3A_357, %parallel_loop3A_358, %parallel_loop3A_359] {strides = array<i32>} : memref<2x64x512xf32, #tpu.memory_space<vmem>>, vector<16xf32>,
      %parallel_loop3A_361 = arith.constant 256 : i32
      %parallel_loop3A_362 = vector.broadcast %parallel_loop3A_361 : i32 to vector<16xi32>
      %parallel_loop3A_363 = arith.addi %iota3A, %parallel_loop3A_362 : vector<16xi32>
      tpu.vector_store_idx %arg8[%parallel_loop3A_227, %parallel_loop3A_363], %parallel_loop3A_360 {add = true} : memref<64x512xf32, #tpu.memory_space<vmem>>[vector<16xi32>, vector<16xi32>], vector<16xf32>,
      %parallel_loop3A_364 = arith.constant 0 : i32
      %parallel_loop3A_365 = arith.index_cast %parallel_loop3A_364 : i32 to index
      %parallel_loop3A_366 = arith.index_cast %parallel_loop3A_220 : i32 to index
      %parallel_loop3A_367 = arith.constant 272 : index
      %parallel_loop3A_368 = tpu.vector_load %arg6[%parallel_loop3A_365, %parallel_loop3A_366, %parallel_loop3A_367] {strides = array<i32>} : memref<2x64x512xf32, #tpu.memory_space<vmem>>, vector<16xf32>,
      %parallel_loop3A_369 = arith.constant 272 : i32
      %parallel_loop3A_370 = vector.broadcast %parallel_loop3A_369 : i32 to vector<16xi32>
      %parallel_loop3A_371 = arith.addi %iota3A, %parallel_loop3A_370 : vector<16xi32>
      tpu.vector_store_idx %arg8[%parallel_loop3A_227, %parallel_loop3A_371], %parallel_loop3A_368 {add = true} : memref<64x512xf32, #tpu.memory_space<vmem>>[vector<16xi32>, vector<16xi32>], vector<16xf32>,
      %parallel_loop3A_372 = arith.constant 0 : i32
      %parallel_loop3A_373 = arith.index_cast %parallel_loop3A_372 : i32 to index
      %parallel_loop3A_374 = arith.index_cast %parallel_loop3A_220 : i32 to index
      %parallel_loop3A_375 = arith.constant 288 : index
      %parallel_loop3A_376 = tpu.vector_load %arg6[%parallel_loop3A_373, %parallel_loop3A_374, %parallel_loop3A_375] {strides = array<i32>} : memref<2x64x512xf32, #tpu.memory_space<vmem>>, vector<16xf32>,
      %parallel_loop3A_377 = arith.constant 288 : i32
      %parallel_loop3A_378 = vector.broadcast %parallel_loop3A_377 : i32 to vector<16xi32>
      %parallel_loop3A_379 = arith.addi %iota3A, %parallel_loop3A_378 : vector<16xi32>
      tpu.vector_store_idx %arg8[%parallel_loop3A_227, %parallel_loop3A_379], %parallel_loop3A_376 {add = true} : memref<64x512xf32, #tpu.memory_space<vmem>>[vector<16xi32>, vector<16xi32>], vector<16xf32>,
      %parallel_loop3A_380 = arith.constant 0 : i32
      %parallel_loop3A_381 = arith.index_cast %parallel_loop3A_380 : i32 to index
      %parallel_loop3A_382 = arith.index_cast %parallel_loop3A_220 : i32 to index
      %parallel_loop3A_383 = arith.constant 304 : index
      %parallel_loop3A_384 = tpu.vector_load %arg6[%parallel_loop3A_381, %parallel_loop3A_382, %parallel_loop3A_383] {strides = array<i32>} : memref<2x64x512xf32, #tpu.memory_space<vmem>>, vector<16xf32>,
      %parallel_loop3A_385 = arith.constant 304 : i32
      %parallel_loop3A_386 = vector.broadcast %parallel_loop3A_385 : i32 to vector<16xi32>
      %parallel_loop3A_387 = arith.addi %iota3A, %parallel_loop3A_386 : vector<16xi32>
      tpu.vector_store_idx %arg8[%parallel_loop3A_227, %parallel_loop3A_387], %parallel_loop3A_384 {add = true} : memref<64x512xf32, #tpu.memory_space<vmem>>[vector<16xi32>, vector<16xi32>], vector<16xf32>,
      %parallel_loop3A_388 = arith.constant 0 : i32
      %parallel_loop3A_389 = arith.index_cast %parallel_loop3A_388 : i32 to index
      %parallel_loop3A_390 = arith.index_cast %parallel_loop3A_220 : i32 to index
      %parallel_loop3A_391 = arith.constant 320 : index
      %parallel_loop3A_392 = tpu.vector_load %arg6[%parallel_loop3A_389, %parallel_loop3A_390, %parallel_loop3A_391] {strides = array<i32>} : memref<2x64x512xf32, #tpu.memory_space<vmem>>, vector<16xf32>,
      %parallel_loop3A_393 = arith.constant 320 : i32
      %parallel_loop3A_394 = vector.broadcast %parallel_loop3A_393 : i32 to vector<16xi32>
      %parallel_loop3A_395 = arith.addi %iota3A, %parallel_loop3A_394 : vector<16xi32>
      tpu.vector_store_idx %arg8[%parallel_loop3A_227, %parallel_loop3A_395], %parallel_loop3A_392 {add = true} : memref<64x512xf32, #tpu.memory_space<vmem>>[vector<16xi32>, vector<16xi32>], vector<16xf32>,
      %parallel_loop3A_396 = arith.constant 0 : i32
      %parallel_loop3A_397 = arith.index_cast %parallel_loop3A_396 : i32 to index
      %parallel_loop3A_398 = arith.index_cast %parallel_loop3A_220 : i32 to index
      %parallel_loop3A_399 = arith.constant 336 : index
      %parallel_loop3A_400 = tpu.vector_load %arg6[%parallel_loop3A_397, %parallel_loop3A_398, %parallel_loop3A_399] {strides = array<i32>} : memref<2x64x512xf32, #tpu.memory_space<vmem>>, vector<16xf32>,
      %parallel_loop3A_401 = arith.constant 336 : i32
      %parallel_loop3A_402 = vector.broadcast %parallel_loop3A_401 : i32 to vector<16xi32>
      %parallel_loop3A_403 = arith.addi %iota3A, %parallel_loop3A_402 : vector<16xi32>
      tpu.vector_store_idx %arg8[%parallel_loop3A_227, %parallel_loop3A_403], %parallel_loop3A_400 {add = true} : memref<64x512xf32, #tpu.memory_space<vmem>>[vector<16xi32>, vector<16xi32>], vector<16xf32>,
      %parallel_loop3A_404 = arith.constant 0 : i32
      %parallel_loop3A_405 = arith.index_cast %parallel_loop3A_404 : i32 to index
      %parallel_loop3A_406 = arith.index_cast %parallel_loop3A_220 : i32 to index
      %parallel_loop3A_407 = arith.constant 352 : index
      %parallel_loop3A_408 = tpu.vector_load %arg6[%parallel_loop3A_405, %parallel_loop3A_406, %parallel_loop3A_407] {strides = array<i32>} : memref<2x64x512xf32, #tpu.memory_space<vmem>>, vector<16xf32>,
      %parallel_loop3A_409 = arith.constant 352 : i32
      %parallel_loop3A_410 = vector.broadcast %parallel_loop3A_409 : i32 to vector<16xi32>
      %parallel_loop3A_411 = arith.addi %iota3A, %parallel_loop3A_410 : vector<16xi32>
      tpu.vector_store_idx %arg8[%parallel_loop3A_227, %parallel_loop3A_411], %parallel_loop3A_408 {add = true} : memref<64x512xf32, #tpu.memory_space<vmem>>[vector<16xi32>, vector<16xi32>], vector<16xf32>,
      %parallel_loop3A_412 = arith.constant 0 : i32
      %parallel_loop3A_413 = arith.index_cast %parallel_loop3A_412 : i32 to index
      %parallel_loop3A_414 = arith.index_cast %parallel_loop3A_220 : i32 to index
      %parallel_loop3A_415 = arith.constant 368 : index
      %parallel_loop3A_416 = tpu.vector_load %arg6[%parallel_loop3A_413, %parallel_loop3A_414, %parallel_loop3A_415] {strides = array<i32>} : memref<2x64x512xf32, #tpu.memory_space<vmem>>, vector<16xf32>,
      %parallel_loop3A_417 = arith.constant 368 : i32
      %parallel_loop3A_418 = vector.broadcast %parallel_loop3A_417 : i32 to vector<16xi32>
      %parallel_loop3A_419 = arith.addi %iota3A, %parallel_loop3A_418 : vector<16xi32>
      tpu.vector_store_idx %arg8[%parallel_loop3A_227, %parallel_loop3A_419], %parallel_loop3A_416 {add = true} : memref<64x512xf32, #tpu.memory_space<vmem>>[vector<16xi32>, vector<16xi32>], vector<16xf32>,
      %parallel_loop3A_420 = arith.constant 0 : i32
      %parallel_loop3A_421 = arith.index_cast %parallel_loop3A_420 : i32 to index
      %parallel_loop3A_422 = arith.index_cast %parallel_loop3A_220 : i32 to index
      %parallel_loop3A_423 = arith.constant 384 : index
      %parallel_loop3A_424 = tpu.vector_load %arg6[%parallel_loop3A_421, %parallel_loop3A_422, %parallel_loop3A_423] {strides = array<i32>} : memref<2x64x512xf32, #tpu.memory_space<vmem>>, vector<16xf32>,
      %parallel_loop3A_425 = arith.constant 384 : i32
      %parallel_loop3A_426 = vector.broadcast %parallel_loop3A_425 : i32 to vector<16xi32>
      %parallel_loop3A_427 = arith.addi %iota3A, %parallel_loop3A_426 : vector<16xi32>
      tpu.vector_store_idx %arg8[%parallel_loop3A_227, %parallel_loop3A_427], %parallel_loop3A_424 {add = true} : memref<64x512xf32, #tpu.memory_space<vmem>>[vector<16xi32>, vector<16xi32>], vector<16xf32>,
      %parallel_loop3A_428 = arith.constant 0 : i32
      %parallel_loop3A_429 = arith.index_cast %parallel_loop3A_428 : i32 to index
      %parallel_loop3A_430 = arith.index_cast %parallel_loop3A_220 : i32 to index
      %parallel_loop3A_431 = arith.constant 400 : index
      %parallel_loop3A_432 = tpu.vector_load %arg6[%parallel_loop3A_429, %parallel_loop3A_430, %parallel_loop3A_431] {strides = array<i32>} : memref<2x64x512xf32, #tpu.memory_space<vmem>>, vector<16xf32>,
      %parallel_loop3A_433 = arith.constant 400 : i32
      %parallel_loop3A_434 = vector.broadcast %parallel_loop3A_433 : i32 to vector<16xi32>
      %parallel_loop3A_435 = arith.addi %iota3A, %parallel_loop3A_434 : vector<16xi32>
      tpu.vector_store_idx %arg8[%parallel_loop3A_227, %parallel_loop3A_435], %parallel_loop3A_432 {add = true} : memref<64x512xf32, #tpu.memory_space<vmem>>[vector<16xi32>, vector<16xi32>], vector<16xf32>,
      %parallel_loop3A_436 = arith.constant 0 : i32
      %parallel_loop3A_437 = arith.index_cast %parallel_loop3A_436 : i32 to index
      %parallel_loop3A_438 = arith.index_cast %parallel_loop3A_220 : i32 to index
      %parallel_loop3A_439 = arith.constant 416 : index
      %parallel_loop3A_440 = tpu.vector_load %arg6[%parallel_loop3A_437, %parallel_loop3A_438, %parallel_loop3A_439] {strides = array<i32>} : memref<2x64x512xf32, #tpu.memory_space<vmem>>, vector<16xf32>,
      %parallel_loop3A_441 = arith.constant 416 : i32
      %parallel_loop3A_442 = vector.broadcast %parallel_loop3A_441 : i32 to vector<16xi32>
      %parallel_loop3A_443 = arith.addi %iota3A, %parallel_loop3A_442 : vector<16xi32>
      tpu.vector_store_idx %arg8[%parallel_loop3A_227, %parallel_loop3A_443], %parallel_loop3A_440 {add = true} : memref<64x512xf32, #tpu.memory_space<vmem>>[vector<16xi32>, vector<16xi32>], vector<16xf32>,
      %parallel_loop3A_444 = arith.constant 0 : i32
      %parallel_loop3A_445 = arith.index_cast %parallel_loop3A_444 : i32 to index
      %parallel_loop3A_446 = arith.index_cast %parallel_loop3A_220 : i32 to index
      %parallel_loop3A_447 = arith.constant 432 : index
      %parallel_loop3A_448 = tpu.vector_load %arg6[%parallel_loop3A_445, %parallel_loop3A_446, %parallel_loop3A_447] {strides = array<i32>} : memref<2x64x512xf32, #tpu.memory_space<vmem>>, vector<16xf32>,
      %parallel_loop3A_449 = arith.constant 432 : i32
      %parallel_loop3A_450 = vector.broadcast %parallel_loop3A_449 : i32 to vector<16xi32>
      %parallel_loop3A_451 = arith.addi %iota3A, %parallel_loop3A_450 : vector<16xi32>
      tpu.vector_store_idx %arg8[%parallel_loop3A_227, %parallel_loop3A_451], %parallel_loop3A_448 {add = true} : memref<64x512xf32, #tpu.memory_space<vmem>>[vector<16xi32>, vector<16xi32>], vector<16xf32>,
      %parallel_loop3A_452 = arith.constant 0 : i32
      %parallel_loop3A_453 = arith.index_cast %parallel_loop3A_452 : i32 to index
      %parallel_loop3A_454 = arith.index_cast %parallel_loop3A_220 : i32 to index
      %parallel_loop3A_455 = arith.constant 448 : index
      %parallel_loop3A_456 = tpu.vector_load %arg6[%parallel_loop3A_453, %parallel_loop3A_454, %parallel_loop3A_455] {strides = array<i32>} : memref<2x64x512xf32, #tpu.memory_space<vmem>>, vector<16xf32>,
      %parallel_loop3A_457 = arith.constant 448 : i32
      %parallel_loop3A_458 = vector.broadcast %parallel_loop3A_457 : i32 to vector<16xi32>
      %parallel_loop3A_459 = arith.addi %iota3A, %parallel_loop3A_458 : vector<16xi32>
      tpu.vector_store_idx %arg8[%parallel_loop3A_227, %parallel_loop3A_459], %parallel_loop3A_456 {add = true} : memref<64x512xf32, #tpu.memory_space<vmem>>[vector<16xi32>, vector<16xi32>], vector<16xf32>,
      %parallel_loop3A_460 = arith.constant 0 : i32
      %parallel_loop3A_461 = arith.index_cast %parallel_loop3A_460 : i32 to index
      %parallel_loop3A_462 = arith.index_cast %parallel_loop3A_220 : i32 to index
      %parallel_loop3A_463 = arith.constant 464 : index
      %parallel_loop3A_464 = tpu.vector_load %arg6[%parallel_loop3A_461, %parallel_loop3A_462, %parallel_loop3A_463] {strides = array<i32>} : memref<2x64x512xf32, #tpu.memory_space<vmem>>, vector<16xf32>,
      %parallel_loop3A_465 = arith.constant 464 : i32
      %parallel_loop3A_466 = vector.broadcast %parallel_loop3A_465 : i32 to vector<16xi32>
      %parallel_loop3A_467 = arith.addi %iota3A, %parallel_loop3A_466 : vector<16xi32>
      tpu.vector_store_idx %arg8[%parallel_loop3A_227, %parallel_loop3A_467], %parallel_loop3A_464 {add = true} : memref<64x512xf32, #tpu.memory_space<vmem>>[vector<16xi32>, vector<16xi32>], vector<16xf32>,
      %parallel_loop3A_468 = arith.constant 0 : i32
      %parallel_loop3A_469 = arith.index_cast %parallel_loop3A_468 : i32 to index
      %parallel_loop3A_470 = arith.index_cast %parallel_loop3A_220 : i32 to index
      %parallel_loop3A_471 = arith.constant 480 : index
      %parallel_loop3A_472 = tpu.vector_load %arg6[%parallel_loop3A_469, %parallel_loop3A_470, %parallel_loop3A_471] {strides = array<i32>} : memref<2x64x512xf32, #tpu.memory_space<vmem>>, vector<16xf32>,
      %parallel_loop3A_473 = arith.constant 480 : i32
      %parallel_loop3A_474 = vector.broadcast %parallel_loop3A_473 : i32 to vector<16xi32>
      %parallel_loop3A_475 = arith.addi %iota3A, %parallel_loop3A_474 : vector<16xi32>
      tpu.vector_store_idx %arg8[%parallel_loop3A_227, %parallel_loop3A_475], %parallel_loop3A_472 {add = true} : memref<64x512xf32, #tpu.memory_space<vmem>>[vector<16xi32>, vector<16xi32>], vector<16xf32>,
      %parallel_loop3A_476 = arith.constant 0 : i32
      %parallel_loop3A_477 = arith.index_cast %parallel_loop3A_476 : i32 to index
      %parallel_loop3A_478 = arith.index_cast %parallel_loop3A_220 : i32 to index
      %parallel_loop3A_479 = arith.constant 496 : index
      %parallel_loop3A_480 = tpu.vector_load %arg6[%parallel_loop3A_477, %parallel_loop3A_478, %parallel_loop3A_479] {strides = array<i32>} : memref<2x64x512xf32, #tpu.memory_space<vmem>>, vector<16xf32>,
      %parallel_loop3A_481 = arith.constant 496 : i32
      %parallel_loop3A_482 = vector.broadcast %parallel_loop3A_481 : i32 to vector<16xi32>
      %parallel_loop3A_483 = arith.addi %iota3A, %parallel_loop3A_482 : vector<16xi32>
      tpu.vector_store_idx %arg8[%parallel_loop3A_227, %parallel_loop3A_483], %parallel_loop3A_480 {add = true} : memref<64x512xf32, #tpu.memory_space<vmem>>[vector<16xi32>, vector<16xi32>], vector<16xf32>,
    } {sc.loop_unroll_factor = 8 : i64, sc.parallel_access}
    %dma_wait3A_93 = arith.constant 1 : i32
    %dma_wait3A_94 = arith.constant 0 : i32
    %dma_wait3A_95 = arith.constant 0 : i32
    %dma_wait3A_96 = tpu.memref_slice %arg6[%dma_wait3A_93, %dma_wait3A_94, %dma_wait3A_95] : memref<2x64x512xf32, #tpu.memory_space<vmem>> -> memref<1x64x512xf32, #tpu.memory_space<vmem>>
    %dma_wait3A_97 = tpu.memref_squeeze %dma_wait3A_96 : memref<1x64x512xf32, #tpu.memory_space<vmem>> -> memref<64x512xf32, #tpu.memory_space<vmem>>
    %dma_wait3A_98 = arith.constant 0 : i32
    %dma_wait3A_99 = tpu.memref_slice %arg2[%add3A_68, %dma_wait3A_98] : memref<8192x512xf32, #tpu.memory_space<hbm>> -> memref<64x512xf32, #tpu.memory_space<hbm>>
    %dma_wait3A_100 = arith.constant 0 : i32
    %dma_wait3A_101 = arith.constant 0 : i32
    %dma_wait3A_102 = tpu.memref_slice %arg6[%dma_wait3A_93, %dma_wait3A_100, %dma_wait3A_101] : memref<2x64x512xf32, #tpu.memory_space<vmem>> -> memref<1x64x512xf32, #tpu.memory_space<vmem>>
    %dma_wait3A_103 = tpu.memref_squeeze %dma_wait3A_102 : memref<1x64x512xf32, #tpu.memory_space<vmem>> -> memref<64x512xf32, #tpu.memory_space<vmem>>
    %dma_wait3A_104 = arith.constant 0 : i32
    %dma_wait3A_105 = tpu.memref_slice %arg2[%add3A_68, %dma_wait3A_104] : memref<8192x512xf32, #tpu.memory_space<hbm>> -> memref<64x512xf32, #tpu.memory_space<hbm>>
    tpu.wait_dma2 semaphore(%arg11 : memref<!tpu.dma_semaphore, #tpu.memory_space<semaphore_mem>>) src(%dma_wait3A_105 : memref<64x512xf32, #tpu.memory_space<hbm>>) dst(%dma_wait3A_103 : memref<64x512xf32, #tpu.memory_space<vmem>>)
    %dma_wait3A_106 = arith.constant 1 : i32
    %dma_wait3A_107 = arith.constant 0 : i32
    %dma_wait3A_108 = tpu.memref_slice %arg7[%dma_wait3A_106, %dma_wait3A_107] : memref<2x64xi32, #tpu.memory_space<vmem>> -> memref<1x64xi32, #tpu.memory_space<vmem>>
    %dma_wait3A_109 = tpu.memref_squeeze %dma_wait3A_108 : memref<1x64xi32, #tpu.memory_space<vmem>> -> memref<64xi32, #tpu.memory_space<vmem>>
    %dma_wait3A_110 = tpu.memref_slice %arg3[%add3A_68] : memref<8192xi32, #tpu.memory_space<hbm>> -> memref<64xi32, #tpu.memory_space<hbm>>
    %dma_wait3A_111 = arith.constant 0 : i32
    %dma_wait3A_112 = tpu.memref_slice %arg7[%dma_wait3A_106, %dma_wait3A_111] : memref<2x64xi32, #tpu.memory_space<vmem>> -> memref<1x64xi32, #tpu.memory_space<vmem>>
    %dma_wait3A_113 = tpu.memref_squeeze %dma_wait3A_112 : memref<1x64xi32, #tpu.memory_space<vmem>> -> memref<64xi32, #tpu.memory_space<vmem>>
    %dma_wait3A_114 = tpu.memref_slice %arg3[%add3A_68] : memref<8192xi32, #tpu.memory_space<hbm>> -> memref<64xi32, #tpu.memory_space<hbm>>
    tpu.wait_dma2 semaphore(%arg13 : memref<!tpu.dma_semaphore, #tpu.memory_space<semaphore_mem>>) src(%dma_wait3A_114 : memref<64xi32, #tpu.memory_space<hbm>>) dst(%dma_wait3A_113 : memref<64xi32, #tpu.memory_space<vmem>>)
    %mul3A_115 = arith.constant 256 : i32
    %mul3A_116 = arith.muli %add3A, %mul3A_115 : i32
    %add3A_117 = arith.constant 128 : i32
    %add3A_118 = arith.addi %mul3A_116, %add3A_117 : i32
    %dma_start3A_119 = arith.constant 0 : i32
    %dma_start3A_120 = arith.constant 0 : i32
    %dma_start3A_121 = arith.constant 0 : i32
    %dma_start3A_122 = tpu.memref_slice %arg6[%dma_start3A_119, %dma_start3A_120, %dma_start3A_121] : memref<2x64x512xf32, #tpu.memory_space<vmem>> -> memref<1x64x512xf32, #tpu.memory_space<vmem>>
    %dma_start3A_123 = tpu.memref_squeeze %dma_start3A_122 : memref<1x64x512xf32, #tpu.memory_space<vmem>> -> memref<64x512xf32, #tpu.memory_space<vmem>>
    %dma_start3A_124 = arith.constant 0 : i32
    %dma_start3A_125 = tpu.memref_slice %arg2[%add3A_118, %dma_start3A_124] : memref<8192x512xf32, #tpu.memory_space<hbm>> -> memref<64x512xf32, #tpu.memory_space<hbm>>
    %dma_start3A_126 = arith.constant 0 : i32
    %dma_start3A_127 = arith.constant 0 : i32
    %dma_start3A_128 = tpu.memref_slice %arg6[%dma_start3A_119, %dma_start3A_126, %dma_start3A_127] : memref<2x64x512xf32, #tpu.memory_space<vmem>> -> memref<1x64x512xf32, #tpu.memory_space<vmem>>
    %dma_start3A_129 = tpu.memref_squeeze %dma_start3A_128 : memref<1x64x512xf32, #tpu.memory_space<vmem>> -> memref<64x512xf32, #tpu.memory_space<vmem>>
    %dma_start3A_130 = arith.constant 0 : i32
    %dma_start3A_131 = tpu.memref_slice %arg2[%add3A_118, %dma_start3A_130] : memref<8192x512xf32, #tpu.memory_space<hbm>> -> memref<64x512xf32, #tpu.memory_space<hbm>>
    tpu.enqueue_dma source(%dma_start3A_131 : memref<64x512xf32, #tpu.memory_space<hbm>>) target(%dma_start3A_129 : memref<64x512xf32, #tpu.memory_space<vmem>>) target_semaphore(%arg10 : memref<!tpu.dma_semaphore, #tpu.memory_space<semaphore_mem>>)
    %dma_start3A_132 = arith.constant 0 : i32
    %dma_start3A_133 = arith.constant 0 : i32
    %dma_start3A_134 = tpu.memref_slice %arg7[%dma_start3A_132, %dma_start3A_133] : memref<2x64xi32, #tpu.memory_space<vmem>> -> memref<1x64xi32, #tpu.memory_space<vmem>>
    %dma_start3A_135 = tpu.memref_squeeze %dma_start3A_134 : memref<1x64xi32, #tpu.memory_space<vmem>> -> memref<64xi32, #tpu.memory_space<vmem>>
    %dma_start3A_136 = tpu.memref_slice %arg3[%add3A_118] : memref<8192xi32, #tpu.memory_space<hbm>> -> memref<64xi32, #tpu.memory_space<hbm>>
    %dma_start3A_137 = arith.constant 0 : i32
    %dma_start3A_138 = tpu.memref_slice %arg7[%dma_start3A_132, %dma_start3A_137] : memref<2x64xi32, #tpu.memory_space<vmem>> -> memref<1x64xi32, #tpu.memory_space<vmem>>
    %dma_start3A_139 = tpu.memref_squeeze %dma_start3A_138 : memref<1x64xi32, #tpu.memory_space<vmem>> -> memref<64xi32, #tpu.memory_space<vmem>>
    %dma_start3A_140 = tpu.memref_slice %arg3[%add3A_118] : memref<8192xi32, #tpu.memory_space<hbm>> -> memref<64xi32, #tpu.memory_space<hbm>>
    tpu.enqueue_dma source(%dma_start3A_140 : memref<64xi32, #tpu.memory_space<hbm>>) target(%dma_start3A_139 : memref<64xi32, #tpu.memory_space<vmem>>) target_semaphore(%arg12 : memref<!tpu.dma_semaphore, #tpu.memory_space<semaphore_mem>>)
    %parallel_loop3A_141 = arith.constant 0 : i32
    %parallel_loop3A_142 = arith.constant 64 : i32
    %parallel_loop3A_143 = arith.constant 1 : i32
    scf.for %parallel_loop3A_220 = %parallel_loop3A_141 to %parallel_loop3A_142 step %parallel_loop3A_143  : i32 {
      %parallel_loop3A_221 = vector.broadcast %parallel_loop3A_220 : i32 to vector<16xi32>
      %parallel_loop3A_222 = arith.addi %broadcast_in_dim3A_43, %parallel_loop3A_221 : vector<16xi32>
      %parallel_loop3A_223 = arith.constant 1 : i32
      %parallel_loop3A_224 = arith.constant 0 : i32
      %parallel_loop3A_225 = tpu.memref_slice %arg7[%parallel_loop3A_223, %parallel_loop3A_224] : memref<2x64xi32, #tpu.memory_space<vmem>> -> memref<1x64xi32, #tpu.memory_space<vmem>>
      %parallel_loop3A_226 = tpu.memref_squeeze %parallel_loop3A_225 : memref<1x64xi32, #tpu.memory_space<vmem>> -> memref<64xi32, #tpu.memory_space<vmem>>
      %parallel_loop3A_227 = tpu.vector_load_idx %parallel_loop3A_226[%parallel_loop3A_222] : memref<64xi32, #tpu.memory_space<vmem>>[vector<16xi32>], vector<16xi32>,
      tpu.vector_store_idx %arg9[%parallel_loop3A_227], %broadcast_in_dim3A_41 masked %eq3A_39 {add = true} : memref<64xf32, #tpu.memory_space<vmem>>[vector<16xi32>], vector<16xf32>, vector<16xi1>
      %parallel_loop3A_228 = arith.constant 1 : i32
      %parallel_loop3A_229 = arith.index_cast %parallel_loop3A_228 : i32 to index
      %parallel_loop3A_230 = arith.index_cast %parallel_loop3A_220 : i32 to index
      %parallel_loop3A_231 = arith.constant 0 : index
      %parallel_loop3A_232 = tpu.vector_load %arg6[%parallel_loop3A_229, %parallel_loop3A_230, %parallel_loop3A_231] {strides = array<i32>} : memref<2x64x512xf32, #tpu.memory_space<vmem>>, vector<16xf32>,
      %parallel_loop3A_233 = arith.constant 0 : i32
      %parallel_loop3A_234 = vector.broadcast %parallel_loop3A_233 : i32 to vector<16xi32>
      %parallel_loop3A_235 = arith.addi %iota3A, %parallel_loop3A_234 : vector<16xi32>
      tpu.vector_store_idx %arg8[%parallel_loop3A_227, %parallel_loop3A_235], %parallel_loop3A_232 {add = true} : memref<64x512xf32, #tpu.memory_space<vmem>>[vector<16xi32>, vector<16xi32>], vector<16xf32>,
      %parallel_loop3A_236 = arith.constant 1 : i32
      %parallel_loop3A_237 = arith.index_cast %parallel_loop3A_236 : i32 to index
      %parallel_loop3A_238 = arith.index_cast %parallel_loop3A_220 : i32 to index
      %parallel_loop3A_239 = arith.constant 16 : index
      %parallel_loop3A_240 = tpu.vector_load %arg6[%parallel_loop3A_237, %parallel_loop3A_238, %parallel_loop3A_239] {strides = array<i32>} : memref<2x64x512xf32, #tpu.memory_space<vmem>>, vector<16xf32>,
      %parallel_loop3A_241 = arith.constant 16 : i32
      %parallel_loop3A_242 = vector.broadcast %parallel_loop3A_241 : i32 to vector<16xi32>
      %parallel_loop3A_243 = arith.addi %iota3A, %parallel_loop3A_242 : vector<16xi32>
      tpu.vector_store_idx %arg8[%parallel_loop3A_227, %parallel_loop3A_243], %parallel_loop3A_240 {add = true} : memref<64x512xf32, #tpu.memory_space<vmem>>[vector<16xi32>, vector<16xi32>], vector<16xf32>,
      %parallel_loop3A_244 = arith.constant 1 : i32
      %parallel_loop3A_245 = arith.index_cast %parallel_loop3A_244 : i32 to index
      %parallel_loop3A_246 = arith.index_cast %parallel_loop3A_220 : i32 to index
      %parallel_loop3A_247 = arith.constant 32 : index
      %parallel_loop3A_248 = tpu.vector_load %arg6[%parallel_loop3A_245, %parallel_loop3A_246, %parallel_loop3A_247] {strides = array<i32>} : memref<2x64x512xf32, #tpu.memory_space<vmem>>, vector<16xf32>,
      %parallel_loop3A_249 = arith.constant 32 : i32
      %parallel_loop3A_250 = vector.broadcast %parallel_loop3A_249 : i32 to vector<16xi32>
      %parallel_loop3A_251 = arith.addi %iota3A, %parallel_loop3A_250 : vector<16xi32>
      tpu.vector_store_idx %arg8[%parallel_loop3A_227, %parallel_loop3A_251], %parallel_loop3A_248 {add = true} : memref<64x512xf32, #tpu.memory_space<vmem>>[vector<16xi32>, vector<16xi32>], vector<16xf32>,
      %parallel_loop3A_252 = arith.constant 1 : i32
      %parallel_loop3A_253 = arith.index_cast %parallel_loop3A_252 : i32 to index
      %parallel_loop3A_254 = arith.index_cast %parallel_loop3A_220 : i32 to index
      %parallel_loop3A_255 = arith.constant 48 : index
      %parallel_loop3A_256 = tpu.vector_load %arg6[%parallel_loop3A_253, %parallel_loop3A_254, %parallel_loop3A_255] {strides = array<i32>} : memref<2x64x512xf32, #tpu.memory_space<vmem>>, vector<16xf32>,
      %parallel_loop3A_257 = arith.constant 48 : i32
      %parallel_loop3A_258 = vector.broadcast %parallel_loop3A_257 : i32 to vector<16xi32>
      %parallel_loop3A_259 = arith.addi %iota3A, %parallel_loop3A_258 : vector<16xi32>
      tpu.vector_store_idx %arg8[%parallel_loop3A_227, %parallel_loop3A_259], %parallel_loop3A_256 {add = true} : memref<64x512xf32, #tpu.memory_space<vmem>>[vector<16xi32>, vector<16xi32>], vector<16xf32>,
      %parallel_loop3A_260 = arith.constant 1 : i32
      %parallel_loop3A_261 = arith.index_cast %parallel_loop3A_260 : i32 to index
      %parallel_loop3A_262 = arith.index_cast %parallel_loop3A_220 : i32 to index
      %parallel_loop3A_263 = arith.constant 64 : index
      %parallel_loop3A_264 = tpu.vector_load %arg6[%parallel_loop3A_261, %parallel_loop3A_262, %parallel_loop3A_263] {strides = array<i32>} : memref<2x64x512xf32, #tpu.memory_space<vmem>>, vector<16xf32>,
      %parallel_loop3A_265 = arith.constant 64 : i32
      %parallel_loop3A_266 = vector.broadcast %parallel_loop3A_265 : i32 to vector<16xi32>
      %parallel_loop3A_267 = arith.addi %iota3A, %parallel_loop3A_266 : vector<16xi32>
      tpu.vector_store_idx %arg8[%parallel_loop3A_227, %parallel_loop3A_267], %parallel_loop3A_264 {add = true} : memref<64x512xf32, #tpu.memory_space<vmem>>[vector<16xi32>, vector<16xi32>], vector<16xf32>,
      %parallel_loop3A_268 = arith.constant 1 : i32
      %parallel_loop3A_269 = arith.index_cast %parallel_loop3A_268 : i32 to index
      %parallel_loop3A_270 = arith.index_cast %parallel_loop3A_220 : i32 to index
      %parallel_loop3A_271 = arith.constant 80 : index
      %parallel_loop3A_272 = tpu.vector_load %arg6[%parallel_loop3A_269, %parallel_loop3A_270, %parallel_loop3A_271] {strides = array<i32>} : memref<2x64x512xf32, #tpu.memory_space<vmem>>, vector<16xf32>,
      %parallel_loop3A_273 = arith.constant 80 : i32
      %parallel_loop3A_274 = vector.broadcast %parallel_loop3A_273 : i32 to vector<16xi32>
      %parallel_loop3A_275 = arith.addi %iota3A, %parallel_loop3A_274 : vector<16xi32>
      tpu.vector_store_idx %arg8[%parallel_loop3A_227, %parallel_loop3A_275], %parallel_loop3A_272 {add = true} : memref<64x512xf32, #tpu.memory_space<vmem>>[vector<16xi32>, vector<16xi32>], vector<16xf32>,
      %parallel_loop3A_276 = arith.constant 1 : i32
      %parallel_loop3A_277 = arith.index_cast %parallel_loop3A_276 : i32 to index
      %parallel_loop3A_278 = arith.index_cast %parallel_loop3A_220 : i32 to index
      %parallel_loop3A_279 = arith.constant 96 : index
      %parallel_loop3A_280 = tpu.vector_load %arg6[%parallel_loop3A_277, %parallel_loop3A_278, %parallel_loop3A_279] {strides = array<i32>} : memref<2x64x512xf32, #tpu.memory_space<vmem>>, vector<16xf32>,
      %parallel_loop3A_281 = arith.constant 96 : i32
      %parallel_loop3A_282 = vector.broadcast %parallel_loop3A_281 : i32 to vector<16xi32>
      %parallel_loop3A_283 = arith.addi %iota3A, %parallel_loop3A_282 : vector<16xi32>
      tpu.vector_store_idx %arg8[%parallel_loop3A_227, %parallel_loop3A_283], %parallel_loop3A_280 {add = true} : memref<64x512xf32, #tpu.memory_space<vmem>>[vector<16xi32>, vector<16xi32>], vector<16xf32>,
      %parallel_loop3A_284 = arith.constant 1 : i32
      %parallel_loop3A_285 = arith.index_cast %parallel_loop3A_284 : i32 to index
      %parallel_loop3A_286 = arith.index_cast %parallel_loop3A_220 : i32 to index
      %parallel_loop3A_287 = arith.constant 112 : index
      %parallel_loop3A_288 = tpu.vector_load %arg6[%parallel_loop3A_285, %parallel_loop3A_286, %parallel_loop3A_287] {strides = array<i32>} : memref<2x64x512xf32, #tpu.memory_space<vmem>>, vector<16xf32>,
      %parallel_loop3A_289 = arith.constant 112 : i32
      %parallel_loop3A_290 = vector.broadcast %parallel_loop3A_289 : i32 to vector<16xi32>
      %parallel_loop3A_291 = arith.addi %iota3A, %parallel_loop3A_290 : vector<16xi32>
      tpu.vector_store_idx %arg8[%parallel_loop3A_227, %parallel_loop3A_291], %parallel_loop3A_288 {add = true} : memref<64x512xf32, #tpu.memory_space<vmem>>[vector<16xi32>, vector<16xi32>], vector<16xf32>,
      %parallel_loop3A_292 = arith.constant 1 : i32
      %parallel_loop3A_293 = arith.index_cast %parallel_loop3A_292 : i32 to index
      %parallel_loop3A_294 = arith.index_cast %parallel_loop3A_220 : i32 to index
      %parallel_loop3A_295 = arith.constant 128 : index
      %parallel_loop3A_296 = tpu.vector_load %arg6[%parallel_loop3A_293, %parallel_loop3A_294, %parallel_loop3A_295] {strides = array<i32>} : memref<2x64x512xf32, #tpu.memory_space<vmem>>, vector<16xf32>,
      %parallel_loop3A_297 = arith.constant 128 : i32
      %parallel_loop3A_298 = vector.broadcast %parallel_loop3A_297 : i32 to vector<16xi32>
      %parallel_loop3A_299 = arith.addi %iota3A, %parallel_loop3A_298 : vector<16xi32>
      tpu.vector_store_idx %arg8[%parallel_loop3A_227, %parallel_loop3A_299], %parallel_loop3A_296 {add = true} : memref<64x512xf32, #tpu.memory_space<vmem>>[vector<16xi32>, vector<16xi32>], vector<16xf32>,
      %parallel_loop3A_300 = arith.constant 1 : i32
      %parallel_loop3A_301 = arith.index_cast %parallel_loop3A_300 : i32 to index
      %parallel_loop3A_302 = arith.index_cast %parallel_loop3A_220 : i32 to index
      %parallel_loop3A_303 = arith.constant 144 : index
      %parallel_loop3A_304 = tpu.vector_load %arg6[%parallel_loop3A_301, %parallel_loop3A_302, %parallel_loop3A_303] {strides = array<i32>} : memref<2x64x512xf32, #tpu.memory_space<vmem>>, vector<16xf32>,
      %parallel_loop3A_305 = arith.constant 144 : i32
      %parallel_loop3A_306 = vector.broadcast %parallel_loop3A_305 : i32 to vector<16xi32>
      %parallel_loop3A_307 = arith.addi %iota3A, %parallel_loop3A_306 : vector<16xi32>
      tpu.vector_store_idx %arg8[%parallel_loop3A_227, %parallel_loop3A_307], %parallel_loop3A_304 {add = true} : memref<64x512xf32, #tpu.memory_space<vmem>>[vector<16xi32>, vector<16xi32>], vector<16xf32>,
      %parallel_loop3A_308 = arith.constant 1 : i32
      %parallel_loop3A_309 = arith.index_cast %parallel_loop3A_308 : i32 to index
      %parallel_loop3A_310 = arith.index_cast %parallel_loop3A_220 : i32 to index
      %parallel_loop3A_311 = arith.constant 160 : index
      %parallel_loop3A_312 = tpu.vector_load %arg6[%parallel_loop3A_309, %parallel_loop3A_310, %parallel_loop3A_311] {strides = array<i32>} : memref<2x64x512xf32, #tpu.memory_space<vmem>>, vector<16xf32>,
      %parallel_loop3A_313 = arith.constant 160 : i32
      %parallel_loop3A_314 = vector.broadcast %parallel_loop3A_313 : i32 to vector<16xi32>
      %parallel_loop3A_315 = arith.addi %iota3A, %parallel_loop3A_314 : vector<16xi32>
      tpu.vector_store_idx %arg8[%parallel_loop3A_227, %parallel_loop3A_315], %parallel_loop3A_312 {add = true} : memref<64x512xf32, #tpu.memory_space<vmem>>[vector<16xi32>, vector<16xi32>], vector<16xf32>,
      %parallel_loop3A_316 = arith.constant 1 : i32
      %parallel_loop3A_317 = arith.index_cast %parallel_loop3A_316 : i32 to index
      %parallel_loop3A_318 = arith.index_cast %parallel_loop3A_220 : i32 to index
      %parallel_loop3A_319 = arith.constant 176 : index
      %parallel_loop3A_320 = tpu.vector_load %arg6[%parallel_loop3A_317, %parallel_loop3A_318, %parallel_loop3A_319] {strides = array<i32>} : memref<2x64x512xf32, #tpu.memory_space<vmem>>, vector<16xf32>,
      %parallel_loop3A_321 = arith.constant 176 : i32
      %parallel_loop3A_322 = vector.broadcast %parallel_loop3A_321 : i32 to vector<16xi32>
      %parallel_loop3A_323 = arith.addi %iota3A, %parallel_loop3A_322 : vector<16xi32>
      tpu.vector_store_idx %arg8[%parallel_loop3A_227, %parallel_loop3A_323], %parallel_loop3A_320 {add = true} : memref<64x512xf32, #tpu.memory_space<vmem>>[vector<16xi32>, vector<16xi32>], vector<16xf32>,
      %parallel_loop3A_324 = arith.constant 1 : i32
      %parallel_loop3A_325 = arith.index_cast %parallel_loop3A_324 : i32 to index
      %parallel_loop3A_326 = arith.index_cast %parallel_loop3A_220 : i32 to index
      %parallel_loop3A_327 = arith.constant 192 : index
      %parallel_loop3A_328 = tpu.vector_load %arg6[%parallel_loop3A_325, %parallel_loop3A_326, %parallel_loop3A_327] {strides = array<i32>} : memref<2x64x512xf32, #tpu.memory_space<vmem>>, vector<16xf32>,
      %parallel_loop3A_329 = arith.constant 192 : i32
      %parallel_loop3A_330 = vector.broadcast %parallel_loop3A_329 : i32 to vector<16xi32>
      %parallel_loop3A_331 = arith.addi %iota3A, %parallel_loop3A_330 : vector<16xi32>
      tpu.vector_store_idx %arg8[%parallel_loop3A_227, %parallel_loop3A_331], %parallel_loop3A_328 {add = true} : memref<64x512xf32, #tpu.memory_space<vmem>>[vector<16xi32>, vector<16xi32>], vector<16xf32>,
      %parallel_loop3A_332 = arith.constant 1 : i32
      %parallel_loop3A_333 = arith.index_cast %parallel_loop3A_332 : i32 to index
      %parallel_loop3A_334 = arith.index_cast %parallel_loop3A_220 : i32 to index
      %parallel_loop3A_335 = arith.constant 208 : index
      %parallel_loop3A_336 = tpu.vector_load %arg6[%parallel_loop3A_333, %parallel_loop3A_334, %parallel_loop3A_335] {strides = array<i32>} : memref<2x64x512xf32, #tpu.memory_space<vmem>>, vector<16xf32>,
      %parallel_loop3A_337 = arith.constant 208 : i32
      %parallel_loop3A_338 = vector.broadcast %parallel_loop3A_337 : i32 to vector<16xi32>
      %parallel_loop3A_339 = arith.addi %iota3A, %parallel_loop3A_338 : vector<16xi32>
      tpu.vector_store_idx %arg8[%parallel_loop3A_227, %parallel_loop3A_339], %parallel_loop3A_336 {add = true} : memref<64x512xf32, #tpu.memory_space<vmem>>[vector<16xi32>, vector<16xi32>], vector<16xf32>,
      %parallel_loop3A_340 = arith.constant 1 : i32
      %parallel_loop3A_341 = arith.index_cast %parallel_loop3A_340 : i32 to index
      %parallel_loop3A_342 = arith.index_cast %parallel_loop3A_220 : i32 to index
      %parallel_loop3A_343 = arith.constant 224 : index
      %parallel_loop3A_344 = tpu.vector_load %arg6[%parallel_loop3A_341, %parallel_loop3A_342, %parallel_loop3A_343] {strides = array<i32>} : memref<2x64x512xf32, #tpu.memory_space<vmem>>, vector<16xf32>,
      %parallel_loop3A_345 = arith.constant 224 : i32
      %parallel_loop3A_346 = vector.broadcast %parallel_loop3A_345 : i32 to vector<16xi32>
      %parallel_loop3A_347 = arith.addi %iota3A, %parallel_loop3A_346 : vector<16xi32>
      tpu.vector_store_idx %arg8[%parallel_loop3A_227, %parallel_loop3A_347], %parallel_loop3A_344 {add = true} : memref<64x512xf32, #tpu.memory_space<vmem>>[vector<16xi32>, vector<16xi32>], vector<16xf32>,
      %parallel_loop3A_348 = arith.constant 1 : i32
      %parallel_loop3A_349 = arith.index_cast %parallel_loop3A_348 : i32 to index
      %parallel_loop3A_350 = arith.index_cast %parallel_loop3A_220 : i32 to index
      %parallel_loop3A_351 = arith.constant 240 : index
      %parallel_loop3A_352 = tpu.vector_load %arg6[%parallel_loop3A_349, %parallel_loop3A_350, %parallel_loop3A_351] {strides = array<i32>} : memref<2x64x512xf32, #tpu.memory_space<vmem>>, vector<16xf32>,
      %parallel_loop3A_353 = arith.constant 240 : i32
      %parallel_loop3A_354 = vector.broadcast %parallel_loop3A_353 : i32 to vector<16xi32>
      %parallel_loop3A_355 = arith.addi %iota3A, %parallel_loop3A_354 : vector<16xi32>
      tpu.vector_store_idx %arg8[%parallel_loop3A_227, %parallel_loop3A_355], %parallel_loop3A_352 {add = true} : memref<64x512xf32, #tpu.memory_space<vmem>>[vector<16xi32>, vector<16xi32>], vector<16xf32>,
      %parallel_loop3A_356 = arith.constant 1 : i32
      %parallel_loop3A_357 = arith.index_cast %parallel_loop3A_356 : i32 to index
      %parallel_loop3A_358 = arith.index_cast %parallel_loop3A_220 : i32 to index
      %parallel_loop3A_359 = arith.constant 256 : index
      %parallel_loop3A_360 = tpu.vector_load %arg6[%parallel_loop3A_357, %parallel_loop3A_358, %parallel_loop3A_359] {strides = array<i32>} : memref<2x64x512xf32, #tpu.memory_space<vmem>>, vector<16xf32>,
      %parallel_loop3A_361 = arith.constant 256 : i32
      %parallel_loop3A_362 = vector.broadcast %parallel_loop3A_361 : i32 to vector<16xi32>
      %parallel_loop3A_363 = arith.addi %iota3A, %parallel_loop3A_362 : vector<16xi32>
      tpu.vector_store_idx %arg8[%parallel_loop3A_227, %parallel_loop3A_363], %parallel_loop3A_360 {add = true} : memref<64x512xf32, #tpu.memory_space<vmem>>[vector<16xi32>, vector<16xi32>], vector<16xf32>,
      %parallel_loop3A_364 = arith.constant 1 : i32
      %parallel_loop3A_365 = arith.index_cast %parallel_loop3A_364 : i32 to index
      %parallel_loop3A_366 = arith.index_cast %parallel_loop3A_220 : i32 to index
      %parallel_loop3A_367 = arith.constant 272 : index
      %parallel_loop3A_368 = tpu.vector_load %arg6[%parallel_loop3A_365, %parallel_loop3A_366, %parallel_loop3A_367] {strides = array<i32>} : memref<2x64x512xf32, #tpu.memory_space<vmem>>, vector<16xf32>,
      %parallel_loop3A_369 = arith.constant 272 : i32
      %parallel_loop3A_370 = vector.broadcast %parallel_loop3A_369 : i32 to vector<16xi32>
      %parallel_loop3A_371 = arith.addi %iota3A, %parallel_loop3A_370 : vector<16xi32>
      tpu.vector_store_idx %arg8[%parallel_loop3A_227, %parallel_loop3A_371], %parallel_loop3A_368 {add = true} : memref<64x512xf32, #tpu.memory_space<vmem>>[vector<16xi32>, vector<16xi32>], vector<16xf32>,
      %parallel_loop3A_372 = arith.constant 1 : i32
      %parallel_loop3A_373 = arith.index_cast %parallel_loop3A_372 : i32 to index
      %parallel_loop3A_374 = arith.index_cast %parallel_loop3A_220 : i32 to index
      %parallel_loop3A_375 = arith.constant 288 : index
      %parallel_loop3A_376 = tpu.vector_load %arg6[%parallel_loop3A_373, %parallel_loop3A_374, %parallel_loop3A_375] {strides = array<i32>} : memref<2x64x512xf32, #tpu.memory_space<vmem>>, vector<16xf32>,
      %parallel_loop3A_377 = arith.constant 288 : i32
      %parallel_loop3A_378 = vector.broadcast %parallel_loop3A_377 : i32 to vector<16xi32>
      %parallel_loop3A_379 = arith.addi %iota3A, %parallel_loop3A_378 : vector<16xi32>
      tpu.vector_store_idx %arg8[%parallel_loop3A_227, %parallel_loop3A_379], %parallel_loop3A_376 {add = true} : memref<64x512xf32, #tpu.memory_space<vmem>>[vector<16xi32>, vector<16xi32>], vector<16xf32>,
      %parallel_loop3A_380 = arith.constant 1 : i32
      %parallel_loop3A_381 = arith.index_cast %parallel_loop3A_380 : i32 to index
      %parallel_loop3A_382 = arith.index_cast %parallel_loop3A_220 : i32 to index
      %parallel_loop3A_383 = arith.constant 304 : index
      %parallel_loop3A_384 = tpu.vector_load %arg6[%parallel_loop3A_381, %parallel_loop3A_382, %parallel_loop3A_383] {strides = array<i32>} : memref<2x64x512xf32, #tpu.memory_space<vmem>>, vector<16xf32>,
      %parallel_loop3A_385 = arith.constant 304 : i32
      %parallel_loop3A_386 = vector.broadcast %parallel_loop3A_385 : i32 to vector<16xi32>
      %parallel_loop3A_387 = arith.addi %iota3A, %parallel_loop3A_386 : vector<16xi32>
      tpu.vector_store_idx %arg8[%parallel_loop3A_227, %parallel_loop3A_387], %parallel_loop3A_384 {add = true} : memref<64x512xf32, #tpu.memory_space<vmem>>[vector<16xi32>, vector<16xi32>], vector<16xf32>,
      %parallel_loop3A_388 = arith.constant 1 : i32
      %parallel_loop3A_389 = arith.index_cast %parallel_loop3A_388 : i32 to index
      %parallel_loop3A_390 = arith.index_cast %parallel_loop3A_220 : i32 to index
      %parallel_loop3A_391 = arith.constant 320 : index
      %parallel_loop3A_392 = tpu.vector_load %arg6[%parallel_loop3A_389, %parallel_loop3A_390, %parallel_loop3A_391] {strides = array<i32>} : memref<2x64x512xf32, #tpu.memory_space<vmem>>, vector<16xf32>,
      %parallel_loop3A_393 = arith.constant 320 : i32
      %parallel_loop3A_394 = vector.broadcast %parallel_loop3A_393 : i32 to vector<16xi32>
      %parallel_loop3A_395 = arith.addi %iota3A, %parallel_loop3A_394 : vector<16xi32>
      tpu.vector_store_idx %arg8[%parallel_loop3A_227, %parallel_loop3A_395], %parallel_loop3A_392 {add = true} : memref<64x512xf32, #tpu.memory_space<vmem>>[vector<16xi32>, vector<16xi32>], vector<16xf32>,
      %parallel_loop3A_396 = arith.constant 1 : i32
      %parallel_loop3A_397 = arith.index_cast %parallel_loop3A_396 : i32 to index
      %parallel_loop3A_398 = arith.index_cast %parallel_loop3A_220 : i32 to index
      %parallel_loop3A_399 = arith.constant 336 : index
      %parallel_loop3A_400 = tpu.vector_load %arg6[%parallel_loop3A_397, %parallel_loop3A_398, %parallel_loop3A_399] {strides = array<i32>} : memref<2x64x512xf32, #tpu.memory_space<vmem>>, vector<16xf32>,
      %parallel_loop3A_401 = arith.constant 336 : i32
      %parallel_loop3A_402 = vector.broadcast %parallel_loop3A_401 : i32 to vector<16xi32>
      %parallel_loop3A_403 = arith.addi %iota3A, %parallel_loop3A_402 : vector<16xi32>
      tpu.vector_store_idx %arg8[%parallel_loop3A_227, %parallel_loop3A_403], %parallel_loop3A_400 {add = true} : memref<64x512xf32, #tpu.memory_space<vmem>>[vector<16xi32>, vector<16xi32>], vector<16xf32>,
      %parallel_loop3A_404 = arith.constant 1 : i32
      %parallel_loop3A_405 = arith.index_cast %parallel_loop3A_404 : i32 to index
      %parallel_loop3A_406 = arith.index_cast %parallel_loop3A_220 : i32 to index
      %parallel_loop3A_407 = arith.constant 352 : index
      %parallel_loop3A_408 = tpu.vector_load %arg6[%parallel_loop3A_405, %parallel_loop3A_406, %parallel_loop3A_407] {strides = array<i32>} : memref<2x64x512xf32, #tpu.memory_space<vmem>>, vector<16xf32>,
      %parallel_loop3A_409 = arith.constant 352 : i32
      %parallel_loop3A_410 = vector.broadcast %parallel_loop3A_409 : i32 to vector<16xi32>
      %parallel_loop3A_411 = arith.addi %iota3A, %parallel_loop3A_410 : vector<16xi32>
      tpu.vector_store_idx %arg8[%parallel_loop3A_227, %parallel_loop3A_411], %parallel_loop3A_408 {add = true} : memref<64x512xf32, #tpu.memory_space<vmem>>[vector<16xi32>, vector<16xi32>], vector<16xf32>,
      %parallel_loop3A_412 = arith.constant 1 : i32
      %parallel_loop3A_413 = arith.index_cast %parallel_loop3A_412 : i32 to index
      %parallel_loop3A_414 = arith.index_cast %parallel_loop3A_220 : i32 to index
      %parallel_loop3A_415 = arith.constant 368 : index
      %parallel_loop3A_416 = tpu.vector_load %arg6[%parallel_loop3A_413, %parallel_loop3A_414, %parallel_loop3A_415] {strides = array<i32>} : memref<2x64x512xf32, #tpu.memory_space<vmem>>, vector<16xf32>,
      %parallel_loop3A_417 = arith.constant 368 : i32
      %parallel_loop3A_418 = vector.broadcast %parallel_loop3A_417 : i32 to vector<16xi32>
      %parallel_loop3A_419 = arith.addi %iota3A, %parallel_loop3A_418 : vector<16xi32>
      tpu.vector_store_idx %arg8[%parallel_loop3A_227, %parallel_loop3A_419], %parallel_loop3A_416 {add = true} : memref<64x512xf32, #tpu.memory_space<vmem>>[vector<16xi32>, vector<16xi32>], vector<16xf32>,
      %parallel_loop3A_420 = arith.constant 1 : i32
      %parallel_loop3A_421 = arith.index_cast %parallel_loop3A_420 : i32 to index
      %parallel_loop3A_422 = arith.index_cast %parallel_loop3A_220 : i32 to index
      %parallel_loop3A_423 = arith.constant 384 : index
      %parallel_loop3A_424 = tpu.vector_load %arg6[%parallel_loop3A_421, %parallel_loop3A_422, %parallel_loop3A_423] {strides = array<i32>} : memref<2x64x512xf32, #tpu.memory_space<vmem>>, vector<16xf32>,
      %parallel_loop3A_425 = arith.constant 384 : i32
      %parallel_loop3A_426 = vector.broadcast %parallel_loop3A_425 : i32 to vector<16xi32>
      %parallel_loop3A_427 = arith.addi %iota3A, %parallel_loop3A_426 : vector<16xi32>
      tpu.vector_store_idx %arg8[%parallel_loop3A_227, %parallel_loop3A_427], %parallel_loop3A_424 {add = true} : memref<64x512xf32, #tpu.memory_space<vmem>>[vector<16xi32>, vector<16xi32>], vector<16xf32>,
      %parallel_loop3A_428 = arith.constant 1 : i32
      %parallel_loop3A_429 = arith.index_cast %parallel_loop3A_428 : i32 to index
      %parallel_loop3A_430 = arith.index_cast %parallel_loop3A_220 : i32 to index
      %parallel_loop3A_431 = arith.constant 400 : index
      %parallel_loop3A_432 = tpu.vector_load %arg6[%parallel_loop3A_429, %parallel_loop3A_430, %parallel_loop3A_431] {strides = array<i32>} : memref<2x64x512xf32, #tpu.memory_space<vmem>>, vector<16xf32>,
      %parallel_loop3A_433 = arith.constant 400 : i32
      %parallel_loop3A_434 = vector.broadcast %parallel_loop3A_433 : i32 to vector<16xi32>
      %parallel_loop3A_435 = arith.addi %iota3A, %parallel_loop3A_434 : vector<16xi32>
      tpu.vector_store_idx %arg8[%parallel_loop3A_227, %parallel_loop3A_435], %parallel_loop3A_432 {add = true} : memref<64x512xf32, #tpu.memory_space<vmem>>[vector<16xi32>, vector<16xi32>], vector<16xf32>,
      %parallel_loop3A_436 = arith.constant 1 : i32
      %parallel_loop3A_437 = arith.index_cast %parallel_loop3A_436 : i32 to index
      %parallel_loop3A_438 = arith.index_cast %parallel_loop3A_220 : i32 to index
      %parallel_loop3A_439 = arith.constant 416 : index
      %parallel_loop3A_440 = tpu.vector_load %arg6[%parallel_loop3A_437, %parallel_loop3A_438, %parallel_loop3A_439] {strides = array<i32>} : memref<2x64x512xf32, #tpu.memory_space<vmem>>, vector<16xf32>,
      %parallel_loop3A_441 = arith.constant 416 : i32
      %parallel_loop3A_442 = vector.broadcast %parallel_loop3A_441 : i32 to vector<16xi32>
      %parallel_loop3A_443 = arith.addi %iota3A, %parallel_loop3A_442 : vector<16xi32>
      tpu.vector_store_idx %arg8[%parallel_loop3A_227, %parallel_loop3A_443], %parallel_loop3A_440 {add = true} : memref<64x512xf32, #tpu.memory_space<vmem>>[vector<16xi32>, vector<16xi32>], vector<16xf32>,
      %parallel_loop3A_444 = arith.constant 1 : i32
      %parallel_loop3A_445 = arith.index_cast %parallel_loop3A_444 : i32 to index
      %parallel_loop3A_446 = arith.index_cast %parallel_loop3A_220 : i32 to index
      %parallel_loop3A_447 = arith.constant 432 : index
      %parallel_loop3A_448 = tpu.vector_load %arg6[%parallel_loop3A_445, %parallel_loop3A_446, %parallel_loop3A_447] {strides = array<i32>} : memref<2x64x512xf32, #tpu.memory_space<vmem>>, vector<16xf32>,
      %parallel_loop3A_449 = arith.constant 432 : i32
      %parallel_loop3A_450 = vector.broadcast %parallel_loop3A_449 : i32 to vector<16xi32>
      %parallel_loop3A_451 = arith.addi %iota3A, %parallel_loop3A_450 : vector<16xi32>
      tpu.vector_store_idx %arg8[%parallel_loop3A_227, %parallel_loop3A_451], %parallel_loop3A_448 {add = true} : memref<64x512xf32, #tpu.memory_space<vmem>>[vector<16xi32>, vector<16xi32>], vector<16xf32>,
      %parallel_loop3A_452 = arith.constant 1 : i32
      %parallel_loop3A_453 = arith.index_cast %parallel_loop3A_452 : i32 to index
      %parallel_loop3A_454 = arith.index_cast %parallel_loop3A_220 : i32 to index
      %parallel_loop3A_455 = arith.constant 448 : index
      %parallel_loop3A_456 = tpu.vector_load %arg6[%parallel_loop3A_453, %parallel_loop3A_454, %parallel_loop3A_455] {strides = array<i32>} : memref<2x64x512xf32, #tpu.memory_space<vmem>>, vector<16xf32>,
      %parallel_loop3A_457 = arith.constant 448 : i32
      %parallel_loop3A_458 = vector.broadcast %parallel_loop3A_457 : i32 to vector<16xi32>
      %parallel_loop3A_459 = arith.addi %iota3A, %parallel_loop3A_458 : vector<16xi32>
      tpu.vector_store_idx %arg8[%parallel_loop3A_227, %parallel_loop3A_459], %parallel_loop3A_456 {add = true} : memref<64x512xf32, #tpu.memory_space<vmem>>[vector<16xi32>, vector<16xi32>], vector<16xf32>,
      %parallel_loop3A_460 = arith.constant 1 : i32
      %parallel_loop3A_461 = arith.index_cast %parallel_loop3A_460 : i32 to index
      %parallel_loop3A_462 = arith.index_cast %parallel_loop3A_220 : i32 to index
      %parallel_loop3A_463 = arith.constant 464 : index
      %parallel_loop3A_464 = tpu.vector_load %arg6[%parallel_loop3A_461, %parallel_loop3A_462, %parallel_loop3A_463] {strides = array<i32>} : memref<2x64x512xf32, #tpu.memory_space<vmem>>, vector<16xf32>,
      %parallel_loop3A_465 = arith.constant 464 : i32
      %parallel_loop3A_466 = vector.broadcast %parallel_loop3A_465 : i32 to vector<16xi32>
      %parallel_loop3A_467 = arith.addi %iota3A, %parallel_loop3A_466 : vector<16xi32>
      tpu.vector_store_idx %arg8[%parallel_loop3A_227, %parallel_loop3A_467], %parallel_loop3A_464 {add = true} : memref<64x512xf32, #tpu.memory_space<vmem>>[vector<16xi32>, vector<16xi32>], vector<16xf32>,
      %parallel_loop3A_468 = arith.constant 1 : i32
      %parallel_loop3A_469 = arith.index_cast %parallel_loop3A_468 : i32 to index
      %parallel_loop3A_470 = arith.index_cast %parallel_loop3A_220 : i32 to index
      %parallel_loop3A_471 = arith.constant 480 : index
      %parallel_loop3A_472 = tpu.vector_load %arg6[%parallel_loop3A_469, %parallel_loop3A_470, %parallel_loop3A_471] {strides = array<i32>} : memref<2x64x512xf32, #tpu.memory_space<vmem>>, vector<16xf32>,
      %parallel_loop3A_473 = arith.constant 480 : i32
      %parallel_loop3A_474 = vector.broadcast %parallel_loop3A_473 : i32 to vector<16xi32>
      %parallel_loop3A_475 = arith.addi %iota3A, %parallel_loop3A_474 : vector<16xi32>
      tpu.vector_store_idx %arg8[%parallel_loop3A_227, %parallel_loop3A_475], %parallel_loop3A_472 {add = true} : memref<64x512xf32, #tpu.memory_space<vmem>>[vector<16xi32>, vector<16xi32>], vector<16xf32>,
      %parallel_loop3A_476 = arith.constant 1 : i32
      %parallel_loop3A_477 = arith.index_cast %parallel_loop3A_476 : i32 to index
      %parallel_loop3A_478 = arith.index_cast %parallel_loop3A_220 : i32 to index
      %parallel_loop3A_479 = arith.constant 496 : index
      %parallel_loop3A_480 = tpu.vector_load %arg6[%parallel_loop3A_477, %parallel_loop3A_478, %parallel_loop3A_479] {strides = array<i32>} : memref<2x64x512xf32, #tpu.memory_space<vmem>>, vector<16xf32>,
      %parallel_loop3A_481 = arith.constant 496 : i32
      %parallel_loop3A_482 = vector.broadcast %parallel_loop3A_481 : i32 to vector<16xi32>
      %parallel_loop3A_483 = arith.addi %iota3A, %parallel_loop3A_482 : vector<16xi32>
      tpu.vector_store_idx %arg8[%parallel_loop3A_227, %parallel_loop3A_483], %parallel_loop3A_480 {add = true} : memref<64x512xf32, #tpu.memory_space<vmem>>[vector<16xi32>, vector<16xi32>], vector<16xf32>,
    } {sc.loop_unroll_factor = 8 : i64, sc.parallel_access}
    %dma_wait3A_144 = arith.constant 0 : i32
    %dma_wait3A_145 = arith.constant 0 : i32
    %dma_wait3A_146 = arith.constant 0 : i32
    %dma_wait3A_147 = tpu.memref_slice %arg6[%dma_wait3A_144, %dma_wait3A_145, %dma_wait3A_146] : memref<2x64x512xf32, #tpu.memory_space<vmem>> -> memref<1x64x512xf32, #tpu.memory_space<vmem>>
    %dma_wait3A_148 = tpu.memref_squeeze %dma_wait3A_147 : memref<1x64x512xf32, #tpu.memory_space<vmem>> -> memref<64x512xf32, #tpu.memory_space<vmem>>
    %dma_wait3A_149 = arith.constant 0 : i32
    %dma_wait3A_150 = tpu.memref_slice %arg2[%add3A_118, %dma_wait3A_149] : memref<8192x512xf32, #tpu.memory_space<hbm>> -> memref<64x512xf32, #tpu.memory_space<hbm>>
    %dma_wait3A_151 = arith.constant 0 : i32
    %dma_wait3A_152 = arith.constant 0 : i32
    %dma_wait3A_153 = tpu.memref_slice %arg6[%dma_wait3A_144, %dma_wait3A_151, %dma_wait3A_152] : memref<2x64x512xf32, #tpu.memory_space<vmem>> -> memref<1x64x512xf32, #tpu.memory_space<vmem>>
    %dma_wait3A_154 = tpu.memref_squeeze %dma_wait3A_153 : memref<1x64x512xf32, #tpu.memory_space<vmem>> -> memref<64x512xf32, #tpu.memory_space<vmem>>
    %dma_wait3A_155 = arith.constant 0 : i32
    %dma_wait3A_156 = tpu.memref_slice %arg2[%add3A_118, %dma_wait3A_155] : memref<8192x512xf32, #tpu.memory_space<hbm>> -> memref<64x512xf32, #tpu.memory_space<hbm>>
    tpu.wait_dma2 semaphore(%arg10 : memref<!tpu.dma_semaphore, #tpu.memory_space<semaphore_mem>>) src(%dma_wait3A_156 : memref<64x512xf32, #tpu.memory_space<hbm>>) dst(%dma_wait3A_154 : memref<64x512xf32, #tpu.memory_space<vmem>>)
    %dma_wait3A_157 = arith.constant 0 : i32
    %dma_wait3A_158 = arith.constant 0 : i32
    %dma_wait3A_159 = tpu.memref_slice %arg7[%dma_wait3A_157, %dma_wait3A_158] : memref<2x64xi32, #tpu.memory_space<vmem>> -> memref<1x64xi32, #tpu.memory_space<vmem>>
    %dma_wait3A_160 = tpu.memref_squeeze %dma_wait3A_159 : memref<1x64xi32, #tpu.memory_space<vmem>> -> memref<64xi32, #tpu.memory_space<vmem>>
    %dma_wait3A_161 = tpu.memref_slice %arg3[%add3A_118] : memref<8192xi32, #tpu.memory_space<hbm>> -> memref<64xi32, #tpu.memory_space<hbm>>
    %dma_wait3A_162 = arith.constant 0 : i32
    %dma_wait3A_163 = tpu.memref_slice %arg7[%dma_wait3A_157, %dma_wait3A_162] : memref<2x64xi32, #tpu.memory_space<vmem>> -> memref<1x64xi32, #tpu.memory_space<vmem>>
    %dma_wait3A_164 = tpu.memref_squeeze %dma_wait3A_163 : memref<1x64xi32, #tpu.memory_space<vmem>> -> memref<64xi32, #tpu.memory_space<vmem>>
    %dma_wait3A_165 = tpu.memref_slice %arg3[%add3A_118] : memref<8192xi32, #tpu.memory_space<hbm>> -> memref<64xi32, #tpu.memory_space<hbm>>
    tpu.wait_dma2 semaphore(%arg12 : memref<!tpu.dma_semaphore, #tpu.memory_space<semaphore_mem>>) src(%dma_wait3A_165 : memref<64xi32, #tpu.memory_space<hbm>>) dst(%dma_wait3A_164 : memref<64xi32, #tpu.memory_space<vmem>>)
    %mul3A_166 = arith.constant 256 : i32
    %mul3A_167 = arith.muli %add3A, %mul3A_166 : i32
    %add3A_168 = arith.constant 192 : i32
    %add3A_169 = arith.addi %mul3A_167, %add3A_168 : i32
    %dma_start3A_170 = arith.constant 1 : i32
    %dma_start3A_171 = arith.constant 0 : i32
    %dma_start3A_172 = arith.constant 0 : i32
    %dma_start3A_173 = tpu.memref_slice %arg6[%dma_start3A_170, %dma_start3A_171, %dma_start3A_172] : memref<2x64x512xf32, #tpu.memory_space<vmem>> -> memref<1x64x512xf32, #tpu.memory_space<vmem>>
    %dma_start3A_174 = tpu.memref_squeeze %dma_start3A_173 : memref<1x64x512xf32, #tpu.memory_space<vmem>> -> memref<64x512xf32, #tpu.memory_space<vmem>>
    %dma_start3A_175 = arith.constant 0 : i32
    %dma_start3A_176 = tpu.memref_slice %arg2[%add3A_169, %dma_start3A_175] : memref<8192x512xf32, #tpu.memory_space<hbm>> -> memref<64x512xf32, #tpu.memory_space<hbm>>
    %dma_start3A_177 = arith.constant 0 : i32
    %dma_start3A_178 = arith.constant 0 : i32
    %dma_start3A_179 = tpu.memref_slice %arg6[%dma_start3A_170, %dma_start3A_177, %dma_start3A_178] : memref<2x64x512xf32, #tpu.memory_space<vmem>> -> memref<1x64x512xf32, #tpu.memory_space<vmem>>
    %dma_start3A_180 = tpu.memref_squeeze %dma_start3A_179 : memref<1x64x512xf32, #tpu.memory_space<vmem>> -> memref<64x512xf32, #tpu.memory_space<vmem>>
    %dma_start3A_181 = arith.constant 0 : i32
    %dma_start3A_182 = tpu.memref_slice %arg2[%add3A_169, %dma_start3A_181] : memref<8192x512xf32, #tpu.memory_space<hbm>> -> memref<64x512xf32, #tpu.memory_space<hbm>>
    tpu.enqueue_dma source(%dma_start3A_182 : memref<64x512xf32, #tpu.memory_space<hbm>>) target(%dma_start3A_180 : memref<64x512xf32, #tpu.memory_space<vmem>>) target_semaphore(%arg11 : memref<!tpu.dma_semaphore, #tpu.memory_space<semaphore_mem>>)
    %dma_start3A_183 = arith.constant 1 : i32
    %dma_start3A_184 = arith.constant 0 : i32
    %dma_start3A_185 = tpu.memref_slice %arg7[%dma_start3A_183, %dma_start3A_184] : memref<2x64xi32, #tpu.memory_space<vmem>> -> memref<1x64xi32, #tpu.memory_space<vmem>>
    %dma_start3A_186 = tpu.memref_squeeze %dma_start3A_185 : memref<1x64xi32, #tpu.memory_space<vmem>> -> memref<64xi32, #tpu.memory_space<vmem>>
    %dma_start3A_187 = tpu.memref_slice %arg3[%add3A_169] : memref<8192xi32, #tpu.memory_space<hbm>> -> memref<64xi32, #tpu.memory_space<hbm>>
    %dma_start3A_188 = arith.constant 0 : i32
    %dma_start3A_189 = tpu.memref_slice %arg7[%dma_start3A_183, %dma_start3A_188] : memref<2x64xi32, #tpu.memory_space<vmem>> -> memref<1x64xi32, #tpu.memory_space<vmem>>
    %dma_start3A_190 = tpu.memref_squeeze %dma_start3A_189 : memref<1x64xi32, #tpu.memory_space<vmem>> -> memref<64xi32, #tpu.memory_space<vmem>>
    %dma_start3A_191 = tpu.memref_slice %arg3[%add3A_169] : memref<8192xi32, #tpu.memory_space<hbm>> -> memref<64xi32, #tpu.memory_space<hbm>>
    tpu.enqueue_dma source(%dma_start3A_191 : memref<64xi32, #tpu.memory_space<hbm>>) target(%dma_start3A_190 : memref<64xi32, #tpu.memory_space<vmem>>) target_semaphore(%arg13 : memref<!tpu.dma_semaphore, #tpu.memory_space<semaphore_mem>>)
    %parallel_loop3A_192 = arith.constant 0 : i32
    %parallel_loop3A_193 = arith.constant 64 : i32
    %parallel_loop3A_194 = arith.constant 1 : i32
    scf.for %parallel_loop3A_220 = %parallel_loop3A_192 to %parallel_loop3A_193 step %parallel_loop3A_194  : i32 {
      %parallel_loop3A_221 = vector.broadcast %parallel_loop3A_220 : i32 to vector<16xi32>
      %parallel_loop3A_222 = arith.addi %broadcast_in_dim3A_43, %parallel_loop3A_221 : vector<16xi32>
      %parallel_loop3A_223 = arith.constant 0 : i32
      %parallel_loop3A_224 = arith.constant 0 : i32
      %parallel_loop3A_225 = tpu.memref_slice %arg7[%parallel_loop3A_223, %parallel_loop3A_224] : memref<2x64xi32, #tpu.memory_space<vmem>> -> memref<1x64xi32, #tpu.memory_space<vmem>>
      %parallel_loop3A_226 = tpu.memref_squeeze %parallel_loop3A_225 : memref<1x64xi32, #tpu.memory_space<vmem>> -> memref<64xi32, #tpu.memory_space<vmem>>
      %parallel_loop3A_227 = tpu.vector_load_idx %parallel_loop3A_226[%parallel_loop3A_222] : memref<64xi32, #tpu.memory_space<vmem>>[vector<16xi32>], vector<16xi32>,
      tpu.vector_store_idx %arg9[%parallel_loop3A_227], %broadcast_in_dim3A_41 masked %eq3A_39 {add = true} : memref<64xf32, #tpu.memory_space<vmem>>[vector<16xi32>], vector<16xf32>, vector<16xi1>
      %parallel_loop3A_228 = arith.constant 0 : i32
      %parallel_loop3A_229 = arith.index_cast %parallel_loop3A_228 : i32 to index
      %parallel_loop3A_230 = arith.index_cast %parallel_loop3A_220 : i32 to index
      %parallel_loop3A_231 = arith.constant 0 : index
      %parallel_loop3A_232 = tpu.vector_load %arg6[%parallel_loop3A_229, %parallel_loop3A_230, %parallel_loop3A_231] {strides = array<i32>} : memref<2x64x512xf32, #tpu.memory_space<vmem>>, vector<16xf32>,
      %parallel_loop3A_233 = arith.constant 0 : i32
      %parallel_loop3A_234 = vector.broadcast %parallel_loop3A_233 : i32 to vector<16xi32>
      %parallel_loop3A_235 = arith.addi %iota3A, %parallel_loop3A_234 : vector<16xi32>
      tpu.vector_store_idx %arg8[%parallel_loop3A_227, %parallel_loop3A_235], %parallel_loop3A_232 {add = true} : memref<64x512xf32, #tpu.memory_space<vmem>>[vector<16xi32>, vector<16xi32>], vector<16xf32>,
      %parallel_loop3A_236 = arith.constant 0 : i32
      %parallel_loop3A_237 = arith.index_cast %parallel_loop3A_236 : i32 to index
      %parallel_loop3A_238 = arith.index_cast %parallel_loop3A_220 : i32 to index
      %parallel_loop3A_239 = arith.constant 16 : index
      %parallel_loop3A_240 = tpu.vector_load %arg6[%parallel_loop3A_237, %parallel_loop3A_238, %parallel_loop3A_239] {strides = array<i32>} : memref<2x64x512xf32, #tpu.memory_space<vmem>>, vector<16xf32>,
      %parallel_loop3A_241 = arith.constant 16 : i32
      %parallel_loop3A_242 = vector.broadcast %parallel_loop3A_241 : i32 to vector<16xi32>
      %parallel_loop3A_243 = arith.addi %iota3A, %parallel_loop3A_242 : vector<16xi32>
      tpu.vector_store_idx %arg8[%parallel_loop3A_227, %parallel_loop3A_243], %parallel_loop3A_240 {add = true} : memref<64x512xf32, #tpu.memory_space<vmem>>[vector<16xi32>, vector<16xi32>], vector<16xf32>,
      %parallel_loop3A_244 = arith.constant 0 : i32
      %parallel_loop3A_245 = arith.index_cast %parallel_loop3A_244 : i32 to index
      %parallel_loop3A_246 = arith.index_cast %parallel_loop3A_220 : i32 to index
      %parallel_loop3A_247 = arith.constant 32 : index
      %parallel_loop3A_248 = tpu.vector_load %arg6[%parallel_loop3A_245, %parallel_loop3A_246, %parallel_loop3A_247] {strides = array<i32>} : memref<2x64x512xf32, #tpu.memory_space<vmem>>, vector<16xf32>,
      %parallel_loop3A_249 = arith.constant 32 : i32
      %parallel_loop3A_250 = vector.broadcast %parallel_loop3A_249 : i32 to vector<16xi32>
      %parallel_loop3A_251 = arith.addi %iota3A, %parallel_loop3A_250 : vector<16xi32>
      tpu.vector_store_idx %arg8[%parallel_loop3A_227, %parallel_loop3A_251], %parallel_loop3A_248 {add = true} : memref<64x512xf32, #tpu.memory_space<vmem>>[vector<16xi32>, vector<16xi32>], vector<16xf32>,
      %parallel_loop3A_252 = arith.constant 0 : i32
      %parallel_loop3A_253 = arith.index_cast %parallel_loop3A_252 : i32 to index
      %parallel_loop3A_254 = arith.index_cast %parallel_loop3A_220 : i32 to index
      %parallel_loop3A_255 = arith.constant 48 : index
      %parallel_loop3A_256 = tpu.vector_load %arg6[%parallel_loop3A_253, %parallel_loop3A_254, %parallel_loop3A_255] {strides = array<i32>} : memref<2x64x512xf32, #tpu.memory_space<vmem>>, vector<16xf32>,
      %parallel_loop3A_257 = arith.constant 48 : i32
      %parallel_loop3A_258 = vector.broadcast %parallel_loop3A_257 : i32 to vector<16xi32>
      %parallel_loop3A_259 = arith.addi %iota3A, %parallel_loop3A_258 : vector<16xi32>
      tpu.vector_store_idx %arg8[%parallel_loop3A_227, %parallel_loop3A_259], %parallel_loop3A_256 {add = true} : memref<64x512xf32, #tpu.memory_space<vmem>>[vector<16xi32>, vector<16xi32>], vector<16xf32>,
      %parallel_loop3A_260 = arith.constant 0 : i32
      %parallel_loop3A_261 = arith.index_cast %parallel_loop3A_260 : i32 to index
      %parallel_loop3A_262 = arith.index_cast %parallel_loop3A_220 : i32 to index
      %parallel_loop3A_263 = arith.constant 64 : index
      %parallel_loop3A_264 = tpu.vector_load %arg6[%parallel_loop3A_261, %parallel_loop3A_262, %parallel_loop3A_263] {strides = array<i32>} : memref<2x64x512xf32, #tpu.memory_space<vmem>>, vector<16xf32>,
      %parallel_loop3A_265 = arith.constant 64 : i32
      %parallel_loop3A_266 = vector.broadcast %parallel_loop3A_265 : i32 to vector<16xi32>
      %parallel_loop3A_267 = arith.addi %iota3A, %parallel_loop3A_266 : vector<16xi32>
      tpu.vector_store_idx %arg8[%parallel_loop3A_227, %parallel_loop3A_267], %parallel_loop3A_264 {add = true} : memref<64x512xf32, #tpu.memory_space<vmem>>[vector<16xi32>, vector<16xi32>], vector<16xf32>,
      %parallel_loop3A_268 = arith.constant 0 : i32
      %parallel_loop3A_269 = arith.index_cast %parallel_loop3A_268 : i32 to index
      %parallel_loop3A_270 = arith.index_cast %parallel_loop3A_220 : i32 to index
      %parallel_loop3A_271 = arith.constant 80 : index
      %parallel_loop3A_272 = tpu.vector_load %arg6[%parallel_loop3A_269, %parallel_loop3A_270, %parallel_loop3A_271] {strides = array<i32>} : memref<2x64x512xf32, #tpu.memory_space<vmem>>, vector<16xf32>,
      %parallel_loop3A_273 = arith.constant 80 : i32
      %parallel_loop3A_274 = vector.broadcast %parallel_loop3A_273 : i32 to vector<16xi32>
      %parallel_loop3A_275 = arith.addi %iota3A, %parallel_loop3A_274 : vector<16xi32>
      tpu.vector_store_idx %arg8[%parallel_loop3A_227, %parallel_loop3A_275], %parallel_loop3A_272 {add = true} : memref<64x512xf32, #tpu.memory_space<vmem>>[vector<16xi32>, vector<16xi32>], vector<16xf32>,
      %parallel_loop3A_276 = arith.constant 0 : i32
      %parallel_loop3A_277 = arith.index_cast %parallel_loop3A_276 : i32 to index
      %parallel_loop3A_278 = arith.index_cast %parallel_loop3A_220 : i32 to index
      %parallel_loop3A_279 = arith.constant 96 : index
      %parallel_loop3A_280 = tpu.vector_load %arg6[%parallel_loop3A_277, %parallel_loop3A_278, %parallel_loop3A_279] {strides = array<i32>} : memref<2x64x512xf32, #tpu.memory_space<vmem>>, vector<16xf32>,
      %parallel_loop3A_281 = arith.constant 96 : i32
      %parallel_loop3A_282 = vector.broadcast %parallel_loop3A_281 : i32 to vector<16xi32>
      %parallel_loop3A_283 = arith.addi %iota3A, %parallel_loop3A_282 : vector<16xi32>
      tpu.vector_store_idx %arg8[%parallel_loop3A_227, %parallel_loop3A_283], %parallel_loop3A_280 {add = true} : memref<64x512xf32, #tpu.memory_space<vmem>>[vector<16xi32>, vector<16xi32>], vector<16xf32>,
      %parallel_loop3A_284 = arith.constant 0 : i32
      %parallel_loop3A_285 = arith.index_cast %parallel_loop3A_284 : i32 to index
      %parallel_loop3A_286 = arith.index_cast %parallel_loop3A_220 : i32 to index
      %parallel_loop3A_287 = arith.constant 112 : index
      %parallel_loop3A_288 = tpu.vector_load %arg6[%parallel_loop3A_285, %parallel_loop3A_286, %parallel_loop3A_287] {strides = array<i32>} : memref<2x64x512xf32, #tpu.memory_space<vmem>>, vector<16xf32>,
      %parallel_loop3A_289 = arith.constant 112 : i32
      %parallel_loop3A_290 = vector.broadcast %parallel_loop3A_289 : i32 to vector<16xi32>
      %parallel_loop3A_291 = arith.addi %iota3A, %parallel_loop3A_290 : vector<16xi32>
      tpu.vector_store_idx %arg8[%parallel_loop3A_227, %parallel_loop3A_291], %parallel_loop3A_288 {add = true} : memref<64x512xf32, #tpu.memory_space<vmem>>[vector<16xi32>, vector<16xi32>], vector<16xf32>,
      %parallel_loop3A_292 = arith.constant 0 : i32
      %parallel_loop3A_293 = arith.index_cast %parallel_loop3A_292 : i32 to index
      %parallel_loop3A_294 = arith.index_cast %parallel_loop3A_220 : i32 to index
      %parallel_loop3A_295 = arith.constant 128 : index
      %parallel_loop3A_296 = tpu.vector_load %arg6[%parallel_loop3A_293, %parallel_loop3A_294, %parallel_loop3A_295] {strides = array<i32>} : memref<2x64x512xf32, #tpu.memory_space<vmem>>, vector<16xf32>,
      %parallel_loop3A_297 = arith.constant 128 : i32
      %parallel_loop3A_298 = vector.broadcast %parallel_loop3A_297 : i32 to vector<16xi32>
      %parallel_loop3A_299 = arith.addi %iota3A, %parallel_loop3A_298 : vector<16xi32>
      tpu.vector_store_idx %arg8[%parallel_loop3A_227, %parallel_loop3A_299], %parallel_loop3A_296 {add = true} : memref<64x512xf32, #tpu.memory_space<vmem>>[vector<16xi32>, vector<16xi32>], vector<16xf32>,
      %parallel_loop3A_300 = arith.constant 0 : i32
      %parallel_loop3A_301 = arith.index_cast %parallel_loop3A_300 : i32 to index
      %parallel_loop3A_302 = arith.index_cast %parallel_loop3A_220 : i32 to index
      %parallel_loop3A_303 = arith.constant 144 : index
      %parallel_loop3A_304 = tpu.vector_load %arg6[%parallel_loop3A_301, %parallel_loop3A_302, %parallel_loop3A_303] {strides = array<i32>} : memref<2x64x512xf32, #tpu.memory_space<vmem>>, vector<16xf32>,
      %parallel_loop3A_305 = arith.constant 144 : i32
      %parallel_loop3A_306 = vector.broadcast %parallel_loop3A_305 : i32 to vector<16xi32>
      %parallel_loop3A_307 = arith.addi %iota3A, %parallel_loop3A_306 : vector<16xi32>
      tpu.vector_store_idx %arg8[%parallel_loop3A_227, %parallel_loop3A_307], %parallel_loop3A_304 {add = true} : memref<64x512xf32, #tpu.memory_space<vmem>>[vector<16xi32>, vector<16xi32>], vector<16xf32>,
      %parallel_loop3A_308 = arith.constant 0 : i32
      %parallel_loop3A_309 = arith.index_cast %parallel_loop3A_308 : i32 to index
      %parallel_loop3A_310 = arith.index_cast %parallel_loop3A_220 : i32 to index
      %parallel_loop3A_311 = arith.constant 160 : index
      %parallel_loop3A_312 = tpu.vector_load %arg6[%parallel_loop3A_309, %parallel_loop3A_310, %parallel_loop3A_311] {strides = array<i32>} : memref<2x64x512xf32, #tpu.memory_space<vmem>>, vector<16xf32>,
      %parallel_loop3A_313 = arith.constant 160 : i32
      %parallel_loop3A_314 = vector.broadcast %parallel_loop3A_313 : i32 to vector<16xi32>
      %parallel_loop3A_315 = arith.addi %iota3A, %parallel_loop3A_314 : vector<16xi32>
      tpu.vector_store_idx %arg8[%parallel_loop3A_227, %parallel_loop3A_315], %parallel_loop3A_312 {add = true} : memref<64x512xf32, #tpu.memory_space<vmem>>[vector<16xi32>, vector<16xi32>], vector<16xf32>,
      %parallel_loop3A_316 = arith.constant 0 : i32
      %parallel_loop3A_317 = arith.index_cast %parallel_loop3A_316 : i32 to index
      %parallel_loop3A_318 = arith.index_cast %parallel_loop3A_220 : i32 to index
      %parallel_loop3A_319 = arith.constant 176 : index
      %parallel_loop3A_320 = tpu.vector_load %arg6[%parallel_loop3A_317, %parallel_loop3A_318, %parallel_loop3A_319] {strides = array<i32>} : memref<2x64x512xf32, #tpu.memory_space<vmem>>, vector<16xf32>,
      %parallel_loop3A_321 = arith.constant 176 : i32
      %parallel_loop3A_322 = vector.broadcast %parallel_loop3A_321 : i32 to vector<16xi32>
      %parallel_loop3A_323 = arith.addi %iota3A, %parallel_loop3A_322 : vector<16xi32>
      tpu.vector_store_idx %arg8[%parallel_loop3A_227, %parallel_loop3A_323], %parallel_loop3A_320 {add = true} : memref<64x512xf32, #tpu.memory_space<vmem>>[vector<16xi32>, vector<16xi32>], vector<16xf32>,
      %parallel_loop3A_324 = arith.constant 0 : i32
      %parallel_loop3A_325 = arith.index_cast %parallel_loop3A_324 : i32 to index
      %parallel_loop3A_326 = arith.index_cast %parallel_loop3A_220 : i32 to index
      %parallel_loop3A_327 = arith.constant 192 : index
      %parallel_loop3A_328 = tpu.vector_load %arg6[%parallel_loop3A_325, %parallel_loop3A_326, %parallel_loop3A_327] {strides = array<i32>} : memref<2x64x512xf32, #tpu.memory_space<vmem>>, vector<16xf32>,
      %parallel_loop3A_329 = arith.constant 192 : i32
      %parallel_loop3A_330 = vector.broadcast %parallel_loop3A_329 : i32 to vector<16xi32>
      %parallel_loop3A_331 = arith.addi %iota3A, %parallel_loop3A_330 : vector<16xi32>
      tpu.vector_store_idx %arg8[%parallel_loop3A_227, %parallel_loop3A_331], %parallel_loop3A_328 {add = true} : memref<64x512xf32, #tpu.memory_space<vmem>>[vector<16xi32>, vector<16xi32>], vector<16xf32>,
      %parallel_loop3A_332 = arith.constant 0 : i32
      %parallel_loop3A_333 = arith.index_cast %parallel_loop3A_332 : i32 to index
      %parallel_loop3A_334 = arith.index_cast %parallel_loop3A_220 : i32 to index
      %parallel_loop3A_335 = arith.constant 208 : index
      %parallel_loop3A_336 = tpu.vector_load %arg6[%parallel_loop3A_333, %parallel_loop3A_334, %parallel_loop3A_335] {strides = array<i32>} : memref<2x64x512xf32, #tpu.memory_space<vmem>>, vector<16xf32>,
      %parallel_loop3A_337 = arith.constant 208 : i32
      %parallel_loop3A_338 = vector.broadcast %parallel_loop3A_337 : i32 to vector<16xi32>
      %parallel_loop3A_339 = arith.addi %iota3A, %parallel_loop3A_338 : vector<16xi32>
      tpu.vector_store_idx %arg8[%parallel_loop3A_227, %parallel_loop3A_339], %parallel_loop3A_336 {add = true} : memref<64x512xf32, #tpu.memory_space<vmem>>[vector<16xi32>, vector<16xi32>], vector<16xf32>,
      %parallel_loop3A_340 = arith.constant 0 : i32
      %parallel_loop3A_341 = arith.index_cast %parallel_loop3A_340 : i32 to index
      %parallel_loop3A_342 = arith.index_cast %parallel_loop3A_220 : i32 to index
      %parallel_loop3A_343 = arith.constant 224 : index
      %parallel_loop3A_344 = tpu.vector_load %arg6[%parallel_loop3A_341, %parallel_loop3A_342, %parallel_loop3A_343] {strides = array<i32>} : memref<2x64x512xf32, #tpu.memory_space<vmem>>, vector<16xf32>,
      %parallel_loop3A_345 = arith.constant 224 : i32
      %parallel_loop3A_346 = vector.broadcast %parallel_loop3A_345 : i32 to vector<16xi32>
      %parallel_loop3A_347 = arith.addi %iota3A, %parallel_loop3A_346 : vector<16xi32>
      tpu.vector_store_idx %arg8[%parallel_loop3A_227, %parallel_loop3A_347], %parallel_loop3A_344 {add = true} : memref<64x512xf32, #tpu.memory_space<vmem>>[vector<16xi32>, vector<16xi32>], vector<16xf32>,
      %parallel_loop3A_348 = arith.constant 0 : i32
      %parallel_loop3A_349 = arith.index_cast %parallel_loop3A_348 : i32 to index
      %parallel_loop3A_350 = arith.index_cast %parallel_loop3A_220 : i32 to index
      %parallel_loop3A_351 = arith.constant 240 : index
      %parallel_loop3A_352 = tpu.vector_load %arg6[%parallel_loop3A_349, %parallel_loop3A_350, %parallel_loop3A_351] {strides = array<i32>} : memref<2x64x512xf32, #tpu.memory_space<vmem>>, vector<16xf32>,
      %parallel_loop3A_353 = arith.constant 240 : i32
      %parallel_loop3A_354 = vector.broadcast %parallel_loop3A_353 : i32 to vector<16xi32>
      %parallel_loop3A_355 = arith.addi %iota3A, %parallel_loop3A_354 : vector<16xi32>
      tpu.vector_store_idx %arg8[%parallel_loop3A_227, %parallel_loop3A_355], %parallel_loop3A_352 {add = true} : memref<64x512xf32, #tpu.memory_space<vmem>>[vector<16xi32>, vector<16xi32>], vector<16xf32>,
      %parallel_loop3A_356 = arith.constant 0 : i32
      %parallel_loop3A_357 = arith.index_cast %parallel_loop3A_356 : i32 to index
      %parallel_loop3A_358 = arith.index_cast %parallel_loop3A_220 : i32 to index
      %parallel_loop3A_359 = arith.constant 256 : index
      %parallel_loop3A_360 = tpu.vector_load %arg6[%parallel_loop3A_357, %parallel_loop3A_358, %parallel_loop3A_359] {strides = array<i32>} : memref<2x64x512xf32, #tpu.memory_space<vmem>>, vector<16xf32>,
      %parallel_loop3A_361 = arith.constant 256 : i32
      %parallel_loop3A_362 = vector.broadcast %parallel_loop3A_361 : i32 to vector<16xi32>
      %parallel_loop3A_363 = arith.addi %iota3A, %parallel_loop3A_362 : vector<16xi32>
      tpu.vector_store_idx %arg8[%parallel_loop3A_227, %parallel_loop3A_363], %parallel_loop3A_360 {add = true} : memref<64x512xf32, #tpu.memory_space<vmem>>[vector<16xi32>, vector<16xi32>], vector<16xf32>,
      %parallel_loop3A_364 = arith.constant 0 : i32
      %parallel_loop3A_365 = arith.index_cast %parallel_loop3A_364 : i32 to index
      %parallel_loop3A_366 = arith.index_cast %parallel_loop3A_220 : i32 to index
      %parallel_loop3A_367 = arith.constant 272 : index
      %parallel_loop3A_368 = tpu.vector_load %arg6[%parallel_loop3A_365, %parallel_loop3A_366, %parallel_loop3A_367] {strides = array<i32>} : memref<2x64x512xf32, #tpu.memory_space<vmem>>, vector<16xf32>,
      %parallel_loop3A_369 = arith.constant 272 : i32
      %parallel_loop3A_370 = vector.broadcast %parallel_loop3A_369 : i32 to vector<16xi32>
      %parallel_loop3A_371 = arith.addi %iota3A, %parallel_loop3A_370 : vector<16xi32>
      tpu.vector_store_idx %arg8[%parallel_loop3A_227, %parallel_loop3A_371], %parallel_loop3A_368 {add = true} : memref<64x512xf32, #tpu.memory_space<vmem>>[vector<16xi32>, vector<16xi32>], vector<16xf32>,
      %parallel_loop3A_372 = arith.constant 0 : i32
      %parallel_loop3A_373 = arith.index_cast %parallel_loop3A_372 : i32 to index
      %parallel_loop3A_374 = arith.index_cast %parallel_loop3A_220 : i32 to index
      %parallel_loop3A_375 = arith.constant 288 : index
      %parallel_loop3A_376 = tpu.vector_load %arg6[%parallel_loop3A_373, %parallel_loop3A_374, %parallel_loop3A_375] {strides = array<i32>} : memref<2x64x512xf32, #tpu.memory_space<vmem>>, vector<16xf32>,
      %parallel_loop3A_377 = arith.constant 288 : i32
      %parallel_loop3A_378 = vector.broadcast %parallel_loop3A_377 : i32 to vector<16xi32>
      %parallel_loop3A_379 = arith.addi %iota3A, %parallel_loop3A_378 : vector<16xi32>
      tpu.vector_store_idx %arg8[%parallel_loop3A_227, %parallel_loop3A_379], %parallel_loop3A_376 {add = true} : memref<64x512xf32, #tpu.memory_space<vmem>>[vector<16xi32>, vector<16xi32>], vector<16xf32>,
      %parallel_loop3A_380 = arith.constant 0 : i32
      %parallel_loop3A_381 = arith.index_cast %parallel_loop3A_380 : i32 to index
      %parallel_loop3A_382 = arith.index_cast %parallel_loop3A_220 : i32 to index
      %parallel_loop3A_383 = arith.constant 304 : index
      %parallel_loop3A_384 = tpu.vector_load %arg6[%parallel_loop3A_381, %parallel_loop3A_382, %parallel_loop3A_383] {strides = array<i32>} : memref<2x64x512xf32, #tpu.memory_space<vmem>>, vector<16xf32>,
      %parallel_loop3A_385 = arith.constant 304 : i32
      %parallel_loop3A_386 = vector.broadcast %parallel_loop3A_385 : i32 to vector<16xi32>
      %parallel_loop3A_387 = arith.addi %iota3A, %parallel_loop3A_386 : vector<16xi32>
      tpu.vector_store_idx %arg8[%parallel_loop3A_227, %parallel_loop3A_387], %parallel_loop3A_384 {add = true} : memref<64x512xf32, #tpu.memory_space<vmem>>[vector<16xi32>, vector<16xi32>], vector<16xf32>,
      %parallel_loop3A_388 = arith.constant 0 : i32
      %parallel_loop3A_389 = arith.index_cast %parallel_loop3A_388 : i32 to index
      %parallel_loop3A_390 = arith.index_cast %parallel_loop3A_220 : i32 to index
      %parallel_loop3A_391 = arith.constant 320 : index
      %parallel_loop3A_392 = tpu.vector_load %arg6[%parallel_loop3A_389, %parallel_loop3A_390, %parallel_loop3A_391] {strides = array<i32>} : memref<2x64x512xf32, #tpu.memory_space<vmem>>, vector<16xf32>,
      %parallel_loop3A_393 = arith.constant 320 : i32
      %parallel_loop3A_394 = vector.broadcast %parallel_loop3A_393 : i32 to vector<16xi32>
      %parallel_loop3A_395 = arith.addi %iota3A, %parallel_loop3A_394 : vector<16xi32>
      tpu.vector_store_idx %arg8[%parallel_loop3A_227, %parallel_loop3A_395], %parallel_loop3A_392 {add = true} : memref<64x512xf32, #tpu.memory_space<vmem>>[vector<16xi32>, vector<16xi32>], vector<16xf32>,
      %parallel_loop3A_396 = arith.constant 0 : i32
      %parallel_loop3A_397 = arith.index_cast %parallel_loop3A_396 : i32 to index
      %parallel_loop3A_398 = arith.index_cast %parallel_loop3A_220 : i32 to index
      %parallel_loop3A_399 = arith.constant 336 : index
      %parallel_loop3A_400 = tpu.vector_load %arg6[%parallel_loop3A_397, %parallel_loop3A_398, %parallel_loop3A_399] {strides = array<i32>} : memref<2x64x512xf32, #tpu.memory_space<vmem>>, vector<16xf32>,
      %parallel_loop3A_401 = arith.constant 336 : i32
      %parallel_loop3A_402 = vector.broadcast %parallel_loop3A_401 : i32 to vector<16xi32>
      %parallel_loop3A_403 = arith.addi %iota3A, %parallel_loop3A_402 : vector<16xi32>
      tpu.vector_store_idx %arg8[%parallel_loop3A_227, %parallel_loop3A_403], %parallel_loop3A_400 {add = true} : memref<64x512xf32, #tpu.memory_space<vmem>>[vector<16xi32>, vector<16xi32>], vector<16xf32>,
      %parallel_loop3A_404 = arith.constant 0 : i32
      %parallel_loop3A_405 = arith.index_cast %parallel_loop3A_404 : i32 to index
      %parallel_loop3A_406 = arith.index_cast %parallel_loop3A_220 : i32 to index
      %parallel_loop3A_407 = arith.constant 352 : index
      %parallel_loop3A_408 = tpu.vector_load %arg6[%parallel_loop3A_405, %parallel_loop3A_406, %parallel_loop3A_407] {strides = array<i32>} : memref<2x64x512xf32, #tpu.memory_space<vmem>>, vector<16xf32>,
      %parallel_loop3A_409 = arith.constant 352 : i32
      %parallel_loop3A_410 = vector.broadcast %parallel_loop3A_409 : i32 to vector<16xi32>
      %parallel_loop3A_411 = arith.addi %iota3A, %parallel_loop3A_410 : vector<16xi32>
      tpu.vector_store_idx %arg8[%parallel_loop3A_227, %parallel_loop3A_411], %parallel_loop3A_408 {add = true} : memref<64x512xf32, #tpu.memory_space<vmem>>[vector<16xi32>, vector<16xi32>], vector<16xf32>,
      %parallel_loop3A_412 = arith.constant 0 : i32
      %parallel_loop3A_413 = arith.index_cast %parallel_loop3A_412 : i32 to index
      %parallel_loop3A_414 = arith.index_cast %parallel_loop3A_220 : i32 to index
      %parallel_loop3A_415 = arith.constant 368 : index
      %parallel_loop3A_416 = tpu.vector_load %arg6[%parallel_loop3A_413, %parallel_loop3A_414, %parallel_loop3A_415] {strides = array<i32>} : memref<2x64x512xf32, #tpu.memory_space<vmem>>, vector<16xf32>,
      %parallel_loop3A_417 = arith.constant 368 : i32
      %parallel_loop3A_418 = vector.broadcast %parallel_loop3A_417 : i32 to vector<16xi32>
      %parallel_loop3A_419 = arith.addi %iota3A, %parallel_loop3A_418 : vector<16xi32>
      tpu.vector_store_idx %arg8[%parallel_loop3A_227, %parallel_loop3A_419], %parallel_loop3A_416 {add = true} : memref<64x512xf32, #tpu.memory_space<vmem>>[vector<16xi32>, vector<16xi32>], vector<16xf32>,
      %parallel_loop3A_420 = arith.constant 0 : i32
      %parallel_loop3A_421 = arith.index_cast %parallel_loop3A_420 : i32 to index
      %parallel_loop3A_422 = arith.index_cast %parallel_loop3A_220 : i32 to index
      %parallel_loop3A_423 = arith.constant 384 : index
      %parallel_loop3A_424 = tpu.vector_load %arg6[%parallel_loop3A_421, %parallel_loop3A_422, %parallel_loop3A_423] {strides = array<i32>} : memref<2x64x512xf32, #tpu.memory_space<vmem>>, vector<16xf32>,
      %parallel_loop3A_425 = arith.constant 384 : i32
      %parallel_loop3A_426 = vector.broadcast %parallel_loop3A_425 : i32 to vector<16xi32>
      %parallel_loop3A_427 = arith.addi %iota3A, %parallel_loop3A_426 : vector<16xi32>
      tpu.vector_store_idx %arg8[%parallel_loop3A_227, %parallel_loop3A_427], %parallel_loop3A_424 {add = true} : memref<64x512xf32, #tpu.memory_space<vmem>>[vector<16xi32>, vector<16xi32>], vector<16xf32>,
      %parallel_loop3A_428 = arith.constant 0 : i32
      %parallel_loop3A_429 = arith.index_cast %parallel_loop3A_428 : i32 to index
      %parallel_loop3A_430 = arith.index_cast %parallel_loop3A_220 : i32 to index
      %parallel_loop3A_431 = arith.constant 400 : index
      %parallel_loop3A_432 = tpu.vector_load %arg6[%parallel_loop3A_429, %parallel_loop3A_430, %parallel_loop3A_431] {strides = array<i32>} : memref<2x64x512xf32, #tpu.memory_space<vmem>>, vector<16xf32>,
      %parallel_loop3A_433 = arith.constant 400 : i32
      %parallel_loop3A_434 = vector.broadcast %parallel_loop3A_433 : i32 to vector<16xi32>
      %parallel_loop3A_435 = arith.addi %iota3A, %parallel_loop3A_434 : vector<16xi32>
      tpu.vector_store_idx %arg8[%parallel_loop3A_227, %parallel_loop3A_435], %parallel_loop3A_432 {add = true} : memref<64x512xf32, #tpu.memory_space<vmem>>[vector<16xi32>, vector<16xi32>], vector<16xf32>,
      %parallel_loop3A_436 = arith.constant 0 : i32
      %parallel_loop3A_437 = arith.index_cast %parallel_loop3A_436 : i32 to index
      %parallel_loop3A_438 = arith.index_cast %parallel_loop3A_220 : i32 to index
      %parallel_loop3A_439 = arith.constant 416 : index
      %parallel_loop3A_440 = tpu.vector_load %arg6[%parallel_loop3A_437, %parallel_loop3A_438, %parallel_loop3A_439] {strides = array<i32>} : memref<2x64x512xf32, #tpu.memory_space<vmem>>, vector<16xf32>,
      %parallel_loop3A_441 = arith.constant 416 : i32
      %parallel_loop3A_442 = vector.broadcast %parallel_loop3A_441 : i32 to vector<16xi32>
      %parallel_loop3A_443 = arith.addi %iota3A, %parallel_loop3A_442 : vector<16xi32>
      tpu.vector_store_idx %arg8[%parallel_loop3A_227, %parallel_loop3A_443], %parallel_loop3A_440 {add = true} : memref<64x512xf32, #tpu.memory_space<vmem>>[vector<16xi32>, vector<16xi32>], vector<16xf32>,
      %parallel_loop3A_444 = arith.constant 0 : i32
      %parallel_loop3A_445 = arith.index_cast %parallel_loop3A_444 : i32 to index
      %parallel_loop3A_446 = arith.index_cast %parallel_loop3A_220 : i32 to index
      %parallel_loop3A_447 = arith.constant 432 : index
      %parallel_loop3A_448 = tpu.vector_load %arg6[%parallel_loop3A_445, %parallel_loop3A_446, %parallel_loop3A_447] {strides = array<i32>} : memref<2x64x512xf32, #tpu.memory_space<vmem>>, vector<16xf32>,
      %parallel_loop3A_449 = arith.constant 432 : i32
      %parallel_loop3A_450 = vector.broadcast %parallel_loop3A_449 : i32 to vector<16xi32>
      %parallel_loop3A_451 = arith.addi %iota3A, %parallel_loop3A_450 : vector<16xi32>
      tpu.vector_store_idx %arg8[%parallel_loop3A_227, %parallel_loop3A_451], %parallel_loop3A_448 {add = true} : memref<64x512xf32, #tpu.memory_space<vmem>>[vector<16xi32>, vector<16xi32>], vector<16xf32>,
      %parallel_loop3A_452 = arith.constant 0 : i32
      %parallel_loop3A_453 = arith.index_cast %parallel_loop3A_452 : i32 to index
      %parallel_loop3A_454 = arith.index_cast %parallel_loop3A_220 : i32 to index
      %parallel_loop3A_455 = arith.constant 448 : index
      %parallel_loop3A_456 = tpu.vector_load %arg6[%parallel_loop3A_453, %parallel_loop3A_454, %parallel_loop3A_455] {strides = array<i32>} : memref<2x64x512xf32, #tpu.memory_space<vmem>>, vector<16xf32>,
      %parallel_loop3A_457 = arith.constant 448 : i32
      %parallel_loop3A_458 = vector.broadcast %parallel_loop3A_457 : i32 to vector<16xi32>
      %parallel_loop3A_459 = arith.addi %iota3A, %parallel_loop3A_458 : vector<16xi32>
      tpu.vector_store_idx %arg8[%parallel_loop3A_227, %parallel_loop3A_459], %parallel_loop3A_456 {add = true} : memref<64x512xf32, #tpu.memory_space<vmem>>[vector<16xi32>, vector<16xi32>], vector<16xf32>,
      %parallel_loop3A_460 = arith.constant 0 : i32
      %parallel_loop3A_461 = arith.index_cast %parallel_loop3A_460 : i32 to index
      %parallel_loop3A_462 = arith.index_cast %parallel_loop3A_220 : i32 to index
      %parallel_loop3A_463 = arith.constant 464 : index
      %parallel_loop3A_464 = tpu.vector_load %arg6[%parallel_loop3A_461, %parallel_loop3A_462, %parallel_loop3A_463] {strides = array<i32>} : memref<2x64x512xf32, #tpu.memory_space<vmem>>, vector<16xf32>,
      %parallel_loop3A_465 = arith.constant 464 : i32
      %parallel_loop3A_466 = vector.broadcast %parallel_loop3A_465 : i32 to vector<16xi32>
      %parallel_loop3A_467 = arith.addi %iota3A, %parallel_loop3A_466 : vector<16xi32>
      tpu.vector_store_idx %arg8[%parallel_loop3A_227, %parallel_loop3A_467], %parallel_loop3A_464 {add = true} : memref<64x512xf32, #tpu.memory_space<vmem>>[vector<16xi32>, vector<16xi32>], vector<16xf32>,
      %parallel_loop3A_468 = arith.constant 0 : i32
      %parallel_loop3A_469 = arith.index_cast %parallel_loop3A_468 : i32 to index
      %parallel_loop3A_470 = arith.index_cast %parallel_loop3A_220 : i32 to index
      %parallel_loop3A_471 = arith.constant 480 : index
      %parallel_loop3A_472 = tpu.vector_load %arg6[%parallel_loop3A_469, %parallel_loop3A_470, %parallel_loop3A_471] {strides = array<i32>} : memref<2x64x512xf32, #tpu.memory_space<vmem>>, vector<16xf32>,
      %parallel_loop3A_473 = arith.constant 480 : i32
      %parallel_loop3A_474 = vector.broadcast %parallel_loop3A_473 : i32 to vector<16xi32>
      %parallel_loop3A_475 = arith.addi %iota3A, %parallel_loop3A_474 : vector<16xi32>
      tpu.vector_store_idx %arg8[%parallel_loop3A_227, %parallel_loop3A_475], %parallel_loop3A_472 {add = true} : memref<64x512xf32, #tpu.memory_space<vmem>>[vector<16xi32>, vector<16xi32>], vector<16xf32>,
      %parallel_loop3A_476 = arith.constant 0 : i32
      %parallel_loop3A_477 = arith.index_cast %parallel_loop3A_476 : i32 to index
      %parallel_loop3A_478 = arith.index_cast %parallel_loop3A_220 : i32 to index
      %parallel_loop3A_479 = arith.constant 496 : index
      %parallel_loop3A_480 = tpu.vector_load %arg6[%parallel_loop3A_477, %parallel_loop3A_478, %parallel_loop3A_479] {strides = array<i32>} : memref<2x64x512xf32, #tpu.memory_space<vmem>>, vector<16xf32>,
      %parallel_loop3A_481 = arith.constant 496 : i32
      %parallel_loop3A_482 = vector.broadcast %parallel_loop3A_481 : i32 to vector<16xi32>
      %parallel_loop3A_483 = arith.addi %iota3A, %parallel_loop3A_482 : vector<16xi32>
      tpu.vector_store_idx %arg8[%parallel_loop3A_227, %parallel_loop3A_483], %parallel_loop3A_480 {add = true} : memref<64x512xf32, #tpu.memory_space<vmem>>[vector<16xi32>, vector<16xi32>], vector<16xf32>,
    } {sc.loop_unroll_factor = 8 : i64, sc.parallel_access}
    %dma_wait3A_195 = arith.constant 1 : i32
    %dma_wait3A_196 = arith.constant 0 : i32
    %dma_wait3A_197 = arith.constant 0 : i32
    %dma_wait3A_198 = tpu.memref_slice %arg6[%dma_wait3A_195, %dma_wait3A_196, %dma_wait3A_197] : memref<2x64x512xf32, #tpu.memory_space<vmem>> -> memref<1x64x512xf32, #tpu.memory_space<vmem>>
    %dma_wait3A_199 = tpu.memref_squeeze %dma_wait3A_198 : memref<1x64x512xf32, #tpu.memory_space<vmem>> -> memref<64x512xf32, #tpu.memory_space<vmem>>
    %dma_wait3A_200 = arith.constant 0 : i32
    %dma_wait3A_201 = tpu.memref_slice %arg2[%add3A_169, %dma_wait3A_200] : memref<8192x512xf32, #tpu.memory_space<hbm>> -> memref<64x512xf32, #tpu.memory_space<hbm>>
    %dma_wait3A_202 = arith.constant 0 : i32
    %dma_wait3A_203 = arith.constant 0 : i32
    %dma_wait3A_204 = tpu.memref_slice %arg6[%dma_wait3A_195, %dma_wait3A_202, %dma_wait3A_203] : memref<2x64x512xf32, #tpu.memory_space<vmem>> -> memref<1x64x512xf32, #tpu.memory_space<vmem>>
    %dma_wait3A_205 = tpu.memref_squeeze %dma_wait3A_204 : memref<1x64x512xf32, #tpu.memory_space<vmem>> -> memref<64x512xf32, #tpu.memory_space<vmem>>
    %dma_wait3A_206 = arith.constant 0 : i32
    %dma_wait3A_207 = tpu.memref_slice %arg2[%add3A_169, %dma_wait3A_206] : memref<8192x512xf32, #tpu.memory_space<hbm>> -> memref<64x512xf32, #tpu.memory_space<hbm>>
    tpu.wait_dma2 semaphore(%arg11 : memref<!tpu.dma_semaphore, #tpu.memory_space<semaphore_mem>>) src(%dma_wait3A_207 : memref<64x512xf32, #tpu.memory_space<hbm>>) dst(%dma_wait3A_205 : memref<64x512xf32, #tpu.memory_space<vmem>>)
    %dma_wait3A_208 = arith.constant 1 : i32
    %dma_wait3A_209 = arith.constant 0 : i32
    %dma_wait3A_210 = tpu.memref_slice %arg7[%dma_wait3A_208, %dma_wait3A_209] : memref<2x64xi32, #tpu.memory_space<vmem>> -> memref<1x64xi32, #tpu.memory_space<vmem>>
    %dma_wait3A_211 = tpu.memref_squeeze %dma_wait3A_210 : memref<1x64xi32, #tpu.memory_space<vmem>> -> memref<64xi32, #tpu.memory_space<vmem>>
    %dma_wait3A_212 = tpu.memref_slice %arg3[%add3A_169] : memref<8192xi32, #tpu.memory_space<hbm>> -> memref<64xi32, #tpu.memory_space<hbm>>
    %dma_wait3A_213 = arith.constant 0 : i32
    %dma_wait3A_214 = tpu.memref_slice %arg7[%dma_wait3A_208, %dma_wait3A_213] : memref<2x64xi32, #tpu.memory_space<vmem>> -> memref<1x64xi32, #tpu.memory_space<vmem>>
    %dma_wait3A_215 = tpu.memref_squeeze %dma_wait3A_214 : memref<1x64xi32, #tpu.memory_space<vmem>> -> memref<64xi32, #tpu.memory_space<vmem>>
    %dma_wait3A_216 = tpu.memref_slice %arg3[%add3A_169] : memref<8192xi32, #tpu.memory_space<hbm>> -> memref<64xi32, #tpu.memory_space<hbm>>
    tpu.wait_dma2 semaphore(%arg13 : memref<!tpu.dma_semaphore, #tpu.memory_space<semaphore_mem>>) src(%dma_wait3A_216 : memref<64xi32, #tpu.memory_space<hbm>>) dst(%dma_wait3A_215 : memref<64xi32, #tpu.memory_space<vmem>>)
    %parallel_loop3A_217 = arith.constant 0 : i32
    %parallel_loop3A_218 = arith.constant 64 : i32
    %parallel_loop3A_219 = arith.constant 1 : i32
    scf.for %parallel_loop3A_220 = %parallel_loop3A_217 to %parallel_loop3A_218 step %parallel_loop3A_219  : i32 {
      %parallel_loop3A_221 = vector.broadcast %parallel_loop3A_220 : i32 to vector<16xi32>
      %parallel_loop3A_222 = arith.addi %broadcast_in_dim3A_43, %parallel_loop3A_221 : vector<16xi32>
      %parallel_loop3A_223 = arith.constant 1 : i32
      %parallel_loop3A_224 = arith.constant 0 : i32
      %parallel_loop3A_225 = tpu.memref_slice %arg7[%parallel_loop3A_223, %parallel_loop3A_224] : memref<2x64xi32, #tpu.memory_space<vmem>> -> memref<1x64xi32, #tpu.memory_space<vmem>>
      %parallel_loop3A_226 = tpu.memref_squeeze %parallel_loop3A_225 : memref<1x64xi32, #tpu.memory_space<vmem>> -> memref<64xi32, #tpu.memory_space<vmem>>
      %parallel_loop3A_227 = tpu.vector_load_idx %parallel_loop3A_226[%parallel_loop3A_222] : memref<64xi32, #tpu.memory_space<vmem>>[vector<16xi32>], vector<16xi32>,
      tpu.vector_store_idx %arg9[%parallel_loop3A_227], %broadcast_in_dim3A_41 masked %eq3A_39 {add = true} : memref<64xf32, #tpu.memory_space<vmem>>[vector<16xi32>], vector<16xf32>, vector<16xi1>
      %parallel_loop3A_228 = arith.constant 1 : i32
      %parallel_loop3A_229 = arith.index_cast %parallel_loop3A_228 : i32 to index
      %parallel_loop3A_230 = arith.index_cast %parallel_loop3A_220 : i32 to index
      %parallel_loop3A_231 = arith.constant 0 : index
      %parallel_loop3A_232 = tpu.vector_load %arg6[%parallel_loop3A_229, %parallel_loop3A_230, %parallel_loop3A_231] {strides = array<i32>} : memref<2x64x512xf32, #tpu.memory_space<vmem>>, vector<16xf32>,
      %parallel_loop3A_233 = arith.constant 0 : i32
      %parallel_loop3A_234 = vector.broadcast %parallel_loop3A_233 : i32 to vector<16xi32>
      %parallel_loop3A_235 = arith.addi %iota3A, %parallel_loop3A_234 : vector<16xi32>
      tpu.vector_store_idx %arg8[%parallel_loop3A_227, %parallel_loop3A_235], %parallel_loop3A_232 {add = true} : memref<64x512xf32, #tpu.memory_space<vmem>>[vector<16xi32>, vector<16xi32>], vector<16xf32>,
      %parallel_loop3A_236 = arith.constant 1 : i32
      %parallel_loop3A_237 = arith.index_cast %parallel_loop3A_236 : i32 to index
      %parallel_loop3A_238 = arith.index_cast %parallel_loop3A_220 : i32 to index
      %parallel_loop3A_239 = arith.constant 16 : index
      %parallel_loop3A_240 = tpu.vector_load %arg6[%parallel_loop3A_237, %parallel_loop3A_238, %parallel_loop3A_239] {strides = array<i32>} : memref<2x64x512xf32, #tpu.memory_space<vmem>>, vector<16xf32>,
      %parallel_loop3A_241 = arith.constant 16 : i32
      %parallel_loop3A_242 = vector.broadcast %parallel_loop3A_241 : i32 to vector<16xi32>
      %parallel_loop3A_243 = arith.addi %iota3A, %parallel_loop3A_242 : vector<16xi32>
      tpu.vector_store_idx %arg8[%parallel_loop3A_227, %parallel_loop3A_243], %parallel_loop3A_240 {add = true} : memref<64x512xf32, #tpu.memory_space<vmem>>[vector<16xi32>, vector<16xi32>], vector<16xf32>,
      %parallel_loop3A_244 = arith.constant 1 : i32
      %parallel_loop3A_245 = arith.index_cast %parallel_loop3A_244 : i32 to index
      %parallel_loop3A_246 = arith.index_cast %parallel_loop3A_220 : i32 to index
      %parallel_loop3A_247 = arith.constant 32 : index
      %parallel_loop3A_248 = tpu.vector_load %arg6[%parallel_loop3A_245, %parallel_loop3A_246, %parallel_loop3A_247] {strides = array<i32>} : memref<2x64x512xf32, #tpu.memory_space<vmem>>, vector<16xf32>,
      %parallel_loop3A_249 = arith.constant 32 : i32
      %parallel_loop3A_250 = vector.broadcast %parallel_loop3A_249 : i32 to vector<16xi32>
      %parallel_loop3A_251 = arith.addi %iota3A, %parallel_loop3A_250 : vector<16xi32>
      tpu.vector_store_idx %arg8[%parallel_loop3A_227, %parallel_loop3A_251], %parallel_loop3A_248 {add = true} : memref<64x512xf32, #tpu.memory_space<vmem>>[vector<16xi32>, vector<16xi32>], vector<16xf32>,
      %parallel_loop3A_252 = arith.constant 1 : i32
      %parallel_loop3A_253 = arith.index_cast %parallel_loop3A_252 : i32 to index
      %parallel_loop3A_254 = arith.index_cast %parallel_loop3A_220 : i32 to index
      %parallel_loop3A_255 = arith.constant 48 : index
      %parallel_loop3A_256 = tpu.vector_load %arg6[%parallel_loop3A_253, %parallel_loop3A_254, %parallel_loop3A_255] {strides = array<i32>} : memref<2x64x512xf32, #tpu.memory_space<vmem>>, vector<16xf32>,
      %parallel_loop3A_257 = arith.constant 48 : i32
      %parallel_loop3A_258 = vector.broadcast %parallel_loop3A_257 : i32 to vector<16xi32>
      %parallel_loop3A_259 = arith.addi %iota3A, %parallel_loop3A_258 : vector<16xi32>
      tpu.vector_store_idx %arg8[%parallel_loop3A_227, %parallel_loop3A_259], %parallel_loop3A_256 {add = true} : memref<64x512xf32, #tpu.memory_space<vmem>>[vector<16xi32>, vector<16xi32>], vector<16xf32>,
      %parallel_loop3A_260 = arith.constant 1 : i32
      %parallel_loop3A_261 = arith.index_cast %parallel_loop3A_260 : i32 to index
      %parallel_loop3A_262 = arith.index_cast %parallel_loop3A_220 : i32 to index
      %parallel_loop3A_263 = arith.constant 64 : index
      %parallel_loop3A_264 = tpu.vector_load %arg6[%parallel_loop3A_261, %parallel_loop3A_262, %parallel_loop3A_263] {strides = array<i32>} : memref<2x64x512xf32, #tpu.memory_space<vmem>>, vector<16xf32>,
      %parallel_loop3A_265 = arith.constant 64 : i32
      %parallel_loop3A_266 = vector.broadcast %parallel_loop3A_265 : i32 to vector<16xi32>
      %parallel_loop3A_267 = arith.addi %iota3A, %parallel_loop3A_266 : vector<16xi32>
      tpu.vector_store_idx %arg8[%parallel_loop3A_227, %parallel_loop3A_267], %parallel_loop3A_264 {add = true} : memref<64x512xf32, #tpu.memory_space<vmem>>[vector<16xi32>, vector<16xi32>], vector<16xf32>,
      %parallel_loop3A_268 = arith.constant 1 : i32
      %parallel_loop3A_269 = arith.index_cast %parallel_loop3A_268 : i32 to index
      %parallel_loop3A_270 = arith.index_cast %parallel_loop3A_220 : i32 to index
      %parallel_loop3A_271 = arith.constant 80 : index
      %parallel_loop3A_272 = tpu.vector_load %arg6[%parallel_loop3A_269, %parallel_loop3A_270, %parallel_loop3A_271] {strides = array<i32>} : memref<2x64x512xf32, #tpu.memory_space<vmem>>, vector<16xf32>,
      %parallel_loop3A_273 = arith.constant 80 : i32
      %parallel_loop3A_274 = vector.broadcast %parallel_loop3A_273 : i32 to vector<16xi32>
      %parallel_loop3A_275 = arith.addi %iota3A, %parallel_loop3A_274 : vector<16xi32>
      tpu.vector_store_idx %arg8[%parallel_loop3A_227, %parallel_loop3A_275], %parallel_loop3A_272 {add = true} : memref<64x512xf32, #tpu.memory_space<vmem>>[vector<16xi32>, vector<16xi32>], vector<16xf32>,
      %parallel_loop3A_276 = arith.constant 1 : i32
      %parallel_loop3A_277 = arith.index_cast %parallel_loop3A_276 : i32 to index
      %parallel_loop3A_278 = arith.index_cast %parallel_loop3A_220 : i32 to index
      %parallel_loop3A_279 = arith.constant 96 : index
      %parallel_loop3A_280 = tpu.vector_load %arg6[%parallel_loop3A_277, %parallel_loop3A_278, %parallel_loop3A_279] {strides = array<i32>} : memref<2x64x512xf32, #tpu.memory_space<vmem>>, vector<16xf32>,
      %parallel_loop3A_281 = arith.constant 96 : i32
      %parallel_loop3A_282 = vector.broadcast %parallel_loop3A_281 : i32 to vector<16xi32>
      %parallel_loop3A_283 = arith.addi %iota3A, %parallel_loop3A_282 : vector<16xi32>
      tpu.vector_store_idx %arg8[%parallel_loop3A_227, %parallel_loop3A_283], %parallel_loop3A_280 {add = true} : memref<64x512xf32, #tpu.memory_space<vmem>>[vector<16xi32>, vector<16xi32>], vector<16xf32>,
      %parallel_loop3A_284 = arith.constant 1 : i32
      %parallel_loop3A_285 = arith.index_cast %parallel_loop3A_284 : i32 to index
      %parallel_loop3A_286 = arith.index_cast %parallel_loop3A_220 : i32 to index
      %parallel_loop3A_287 = arith.constant 112 : index
      %parallel_loop3A_288 = tpu.vector_load %arg6[%parallel_loop3A_285, %parallel_loop3A_286, %parallel_loop3A_287] {strides = array<i32>} : memref<2x64x512xf32, #tpu.memory_space<vmem>>, vector<16xf32>,
      %parallel_loop3A_289 = arith.constant 112 : i32
      %parallel_loop3A_290 = vector.broadcast %parallel_loop3A_289 : i32 to vector<16xi32>
      %parallel_loop3A_291 = arith.addi %iota3A, %parallel_loop3A_290 : vector<16xi32>
      tpu.vector_store_idx %arg8[%parallel_loop3A_227, %parallel_loop3A_291], %parallel_loop3A_288 {add = true} : memref<64x512xf32, #tpu.memory_space<vmem>>[vector<16xi32>, vector<16xi32>], vector<16xf32>,
      %parallel_loop3A_292 = arith.constant 1 : i32
      %parallel_loop3A_293 = arith.index_cast %parallel_loop3A_292 : i32 to index
      %parallel_loop3A_294 = arith.index_cast %parallel_loop3A_220 : i32 to index
      %parallel_loop3A_295 = arith.constant 128 : index
      %parallel_loop3A_296 = tpu.vector_load %arg6[%parallel_loop3A_293, %parallel_loop3A_294, %parallel_loop3A_295] {strides = array<i32>} : memref<2x64x512xf32, #tpu.memory_space<vmem>>, vector<16xf32>,
      %parallel_loop3A_297 = arith.constant 128 : i32
      %parallel_loop3A_298 = vector.broadcast %parallel_loop3A_297 : i32 to vector<16xi32>
      %parallel_loop3A_299 = arith.addi %iota3A, %parallel_loop3A_298 : vector<16xi32>
      tpu.vector_store_idx %arg8[%parallel_loop3A_227, %parallel_loop3A_299], %parallel_loop3A_296 {add = true} : memref<64x512xf32, #tpu.memory_space<vmem>>[vector<16xi32>, vector<16xi32>], vector<16xf32>,
      %parallel_loop3A_300 = arith.constant 1 : i32
      %parallel_loop3A_301 = arith.index_cast %parallel_loop3A_300 : i32 to index
      %parallel_loop3A_302 = arith.index_cast %parallel_loop3A_220 : i32 to index
      %parallel_loop3A_303 = arith.constant 144 : index
      %parallel_loop3A_304 = tpu.vector_load %arg6[%parallel_loop3A_301, %parallel_loop3A_302, %parallel_loop3A_303] {strides = array<i32>} : memref<2x64x512xf32, #tpu.memory_space<vmem>>, vector<16xf32>,
      %parallel_loop3A_305 = arith.constant 144 : i32
      %parallel_loop3A_306 = vector.broadcast %parallel_loop3A_305 : i32 to vector<16xi32>
      %parallel_loop3A_307 = arith.addi %iota3A, %parallel_loop3A_306 : vector<16xi32>
      tpu.vector_store_idx %arg8[%parallel_loop3A_227, %parallel_loop3A_307], %parallel_loop3A_304 {add = true} : memref<64x512xf32, #tpu.memory_space<vmem>>[vector<16xi32>, vector<16xi32>], vector<16xf32>,
      %parallel_loop3A_308 = arith.constant 1 : i32
      %parallel_loop3A_309 = arith.index_cast %parallel_loop3A_308 : i32 to index
      %parallel_loop3A_310 = arith.index_cast %parallel_loop3A_220 : i32 to index
      %parallel_loop3A_311 = arith.constant 160 : index
      %parallel_loop3A_312 = tpu.vector_load %arg6[%parallel_loop3A_309, %parallel_loop3A_310, %parallel_loop3A_311] {strides = array<i32>} : memref<2x64x512xf32, #tpu.memory_space<vmem>>, vector<16xf32>,
      %parallel_loop3A_313 = arith.constant 160 : i32
      %parallel_loop3A_314 = vector.broadcast %parallel_loop3A_313 : i32 to vector<16xi32>
      %parallel_loop3A_315 = arith.addi %iota3A, %parallel_loop3A_314 : vector<16xi32>
      tpu.vector_store_idx %arg8[%parallel_loop3A_227, %parallel_loop3A_315], %parallel_loop3A_312 {add = true} : memref<64x512xf32, #tpu.memory_space<vmem>>[vector<16xi32>, vector<16xi32>], vector<16xf32>,
      %parallel_loop3A_316 = arith.constant 1 : i32
      %parallel_loop3A_317 = arith.index_cast %parallel_loop3A_316 : i32 to index
      %parallel_loop3A_318 = arith.index_cast %parallel_loop3A_220 : i32 to index
      %parallel_loop3A_319 = arith.constant 176 : index
      %parallel_loop3A_320 = tpu.vector_load %arg6[%parallel_loop3A_317, %parallel_loop3A_318, %parallel_loop3A_319] {strides = array<i32>} : memref<2x64x512xf32, #tpu.memory_space<vmem>>, vector<16xf32>,
      %parallel_loop3A_321 = arith.constant 176 : i32
      %parallel_loop3A_322 = vector.broadcast %parallel_loop3A_321 : i32 to vector<16xi32>
      %parallel_loop3A_323 = arith.addi %iota3A, %parallel_loop3A_322 : vector<16xi32>
      tpu.vector_store_idx %arg8[%parallel_loop3A_227, %parallel_loop3A_323], %parallel_loop3A_320 {add = true} : memref<64x512xf32, #tpu.memory_space<vmem>>[vector<16xi32>, vector<16xi32>], vector<16xf32>,
      %parallel_loop3A_324 = arith.constant 1 : i32
      %parallel_loop3A_325 = arith.index_cast %parallel_loop3A_324 : i32 to index
      %parallel_loop3A_326 = arith.index_cast %parallel_loop3A_220 : i32 to index
      %parallel_loop3A_327 = arith.constant 192 : index
      %parallel_loop3A_328 = tpu.vector_load %arg6[%parallel_loop3A_325, %parallel_loop3A_326, %parallel_loop3A_327] {strides = array<i32>} : memref<2x64x512xf32, #tpu.memory_space<vmem>>, vector<16xf32>,
      %parallel_loop3A_329 = arith.constant 192 : i32
      %parallel_loop3A_330 = vector.broadcast %parallel_loop3A_329 : i32 to vector<16xi32>
      %parallel_loop3A_331 = arith.addi %iota3A, %parallel_loop3A_330 : vector<16xi32>
      tpu.vector_store_idx %arg8[%parallel_loop3A_227, %parallel_loop3A_331], %parallel_loop3A_328 {add = true} : memref<64x512xf32, #tpu.memory_space<vmem>>[vector<16xi32>, vector<16xi32>], vector<16xf32>,
      %parallel_loop3A_332 = arith.constant 1 : i32
      %parallel_loop3A_333 = arith.index_cast %parallel_loop3A_332 : i32 to index
      %parallel_loop3A_334 = arith.index_cast %parallel_loop3A_220 : i32 to index
      %parallel_loop3A_335 = arith.constant 208 : index
      %parallel_loop3A_336 = tpu.vector_load %arg6[%parallel_loop3A_333, %parallel_loop3A_334, %parallel_loop3A_335] {strides = array<i32>} : memref<2x64x512xf32, #tpu.memory_space<vmem>>, vector<16xf32>,
      %parallel_loop3A_337 = arith.constant 208 : i32
      %parallel_loop3A_338 = vector.broadcast %parallel_loop3A_337 : i32 to vector<16xi32>
      %parallel_loop3A_339 = arith.addi %iota3A, %parallel_loop3A_338 : vector<16xi32>
      tpu.vector_store_idx %arg8[%parallel_loop3A_227, %parallel_loop3A_339], %parallel_loop3A_336 {add = true} : memref<64x512xf32, #tpu.memory_space<vmem>>[vector<16xi32>, vector<16xi32>], vector<16xf32>,
      %parallel_loop3A_340 = arith.constant 1 : i32
      %parallel_loop3A_341 = arith.index_cast %parallel_loop3A_340 : i32 to index
      %parallel_loop3A_342 = arith.index_cast %parallel_loop3A_220 : i32 to index
      %parallel_loop3A_343 = arith.constant 224 : index
      %parallel_loop3A_344 = tpu.vector_load %arg6[%parallel_loop3A_341, %parallel_loop3A_342, %parallel_loop3A_343] {strides = array<i32>} : memref<2x64x512xf32, #tpu.memory_space<vmem>>, vector<16xf32>,
      %parallel_loop3A_345 = arith.constant 224 : i32
      %parallel_loop3A_346 = vector.broadcast %parallel_loop3A_345 : i32 to vector<16xi32>
      %parallel_loop3A_347 = arith.addi %iota3A, %parallel_loop3A_346 : vector<16xi32>
      tpu.vector_store_idx %arg8[%parallel_loop3A_227, %parallel_loop3A_347], %parallel_loop3A_344 {add = true} : memref<64x512xf32, #tpu.memory_space<vmem>>[vector<16xi32>, vector<16xi32>], vector<16xf32>,
      %parallel_loop3A_348 = arith.constant 1 : i32
      %parallel_loop3A_349 = arith.index_cast %parallel_loop3A_348 : i32 to index
      %parallel_loop3A_350 = arith.index_cast %parallel_loop3A_220 : i32 to index
      %parallel_loop3A_351 = arith.constant 240 : index
      %parallel_loop3A_352 = tpu.vector_load %arg6[%parallel_loop3A_349, %parallel_loop3A_350, %parallel_loop3A_351] {strides = array<i32>} : memref<2x64x512xf32, #tpu.memory_space<vmem>>, vector<16xf32>,
      %parallel_loop3A_353 = arith.constant 240 : i32
      %parallel_loop3A_354 = vector.broadcast %parallel_loop3A_353 : i32 to vector<16xi32>
      %parallel_loop3A_355 = arith.addi %iota3A, %parallel_loop3A_354 : vector<16xi32>
      tpu.vector_store_idx %arg8[%parallel_loop3A_227, %parallel_loop3A_355], %parallel_loop3A_352 {add = true} : memref<64x512xf32, #tpu.memory_space<vmem>>[vector<16xi32>, vector<16xi32>], vector<16xf32>,
      %parallel_loop3A_356 = arith.constant 1 : i32
      %parallel_loop3A_357 = arith.index_cast %parallel_loop3A_356 : i32 to index
      %parallel_loop3A_358 = arith.index_cast %parallel_loop3A_220 : i32 to index
      %parallel_loop3A_359 = arith.constant 256 : index
      %parallel_loop3A_360 = tpu.vector_load %arg6[%parallel_loop3A_357, %parallel_loop3A_358, %parallel_loop3A_359] {strides = array<i32>} : memref<2x64x512xf32, #tpu.memory_space<vmem>>, vector<16xf32>,
      %parallel_loop3A_361 = arith.constant 256 : i32
      %parallel_loop3A_362 = vector.broadcast %parallel_loop3A_361 : i32 to vector<16xi32>
      %parallel_loop3A_363 = arith.addi %iota3A, %parallel_loop3A_362 : vector<16xi32>
      tpu.vector_store_idx %arg8[%parallel_loop3A_227, %parallel_loop3A_363], %parallel_loop3A_360 {add = true} : memref<64x512xf32, #tpu.memory_space<vmem>>[vector<16xi32>, vector<16xi32>], vector<16xf32>,
      %parallel_loop3A_364 = arith.constant 1 : i32
      %parallel_loop3A_365 = arith.index_cast %parallel_loop3A_364 : i32 to index
      %parallel_loop3A_366 = arith.index_cast %parallel_loop3A_220 : i32 to index
      %parallel_loop3A_367 = arith.constant 272 : index
      %parallel_loop3A_368 = tpu.vector_load %arg6[%parallel_loop3A_365, %parallel_loop3A_366, %parallel_loop3A_367] {strides = array<i32>} : memref<2x64x512xf32, #tpu.memory_space<vmem>>, vector<16xf32>,
      %parallel_loop3A_369 = arith.constant 272 : i32
      %parallel_loop3A_370 = vector.broadcast %parallel_loop3A_369 : i32 to vector<16xi32>
      %parallel_loop3A_371 = arith.addi %iota3A, %parallel_loop3A_370 : vector<16xi32>
      tpu.vector_store_idx %arg8[%parallel_loop3A_227, %parallel_loop3A_371], %parallel_loop3A_368 {add = true} : memref<64x512xf32, #tpu.memory_space<vmem>>[vector<16xi32>, vector<16xi32>], vector<16xf32>,
      %parallel_loop3A_372 = arith.constant 1 : i32
      %parallel_loop3A_373 = arith.index_cast %parallel_loop3A_372 : i32 to index
      %parallel_loop3A_374 = arith.index_cast %parallel_loop3A_220 : i32 to index
      %parallel_loop3A_375 = arith.constant 288 : index
      %parallel_loop3A_376 = tpu.vector_load %arg6[%parallel_loop3A_373, %parallel_loop3A_374, %parallel_loop3A_375] {strides = array<i32>} : memref<2x64x512xf32, #tpu.memory_space<vmem>>, vector<16xf32>,
      %parallel_loop3A_377 = arith.constant 288 : i32
      %parallel_loop3A_378 = vector.broadcast %parallel_loop3A_377 : i32 to vector<16xi32>
      %parallel_loop3A_379 = arith.addi %iota3A, %parallel_loop3A_378 : vector<16xi32>
      tpu.vector_store_idx %arg8[%parallel_loop3A_227, %parallel_loop3A_379], %parallel_loop3A_376 {add = true} : memref<64x512xf32, #tpu.memory_space<vmem>>[vector<16xi32>, vector<16xi32>], vector<16xf32>,
      %parallel_loop3A_380 = arith.constant 1 : i32
      %parallel_loop3A_381 = arith.index_cast %parallel_loop3A_380 : i32 to index
      %parallel_loop3A_382 = arith.index_cast %parallel_loop3A_220 : i32 to index
      %parallel_loop3A_383 = arith.constant 304 : index
      %parallel_loop3A_384 = tpu.vector_load %arg6[%parallel_loop3A_381, %parallel_loop3A_382, %parallel_loop3A_383] {strides = array<i32>} : memref<2x64x512xf32, #tpu.memory_space<vmem>>, vector<16xf32>,
      %parallel_loop3A_385 = arith.constant 304 : i32
      %parallel_loop3A_386 = vector.broadcast %parallel_loop3A_385 : i32 to vector<16xi32>
      %parallel_loop3A_387 = arith.addi %iota3A, %parallel_loop3A_386 : vector<16xi32>
      tpu.vector_store_idx %arg8[%parallel_loop3A_227, %parallel_loop3A_387], %parallel_loop3A_384 {add = true} : memref<64x512xf32, #tpu.memory_space<vmem>>[vector<16xi32>, vector<16xi32>], vector<16xf32>,
      %parallel_loop3A_388 = arith.constant 1 : i32
      %parallel_loop3A_389 = arith.index_cast %parallel_loop3A_388 : i32 to index
      %parallel_loop3A_390 = arith.index_cast %parallel_loop3A_220 : i32 to index
      %parallel_loop3A_391 = arith.constant 320 : index
      %parallel_loop3A_392 = tpu.vector_load %arg6[%parallel_loop3A_389, %parallel_loop3A_390, %parallel_loop3A_391] {strides = array<i32>} : memref<2x64x512xf32, #tpu.memory_space<vmem>>, vector<16xf32>,
      %parallel_loop3A_393 = arith.constant 320 : i32
      %parallel_loop3A_394 = vector.broadcast %parallel_loop3A_393 : i32 to vector<16xi32>
      %parallel_loop3A_395 = arith.addi %iota3A, %parallel_loop3A_394 : vector<16xi32>
      tpu.vector_store_idx %arg8[%parallel_loop3A_227, %parallel_loop3A_395], %parallel_loop3A_392 {add = true} : memref<64x512xf32, #tpu.memory_space<vmem>>[vector<16xi32>, vector<16xi32>], vector<16xf32>,
      %parallel_loop3A_396 = arith.constant 1 : i32
      %parallel_loop3A_397 = arith.index_cast %parallel_loop3A_396 : i32 to index
      %parallel_loop3A_398 = arith.index_cast %parallel_loop3A_220 : i32 to index
      %parallel_loop3A_399 = arith.constant 336 : index
      %parallel_loop3A_400 = tpu.vector_load %arg6[%parallel_loop3A_397, %parallel_loop3A_398, %parallel_loop3A_399] {strides = array<i32>} : memref<2x64x512xf32, #tpu.memory_space<vmem>>, vector<16xf32>,
      %parallel_loop3A_401 = arith.constant 336 : i32
      %parallel_loop3A_402 = vector.broadcast %parallel_loop3A_401 : i32 to vector<16xi32>
      %parallel_loop3A_403 = arith.addi %iota3A, %parallel_loop3A_402 : vector<16xi32>
      tpu.vector_store_idx %arg8[%parallel_loop3A_227, %parallel_loop3A_403], %parallel_loop3A_400 {add = true} : memref<64x512xf32, #tpu.memory_space<vmem>>[vector<16xi32>, vector<16xi32>], vector<16xf32>,
      %parallel_loop3A_404 = arith.constant 1 : i32
      %parallel_loop3A_405 = arith.index_cast %parallel_loop3A_404 : i32 to index
      %parallel_loop3A_406 = arith.index_cast %parallel_loop3A_220 : i32 to index
      %parallel_loop3A_407 = arith.constant 352 : index
      %parallel_loop3A_408 = tpu.vector_load %arg6[%parallel_loop3A_405, %parallel_loop3A_406, %parallel_loop3A_407] {strides = array<i32>} : memref<2x64x512xf32, #tpu.memory_space<vmem>>, vector<16xf32>,
      %parallel_loop3A_409 = arith.constant 352 : i32
      %parallel_loop3A_410 = vector.broadcast %parallel_loop3A_409 : i32 to vector<16xi32>
      %parallel_loop3A_411 = arith.addi %iota3A, %parallel_loop3A_410 : vector<16xi32>
      tpu.vector_store_idx %arg8[%parallel_loop3A_227, %parallel_loop3A_411], %parallel_loop3A_408 {add = true} : memref<64x512xf32, #tpu.memory_space<vmem>>[vector<16xi32>, vector<16xi32>], vector<16xf32>,
      %parallel_loop3A_412 = arith.constant 1 : i32
      %parallel_loop3A_413 = arith.index_cast %parallel_loop3A_412 : i32 to index
      %parallel_loop3A_414 = arith.index_cast %parallel_loop3A_220 : i32 to index
      %parallel_loop3A_415 = arith.constant 368 : index
      %parallel_loop3A_416 = tpu.vector_load %arg6[%parallel_loop3A_413, %parallel_loop3A_414, %parallel_loop3A_415] {strides = array<i32>} : memref<2x64x512xf32, #tpu.memory_space<vmem>>, vector<16xf32>,
      %parallel_loop3A_417 = arith.constant 368 : i32
      %parallel_loop3A_418 = vector.broadcast %parallel_loop3A_417 : i32 to vector<16xi32>
      %parallel_loop3A_419 = arith.addi %iota3A, %parallel_loop3A_418 : vector<16xi32>
      tpu.vector_store_idx %arg8[%parallel_loop3A_227, %parallel_loop3A_419], %parallel_loop3A_416 {add = true} : memref<64x512xf32, #tpu.memory_space<vmem>>[vector<16xi32>, vector<16xi32>], vector<16xf32>,
      %parallel_loop3A_420 = arith.constant 1 : i32
      %parallel_loop3A_421 = arith.index_cast %parallel_loop3A_420 : i32 to index
      %parallel_loop3A_422 = arith.index_cast %parallel_loop3A_220 : i32 to index
      %parallel_loop3A_423 = arith.constant 384 : index
      %parallel_loop3A_424 = tpu.vector_load %arg6[%parallel_loop3A_421, %parallel_loop3A_422, %parallel_loop3A_423] {strides = array<i32>} : memref<2x64x512xf32, #tpu.memory_space<vmem>>, vector<16xf32>,
      %parallel_loop3A_425 = arith.constant 384 : i32
      %parallel_loop3A_426 = vector.broadcast %parallel_loop3A_425 : i32 to vector<16xi32>
      %parallel_loop3A_427 = arith.addi %iota3A, %parallel_loop3A_426 : vector<16xi32>
      tpu.vector_store_idx %arg8[%parallel_loop3A_227, %parallel_loop3A_427], %parallel_loop3A_424 {add = true} : memref<64x512xf32, #tpu.memory_space<vmem>>[vector<16xi32>, vector<16xi32>], vector<16xf32>,
      %parallel_loop3A_428 = arith.constant 1 : i32
      %parallel_loop3A_429 = arith.index_cast %parallel_loop3A_428 : i32 to index
      %parallel_loop3A_430 = arith.index_cast %parallel_loop3A_220 : i32 to index
      %parallel_loop3A_431 = arith.constant 400 : index
      %parallel_loop3A_432 = tpu.vector_load %arg6[%parallel_loop3A_429, %parallel_loop3A_430, %parallel_loop3A_431] {strides = array<i32>} : memref<2x64x512xf32, #tpu.memory_space<vmem>>, vector<16xf32>,
      %parallel_loop3A_433 = arith.constant 400 : i32
      %parallel_loop3A_434 = vector.broadcast %parallel_loop3A_433 : i32 to vector<16xi32>
      %parallel_loop3A_435 = arith.addi %iota3A, %parallel_loop3A_434 : vector<16xi32>
      tpu.vector_store_idx %arg8[%parallel_loop3A_227, %parallel_loop3A_435], %parallel_loop3A_432 {add = true} : memref<64x512xf32, #tpu.memory_space<vmem>>[vector<16xi32>, vector<16xi32>], vector<16xf32>,
      %parallel_loop3A_436 = arith.constant 1 : i32
      %parallel_loop3A_437 = arith.index_cast %parallel_loop3A_436 : i32 to index
      %parallel_loop3A_438 = arith.index_cast %parallel_loop3A_220 : i32 to index
      %parallel_loop3A_439 = arith.constant 416 : index
      %parallel_loop3A_440 = tpu.vector_load %arg6[%parallel_loop3A_437, %parallel_loop3A_438, %parallel_loop3A_439] {strides = array<i32>} : memref<2x64x512xf32, #tpu.memory_space<vmem>>, vector<16xf32>,
      %parallel_loop3A_441 = arith.constant 416 : i32
      %parallel_loop3A_442 = vector.broadcast %parallel_loop3A_441 : i32 to vector<16xi32>
      %parallel_loop3A_443 = arith.addi %iota3A, %parallel_loop3A_442 : vector<16xi32>
      tpu.vector_store_idx %arg8[%parallel_loop3A_227, %parallel_loop3A_443], %parallel_loop3A_440 {add = true} : memref<64x512xf32, #tpu.memory_space<vmem>>[vector<16xi32>, vector<16xi32>], vector<16xf32>,
      %parallel_loop3A_444 = arith.constant 1 : i32
      %parallel_loop3A_445 = arith.index_cast %parallel_loop3A_444 : i32 to index
      %parallel_loop3A_446 = arith.index_cast %parallel_loop3A_220 : i32 to index
      %parallel_loop3A_447 = arith.constant 432 : index
      %parallel_loop3A_448 = tpu.vector_load %arg6[%parallel_loop3A_445, %parallel_loop3A_446, %parallel_loop3A_447] {strides = array<i32>} : memref<2x64x512xf32, #tpu.memory_space<vmem>>, vector<16xf32>,
      %parallel_loop3A_449 = arith.constant 432 : i32
      %parallel_loop3A_450 = vector.broadcast %parallel_loop3A_449 : i32 to vector<16xi32>
      %parallel_loop3A_451 = arith.addi %iota3A, %parallel_loop3A_450 : vector<16xi32>
      tpu.vector_store_idx %arg8[%parallel_loop3A_227, %parallel_loop3A_451], %parallel_loop3A_448 {add = true} : memref<64x512xf32, #tpu.memory_space<vmem>>[vector<16xi32>, vector<16xi32>], vector<16xf32>,
      %parallel_loop3A_452 = arith.constant 1 : i32
      %parallel_loop3A_453 = arith.index_cast %parallel_loop3A_452 : i32 to index
      %parallel_loop3A_454 = arith.index_cast %parallel_loop3A_220 : i32 to index
      %parallel_loop3A_455 = arith.constant 448 : index
      %parallel_loop3A_456 = tpu.vector_load %arg6[%parallel_loop3A_453, %parallel_loop3A_454, %parallel_loop3A_455] {strides = array<i32>} : memref<2x64x512xf32, #tpu.memory_space<vmem>>, vector<16xf32>,
      %parallel_loop3A_457 = arith.constant 448 : i32
      %parallel_loop3A_458 = vector.broadcast %parallel_loop3A_457 : i32 to vector<16xi32>
      %parallel_loop3A_459 = arith.addi %iota3A, %parallel_loop3A_458 : vector<16xi32>
      tpu.vector_store_idx %arg8[%parallel_loop3A_227, %parallel_loop3A_459], %parallel_loop3A_456 {add = true} : memref<64x512xf32, #tpu.memory_space<vmem>>[vector<16xi32>, vector<16xi32>], vector<16xf32>,
      %parallel_loop3A_460 = arith.constant 1 : i32
      %parallel_loop3A_461 = arith.index_cast %parallel_loop3A_460 : i32 to index
      %parallel_loop3A_462 = arith.index_cast %parallel_loop3A_220 : i32 to index
      %parallel_loop3A_463 = arith.constant 464 : index
      %parallel_loop3A_464 = tpu.vector_load %arg6[%parallel_loop3A_461, %parallel_loop3A_462, %parallel_loop3A_463] {strides = array<i32>} : memref<2x64x512xf32, #tpu.memory_space<vmem>>, vector<16xf32>,
      %parallel_loop3A_465 = arith.constant 464 : i32
      %parallel_loop3A_466 = vector.broadcast %parallel_loop3A_465 : i32 to vector<16xi32>
      %parallel_loop3A_467 = arith.addi %iota3A, %parallel_loop3A_466 : vector<16xi32>
      tpu.vector_store_idx %arg8[%parallel_loop3A_227, %parallel_loop3A_467], %parallel_loop3A_464 {add = true} : memref<64x512xf32, #tpu.memory_space<vmem>>[vector<16xi32>, vector<16xi32>], vector<16xf32>,
      %parallel_loop3A_468 = arith.constant 1 : i32
      %parallel_loop3A_469 = arith.index_cast %parallel_loop3A_468 : i32 to index
      %parallel_loop3A_470 = arith.index_cast %parallel_loop3A_220 : i32 to index
      %parallel_loop3A_471 = arith.constant 480 : index
      %parallel_loop3A_472 = tpu.vector_load %arg6[%parallel_loop3A_469, %parallel_loop3A_470, %parallel_loop3A_471] {strides = array<i32>} : memref<2x64x512xf32, #tpu.memory_space<vmem>>, vector<16xf32>,
      %parallel_loop3A_473 = arith.constant 480 : i32
      %parallel_loop3A_474 = vector.broadcast %parallel_loop3A_473 : i32 to vector<16xi32>
      %parallel_loop3A_475 = arith.addi %iota3A, %parallel_loop3A_474 : vector<16xi32>
      tpu.vector_store_idx %arg8[%parallel_loop3A_227, %parallel_loop3A_475], %parallel_loop3A_472 {add = true} : memref<64x512xf32, #tpu.memory_space<vmem>>[vector<16xi32>, vector<16xi32>], vector<16xf32>,
      %parallel_loop3A_476 = arith.constant 1 : i32
      %parallel_loop3A_477 = arith.index_cast %parallel_loop3A_476 : i32 to index
      %parallel_loop3A_478 = arith.index_cast %parallel_loop3A_220 : i32 to index
      %parallel_loop3A_479 = arith.constant 496 : index
      %parallel_loop3A_480 = tpu.vector_load %arg6[%parallel_loop3A_477, %parallel_loop3A_478, %parallel_loop3A_479] {strides = array<i32>} : memref<2x64x512xf32, #tpu.memory_space<vmem>>, vector<16xf32>,
      %parallel_loop3A_481 = arith.constant 496 : i32
      %parallel_loop3A_482 = vector.broadcast %parallel_loop3A_481 : i32 to vector<16xi32>
      %parallel_loop3A_483 = arith.addi %iota3A, %parallel_loop3A_482 : vector<16xi32>
      tpu.vector_store_idx %arg8[%parallel_loop3A_227, %parallel_loop3A_483], %parallel_loop3A_480 {add = true} : memref<64x512xf32, #tpu.memory_space<vmem>>[vector<16xi32>, vector<16xi32>], vector<16xf32>,
    } {sc.loop_unroll_factor = 8 : i64, sc.parallel_access}
    "tpu.region"() ({
      %run_scoped3A = tpu.sem_alloc : memref<!tpu.dma_semaphore, #tpu.memory_space<semaphore_mem>>
      %dma_start3A_220 = arith.constant 0 : i32
      %dma_start3A_221 = arith.constant 0 : i32
      %dma_start3A_222 = tpu.memref_slice %arg4[%add3A, %dma_start3A_220, %dma_start3A_221] : memref<32x64x512xf32, #tpu.memory_space<hbm>> -> memref<1x64x512xf32, #tpu.memory_space<hbm>>
      %dma_start3A_223 = tpu.memref_squeeze %dma_start3A_222 : memref<1x64x512xf32, #tpu.memory_space<hbm>> -> memref<64x512xf32, #tpu.memory_space<hbm>>
      %dma_start3A_224 = arith.constant 0 : i32
      %dma_start3A_225 = arith.constant 0 : i32
      %dma_start3A_226 = tpu.memref_slice %arg4[%add3A, %dma_start3A_224, %dma_start3A_225] : memref<32x64x512xf32, #tpu.memory_space<hbm>> -> memref<1x64x512xf32, #tpu.memory_space<hbm>>
      %dma_start3A_227 = tpu.memref_squeeze %dma_start3A_226 : memref<1x64x512xf32, #tpu.memory_space<hbm>> -> memref<64x512xf32, #tpu.memory_space<hbm>>
      tpu.enqueue_dma source(%arg8 : memref<64x512xf32, #tpu.memory_space<vmem>>) target(%dma_start3A_227 : memref<64x512xf32, #tpu.memory_space<hbm>>) target_semaphore(%run_scoped3A : memref<!tpu.dma_semaphore, #tpu.memory_space<semaphore_mem>>)
      %dma_wait3A_228 = arith.constant 0 : i32
      %dma_wait3A_229 = arith.constant 0 : i32
      %dma_wait3A_230 = tpu.memref_slice %arg4[%add3A, %dma_wait3A_228, %dma_wait3A_229] : memref<32x64x512xf32, #tpu.memory_space<hbm>> -> memref<1x64x512xf32, #tpu.memory_space<hbm>>
      %dma_wait3A_231 = tpu.memref_squeeze %dma_wait3A_230 : memref<1x64x512xf32, #tpu.memory_space<hbm>> -> memref<64x512xf32, #tpu.memory_space<hbm>>
      %dma_wait3A_232 = arith.constant 0 : i32
      %dma_wait3A_233 = arith.constant 0 : i32
      %dma_wait3A_234 = tpu.memref_slice %arg4[%add3A, %dma_wait3A_232, %dma_wait3A_233] : memref<32x64x512xf32, #tpu.memory_space<hbm>> -> memref<1x64x512xf32, #tpu.memory_space<hbm>>
      %dma_wait3A_235 = tpu.memref_squeeze %dma_wait3A_234 : memref<1x64x512xf32, #tpu.memory_space<hbm>> -> memref<64x512xf32, #tpu.memory_space<hbm>>
      tpu.wait_dma2 semaphore(%run_scoped3A : memref<!tpu.dma_semaphore, #tpu.memory_space<semaphore_mem>>) src(%arg8 : memref<64x512xf32, #tpu.memory_space<vmem>>) dst(%dma_wait3A_235 : memref<64x512xf32, #tpu.memory_space<hbm>>)
      tpu.yield
    }) : () -> ()
    "tpu.region"() ({
      %run_scoped3A = tpu.sem_alloc : memref<!tpu.dma_semaphore, #tpu.memory_space<semaphore_mem>>
      %dma_start3A_220 = arith.constant 0 : i32
      %dma_start3A_221 = tpu.memref_slice %arg5[%add3A, %dma_start3A_220] : memref<32x64xf32, #tpu.memory_space<hbm>> -> memref<1x64xf32, #tpu.memory_space<hbm>>
      %dma_start3A_222 = tpu.memref_squeeze %dma_start3A_221 : memref<1x64xf32, #tpu.memory_space<hbm>> -> memref<64xf32, #tpu.memory_space<hbm>>
      %dma_start3A_223 = arith.constant 0 : i32
      %dma_start3A_224 = tpu.memref_slice %arg5[%add3A, %dma_start3A_223] : memref<32x64xf32, #tpu.memory_space<hbm>> -> memref<1x64xf32, #tpu.memory_space<hbm>>
      %dma_start3A_225 = tpu.memref_squeeze %dma_start3A_224 : memref<1x64xf32, #tpu.memory_space<hbm>> -> memref<64xf32, #tpu.memory_space<hbm>>
      tpu.enqueue_dma source(%arg9 : memref<64xf32, #tpu.memory_space<vmem>>) target(%dma_start3A_225 : memref<64xf32, #tpu.memory_space<hbm>>) target_semaphore(%run_scoped3A : memref<!tpu.dma_semaphore, #tpu.memory_space<semaphore_mem>>)
      %dma_wait3A_226 = arith.constant 0 : i32
      %dma_wait3A_227 = tpu.memref_slice %arg5[%add3A, %dma_wait3A_226] : memref<32x64xf32, #tpu.memory_space<hbm>> -> memref<1x64xf32, #tpu.memory_space<hbm>>
      %dma_wait3A_228 = tpu.memref_squeeze %dma_wait3A_227 : memref<1x64xf32, #tpu.memory_space<hbm>> -> memref<64xf32, #tpu.memory_space<hbm>>
      %dma_wait3A_229 = arith.constant 0 : i32
      %dma_wait3A_230 = tpu.memref_slice %arg5[%add3A, %dma_wait3A_229] : memref<32x64xf32, #tpu.memory_space<hbm>> -> memref<1x64xf32, #tpu.memory_space<hbm>>
      %dma_wait3A_231 = tpu.memref_squeeze %dma_wait3A_230 : memref<1x64xf32, #tpu.memory_space<hbm>> -> memref<64xf32, #tpu.memory_space<hbm>>
      tpu.wait_dma2 semaphore(%run_scoped3A : memref<!tpu.dma_semaphore, #tpu.memory_space<semaphore_mem>>) src(%arg9 : memref<64xf32, #tpu.memory_space<vmem>>) dst(%dma_wait3A_231 : memref<64xf32, #tpu.memory_space<hbm>>)
      tpu.yield
    }) : () -> ()
    return
  }
}

module attributes {stable_mosaic.version = 14 : i64} {
  func.func @body(%arg0: i32, %arg1: memref<32x64x512xf32, #tpu.memory_space<vmem>>, %arg2: memref<32x64xf32, #tpu.memory_space<vmem>>, %arg3: memref<4096x512xf32, #tpu.memory_space<vmem>>, %arg4: memref<4096x64xf32, #tpu.memory_space<vmem>>, %arg5: memref<64x512xbf16, #tpu.memory_space<vmem>>, %arg6: memref<1x64xf32, #tpu.memory_space<vmem>>) attributes {dimension_semantics = [#tpu.dimension_semantics<arbitrary>], iteration_bounds = array<i64: 4>, scalar_prefetch = 0 : i64, scratch_operands = 2 : i64, tpu.core_type = #tpu.core_type<tc>, window_params = [{pipeline_mode = #tpu.pipeline_mode<synchronous>, transform_indices = @transform_0, window_bounds = array<i64: 32, 64, 512>}, {pipeline_mode = #tpu.pipeline_mode<synchronous>, transform_indices = @transform_1, window_bounds = array<i64: 32, 64>}, {transform_indices = @transform_2, window_bounds = array<i64: 4096, 512>}, {transform_indices = @transform_3, window_bounds = array<i64: 4096, 64>}]} {
    %eq3A = arith.constant 0 : i32
    %eq3A_0 = arith.cmpi eq, %arg0, %eq3A : i32
    %convert_element_type3A = arith.extui %eq3A_0 : i1 to i32
    %cond3A = arith.constant 0 : i32
    %cond3A_1 = arith.cmpi ne, %convert_element_type3A, %cond3A : i32
    scf.if %cond3A_1 {
      %get3A_20 = arith.constant 0 : index
      %get3A_21 = arith.constant 0 : index
      %get3A_22 = arith.constant 0 : index
      %get3A_23 = vector.load %arg1[%get3A_20, %get3A_21, %get3A_22] : memref<32x64x512xf32, #tpu.memory_space<vmem>>, vector<1x64x512xf32>
      %get3A_24 = vector.shape_cast %get3A_23 : vector<1x64x512xf32> to vector<64x512xf32>
      %get3A_25 = arith.constant 1 : index
      %get3A_26 = arith.constant 0 : index
      %get3A_27 = arith.constant 0 : index
      %get3A_28 = vector.load %arg1[%get3A_25, %get3A_26, %get3A_27] : memref<32x64x512xf32, #tpu.memory_space<vmem>>, vector<1x64x512xf32>
      %get3A_29 = vector.shape_cast %get3A_28 : vector<1x64x512xf32> to vector<64x512xf32>
      %add3A_30 = arith.addf %get3A_24, %get3A_29 : vector<64x512xf32>
      %get3A_31 = arith.constant 2 : index
      %get3A_32 = arith.constant 0 : index
      %get3A_33 = arith.constant 0 : index
      %get3A_34 = vector.load %arg1[%get3A_31, %get3A_32, %get3A_33] : memref<32x64x512xf32, #tpu.memory_space<vmem>>, vector<1x64x512xf32>
      %get3A_35 = vector.shape_cast %get3A_34 : vector<1x64x512xf32> to vector<64x512xf32>
      %add3A_36 = arith.addf %add3A_30, %get3A_35 : vector<64x512xf32>
      %get3A_37 = arith.constant 3 : index
      %get3A_38 = arith.constant 0 : index
      %get3A_39 = arith.constant 0 : index
      %get3A_40 = vector.load %arg1[%get3A_37, %get3A_38, %get3A_39] : memref<32x64x512xf32, #tpu.memory_space<vmem>>, vector<1x64x512xf32>
      %get3A_41 = vector.shape_cast %get3A_40 : vector<1x64x512xf32> to vector<64x512xf32>
      %add3A_42 = arith.addf %add3A_36, %get3A_41 : vector<64x512xf32>
      %get3A_43 = arith.constant 4 : index
      %get3A_44 = arith.constant 0 : index
      %get3A_45 = arith.constant 0 : index
      %get3A_46 = vector.load %arg1[%get3A_43, %get3A_44, %get3A_45] : memref<32x64x512xf32, #tpu.memory_space<vmem>>, vector<1x64x512xf32>
      %get3A_47 = vector.shape_cast %get3A_46 : vector<1x64x512xf32> to vector<64x512xf32>
      %add3A_48 = arith.addf %add3A_42, %get3A_47 : vector<64x512xf32>
      %get3A_49 = arith.constant 5 : index
      %get3A_50 = arith.constant 0 : index
      %get3A_51 = arith.constant 0 : index
      %get3A_52 = vector.load %arg1[%get3A_49, %get3A_50, %get3A_51] : memref<32x64x512xf32, #tpu.memory_space<vmem>>, vector<1x64x512xf32>
      %get3A_53 = vector.shape_cast %get3A_52 : vector<1x64x512xf32> to vector<64x512xf32>
      %add3A_54 = arith.addf %add3A_48, %get3A_53 : vector<64x512xf32>
      %get3A_55 = arith.constant 6 : index
      %get3A_56 = arith.constant 0 : index
      %get3A_57 = arith.constant 0 : index
      %get3A_58 = vector.load %arg1[%get3A_55, %get3A_56, %get3A_57] : memref<32x64x512xf32, #tpu.memory_space<vmem>>, vector<1x64x512xf32>
      %get3A_59 = vector.shape_cast %get3A_58 : vector<1x64x512xf32> to vector<64x512xf32>
      %add3A_60 = arith.addf %add3A_54, %get3A_59 : vector<64x512xf32>
      %get3A_61 = arith.constant 7 : index
      %get3A_62 = arith.constant 0 : index
      %get3A_63 = arith.constant 0 : index
      %get3A_64 = vector.load %arg1[%get3A_61, %get3A_62, %get3A_63] : memref<32x64x512xf32, #tpu.memory_space<vmem>>, vector<1x64x512xf32>
      %get3A_65 = vector.shape_cast %get3A_64 : vector<1x64x512xf32> to vector<64x512xf32>
      %add3A_66 = arith.addf %add3A_60, %get3A_65 : vector<64x512xf32>
      %get3A_67 = arith.constant 8 : index
      %get3A_68 = arith.constant 0 : index
      %get3A_69 = arith.constant 0 : index
      %get3A_70 = vector.load %arg1[%get3A_67, %get3A_68, %get3A_69] : memref<32x64x512xf32, #tpu.memory_space<vmem>>, vector<1x64x512xf32>
      %get3A_71 = vector.shape_cast %get3A_70 : vector<1x64x512xf32> to vector<64x512xf32>
      %add3A_72 = arith.addf %add3A_66, %get3A_71 : vector<64x512xf32>
      %get3A_73 = arith.constant 9 : index
      %get3A_74 = arith.constant 0 : index
      %get3A_75 = arith.constant 0 : index
      %get3A_76 = vector.load %arg1[%get3A_73, %get3A_74, %get3A_75] : memref<32x64x512xf32, #tpu.memory_space<vmem>>, vector<1x64x512xf32>
      %get3A_77 = vector.shape_cast %get3A_76 : vector<1x64x512xf32> to vector<64x512xf32>
      %add3A_78 = arith.addf %add3A_72, %get3A_77 : vector<64x512xf32>
      %get3A_79 = arith.constant 10 : index
      %get3A_80 = arith.constant 0 : index
      %get3A_81 = arith.constant 0 : index
      %get3A_82 = vector.load %arg1[%get3A_79, %get3A_80, %get3A_81] : memref<32x64x512xf32, #tpu.memory_space<vmem>>, vector<1x64x512xf32>
      %get3A_83 = vector.shape_cast %get3A_82 : vector<1x64x512xf32> to vector<64x512xf32>
      %add3A_84 = arith.addf %add3A_78, %get3A_83 : vector<64x512xf32>
      %get3A_85 = arith.constant 11 : index
      %get3A_86 = arith.constant 0 : index
      %get3A_87 = arith.constant 0 : index
      %get3A_88 = vector.load %arg1[%get3A_85, %get3A_86, %get3A_87] : memref<32x64x512xf32, #tpu.memory_space<vmem>>, vector<1x64x512xf32>
      %get3A_89 = vector.shape_cast %get3A_88 : vector<1x64x512xf32> to vector<64x512xf32>
      %add3A_90 = arith.addf %add3A_84, %get3A_89 : vector<64x512xf32>
      %get3A_91 = arith.constant 12 : index
      %get3A_92 = arith.constant 0 : index
      %get3A_93 = arith.constant 0 : index
      %get3A_94 = vector.load %arg1[%get3A_91, %get3A_92, %get3A_93] : memref<32x64x512xf32, #tpu.memory_space<vmem>>, vector<1x64x512xf32>
      %get3A_95 = vector.shape_cast %get3A_94 : vector<1x64x512xf32> to vector<64x512xf32>
      %add3A_96 = arith.addf %add3A_90, %get3A_95 : vector<64x512xf32>
      %get3A_97 = arith.constant 13 : index
      %get3A_98 = arith.constant 0 : index
      %get3A_99 = arith.constant 0 : index
      %get3A_100 = vector.load %arg1[%get3A_97, %get3A_98, %get3A_99] : memref<32x64x512xf32, #tpu.memory_space<vmem>>, vector<1x64x512xf32>
      %get3A_101 = vector.shape_cast %get3A_100 : vector<1x64x512xf32> to vector<64x512xf32>
      %add3A_102 = arith.addf %add3A_96, %get3A_101 : vector<64x512xf32>
      %get3A_103 = arith.constant 14 : index
      %get3A_104 = arith.constant 0 : index
      %get3A_105 = arith.constant 0 : index
      %get3A_106 = vector.load %arg1[%get3A_103, %get3A_104, %get3A_105] : memref<32x64x512xf32, #tpu.memory_space<vmem>>, vector<1x64x512xf32>
      %get3A_107 = vector.shape_cast %get3A_106 : vector<1x64x512xf32> to vector<64x512xf32>
      %add3A_108 = arith.addf %add3A_102, %get3A_107 : vector<64x512xf32>
      %get3A_109 = arith.constant 15 : index
      %get3A_110 = arith.constant 0 : index
      %get3A_111 = arith.constant 0 : index
      %get3A_112 = vector.load %arg1[%get3A_109, %get3A_110, %get3A_111] : memref<32x64x512xf32, #tpu.memory_space<vmem>>, vector<1x64x512xf32>
      %get3A_113 = vector.shape_cast %get3A_112 : vector<1x64x512xf32> to vector<64x512xf32>
      %add3A_114 = arith.addf %add3A_108, %get3A_113 : vector<64x512xf32>
      %get3A_115 = arith.constant 16 : index
      %get3A_116 = arith.constant 0 : index
      %get3A_117 = arith.constant 0 : index
      %get3A_118 = vector.load %arg1[%get3A_115, %get3A_116, %get3A_117] : memref<32x64x512xf32, #tpu.memory_space<vmem>>, vector<1x64x512xf32>
      %get3A_119 = vector.shape_cast %get3A_118 : vector<1x64x512xf32> to vector<64x512xf32>
      %add3A_120 = arith.addf %add3A_114, %get3A_119 : vector<64x512xf32>
      %get3A_121 = arith.constant 17 : index
      %get3A_122 = arith.constant 0 : index
      %get3A_123 = arith.constant 0 : index
      %get3A_124 = vector.load %arg1[%get3A_121, %get3A_122, %get3A_123] : memref<32x64x512xf32, #tpu.memory_space<vmem>>, vector<1x64x512xf32>
      %get3A_125 = vector.shape_cast %get3A_124 : vector<1x64x512xf32> to vector<64x512xf32>
      %add3A_126 = arith.addf %add3A_120, %get3A_125 : vector<64x512xf32>
      %get3A_127 = arith.constant 18 : index
      %get3A_128 = arith.constant 0 : index
      %get3A_129 = arith.constant 0 : index
      %get3A_130 = vector.load %arg1[%get3A_127, %get3A_128, %get3A_129] : memref<32x64x512xf32, #tpu.memory_space<vmem>>, vector<1x64x512xf32>
      %get3A_131 = vector.shape_cast %get3A_130 : vector<1x64x512xf32> to vector<64x512xf32>
      %add3A_132 = arith.addf %add3A_126, %get3A_131 : vector<64x512xf32>
      %get3A_133 = arith.constant 19 : index
      %get3A_134 = arith.constant 0 : index
      %get3A_135 = arith.constant 0 : index
      %get3A_136 = vector.load %arg1[%get3A_133, %get3A_134, %get3A_135] : memref<32x64x512xf32, #tpu.memory_space<vmem>>, vector<1x64x512xf32>
      %get3A_137 = vector.shape_cast %get3A_136 : vector<1x64x512xf32> to vector<64x512xf32>
      %add3A_138 = arith.addf %add3A_132, %get3A_137 : vector<64x512xf32>
      %get3A_139 = arith.constant 20 : index
      %get3A_140 = arith.constant 0 : index
      %get3A_141 = arith.constant 0 : index
      %get3A_142 = vector.load %arg1[%get3A_139, %get3A_140, %get3A_141] : memref<32x64x512xf32, #tpu.memory_space<vmem>>, vector<1x64x512xf32>
      %get3A_143 = vector.shape_cast %get3A_142 : vector<1x64x512xf32> to vector<64x512xf32>
      %add3A_144 = arith.addf %add3A_138, %get3A_143 : vector<64x512xf32>
      %get3A_145 = arith.constant 21 : index
      %get3A_146 = arith.constant 0 : index
      %get3A_147 = arith.constant 0 : index
      %get3A_148 = vector.load %arg1[%get3A_145, %get3A_146, %get3A_147] : memref<32x64x512xf32, #tpu.memory_space<vmem>>, vector<1x64x512xf32>
      %get3A_149 = vector.shape_cast %get3A_148 : vector<1x64x512xf32> to vector<64x512xf32>
      %add3A_150 = arith.addf %add3A_144, %get3A_149 : vector<64x512xf32>
      %get3A_151 = arith.constant 22 : index
      %get3A_152 = arith.constant 0 : index
      %get3A_153 = arith.constant 0 : index
      %get3A_154 = vector.load %arg1[%get3A_151, %get3A_152, %get3A_153] : memref<32x64x512xf32, #tpu.memory_space<vmem>>, vector<1x64x512xf32>
      %get3A_155 = vector.shape_cast %get3A_154 : vector<1x64x512xf32> to vector<64x512xf32>
      %add3A_156 = arith.addf %add3A_150, %get3A_155 : vector<64x512xf32>
      %get3A_157 = arith.constant 23 : index
      %get3A_158 = arith.constant 0 : index
      %get3A_159 = arith.constant 0 : index
      %get3A_160 = vector.load %arg1[%get3A_157, %get3A_158, %get3A_159] : memref<32x64x512xf32, #tpu.memory_space<vmem>>, vector<1x64x512xf32>
      %get3A_161 = vector.shape_cast %get3A_160 : vector<1x64x512xf32> to vector<64x512xf32>
      %add3A_162 = arith.addf %add3A_156, %get3A_161 : vector<64x512xf32>
      %get3A_163 = arith.constant 24 : index
      %get3A_164 = arith.constant 0 : index
      %get3A_165 = arith.constant 0 : index
      %get3A_166 = vector.load %arg1[%get3A_163, %get3A_164, %get3A_165] : memref<32x64x512xf32, #tpu.memory_space<vmem>>, vector<1x64x512xf32>
      %get3A_167 = vector.shape_cast %get3A_166 : vector<1x64x512xf32> to vector<64x512xf32>
      %add3A_168 = arith.addf %add3A_162, %get3A_167 : vector<64x512xf32>
      %get3A_169 = arith.constant 25 : index
      %get3A_170 = arith.constant 0 : index
      %get3A_171 = arith.constant 0 : index
      %get3A_172 = vector.load %arg1[%get3A_169, %get3A_170, %get3A_171] : memref<32x64x512xf32, #tpu.memory_space<vmem>>, vector<1x64x512xf32>
      %get3A_173 = vector.shape_cast %get3A_172 : vector<1x64x512xf32> to vector<64x512xf32>
      %add3A_174 = arith.addf %add3A_168, %get3A_173 : vector<64x512xf32>
      %get3A_175 = arith.constant 26 : index
      %get3A_176 = arith.constant 0 : index
      %get3A_177 = arith.constant 0 : index
      %get3A_178 = vector.load %arg1[%get3A_175, %get3A_176, %get3A_177] : memref<32x64x512xf32, #tpu.memory_space<vmem>>, vector<1x64x512xf32>
      %get3A_179 = vector.shape_cast %get3A_178 : vector<1x64x512xf32> to vector<64x512xf32>
      %add3A_180 = arith.addf %add3A_174, %get3A_179 : vector<64x512xf32>
      %get3A_181 = arith.constant 27 : index
      %get3A_182 = arith.constant 0 : index
      %get3A_183 = arith.constant 0 : index
      %get3A_184 = vector.load %arg1[%get3A_181, %get3A_182, %get3A_183] : memref<32x64x512xf32, #tpu.memory_space<vmem>>, vector<1x64x512xf32>
      %get3A_185 = vector.shape_cast %get3A_184 : vector<1x64x512xf32> to vector<64x512xf32>
      %add3A_186 = arith.addf %add3A_180, %get3A_185 : vector<64x512xf32>
      %get3A_187 = arith.constant 28 : index
      %get3A_188 = arith.constant 0 : index
      %get3A_189 = arith.constant 0 : index
      %get3A_190 = vector.load %arg1[%get3A_187, %get3A_188, %get3A_189] : memref<32x64x512xf32, #tpu.memory_space<vmem>>, vector<1x64x512xf32>
      %get3A_191 = vector.shape_cast %get3A_190 : vector<1x64x512xf32> to vector<64x512xf32>
      %add3A_192 = arith.addf %add3A_186, %get3A_191 : vector<64x512xf32>
      %get3A_193 = arith.constant 29 : index
      %get3A_194 = arith.constant 0 : index
      %get3A_195 = arith.constant 0 : index
      %get3A_196 = vector.load %arg1[%get3A_193, %get3A_194, %get3A_195] : memref<32x64x512xf32, #tpu.memory_space<vmem>>, vector<1x64x512xf32>
      %get3A_197 = vector.shape_cast %get3A_196 : vector<1x64x512xf32> to vector<64x512xf32>
      %add3A_198 = arith.addf %add3A_192, %get3A_197 : vector<64x512xf32>
      %get3A_199 = arith.constant 30 : index
      %get3A_200 = arith.constant 0 : index
      %get3A_201 = arith.constant 0 : index
      %get3A_202 = vector.load %arg1[%get3A_199, %get3A_200, %get3A_201] : memref<32x64x512xf32, #tpu.memory_space<vmem>>, vector<1x64x512xf32>
      %get3A_203 = vector.shape_cast %get3A_202 : vector<1x64x512xf32> to vector<64x512xf32>
      %add3A_204 = arith.addf %add3A_198, %get3A_203 : vector<64x512xf32>
      %get3A_205 = arith.constant 31 : index
      %get3A_206 = arith.constant 0 : index
      %get3A_207 = arith.constant 0 : index
      %get3A_208 = vector.load %arg1[%get3A_205, %get3A_206, %get3A_207] : memref<32x64x512xf32, #tpu.memory_space<vmem>>, vector<1x64x512xf32>
      %get3A_209 = vector.shape_cast %get3A_208 : vector<1x64x512xf32> to vector<64x512xf32>
      %add3A_210 = arith.addf %add3A_204, %get3A_209 : vector<64x512xf32>
      %get3A_211 = arith.constant 0 : index
      %get3A_212 = arith.constant 0 : index
      %get3A_213 = vector.load %arg2[%get3A_211, %get3A_212] : memref<32x64xf32, #tpu.memory_space<vmem>>, vector<32x64xf32>
      %reduce_sum3A_214 = arith.constant dense<0.000000e+00> : vector<64xf32>
      %reduce_sum3A_215 = vector.multi_reduction <add>, %get3A_213, %reduce_sum3A_214 [0] : vector<32x64xf32> to vector<64xf32>
      %div3A = arith.constant 1.000000e+00 : f32
      %div3A_216 = vector.broadcast %div3A : f32 to vector<64xf32>
      %div3A_217 = arith.divf %div3A_216, %reduce_sum3A_215 : vector<64xf32>
      %broadcast_in_dim3A_218 = vector.shape_cast %div3A_217 : vector<64xf32> to vector<64x1xf32>
      %mul3A_219 = vector.broadcast %broadcast_in_dim3A_218 : vector<64x1xf32> to vector<64x512xf32>
      %mul3A_220 = arith.mulf %add3A_210, %mul3A_219 : vector<64x512xf32>
      %convert_element_type3A_221 = arith.truncf %mul3A_220 : vector<64x512xf32> to vector<64x512xbf16>
      %swap3A_222 = arith.constant 0 : index
      %swap3A_223 = arith.constant 0 : index
      %swap3A_224 = vector.load %arg5[%swap3A_222, %swap3A_223] : memref<64x512xbf16, #tpu.memory_space<vmem>>, vector<64x512xbf16>
      tpu.vector_store %arg5[%swap3A_222, %swap3A_223], %convert_element_type3A_221 {strides = array<i32>} : memref<64x512xbf16, #tpu.memory_space<vmem>>, vector<64x512xbf16>,
      %mul3A_225 = arith.mulf %mul3A_220, %mul3A_220 : vector<64x512xf32>
      %reduce_sum3A_226 = arith.constant dense<0.000000e+00> : vector<64xf32>
      %reduce_sum3A_227 = vector.multi_reduction <add>, %mul3A_225, %reduce_sum3A_226 [1] : vector<64x512xf32> to vector<64xf32>
      %broadcast_in_dim3A_228 = vector.shape_cast %reduce_sum3A_227 : vector<64xf32> to vector<1x64xf32>
      %swap3A_229 = arith.constant 0 : index
      %swap3A_230 = arith.constant 0 : index
      %swap3A_231 = vector.load %arg6[%swap3A_229, %swap3A_230] : memref<1x64xf32, #tpu.memory_space<vmem>>, vector<1x64xf32>
      tpu.vector_store %arg6[%swap3A_229, %swap3A_230], %broadcast_in_dim3A_228 {strides = array<i32>} : memref<1x64xf32, #tpu.memory_space<vmem>>, vector<1x64xf32>,
    } else {
    }
    %get3A = arith.constant 0 : index
    %get3A_2 = arith.constant 0 : index
    %get3A_3 = vector.load %arg3[%get3A, %get3A_2] : memref<4096x512xf32, #tpu.memory_space<vmem>>, vector<4096x512xf32>
    %mul3A = arith.mulf %get3A_3, %get3A_3 : vector<4096x512xf32>
    %reduce_sum3A = arith.constant dense<0.000000e+00> : vector<4096xf32>
    %reduce_sum3A_4 = vector.multi_reduction <add>, %mul3A, %reduce_sum3A [1] : vector<4096x512xf32> to vector<4096xf32>
    %broadcast_in_dim3A = vector.shape_cast %reduce_sum3A_4 : vector<4096xf32> to vector<4096x1xf32>
    %convert_element_type3A_5 = arith.truncf %get3A_3 : vector<4096x512xf32> to vector<4096x512xbf16>
    %get3A_6 = arith.constant 0 : index
    %get3A_7 = arith.constant 0 : index
    %get3A_8 = vector.load %arg5[%get3A_6, %get3A_7] : memref<64x512xbf16, #tpu.memory_space<vmem>>, vector<64x512xbf16>
    %dot_general3A = arith.constant dense<0.000000e+00> : vector<4096x64xf32>
    %dot_general3A_9 = tpu.matmul %convert_element_type3A_5, %get3A_8, %dot_general3A {dimension_numbers = #tpu.dot_dimension_numbers<[1], [1], [0], [0], [0, 0, 1, 0], [], []>, transpose_lhs_hint = false} : vector<4096x512xbf16>, vector<64x512xbf16>, vector<4096x64xf32> -> vector<4096x64xf32>
    %mul3A_10 = arith.constant 2.000000e+00 : f32
    %mul3A_11 = vector.broadcast %mul3A_10 : f32 to vector<4096x64xf32>
    %mul3A_12 = arith.mulf %mul3A_11, %dot_general3A_9 : vector<4096x64xf32>
    %sub3A = vector.broadcast %broadcast_in_dim3A : vector<4096x1xf32> to vector<4096x64xf32>
    %sub3A_13 = arith.subf %sub3A, %mul3A_12 : vector<4096x64xf32>
    %get3A_14 = arith.constant 0 : index
    %get3A_15 = arith.constant 0 : index
    %get3A_16 = vector.load %arg6[%get3A_14, %get3A_15] : memref<1x64xf32, #tpu.memory_space<vmem>>, vector<1x64xf32>
    %add3A = vector.broadcast %get3A_16 : vector<1x64xf32> to vector<4096x64xf32>
    %add3A_17 = arith.addf %sub3A_13, %add3A : vector<4096x64xf32>
    %swap3A = arith.constant 0 : index
    %swap3A_18 = arith.constant 0 : index
    %swap3A_19 = vector.load %arg4[%swap3A, %swap3A_18] : memref<4096x64xf32, #tpu.memory_space<vmem>>, vector<4096x64xf32>
    tpu.vector_store %arg4[%swap3A, %swap3A_18], %add3A_17 {strides = array<i32>} : memref<4096x64xf32, #tpu.memory_space<vmem>>, vector<4096x64xf32>,
    return
  }
  func.func @transform_0(%arg0: i32) -> (i32, i32, i32) {
    %c0_i32 = arith.constant 0 : i32
    %c0_i32_0 = arith.constant 0 : i32
    %c0_i32_1 = arith.constant 0 : i32
    %c0_i32_2 = arith.constant 0 : i32
    return %c0_i32, %c0_i32_0, %c0_i32_1 : i32, i32, i32
  }
  func.func @transform_1(%arg0: i32) -> (i32, i32) {
    %c0_i32 = arith.constant 0 : i32
    %c0_i32_0 = arith.constant 0 : i32
    %c0_i32_1 = arith.constant 0 : i32
    return %c0_i32, %c0_i32_0 : i32, i32
  }
  func.func @transform_2(%arg0: i32) -> (i32, i32) {
    %c0_i32 = arith.constant 0 : i32
    %c0_i32_0 = arith.constant 0 : i32
    return %arg0, %c0_i32 : i32, i32
  }
  func.func @transform_3(%arg0: i32) -> (i32, i32) {
    %c0_i32 = arith.constant 0 : i32
    %c0_i32_0 = arith.constant 0 : i32
    return %arg0, %c0_i32 : i32, i32
  }
}

</mosaic_0001>

<sc_bundles>
// kernel: kernel.4.cloned.1.call-start
scs
__scs_entry_jumppad:
0x0: {  	(pc) =	sbr.rel $0x88, $3  }
0x1: {  	(tag) =	ssettag $0x0;
	lr =	simm.s32 $0x1  }
0x2: {  	[smem:$0x3F9E] =	sst lr;
	_ =	strace $0xD0000000  }
0x3: {  	_ = 	snop  }
0x4: {  	_ = 	snop  }
0x5: {  	_ = 	snop  }
0x6: {  	_ = 	snop  }
0x7: {  	_ = 	snop  }
__scs_overlays_trampoline_lowered:
0x8: {  	[smem:$0x3FAD] =	sst s0  }
0x9: {  	[smem:$0x3FAE] =	sst s1  }
0xa: {  	[smem:$0x3FAF] =	sst s2  }
0xb: {  	[smem:$0x3FB0] =	sst s3  }
0xc: {  	[smem:$0x3FB1] =	sst s4  }
0xd: {  	[smem:$0x3FB2] =	sst s5  }
0xe: {  	[smem:$0x3FB3] =	sst s6  }
0xf: {  	[smem:$0x3FB4] =	sst s7  }
0x10: {  	[smem:$0x3FB5] =	sst s8  }
0x11: {  	[smem:$0x3FB6] =	sst s9;
	s0 =	simm.s32 @!p0 $0x0  }
0x12: {  	s1 =	sld [smem:$0x3F9C];
	s0 =	simm.s32 @p0 $0x1  }
0x13: {  	[smem:$0x3FB7] =	sst s0;
	s0 =	simm.s32 @!p1 $0x0  }
0x14: {  	s2 =	sld [smem:$0x3F9B];
	s0 =	simm.s32 @p1 $0x1  }
0x15: {  	[smem:$0x3FB8] =	sst s0;
	s0 =	simm.s32 @!p2 $0x0  }
0x16: {  	s3 =	sld [smem:$0x3FDB];
	s0 =	simm.s32 @p2 $0x1  }
0x17: {  	s4 =	simm.s32 $0x1BF5;
	[smem:$0x3FBA] =	sst s0  }
0x18: {  	s0 =	sld [smem:$0x3F9D];
	_ =	swait.ge [sflag:s4], $0x0  }
0x19: {  	s7 =	sld [smem:$0x3F9E]  }
0x1a: {  	s8 =	sadd.s32 $0xFFFFE003, lr  }
0x1b: {  	s9 =	sadd.s32 $0xFFFFFEF7, lr;
	s5 =	simm.s32 $0xFFFFFFFF;
	p2 =	slt.u32 s8, $0xFFFFF086  }
0x1c: {  	p1 =	slt.u32 s9, $0xF7A;
	s5 =	simm.s32 @!p2 $0x0  }
0x1d: {  	s5 =	simm.s32 @p1 $0x1;
	p0 =	seq.s32 s7, s2  }
0x1e: {  	s7 =	smul.u32 @!p0 $0xF7A, s2;
	p2 =	seq.s32 @!p0 s5, $0x0  }
0x1f: {  	s9 =	smul.u32 $0xF7A, s1;
	s8 =	simm.s32 @!p0 $0x1BF5;
	p2 =	por !p2, p0  }
0x20: {  	[sflag:s8] =	ssyncset.s32 @!p0 $0xFFFFF086;
	s6 =	sadd.s32 @!p0 s3, s7;
	s7 =	simm.s32 @!p0 $0x108  }
0x21: {  	s3 =	sadd.s32 s3, s9;
	s6 =	sadd.s32 @!p0 $0x88, s6;
	s7 =	simm.s32 @p2 $0x1082  }
0x22: {  	[simem:s7], [sflag:s8] =	dma.local @!p0 [hbm:s6], $0xF7A  }
0x23: {  	s9 =	sor.u32 $0xD0000000, s2;
	s6 =	simm.s32 $0x108;
	_ =	swait.ge @!p0 [sflag:s8], $0x0  }
0x24: {  	s3 =	sadd.s32 $0x88, s3;
	s6 =	simm.s32 @!p1 $0x1082;
	[sflag:s4] =	ssyncset.s32 $0xFFFFF086  }
0x25: {  	[simem:s6], [sflag:s4] =	dma.local [hbm:s3], $0xF7A  }
0x26: {  	[smem:$0x3F9E] =	sst s1;
	(tag) =	ssettag s2;
	_ =	strace s9  }
0x27: {  	s1 =	sld [smem:$0x3FAE]  }
0x28: {  	s2 =	sld [smem:$0x3FAF]  }
0x29: {  	s4 =	sld [smem:$0x3FB1]  }
0x2a: {  	p0 =	seq.s32 s5, $0x0;
	s5 =	sld [smem:$0x3FB2]  }
0x2b: {  	s6 =	sld [smem:$0x3FB3]  }
0x2c: {  	s7 =	sld [smem:$0x3FB4]  }
0x2d: {  	s3 =	simm.s32 $0x108;
	s8 =	sld [smem:$0x3FB5]  }
0x2e: {  	s3 =	simm.s32 @!p0 $0x1082;
	s9 =	sld [smem:$0x3FB6]  }
0x2f: {  	lr =	sadd.s32 s0, s3;
	s0 =	sld [smem:$0x3FAD]  }
0x30: {  	s3 =	sld [smem:$0x3FB0]  }
0x31: {  	[smem:$0x3FB9] =	sst s10  }
0x32: {  	s10 =	sld [smem:$0x3FB7];
	_ =	sdelay $0x3  }
0x33: {  	p0 =	seq.s32 s10, $0x1;
	s10 =	sld [smem:$0x3FB9];
	_ =	sdelay $0x3  }
0x34: {  	[smem:$0x3FB9] =	sst s10  }
0x35: {  	s10 =	sld [smem:$0x3FB8];
	_ =	sdelay $0x3  }
0x36: {  	p1 =	seq.s32 s10, $0x1;
	s10 =	sld [smem:$0x3FB9];
	_ =	sdelay $0x3  }
0x37: {  	[smem:$0x3FB9] =	sst s10  }
0x38: {  	s10 =	sld [smem:$0x3FBA]  }
0x39: {  	_ = 	snop;
	(pc) =	sbr.ind lr, $3  }
0x3a: {  	_ = 	snop  }
0x3b: {  	_ = 	snop  }
0x3c: {  	p2 =	seq.s32 s10, $0x1;
	s10 =	sld [smem:$0x3FB9]  }
0x3d: {  	_ =	shalt  }
0x3e: {  	_ =	shalt  }
0x3f: {  	_ =	shalt  }
0x40: {  	_ =	shalt  }
0x41: {  	_ =	shalt  }
0x42: {  	_ =	shalt  }
0x43: {  	_ =	shalt  }
0x44: {  	_ =	shalt  }
0x45: {  	_ =	shalt  }
0x46: {  	_ =	shalt  }
0x47: {  	_ =	shalt  }
0x48: {  	_ =	shalt  }
0x49: {  	_ =	shalt  }
0x4a: {  	_ =	shalt  }
0x4b: {  	_ =	shalt  }
0x4c: {  	_ =	shalt  }
0x4d: {  	_ =	shalt  }
0x4e: {  	_ =	shalt  }
0x4f: {  	_ =	shalt  }
0x50: {  	_ =	shalt  }
0x51: {  	_ =	shalt  }
0x52: {  	_ =	shalt  }
0x53: {  	_ =	shalt  }
0x54: {  	_ =	shalt  }
0x55: {  	_ =	shalt  }
0x56: {  	_ =	shalt  }
0x57: {  	_ =	shalt  }
0x58: {  	_ =	shalt  }
0x59: {  	_ =	shalt  }
0x5a: {  	_ =	shalt  }
0x5b: {  	_ =	shalt  }
0x5c: {  	_ =	shalt  }
0x5d: {  	_ =	shalt  }
0x5e: {  	_ =	shalt  }
0x5f: {  	_ =	shalt  }
0x60: {  	_ =	shalt  }
0x61: {  	_ =	shalt  }
0x62: {  	_ =	shalt  }
0x63: {  	_ =	shalt  }
0x64: {  	_ =	shalt  }
0x65: {  	_ =	shalt  }
0x66: {  	_ =	shalt  }
0x67: {  	_ =	shalt  }
0x68: {  	_ =	shalt  }
0x69: {  	_ =	shalt  }
0x6a: {  	_ =	shalt  }
0x6b: {  	_ =	shalt  }
0x6c: {  	_ =	shalt  }
0x6d: {  	_ =	shalt  }
0x6e: {  	_ =	shalt  }
0x6f: {  	_ =	shalt  }
0x70: {  	_ =	shalt  }
0x71: {  	_ =	shalt  }
0x72: {  	_ =	shalt  }
0x73: {  	_ =	shalt  }
0x74: {  	_ =	shalt  }
0x75: {  	_ =	shalt  }
0x76: {  	_ =	shalt  }
0x77: {  	_ =	shalt  }
0x78: {  	_ =	shalt  }
0x79: {  	_ =	shalt  }
0x7a: {  	_ =	shalt  }
0x7b: {  	_ =	shalt  }
0x7c: {  	_ =	shalt  }
0x7d: {  	_ =	shalt  }
0x7e: {  	_ =	shalt  }
0x7f: {  	_ =	shalt  }
0x80: {  	_ =	shalt  }
0x81: {  	_ =	shalt  }
0x82: {  	_ =	shalt  }
0x83: {  	_ =	shalt  }
0x84: {  	_ =	shalt  }
0x85: {  	_ =	shalt  }
0x86: {  	_ =	shalt  }
0x87: {  	_ =	shalt  }
.Lfunc_end0:
.L_simem_size_0:
called_computation_lowered:
.L_overlay_start_0:
0x88: {  	s2 =	sld [smem:$0x3FD9]  }
0x89: {  	s3 =	sld [smem:$0x3FFE];
	_ =	sdelay $0x1  }
0x8a: {  	s1 =	srdreg.scid  }
0x8b: {  	s0 =	sand.u32 $0x1, s1  }
0x8c: {  	s17 =	sshll.u32 s0, $0xA;
	s2 =	sadd.s32 s3, s2  }
0x8d: {  	s2 =	sadd.s32 s2, s17  }
0x8e: {  	[smem:$0x3FC5] =	sst s2  }
0x8f: {  	_ = 	snop  }
0x90: {  	s2 =	sld [smem:$0x3FC9]  }
0x91: {  	s18 =	sld [smem:$0x3FC8]  }
0x92: {  	s4 =	sld [smem:$0x3FD0];
	(tm) =	ssettm $0x1  }
0x93: {  	s5 =	sld [smem:$0x3FFB];
	_ =	sdelay $0x3  }
0x94: {  	_ =	strace s5  }
0x95: {  	s5 =	sld [smem:$0x3FFC];
	_ =	sdelay $0x3  }
0x96: {  	_ =	strace s5  }
0x97: {  	s5 =	sld [smem:$0x3FFD];
	_ =	sdelay $0x3  }
0x98: {  	_ =	strace s5  }
0x99: {  	_ =	strace $0x8FFFFFFF  }
0x9a: {  	s19 =	sld [smem:$0x3FDB];
	_ =	sdelay $0x1  }
0x9b: {  	s6 =	simm.s32 $_scs_section_size  }
0x9c: {  	s7 =	simm.s32 $_size__tile_overlayer_lowered;
	s8 =	simm.s32 $_tile_overlayer_lowered  }
0x9d: {  	s22 =	simm.s32 $0x1BFF;
	s21 =	sshll.u32 s8, $0x1;
	s5 =	sadd.s32 s6, s19  }
0x9e: {  	s9 =	simm.s32 $0x0;
	s20 =	sshll.u32 s7, $0x1;
	s7 =	sadd.s32 s21, s5  }
0x9f: {  	[timem:s9], [sflag:s22] =	dma.local [hbm:s7], s20  }
0xa0: {  	_ =	swait.ge [sflag:s22], s20  }
0xa1: {  	s6 =	ssub.s32 $0x0, s20;
	[sflag:s22] =	ssyncset.done $0x0  }
0xa2: {  	[sflag:s22] =	ssyncadd.s32 s6;
	_ =	sdelay $0x1  }
0xa3: {  	s23 =	simm.s32 $0x1B8B  }
0xa4: {  	_ =	swait.ge [sflag:s23], $0x1  }
0xa5: {  	[sflag:s23] =	ssyncset.done $0x0  }
0xa6: {  	s25 =	simm.s32 $0x1B8E;
	s24 =	sld [smem:$0x3FFE];
	[sflag:s23] =	ssyncadd.s32 $0xFFFFFFFF  }
0xa7: {  	s26 =	simm.s32 $execute0_lowered;
	[smem:$0x3FD2] =	sst s25  }
0xa8: {  	s7 =	sshll.u32 s26, $0x1;
	_ =	strace $0x80000046;
	[dreg:$0x1] =	wrdreg $0xFFFFFFFF  }
0xa9: {  	s28 =	simm.s32 $_size_execute0_lowered;
	s5 =	sadd.s32 s5, s7;
	[dreg:$0x0] =	wrdreg $0x0  }
0xaa: {  	s7 =	sshll.u32 s28, $0x1;
	[dreg:$0x2] =	wrdreg s5  }
0xab: {  	[dreg:$0x3] =	wrdreg s7  }
0xac: {  	[dreg:$0x4] =	wrdreg $0xC0  }
0xad: {  	_ =	task [dreg:s9], $0x5FFFF  }
0xae: {  	[dreg:$0x1] =	wrdreg $0xFFFFFFFF  }
0xaf: {  	[dreg:$0x0] =	wrdreg $0x60  }
0xb0: {  	[dreg:$0x2] =	wrdreg s2  }
0xb1: {  	[dreg:$0x3] =	wrdreg s18  }
0xb2: {  	[dreg:$0x4] =	wrdreg s4  }
0xb3: {  	[dreg:$0x5] =	wrdreg s24  }
0xb4: {  	[dreg:$0x6] =	wrdreg $0x9  }
0xb5: {  	_ =	task.clear_ibuf [dreg:s9], $0x7FFFF;
	_ =	strace $0x90000046  }
0xb6: {  	s29 =	simm.s32 $0x9;
	_ =	strace $0x80000048  }
0xb7: {  	_ =	swait.ge [sflag:s29], $0x1  }
0xb8: {  	[sflag:s29] =	ssyncadd.s32 $0xFFFFFFFF  }
0xb9: {  	_ =	strace $0x90000048  }
0xba: {  	_ =	sfence  }
0xbb: {  	s30 =	sld [smem:$0x0];
	_ =	sdelay $0x2  }
0xbc: {  	s31 =	sshll.u32 s1, $0xD;
	s1 =	sshrl.u32 s1, $0x2  }
0xbd: {  	s3 =	sand.u32 $0x4000, s31;
	s1 =	sadd.s32 s1, s30  }
0xbe: {  	s0 =	sor.u32 s3, s0;
	s1 =	sshll.u32 s1, $0x11  }
0xbf: {  	s0 =	sor.u32 s1, s0  }
0xc0: {  	s0 =	sadd.s32 $0x8F2B, s0  }
0xc1: {  	[sflag:s0] =	ssyncadd.remote.s32 $0x1  }
0xc2: {  	_ =	sfence.sel $0xFFFF  }
0xc3: {  	[dreg:$0x0] =	wrdreg $0xFFFFFFFF;
	(pc) =	sbr.abs _section_cstart, $3  }
0xc4: {  	[dreg:$0x1] =	wrdreg $0xFFFFFFFF  }
0xc5: {  	_ =	task.clear_ibuf [dreg:s9], $0x2FFFF;
	_ =	strace $0x9FFFFFFF  }
0xc6: {  	(tm) =	ssettm $0x7FFFFFFF  }
0xc7: {  	_ =	shalt  }
tec
execute0_lowered:
.L_overlay_start_1:
0x0: {  	(tag) =	ssettag $0x1  }
0x1: {  	s9 =	rddreg [dreg:$0x0]  }
0x2: {  	s10 =	rddreg [dreg:$0x1]  }
0x3: {  	s11 =	rddreg [dreg:$0x2]  }
0x4: {  	s3 =	rddreg [dreg:$0x3]  }
0x5: {  	s0 =	rddreg [dreg:$0x4];
	s2 =	simm.s32 $0x0  }
0x6: {  	s1 =	stileid.u32;
	s4 =	srdreg.scid;
	s18 =	simm.s32 $0x10080  }
0x7: {  	s19 =	simm.s32 $0x18100;
	s20 =	simm.s32 $0x10100;
	s21 =	simm.s32 $0x2  }
0x8: {  	s22 =	simm.s32 $0x4;
	s23 =	simm.s32 $0x5;
	[smem:$0x7FF] =	sst s2  }
0x9: {  	s5 =	sshll.u32 s1, $0x4;
	s4 =	sand.u32 $0x1, s4;
	_ =	strace $0x80000047  }
0xa: {  	s5 =	sand.u32 $0x70, s5;
	s6 =	ssub.s32 $0x2, s4;
	s4 =	sshll.u32 s4, $0x4  }
0xb: {  	v0 =	vlaneseq.u32;
	s12 =	sadd.s32 s5, s3;
	s24 =	sshrl.u32 s6, $0x1;
	s13 =	sor.u32 s1, s4  }
0xc: {  	v1 =	vimm.f32 $0.0e+00;
	v2 =	vimm.f32 $1.000000000e+00;
	v3 =	vor.u32 $0x10, v0;
	s14 =	ssub.s32 s6, s24;
	s8 =	sshll.u32 s13, $0x8;
	s25 =	sshll.u32 s13, $0xE  }
0xd: {  	v4 =	vor.u32 $0x20, v0;
	v5 =	vor.u32 $0x30, v0;
	v6 =	vor.u32 $0x40, v0;
	s4 =	sshll.u32 s13, $0x5;
	s17 =	sshll.u32 s13, $0x4;
	s13 =	sshll.u32 s13, $0xC  }
0xe: {  	v7 =	vor.u32 $0x50, v0;
	v8 =	vor.u32 $0x60, v0;
	v9 =	vor.u32 $0x70, v0;
	s24 =	simm.s32 $0x0;
	s3 =	sadd.s32 s9, s25;
	s26 =	sor.u32 $0x40, s8  }
0xf: {  	v10 =	vor.u32 $0x400, v0;
	v11 =	vor.u32 $0x410, v0;
	v12 =	vor.u32 $0x420, v0;
	s4 =	sadd.s32 s10, s4;
	s15 =	sor.u32 $0x80, s8;
	s16 =	sor.u32 $0xC0, s8  }
0x10: {  	v13 =	vor.u32 $0x430, v0;
	v14 =	vor.u32 $0x440, v0;
	v15 =	vor.u32 $0x450, v0;
	s31 =	sand.u32 $0x180, s17;
	s11 =	sadd.s32 s11, s13;
	s13 =	smax.u32 s14, $0x1  }
0x11: {  	v16 =	vor.u32 $0x460, v0;
	v17 =	vor.u32 $0x470, v0;
	v18 =	vor.u32 $0x800, v0;
	s14 =	simm.s32 $0x10000;
	s17 =	simm.s32 $0x8000;
	s28 =	sshll.u32 s26, $0x6  }
0x12: {  	v19 =	vor.u32 $0x810, v0;
	v20 =	vor.u32 $0x820, v0;
	v21 =	vor.u32 $0x830, v0;
	s6 =	sshrl.u32 s26, $0x3;
	s7 =	sshll.u32 s15, $0x6;
	s29 =	sshrl.u32 s15, $0x3  }
0x13: {  	v22 =	vor.u32 $0x840, v0;
	v23 =	vor.u32 $0x850, v0;
	v24 =	vor.u32 $0x860, v0;
	s30 =	sshll.u32 s16, $0x6;
	s16 =	sshrl.u32 s16, $0x3;
	s12 =	sadd.s32 s31, s12  }
0x14: {  	v25 =	vor.u32 $0x870, v0;
	v26 =	vor.u32 $0xC00, v0;
	v27 =	vor.u32 $0xC10, v0;
	s15 =	simm.s32 $0x1;
	s5 =	sadd.s32 s9, s28;
	s6 =	sadd.s32 s10, s6  }
0x15: {  	v28 =	vor.u32 $0xC20, v0;
	v29 =	vor.u32 $0xC30, v0;
	v30 =	vor.u32 $0xC40, v0;
	s7 =	sadd.s32 s9, s7;
	s8 =	sadd.s32 s10, s29;
	s9 =	sadd.s32 s9, s30  }
0x16: {  	v31 =	vor.u32 $0xC50, v0;
	v32 =	vor.u32 $0xC60, v0;
	v33 =	vor.u32 $0xC70, v0;
	s10 =	sadd.s32 s10, s16;
	s12 =	sadd.s32 $0xC00, s12;
	s16 =	simm.s32 $0x3  }
.LBB2_1:
0x17: {  	[tilespmem:s2], [sflag:$0x1] =	stream.linear.gather [hbm4b:s3+s2], $0x8000, $0x38;
	[tilespmem:$0x18180] =	vst v63  }
0x18: {  	s25 =	sand.u32 $0x7000, s2;
	s26 =	sand.u32 $0x380, s2  }
0x19: {  	s26 =	sor.u32 s26, s25  }
0x1a: {  	[tilespmem:s14], [sflag:$0x3] =	stream.linear.gather [hbm4b:s4+s2], $0x40, $0x38;
	[tilespmem:$0x18180] =	vst v63  }
0x1b: {  	s25 =	sadd.s32 $0x10100, s26;
	[tilespmem:s26+$0x10100] =	vst v1  }
0x1c: {  	[tilespmem:s25+$0x40] =	vst v1  }
0x1d: {  	[tilespmem:s25+$0x50] =	vst v1  }
0x1e: {  	[tilespmem:s25+$0x60] =	vst v1  }
0x1f: {  	[tilespmem:s25+$0x70] =	vst v1  }
0x20: {  	[tilespmem:s25+$0x400] =	vst v1  }
0x21: {  	[tilespmem:s25+$0x410] =	vst v1  }
0x22: {  	[tilespmem:s25+$0x420] =	vst v1  }
0x23: {  	[tilespmem:s25+$0x430] =	vst v1  }
0x24: {  	[tilespmem:s25+$0x440] =	vst v1  }
0x25: {  	[tilespmem:s25+$0x450] =	vst v1  }
0x26: {  	[tilespmem:s25+$0x460] =	vst v1  }
0x27: {  	[tilespmem:s25+$0x470] =	vst v1  }
0x28: {  	[tilespmem:s25+$0x800] =	vst v1  }
0x29: {  	[tilespmem:s25+$0x810] =	vst v1  }
0x2a: {  	[tilespmem:s25+$0x820] =	vst v1  }
0x2b: {  	[tilespmem:s25+$0x830] =	vst v1  }
0x2c: {  	[tilespmem:s25+$0x840] =	vst v1  }
0x2d: {  	[tilespmem:s25+$0x850] =	vst v1  }
0x2e: {  	[tilespmem:s25+$0x860] =	vst v1  }
0x2f: {  	[tilespmem:s25+$0x870] =	vst v1  }
0x30: {  	[tilespmem:s25+$0xC00] =	vst v1  }
0x31: {  	[tilespmem:s25+$0xC10] =	vst v1  }
0x32: {  	[tilespmem:s25+$0xC20] =	vst v1  }
0x33: {  	[tilespmem:s25+$0xC30] =	vst v1  }
0x34: {  	[tilespmem:s25+$0xC40] =	vst v1  }
0x35: {  	[tilespmem:s25+$0xC50] =	vst v1  }
0x36: {  	[tilespmem:s25+$0xC60] =	vst v1  }
0x37: {  	[tilespmem:s25+$0x10] =	vst v1  }
0x38: {  	s28 =	simm.s32 $0x200;
	s26 =	simm.s32 $0x80;
	[tilespmem:s25+$0x20] =	vst v1  }
0x39: {  	s29 =	sand.u32 $0x7000, s28;
	s28 =	simm.s32 $0x400;
	[tilespmem:s25+$0x30] =	vst v1;
	s30 =	sand.u32 $0x380, s26  }
.LBB2_2:
0x3a: {  	p0 =	sne.s32 s28, $0x7E00;
	s29 =	sor.u32 s30, s29;
	[tilespmem:s25+$0xC70] =	vst v1  }
0x3b: {  	s25 =	sadd.s32 $0x10100, s29;
	[tilespmem:s29+$0x10100] =	vst v1  }
0x3c: {  	[tilespmem:s25+$0x10] =	vst v1  }
0x3d: {  	[tilespmem:s25+$0x20] =	vst v1  }
0x3e: {  	[tilespmem:s25+$0x30] =	vst v1  }
0x3f: {  	[tilespmem:s25+$0x40] =	vst v1  }
0x40: {  	[tilespmem:s25+$0x50] =	vst v1  }
0x41: {  	[tilespmem:s25+$0x60] =	vst v1  }
0x42: {  	[tilespmem:s25+$0x70] =	vst v1  }
0x43: {  	[tilespmem:s25+$0x400] =	vst v1  }
0x44: {  	[tilespmem:s25+$0x410] =	vst v1  }
0x45: {  	[tilespmem:s25+$0x420] =	vst v1  }
0x46: {  	[tilespmem:s25+$0x430] =	vst v1  }
0x47: {  	[tilespmem:s25+$0x440] =	vst v1  }
0x48: {  	[tilespmem:s25+$0x450] =	vst v1  }
0x49: {  	[tilespmem:s25+$0x460] =	vst v1  }
0x4a: {  	[tilespmem:s25+$0x470] =	vst v1  }
0x4b: {  	[tilespmem:s25+$0x800] =	vst v1  }
0x4c: {  	[tilespmem:s25+$0x810] =	vst v1  }
0x4d: {  	[tilespmem:s25+$0x820] =	vst v1  }
0x4e: {  	[tilespmem:s25+$0x830] =	vst v1  }
0x4f: {  	[tilespmem:s25+$0x840] =	vst v1  }
0x50: {  	[tilespmem:s25+$0x850] =	vst v1  }
0x51: {  	[tilespmem:s25+$0x860] =	vst v1  }
0x52: {  	[tilespmem:s25+$0x870] =	vst v1  }
0x53: {  	[tilespmem:s25+$0xC00] =	vst v1  }
0x54: {  	[tilespmem:s25+$0xC10] =	vst v1  }
.Ltmp0:
0x55: {  	[tilespmem:s25+$0xC20] =	vst v1;
	(pc) =	sbr.rel @p0 .LBB2_2-.Ltmp0, $4  }
0x56: {  	[tilespmem:s25+$0xC30] =	vst v1  }
0x57: {  	[tilespmem:s25+$0xC40] =	vst v1  }
0x58: {  	s26 =	sadd.s32 $0x80, s26;
	[tilespmem:s25+$0xC50] =	vst v1  }
0x59: {  	s29 =	sand.u32 $0x7000, s28;
	s30 =	sand.u32 $0x380, s26;
	s28 =	sadd.s32 $0x200, s28;
	[tilespmem:s25+$0xC60] =	vst v1  }
0x5a: {  	s26 =	sor.u32 s30, s29;
	[tilespmem:s25+$0xC70] =	vst v1  }
0x5b: {  	s31 =	sadd.s32 $0x10100, s26;
	[tilespmem:s26+$0x10100] =	vst v1  }
0x5c: {  	[tilespmem:s31+$0x10] =	vst v1  }
0x5d: {  	[tilespmem:s31+$0x20] =	vst v1  }
0x5e: {  	[tilespmem:s31+$0x30] =	vst v1  }
0x5f: {  	[tilespmem:s31+$0x40] =	vst v1  }
0x60: {  	[tilespmem:s31+$0x50] =	vst v1  }
0x61: {  	[tilespmem:s31+$0x60] =	vst v1  }
0x62: {  	[tilespmem:s31+$0x70] =	vst v1  }
0x63: {  	[tilespmem:s31+$0x400] =	vst v1  }
0x64: {  	[tilespmem:s31+$0x410] =	vst v1  }
0x65: {  	[tilespmem:s31+$0x420] =	vst v1  }
0x66: {  	[tilespmem:s31+$0x430] =	vst v1  }
0x67: {  	[tilespmem:s31+$0x440] =	vst v1  }
0x68: {  	[tilespmem:s31+$0x450] =	vst v1  }
0x69: {  	[tilespmem:s31+$0x460] =	vst v1  }
0x6a: {  	[tilespmem:s31+$0x470] =	vst v1  }
0x6b: {  	[tilespmem:s31+$0x800] =	vst v1  }
0x6c: {  	[tilespmem:s31+$0x810] =	vst v1  }
0x6d: {  	[tilespmem:s31+$0x820] =	vst v1  }
0x6e: {  	[tilespmem:s31+$0x830] =	vst v1  }
0x6f: {  	[tilespmem:s31+$0x840] =	vst v1  }
0x70: {  	[tilespmem:s31+$0x850] =	vst v1  }
0x71: {  	[tilespmem:s31+$0x860] =	vst v1  }
0x72: {  	[tilespmem:s31+$0x870] =	vst v1  }
0x73: {  	[tilespmem:s31+$0xC00] =	vst v1  }
0x74: {  	[tilespmem:s31+$0xC10] =	vst v1  }
0x75: {  	[tilespmem:s31+$0xC20] =	vst v1  }
0x76: {  	[tilespmem:s31+$0xC30] =	vst v1  }
0x77: {  	[tilespmem:s31+$0xC40] =	vst v1  }
0x78: {  	[tilespmem:s31+$0xC50] =	vst v1  }
0x79: {  	[tilespmem:s31+$0xC60] =	vst v1  }
0x7a: {  	[tilespmem:s31+$0xC70] =	vst v1  }
0x7b: {  	[tilespmem:$0x18100] =	vst v1  }
0x7c: {  	[tilespmem:$0x18110] =	vst v1  }
0x7d: {  	[tilespmem:$0x18120] =	vst v1  }
0x7e: {  	[tilespmem:$0x18130] =	vst v1  }
0x7f: {  	_ =	swait.ge [sflag:s15], $0x8000  }
0x80: {  	[sflag:s15] =	ssyncset.done $0x0  }
0x81: {  	[sflag:s15] =	ssyncadd.s32 $0xFFFF8000  }
0x82: {  	_ =	swait.ge [sflag:s16], $0x40  }
0x83: {  	[sflag:s16] =	ssyncset.done $0x0  }
0x84: {  	s25 =	simm.s32 $0x0;
	[sflag:s16] =	ssyncadd.s32 $0xFFFFFFC0  }
0x85: {  	[tilespmem:s17], [sflag:$0x2] =	stream.linear.gather [hbm4b:s5+s25], $0x8000, $0x38;
	[tilespmem:$0x18180] =	vst v63  }
0x86: {  	_ = 	snop  }
0x87: {  	[tilespmem:s18], [sflag:$0x4] =	stream.linear.gather [hbm4b:s6+s25], $0x40, $0x38;
	[tilespmem:$0x18180] =	vst v63  }
.LBB2_4:
0x88: {  	v34 =	vmov s25  }
0x89: {  	v34 =	vand.u32 $0xFFFFFFF8, v34  }
0x8a: {  	v34 =	vbroadcast v34, $0x0;
	_ =	sdelay $0x5  }
0x8b: {  	v34 =	vld.idx.msk [tilespmem:v34+s14+$0x0], $0xffff;
	_ =	sdelay $0x5  }
0x8c: {  	v35 =	vshll.u32 v34, $0x9;
	v36 =	vshll.u32 v34, $0x7  }
0x8d: {  	s26 =	sshll.u32 s25, $0x9;
	v35 =	vand.u32 $0xFFFFF000, v35;
	v36 =	vand.u32 $0x380, v36  }
0x8e: {  	s26 =	sand.u32 $0x3FFFFE00, s26;
	v36 =	vor.u32 v36, v35;
	[tilespmem:v34+s19+$0x0] =	vst.idx.add.f32.msk $0x1, v2  }
0x8f: {  	v35 =	vor.u32 v0, v36;
	v34 =	vld [tilespmem:s26+$0x0];
	_ =	sdelay $0x4  }
0x90: {  	[tilespmem:v35+s20+$0x0] =	vst.idx.add.f32.msk $0xffff, v34  }
0x91: {  	v45 =	vor.u32 v3, v36;
	v34 =	vld [tilespmem:s26+$0x10];
	_ =	sdelay $0x4  }
0x92: {  	[tilespmem:v45+s20+$0x0] =	vst.idx.add.f32.msk $0xffff, v34  }
0x93: {  	v46 =	vor.u32 v4, v36;
	v34 =	vld [tilespmem:s26+$0x20];
	_ =	sdelay $0x4  }
0x94: {  	[tilespmem:v46+s20+$0x0] =	vst.idx.add.f32.msk $0xffff, v34  }
0x95: {  	v47 =	vor.u32 v5, v36;
	v34 =	vld [tilespmem:s26+$0x30];
	_ =	sdelay $0x4  }
0x96: {  	[tilespmem:v47+s20+$0x0] =	vst.idx.add.f32.msk $0xffff, v34  }
0x97: {  	v48 =	vor.u32 v6, v36;
	v34 =	vld [tilespmem:s26+$0x40];
	_ =	sdelay $0x4  }
0x98: {  	[tilespmem:v48+s20+$0x0] =	vst.idx.add.f32.msk $0xffff, v34  }
0x99: {  	v49 =	vor.u32 v7, v36;
	v34 =	vld [tilespmem:s26+$0x50];
	_ =	sdelay $0x4  }
0x9a: {  	[tilespmem:v49+s20+$0x0] =	vst.idx.add.f32.msk $0xffff, v34  }
0x9b: {  	v50 =	vor.u32 v8, v36;
	v34 =	vld [tilespmem:s26+$0x60];
	_ =	sdelay $0x4  }
0x9c: {  	[tilespmem:v50+s20+$0x0] =	vst.idx.add.f32.msk $0xffff, v34  }
0x9d: {  	v51 =	vor.u32 v9, v36;
	v34 =	vld [tilespmem:s26+$0x70];
	_ =	sdelay $0x4  }
0x9e: {  	[tilespmem:v51+s20+$0x0] =	vst.idx.add.f32.msk $0xffff, v34  }
0x9f: {  	v52 =	vor.u32 v10, v36;
	v34 =	vld [tilespmem:s26+$0x400];
	_ =	sdelay $0x4  }
0xa0: {  	[tilespmem:v52+s20+$0x0] =	vst.idx.add.f32.msk $0xffff, v34  }
0xa1: {  	v53 =	vor.u32 v11, v36;
	v34 =	vld [tilespmem:s26+$0x410];
	_ =	sdelay $0x4  }
0xa2: {  	[tilespmem:v53+s20+$0x0] =	vst.idx.add.f32.msk $0xffff, v34  }
0xa3: {  	v54 =	vor.u32 v12, v36;
	v34 =	vld [tilespmem:s26+$0x420];
	_ =	sdelay $0x4  }
0xa4: {  	[tilespmem:v54+s20+$0x0] =	vst.idx.add.f32.msk $0xffff, v34  }
0xa5: {  	v55 =	vor.u32 v13, v36;
	v34 =	vld [tilespmem:s26+$0x430];
	_ =	sdelay $0x3  }
0xa6: {  	s28 =	sor.u32 $0x1, s25  }
0xa7: {  	v56 =	vmov s28;
	[tilespmem:v55+s20+$0x0] =	vst.idx.add.f32.msk $0xffff, v34  }
0xa8: {  	v37 =	vor.u32 v14, v36;
	v34 =	vand.u32 $0xFFFFFFF9, v56;
	v35 =	vld [tilespmem:s26+$0x440]  }
0xa9: {  	v34 =	vbroadcast v34, $0x0;
	_ =	sdelay $0x3  }
0xaa: {  	[tilespmem:v37+s20+$0x0] =	vst.idx.add.f32.msk $0xffff, v35  }
0xab: {  	v35 =	vld [tilespmem:s26+$0x450]  }
0xac: {  	v34 =	vld.idx.msk [tilespmem:v34+s14+$0x0], $0xffff  }
0xad: {  	v57 =	vor.u32 v15, v36;
	_ =	sdelay $0x4  }
0xae: {  	[tilespmem:v57+s20+$0x0] =	vst.idx.add.f32.msk $0xffff, v35;
	v58 =	vshll.u32 v34, $0x9;
	v59 =	vshll.u32 v34, $0x7  }
0xaf: {  	v39 =	vor.u32 v16, v36;
	v38 =	vld [tilespmem:s26+$0x460];
	v35 =	vand.u32 $0xFFFFF000, v58;
	v37 =	vand.u32 $0x380, v59  }
0xb0: {  	v37 =	vor.u32 v37, v35;
	[tilespmem:v34+s19+$0x0] =	vst.idx.add.f32.msk $0x1, v2  }
0xb1: {  	v35 =	vor.u32 v0, v37;
	v34 =	vld [tilespmem:s26+$0x80];
	_ =	sdelay $0x2  }
0xb2: {  	[tilespmem:v39+s20+$0x0] =	vst.idx.add.f32.msk $0xffff, v38  }
0xb3: {  	v60 =	vor.u32 v17, v36;
	v38 =	vld [tilespmem:s26+$0x470]  }
0xb4: {  	[tilespmem:v35+s20+$0x0] =	vst.idx.add.f32.msk $0xffff, v34  }
0xb5: {  	v61 =	vor.u32 v3, v37;
	v34 =	vld [tilespmem:s26+$0x90];
	_ =	sdelay $0x2  }
0xb6: {  	[tilespmem:v60+s20+$0x0] =	vst.idx.add.f32.msk $0xffff, v38  }
0xb7: {  	v62 =	vor.u32 v18, v36;
	v38 =	vld [tilespmem:s26+$0x800]  }
0xb8: {  	[tilespmem:v61+s20+$0x0] =	vst.idx.add.f32.msk $0xffff, v34  }
0xb9: {  	v63 =	vor.u32 v4, v37;
	v34 =	vld [tilespmem:s26+$0xA0];
	_ =	sdelay $0x2  }
0xba: {  	[tilespmem:v62+s20+$0x0] =	vst.idx.add.f32.msk $0xffff, v38  }
0xbb: {  	v42 =	vor.u32 v19, v36;
	v38 =	vld [tilespmem:s26+$0x810]  }
0xbc: {  	[tilespmem:v63+s20+$0x0] =	vst.idx.add.f32.msk $0xffff, v34  }
0xbd: {  	v43 =	vor.u32 v5, v37;
	v34 =	vld [tilespmem:s26+$0xB0];
	_ =	sdelay $0x2  }
0xbe: {  	[tilespmem:v42+s20+$0x0] =	vst.idx.add.f32.msk $0xffff, v38  }
0xbf: {  	v44 =	vor.u32 v20, v36;
	v38 =	vld [tilespmem:s26+$0x820]  }
0xc0: {  	[tilespmem:v43+s20+$0x0] =	vst.idx.add.f32.msk $0xffff, v34  }
0xc1: {  	v45 =	vor.u32 v6, v37;
	v34 =	vld [tilespmem:s26+$0xC0];
	_ =	sdelay $0x2  }
0xc2: {  	[tilespmem:v44+s20+$0x0] =	vst.idx.add.f32.msk $0xffff, v38  }
0xc3: {  	v46 =	vor.u32 v21, v36;
	v38 =	vld [tilespmem:s26+$0x830]  }
0xc4: {  	[tilespmem:v45+s20+$0x0] =	vst.idx.add.f32.msk $0xffff, v34  }
0xc5: {  	v47 =	vor.u32 v7, v37;
	v34 =	vld [tilespmem:s26+$0xD0];
	_ =	sdelay $0x2  }
0xc6: {  	[tilespmem:v46+s20+$0x0] =	vst.idx.add.f32.msk $0xffff, v38  }
0xc7: {  	v48 =	vor.u32 v22, v36;
	v38 =	vld [tilespmem:s26+$0x840]  }
0xc8: {  	[tilespmem:v47+s20+$0x0] =	vst.idx.add.f32.msk $0xffff, v34  }
0xc9: {  	v49 =	vor.u32 v8, v37;
	v34 =	vld [tilespmem:s26+$0xE0];
	_ =	sdelay $0x2  }
0xca: {  	[tilespmem:v48+s20+$0x0] =	vst.idx.add.f32.msk $0xffff, v38  }
0xcb: {  	v50 =	vor.u32 v23, v36;
	v38 =	vld [tilespmem:s26+$0x850]  }
0xcc: {  	[tilespmem:v49+s20+$0x0] =	vst.idx.add.f32.msk $0xffff, v34  }
0xcd: {  	v51 =	vor.u32 v9, v37;
	v34 =	vld [tilespmem:s26+$0xF0];
	_ =	sdelay $0x2  }
0xce: {  	[tilespmem:v50+s20+$0x0] =	vst.idx.add.f32.msk $0xffff, v38  }
0xcf: {  	v52 =	vor.u32 v24, v36;
	v38 =	vld [tilespmem:s26+$0x860]  }
0xd0: {  	[tilespmem:v51+s20+$0x0] =	vst.idx.add.f32.msk $0xffff, v34  }
0xd1: {  	v53 =	vor.u32 v10, v37;
	v34 =	vld [tilespmem:s26+$0x480];
	_ =	sdelay $0x2  }
0xd2: {  	[tilespmem:v52+s20+$0x0] =	vst.idx.add.f32.msk $0xffff, v38  }
0xd3: {  	v54 =	vor.u32 v25, v36;
	v38 =	vld [tilespmem:s26+$0x870]  }
0xd4: {  	[tilespmem:v53+s20+$0x0] =	vst.idx.add.f32.msk $0xffff, v34  }
0xd5: {  	v55 =	vor.u32 v11, v37;
	v34 =	vld [tilespmem:s26+$0x490];
	_ =	sdelay $0x2  }
0xd6: {  	s31 =	sor.u32 $0x2, s25;
	[tilespmem:v54+s20+$0x0] =	vst.idx.add.f32.msk $0xffff, v38  }
0xd7: {  	v40 =	vmov s31;
	v56 =	vor.u32 v26, v36;
	v38 =	vld [tilespmem:s26+$0xC00]  }
0xd8: {  	v57 =	vand.u32 $0xFFFFFFFA, v40;
	[tilespmem:v55+s20+$0x0] =	vst.idx.add.f32.msk $0xffff, v34  }
0xd9: {  	v58 =	vor.u32 v12, v37;
	v34 =	vbroadcast v57, $0x0;
	v35 =	vld [tilespmem:s26+$0x4A0];
	_ =	sdelay $0x2  }
0xda: {  	[tilespmem:v56+s20+$0x0] =	vst.idx.add.f32.msk $0xffff, v38  }
0xdb: {  	v38 =	vld [tilespmem:s26+$0xC10]  }
0xdc: {  	v59 =	vor.u32 v27, v36;
	[tilespmem:v58+s20+$0x0] =	vst.idx.add.f32.msk $0xffff, v35  }
0xdd: {  	v34 =	vld.idx.msk [tilespmem:v34+s14+$0x0], $0xffff  }
0xde: {  	v60 =	vor.u32 v13, v37;
	v35 =	vld [tilespmem:s26+$0x4B0];
	_ =	sdelay $0x2  }
0xdf: {  	[tilespmem:v59+s20+$0x0] =	vst.idx.add.f32.msk $0xffff, v38  }
0xe0: {  	v41 =	vor.u32 v28, v36;
	v39 =	vld [tilespmem:s26+$0xC20]  }
0xe1: {  	v61 =	vshll.u32 v34, $0x9;
	v62 =	vshll.u32 v34, $0x7;
	[tilespmem:v60+s20+$0x0] =	vst.idx.add.f32.msk $0xffff, v35  }
0xe2: {  	v42 =	vor.u32 v14, v37;
	v35 =	vand.u32 $0xFFFFF000, v61;
	v38 =	vand.u32 $0x380, v62;
	v40 =	vld [tilespmem:s26+$0x4C0]  }
0xe3: {  	v38 =	vor.u32 v38, v35;
	[tilespmem:v34+s19+$0x0] =	vst.idx.add.f32.msk $0x1, v2  }
0xe4: {  	v35 =	vor.u32 v0, v38;
	v34 =	vld [tilespmem:s26+$0x100]  }
0xe5: {  	[tilespmem:v41+s20+$0x0] =	vst.idx.add.f32.msk $0xffff, v39  }
0xe6: {  	v63 =	vor.u32 v29, v36;
	v39 =	vld [tilespmem:s26+$0xC30]  }
0xe7: {  	[tilespmem:v42+s20+$0x0] =	vst.idx.add.f32.msk $0xffff, v40  }
0xe8: {  	v45 =	vor.u32 v15, v37;
	v40 =	vld [tilespmem:s26+$0x4D0]  }
0xe9: {  	[tilespmem:v35+s20+$0x0] =	vst.idx.add.f32.msk $0xffff, v34  }
0xea: {  	v46 =	vor.u32 v3, v38;
	v34 =	vld [tilespmem:s26+$0x110]  }
0xeb: {  	[tilespmem:v63+s20+$0x0] =	vst.idx.add.f32.msk $0xffff, v39  }
0xec: {  	v47 =	vor.u32 v30, v36;
	v39 =	vld [tilespmem:s26+$0xC40]  }
0xed: {  	[tilespmem:v45+s20+$0x0] =	vst.idx.add.f32.msk $0xffff, v40  }
0xee: {  	v48 =	vor.u32 v16, v37;
	v40 =	vld [tilespmem:s26+$0x4E0]  }
0xef: {  	[tilespmem:v46+s20+$0x0] =	vst.idx.add.f32.msk $0xffff, v34  }
0xf0: {  	v49 =	vor.u32 v4, v38;
	v34 =	vld [tilespmem:s26+$0x120]  }
0xf1: {  	[tilespmem:v47+s20+$0x0] =	vst.idx.add.f32.msk $0xffff, v39  }
0xf2: {  	v50 =	vor.u32 v31, v36;
	v39 =	vld [tilespmem:s26+$0xC50]  }
0xf3: {  	s29 =	sor.u32 $0x3, s25;
	[tilespmem:v48+s20+$0x0] =	vst.idx.add.f32.msk $0xffff, v40  }
0xf4: {  	v43 =	vmov s29;
	v51 =	vor.u32 v17, v37;
	v40 =	vld [tilespmem:s26+$0x4F0]  }
0xf5: {  	v52 =	vand.u32 $0xFFFFFFFB, v43;
	[tilespmem:v49+s20+$0x0] =	vst.idx.add.f32.msk $0xffff, v34  }
0xf6: {  	v53 =	vor.u32 v5, v38;
	v34 =	vbroadcast v52, $0x0;
	v35 =	vld [tilespmem:s26+$0x130]  }
0xf7: {  	[tilespmem:v50+s20+$0x0] =	vst.idx.add.f32.msk $0xffff, v39  }
0xf8: {  	v39 =	vld [tilespmem:s26+$0xC60]  }
0xf9: {  	v54 =	vor.u32 v32, v36;
	[tilespmem:v51+s20+$0x0] =	vst.idx.add.f32.msk $0xffff, v40  }
0xfa: {  	v40 =	vld [tilespmem:s26+$0x880]  }
0xfb: {  	v55 =	vor.u32 v18, v37;
	[tilespmem:v53+s20+$0x0] =	vst.idx.add.f32.msk $0xffff, v35  }
0xfc: {  	v34 =	vld.idx.msk [tilespmem:v34+s14+$0x0], $0xffff  }
0xfd: {  	v56 =	vor.u32 v6, v38;
	v35 =	vld [tilespmem:s26+$0x140]  }
0xfe: {  	[tilespmem:v54+s20+$0x0] =	vst.idx.add.f32.msk $0xffff, v39  }
0xff: {  	v36 =	vor.u32 v33, v36;
	v39 =	vld [tilespmem:s26+$0xC70]  }
0x100: {  	[tilespmem:v55+s20+$0x0] =	vst.idx.add.f32.msk $0xffff, v40  }
0x101: {  	v40 =	vld [tilespmem:s26+$0x890]  }
0x102: {  	v57 =	vor.u32 v19, v37;
	[tilespmem:v56+s20+$0x0] =	vst.idx.add.f32.msk $0xffff, v35  }
0x103: {  	v58 =	vshll.u32 v34, $0x9;
	v59 =	vshll.u32 v34, $0x7;
	v43 =	vld [tilespmem:s26+$0x150]  }
0x104: {  	v44 =	vor.u32 v7, v38;
	v35 =	vand.u32 $0xFFFFF000, v58;
	v42 =	vand.u32 $0x380, v59;
	[tilespmem:v36+s20+$0x0] =	vst.idx.add.f32.msk $0xffff, v39  }
0x105: {  	[tilespmem:v34+s19+$0x0] =	vst.idx.add.f32.msk $0x1, v2;
	v34 =	vor.u32 v42, v35  }
0x106: {  	v60 =	vld [tilespmem:s26+$0x180];
	v42 =	vor.u32 v0, v34  }
0x107: {  	[tilespmem:v57+s20+$0x0] =	vst.idx.add.f32.msk $0xffff, v40  }
0x108: {  	v61 =	vor.u32 v20, v37;
	v40 =	vld [tilespmem:s26+$0x8A0]  }
0x109: {  	[tilespmem:v44+s20+$0x0] =	vst.idx.add.f32.msk $0xffff, v43  }
0x10a: {  	v62 =	vor.u32 v8, v38;
	v43 =	vld [tilespmem:s26+$0x160]  }
0x10b: {  	[tilespmem:v42+s20+$0x0] =	vst.idx.add.f32.msk $0xffff, v60  }
0x10c: {  	v63 =	vor.u32 v3, v34;
	v35 =	vld [tilespmem:s26+$0x190]  }
0x10d: {  	[tilespmem:v61+s20+$0x0] =	vst.idx.add.f32.msk $0xffff, v40  }
0x10e: {  	v48 =	vor.u32 v21, v37;
	v40 =	vld [tilespmem:s26+$0x8B0]  }
0x10f: {  	[tilespmem:v62+s20+$0x0] =	vst.idx.add.f32.msk $0xffff, v43  }
0x110: {  	v49 =	vor.u32 v9, v38;
	v43 =	vld [tilespmem:s26+$0x170]  }
0x111: {  	[tilespmem:v63+s20+$0x0] =	vst.idx.add.f32.msk $0xffff, v35  }
0x112: {  	v50 =	vor.u32 v4, v34;
	v35 =	vld [tilespmem:s26+$0x1A0]  }
0x113: {  	[tilespmem:v48+s20+$0x0] =	vst.idx.add.f32.msk $0xffff, v40  }
0x114: {  	v51 =	vor.u32 v22, v37;
	v40 =	vld [tilespmem:s26+$0x8C0]  }
0x115: {  	[tilespmem:v49+s20+$0x0] =	vst.idx.add.f32.msk $0xffff, v43  }
0x116: {  	v52 =	vor.u32 v10, v38;
	v43 =	vld [tilespmem:s26+$0x500]  }
0x117: {  	[tilespmem:v50+s20+$0x0] =	vst.idx.add.f32.msk $0xffff, v35  }
0x118: {  	v53 =	vor.u32 v5, v34;
	v35 =	vld [tilespmem:s26+$0x1B0]  }
0x119: {  	[tilespmem:v51+s20+$0x0] =	vst.idx.add.f32.msk $0xffff, v40  }
0x11a: {  	v54 =	vor.u32 v23, v37;
	v40 =	vld [tilespmem:s26+$0x8D0]  }
0x11b: {  	[tilespmem:v52+s20+$0x0] =	vst.idx.add.f32.msk $0xffff, v43  }
0x11c: {  	v55 =	vor.u32 v11, v38;
	v43 =	vld [tilespmem:s26+$0x510]  }
0x11d: {  	[tilespmem:v53+s20+$0x0] =	vst.idx.add.f32.msk $0xffff, v35  }
0x11e: {  	v56 =	vor.u32 v6, v34;
	v35 =	vld [tilespmem:s26+$0x1C0]  }
0x11f: {  	[tilespmem:v54+s20+$0x0] =	vst.idx.add.f32.msk $0xffff, v40  }
0x120: {  	v57 =	vor.u32 v24, v37;
	v40 =	vld [tilespmem:s26+$0x8E0]  }
0x121: {  	[tilespmem:v55+s20+$0x0] =	vst.idx.add.f32.msk $0xffff, v43  }
0x122: {  	v58 =	vor.u32 v12, v38;
	v43 =	vld [tilespmem:s26+$0x520]  }
0x123: {  	[tilespmem:v56+s20+$0x0] =	vst.idx.add.f32.msk $0xffff, v35  }
0x124: {  	v59 =	vor.u32 v7, v34;
	v35 =	vld [tilespmem:s26+$0x1D0]  }
0x125: {  	[tilespmem:v57+s20+$0x0] =	vst.idx.add.f32.msk $0xffff, v40  }
0x126: {  	v60 =	vor.u32 v25, v37;
	v40 =	vld [tilespmem:s26+$0x8F0]  }
0x127: {  	[tilespmem:v58+s20+$0x0] =	vst.idx.add.f32.msk $0xffff, v43  }
0x128: {  	v61 =	vor.u32 v13, v38;
	v43 =	vld [tilespmem:s26+$0x530]  }
0x129: {  	[tilespmem:v59+s20+$0x0] =	vst.idx.add.f32.msk $0xffff, v35  }
0x12a: {  	v62 =	vor.u32 v8, v34;
	v35 =	vld [tilespmem:s26+$0x1E0]  }
0x12b: {  	[tilespmem:v60+s20+$0x0] =	vst.idx.add.f32.msk $0xffff, v40  }
0x12c: {  	v63 =	vor.u32 v26, v37;
	v40 =	vld [tilespmem:s26+$0xC80]  }
0x12d: {  	[tilespmem:v61+s20+$0x0] =	vst.idx.add.f32.msk $0xffff, v43  }
0x12e: {  	v48 =	vor.u32 v14, v38;
	v43 =	vld [tilespmem:s26+$0x540]  }
0x12f: {  	[tilespmem:v62+s20+$0x0] =	vst.idx.add.f32.msk $0xffff, v35  }
0x130: {  	v49 =	vor.u32 v9, v34;
	v35 =	vld [tilespmem:s26+$0x1F0]  }
0x131: {  	[tilespmem:v63+s20+$0x0] =	vst.idx.add.f32.msk $0xffff, v40  }
0x132: {  	v50 =	vor.u32 v27, v37;
	v40 =	vld [tilespmem:s26+$0xC90]  }
0x133: {  	[tilespmem:v48+s20+$0x0] =	vst.idx.add.f32.msk $0xffff, v43  }
0x134: {  	v51 =	vor.u32 v15, v38;
	v43 =	vld [tilespmem:s26+$0x550]  }
0x135: {  	[tilespmem:v49+s20+$0x0] =	vst.idx.add.f32.msk $0xffff, v35  }
0x136: {  	v52 =	vor.u32 v10, v34;
	v35 =	vld [tilespmem:s26+$0x580]  }
0x137: {  	[tilespmem:v50+s20+$0x0] =	vst.idx.add.f32.msk $0xffff, v40  }
0x138: {  	v53 =	vor.u32 v28, v37;
	v40 =	vld [tilespmem:s26+$0xCA0]  }
0x139: {  	[tilespmem:v51+s20+$0x0] =	vst.idx.add.f32.msk $0xffff, v43  }
0x13a: {  	v54 =	vor.u32 v16, v38;
	v43 =	vld [tilespmem:s26+$0x560]  }
0x13b: {  	[tilespmem:v52+s20+$0x0] =	vst.idx.add.f32.msk $0xffff, v35  }
0x13c: {  	v55 =	vor.u32 v11, v34;
	v35 =	vld [tilespmem:s26+$0x590]  }
0x13d: {  	[tilespmem:v53+s20+$0x0] =	vst.idx.add.f32.msk $0xffff, v40  }
0x13e: {  	v56 =	vor.u32 v29, v37;
	v40 =	vld [tilespmem:s26+$0xCB0]  }
0x13f: {  	[tilespmem:v54+s20+$0x0] =	vst.idx.add.f32.msk $0xffff, v43  }
0x140: {  	v57 =	vor.u32 v17, v38;
	v43 =	vld [tilespmem:s26+$0x570]  }
0x141: {  	[tilespmem:v55+s20+$0x0] =	vst.idx.add.f32.msk $0xffff, v35  }
0x142: {  	v58 =	vor.u32 v12, v34;
	v35 =	vld [tilespmem:s26+$0x5A0]  }
0x143: {  	[tilespmem:v56+s20+$0x0] =	vst.idx.add.f32.msk $0xffff, v40  }
0x144: {  	v59 =	vor.u32 v30, v37;
	v40 =	vld [tilespmem:s26+$0xCC0]  }
0x145: {  	[tilespmem:v57+s20+$0x0] =	vst.idx.add.f32.msk $0xffff, v43  }
0x146: {  	v60 =	vor.u32 v18, v38;
	v43 =	vld [tilespmem:s26+$0x900]  }
0x147: {  	[tilespmem:v58+s20+$0x0] =	vst.idx.add.f32.msk $0xffff, v35  }
0x148: {  	v61 =	vor.u32 v13, v34;
	v35 =	vld [tilespmem:s26+$0x5B0]  }
0x149: {  	[tilespmem:v59+s20+$0x0] =	vst.idx.add.f32.msk $0xffff, v40  }
0x14a: {  	v62 =	vor.u32 v31, v37;
	v40 =	vld [tilespmem:s26+$0xCD0]  }
0x14b: {  	s30 =	sor.u32 $0x4, s25;
	[tilespmem:v60+s20+$0x0] =	vst.idx.add.f32.msk $0xffff, v43  }
0x14c: {  	v45 =	vmov s30;
	v63 =	vor.u32 v19, v38;
	v43 =	vld [tilespmem:s26+$0x910]  }
0x14d: {  	v48 =	vand.u32 $0xFFFFFFFC, v45;
	[tilespmem:v61+s20+$0x0] =	vst.idx.add.f32.msk $0xffff, v35  }
0x14e: {  	v49 =	vor.u32 v14, v34;
	v35 =	vbroadcast v48, $0x0;
	v42 =	vld [tilespmem:s26+$0x5C0]  }
0x14f: {  	[tilespmem:v62+s20+$0x0] =	vst.idx.add.f32.msk $0xffff, v40  }
0x150: {  	v40 =	vld [tilespmem:s26+$0xCE0]  }
0x151: {  	v50 =	vor.u32 v32, v37;
	[tilespmem:v63+s20+$0x0] =	vst.idx.add.f32.msk $0xffff, v43  }
0x152: {  	v43 =	vld [tilespmem:s26+$0x920]  }
0x153: {  	v51 =	vor.u32 v20, v38;
	[tilespmem:v49+s20+$0x0] =	vst.idx.add.f32.msk $0xffff, v42  }
0x154: {  	v35 =	vld.idx.msk [tilespmem:v35+s14+$0x0], $0xffff  }
0x155: {  	v52 =	vor.u32 v15, v34;
	v42 =	vld [tilespmem:s26+$0x5D0]  }
0x156: {  	[tilespmem:v50+s20+$0x0] =	vst.idx.add.f32.msk $0xffff, v40  }
0x157: {  	v40 =	vld [tilespmem:s26+$0xCF0]  }
0x158: {  	v37 =	vor.u32 v33, v37;
	[tilespmem:v51+s20+$0x0] =	vst.idx.add.f32.msk $0xffff, v43  }
0x159: {  	v53 =	vld [tilespmem:s26+$0x930]  }
0x15a: {  	v54 =	vor.u32 v21, v38;
	[tilespmem:v52+s20+$0x0] =	vst.idx.add.f32.msk $0xffff, v42  }
0x15b: {  	v55 =	vshll.u32 v35, $0x9;
	v56 =	vshll.u32 v35, $0x7;
	v45 =	vld [tilespmem:s26+$0x5E0]  }
0x15c: {  	v46 =	vor.u32 v16, v34;
	v42 =	vand.u32 $0xFFFFF000, v55;
	v44 =	vand.u32 $0x380, v56;
	[tilespmem:v35+s19+$0x0] =	vst.idx.add.f32.msk $0x1, v2  }
0x15d: {  	v35 =	vor.u32 v44, v42;
	[tilespmem:v37+s20+$0x0] =	vst.idx.add.f32.msk $0xffff, v40  }
0x15e: {  	v57 =	vld [tilespmem:s26+$0x200];
	v44 =	vor.u32 v0, v35  }
0x15f: {  	[tilespmem:v54+s20+$0x0] =	vst.idx.add.f32.msk $0xffff, v53  }
0x160: {  	v58 =	vor.u32 v22, v38;
	v41 =	vld [tilespmem:s26+$0x940]  }
0x161: {  	[tilespmem:v46+s20+$0x0] =	vst.idx.add.f32.msk $0xffff, v45  }
0x162: {  	v59 =	vor.u32 v17, v34;
	v45 =	vld [tilespmem:s26+$0x5F0]  }
0x163: {  	[tilespmem:v44+s20+$0x0] =	vst.idx.add.f32.msk $0xffff, v57  }
0x164: {  	v60 =	vor.u32 v3, v35;
	v42 =	vld [tilespmem:s26+$0x210]  }
0x165: {  	[tilespmem:v58+s20+$0x0] =	vst.idx.add.f32.msk $0xffff, v41  }
0x166: {  	v61 =	vor.u32 v23, v38;
	v41 =	vld [tilespmem:s26+$0x950]  }
0x167: {  	[tilespmem:v59+s20+$0x0] =	vst.idx.add.f32.msk $0xffff, v45  }
0x168: {  	v62 =	vor.u32 v18, v34;
	v45 =	vld [tilespmem:s26+$0x980]  }
0x169: {  	[tilespmem:v60+s20+$0x0] =	vst.idx.add.f32.msk $0xffff, v42  }
0x16a: {  	v63 =	vor.u32 v4, v35;
	v42 =	vld [tilespmem:s26+$0x220]  }
0x16b: {  	[tilespmem:v61+s20+$0x0] =	vst.idx.add.f32.msk $0xffff, v41  }
0x16c: {  	v48 =	vor.u32 v24, v38;
	v41 =	vld [tilespmem:s26+$0x960]  }
0x16d: {  	[tilespmem:v62+s20+$0x0] =	vst.idx.add.f32.msk $0xffff, v45  }
0x16e: {  	v49 =	vor.u32 v19, v34;
	v45 =	vld [tilespmem:s26+$0x990]  }
0x16f: {  	[tilespmem:v63+s20+$0x0] =	vst.idx.add.f32.msk $0xffff, v42  }
0x170: {  	v50 =	vor.u32 v5, v35;
	v42 =	vld [tilespmem:s26+$0x230]  }
0x171: {  	[tilespmem:v48+s20+$0x0] =	vst.idx.add.f32.msk $0xffff, v41  }
0x172: {  	v51 =	vor.u32 v25, v38;
	v41 =	vld [tilespmem:s26+$0x970]  }
0x173: {  	[tilespmem:v49+s20+$0x0] =	vst.idx.add.f32.msk $0xffff, v45  }
0x174: {  	v52 =	vor.u32 v20, v34;
	v45 =	vld [tilespmem:s26+$0x9A0]  }
0x175: {  	[tilespmem:v50+s20+$0x0] =	vst.idx.add.f32.msk $0xffff, v42  }
0x176: {  	v53 =	vor.u32 v6, v35;
	v42 =	vld [tilespmem:s26+$0x240]  }
0x177: {  	[tilespmem:v51+s20+$0x0] =	vst.idx.add.f32.msk $0xffff, v41  }
0x178: {  	v54 =	vor.u32 v26, v38;
	v41 =	vld [tilespmem:s26+$0xD00]  }
0x179: {  	[tilespmem:v52+s20+$0x0] =	vst.idx.add.f32.msk $0xffff, v45  }
0x17a: {  	v55 =	vor.u32 v21, v34;
	v45 =	vld [tilespmem:s26+$0x9B0]  }
0x17b: {  	[tilespmem:v53+s20+$0x0] =	vst.idx.add.f32.msk $0xffff, v42  }
0x17c: {  	v56 =	vor.u32 v7, v35;
	v42 =	vld [tilespmem:s26+$0x250]  }
0x17d: {  	[tilespmem:v54+s20+$0x0] =	vst.idx.add.f32.msk $0xffff, v41  }
0x17e: {  	v57 =	vor.u32 v27, v38;
	v41 =	vld [tilespmem:s26+$0xD10]  }
0x17f: {  	[tilespmem:v55+s20+$0x0] =	vst.idx.add.f32.msk $0xffff, v45  }
0x180: {  	v58 =	vor.u32 v22, v34;
	v45 =	vld [tilespmem:s26+$0x9C0]  }
0x181: {  	[tilespmem:v56+s20+$0x0] =	vst.idx.add.f32.msk $0xffff, v42  }
0x182: {  	v59 =	vor.u32 v8, v35;
	v42 =	vld [tilespmem:s26+$0x260]  }
0x183: {  	[tilespmem:v57+s20+$0x0] =	vst.idx.add.f32.msk $0xffff, v41  }
0x184: {  	v60 =	vor.u32 v28, v38;
	v41 =	vld [tilespmem:s26+$0xD20]  }
0x185: {  	[tilespmem:v58+s20+$0x0] =	vst.idx.add.f32.msk $0xffff, v45  }
0x186: {  	v61 =	vor.u32 v23, v34;
	v45 =	vld [tilespmem:s26+$0x9D0]  }
0x187: {  	[tilespmem:v59+s20+$0x0] =	vst.idx.add.f32.msk $0xffff, v42  }
0x188: {  	v62 =	vor.u32 v9, v35;
	v42 =	vld [tilespmem:s26+$0x270]  }
0x189: {  	[tilespmem:v60+s20+$0x0] =	vst.idx.add.f32.msk $0xffff, v41  }
0x18a: {  	v63 =	vor.u32 v29, v38;
	v41 =	vld [tilespmem:s26+$0xD30]  }
0x18b: {  	s31 =	sor.u32 $0x5, s25;
	[tilespmem:v61+s20+$0x0] =	vst.idx.add.f32.msk $0xffff, v45  }
0x18c: {  	v48 =	vor.u32 v24, v34;
	v49 =	vmov s31;
	v45 =	vld [tilespmem:s26+$0x9E0]  }
0x18d: {  	[tilespmem:v62+s20+$0x0] =	vst.idx.add.f32.msk $0xffff, v42;
	v42 =	vand.u32 $0xFFFFFFFD, v49  }
0x18e: {  	v47 =	vor.u32 v10, v35;
	v44 =	vld [tilespmem:s26+$0x600];
	v50 =	vbroadcast v42, $0x0  }
0x18f: {  	[tilespmem:v63+s20+$0x0] =	vst.idx.add.f32.msk $0xffff, v41  }
0x190: {  	v51 =	vld [tilespmem:s26+$0xD40]  }
0x191: {  	v53 =	vor.u32 v30, v38;
	[tilespmem:v48+s20+$0x0] =	vst.idx.add.f32.msk $0xffff, v45  }
0x192: {  	v52 =	vld [tilespmem:s26+$0x9F0]  }
0x193: {  	v54 =	vor.u32 v25, v34;
	[tilespmem:v47+s20+$0x0] =	vst.idx.add.f32.msk $0xffff, v44  }
0x194: {  	v41 =	vld.idx.msk [tilespmem:v50+s14+$0x0], $0xffff  }
0x195: {  	v56 =	vor.u32 v11, v35;
	v55 =	vld [tilespmem:s26+$0x610]  }
0x196: {  	[tilespmem:v53+s20+$0x0] =	vst.idx.add.f32.msk $0xffff, v51  }
0x197: {  	v49 =	vld [tilespmem:s26+$0xD50]  }
0x198: {  	[tilespmem:v54+s20+$0x0] =	vst.idx.add.f32.msk $0xffff, v52  }
0x199: {  	v62 =	vor.u32 v26, v34;
	v61 =	vld [tilespmem:s26+$0xD80]  }
0x19a: {  	[tilespmem:v56+s20+$0x0] =	vst.idx.add.f32.msk $0xffff, v55  }
0x19b: {  	v58 =	vor.u32 v12, v35;
	v59 =	vshll.u32 v41, $0x9;
	v60 =	vshll.u32 v41, $0x7;
	v57 =	vld [tilespmem:s26+$0x620]  }
0x19c: {  	v36 =	vand.u32 $0xFFFFF000, v59;
	v40 =	vand.u32 $0x380, v60;
	[tilespmem:v41+s19+$0x0] =	vst.idx.add.f32.msk $0x1, v2  }
0x19d: {  	v51 =	vor.u32 v31, v38;
	v36 =	vor.u32 v40, v36;
	v63 =	vld [tilespmem:s26+$0x280]  }
0x19e: {  	v48 =	vor.u32 v0, v36;
	[tilespmem:v62+s20+$0x0] =	vst.idx.add.f32.msk $0xffff, v61  }
0x19f: {  	v43 =	vld [tilespmem:s26+$0xD90]  }
0x1a0: {  	v53 =	vor.u32 v27, v34;
	[tilespmem:v58+s20+$0x0] =	vst.idx.add.f32.msk $0xffff, v57  }
0x1a1: {  	v50 =	vor.u32 v13, v35;
	v37 =	vld [tilespmem:s26+$0x630]  }
0x1a2: {  	[tilespmem:v51+s20+$0x0] =	vst.idx.add.f32.msk $0xffff, v49  }
0x1a3: {  	[tilespmem:v48+s20+$0x0] =	vst.idx.add.f32.msk $0xffff, v63  }
0x1a4: {  	v52 =	vor.u32 v3, v36;
	v40 =	vld [tilespmem:s26+$0x290]  }
0x1a5: {  	[tilespmem:v53+s20+$0x0] =	vst.idx.add.f32.msk $0xffff, v43  }
0x1a6: {  	[tilespmem:v50+s20+$0x0] =	vst.idx.add.f32.msk $0xffff, v37  }
0x1a7: {  	v54 =	vor.u32 v14, v35;
	v37 =	vld [tilespmem:s26+$0x640]  }
0x1a8: {  	v57 =	vld [tilespmem:s26+$0xDA0]  }
0x1a9: {  	v58 =	vor.u32 v28, v34;
	[tilespmem:v52+s20+$0x0] =	vst.idx.add.f32.msk $0xffff, v40  }
0x1aa: {  	v55 =	vor.u32 v4, v36;
	v40 =	vld [tilespmem:s26+$0x2A0]  }
0x1ab: {  	v44 =	vld [tilespmem:s26+$0xD60]  }
0x1ac: {  	[tilespmem:v54+s20+$0x0] =	vst.idx.add.f32.msk $0xffff, v37  }
0x1ad: {  	v56 =	vor.u32 v15, v35;
	v37 =	vld [tilespmem:s26+$0x650]  }
0x1ae: {  	[tilespmem:v58+s20+$0x0] =	vst.idx.add.f32.msk $0xffff, v57  }
0x1af: {  	v61 =	vor.u32 v32, v38;
	[tilespmem:v55+s20+$0x0] =	vst.idx.add.f32.msk $0xffff, v40  }
0x1b0: {  	v59 =	vor.u32 v5, v36;
	v40 =	vld [tilespmem:s26+$0x2B0]  }
0x1b1: {  	v43 =	vld [tilespmem:s26+$0xDB0]  }
0x1b2: {  	v63 =	vor.u32 v29, v34;
	[tilespmem:v56+s20+$0x0] =	vst.idx.add.f32.msk $0xffff, v37  }
0x1b3: {  	v60 =	vor.u32 v16, v35;
	v37 =	vld [tilespmem:s26+$0x660]  }
0x1b4: {  	[tilespmem:v61+s20+$0x0] =	vst.idx.add.f32.msk $0xffff, v44  }
0x1b5: {  	[tilespmem:v59+s20+$0x0] =	vst.idx.add.f32.msk $0xffff, v40  }
0x1b6: {  	v62 =	vor.u32 v6, v36;
	v40 =	vld [tilespmem:s26+$0x2C0]  }
0x1b7: {  	[tilespmem:v63+s20+$0x0] =	vst.idx.add.f32.msk $0xffff, v43  }
0x1b8: {  	[tilespmem:v60+s20+$0x0] =	vst.idx.add.f32.msk $0xffff, v37  }
0x1b9: {  	v46 =	vor.u32 v17, v35;
	v37 =	vld [tilespmem:s26+$0x670]  }
0x1ba: {  	v49 =	vld [tilespmem:s26+$0xDC0]  }
0x1bb: {  	v50 =	vor.u32 v30, v34;
	[tilespmem:v62+s20+$0x0] =	vst.idx.add.f32.msk $0xffff, v40  }
0x1bc: {  	v47 =	vor.u32 v7, v36;
	v40 =	vld [tilespmem:s26+$0x2D0]  }
0x1bd: {  	v44 =	vld [tilespmem:s26+$0xD70]  }
0x1be: {  	[tilespmem:v46+s20+$0x0] =	vst.idx.add.f32.msk $0xffff, v37  }
0x1bf: {  	v48 =	vor.u32 v18, v35;
	v37 =	vld [tilespmem:s26+$0xA00]  }
0x1c0: {  	[tilespmem:v50+s20+$0x0] =	vst.idx.add.f32.msk $0xffff, v49  }
0x1c1: {  	v38 =	vor.u32 v33, v38;
	[tilespmem:v47+s20+$0x0] =	vst.idx.add.f32.msk $0xffff, v40  }
0x1c2: {  	v51 =	vor.u32 v8, v36;
	v40 =	vld [tilespmem:s26+$0x2E0]  }
0x1c3: {  	v42 =	vld [tilespmem:s26+$0xDD0]  }
0x1c4: {  	v54 =	vor.u32 v31, v34;
	[tilespmem:v48+s20+$0x0] =	vst.idx.add.f32.msk $0xffff, v37  }
0x1c5: {  	v52 =	vor.u32 v19, v35;
	v37 =	vld [tilespmem:s26+$0xA10]  }
0x1c6: {  	s29 =	sor.u32 $0x6, s25;
	[tilespmem:v38+s20+$0x0] =	vst.idx.add.f32.msk $0xffff, v44  }
0x1c7: {  	v56 =	vmov s29;
	[tilespmem:v51+s20+$0x0] =	vst.idx.add.f32.msk $0xffff, v40  }
0x1c8: {  	v53 =	vor.u32 v9, v36;
	v38 =	vand.u32 $0xFFFFFFFE, v56;
	v40 =	vld [tilespmem:s26+$0x2F0]  }
0x1c9: {  	v38 =	vbroadcast v38, $0x0;
	[tilespmem:v54+s20+$0x0] =	vst.idx.add.f32.msk $0xffff, v42  }
0x1ca: {  	[tilespmem:v52+s20+$0x0] =	vst.idx.add.f32.msk $0xffff, v37  }
0x1cb: {  	v55 =	vor.u32 v20, v35;
	v37 =	vld [tilespmem:s26+$0xA20]  }
0x1cc: {  	v42 =	vld [tilespmem:s26+$0xDE0]  }
0x1cd: {  	v61 =	vor.u32 v32, v34;
	[tilespmem:v53+s20+$0x0] =	vst.idx.add.f32.msk $0xffff, v40  }
0x1ce: {  	s30 =	sor.u32 $0x7, s25;
	v57 =	vor.u32 v10, v36;
	v40 =	vld [tilespmem:s26+$0x680]  }
0x1cf: {  	v59 =	vmov s30;
	v38 =	vld.idx.msk [tilespmem:v38+s14+$0x0], $0xffff  }
0x1d0: {  	[tilespmem:v55+s20+$0x0] =	vst.idx.add.f32.msk $0xffff, v37  }
0x1d1: {  	v58 =	vor.u32 v21, v35;
	v37 =	vld [tilespmem:s26+$0xA30]  }
0x1d2: {  	[tilespmem:v61+s20+$0x0] =	vst.idx.add.f32.msk $0xffff, v42  }
0x1d3: {  	[tilespmem:v57+s20+$0x0] =	vst.idx.add.f32.msk $0xffff, v40  }
0x1d4: {  	v40 =	vld.idx.msk [tilespmem:v59+s14+$0x0], $0xffff  }
0x1d5: {  	v60 =	vor.u32 v11, v36;
	v41 =	vld [tilespmem:s26+$0x690]  }
0x1d6: {  	[tilespmem:v58+s20+$0x0] =	vst.idx.add.f32.msk $0xffff, v37  }
0x1d7: {  	v62 =	vor.u32 v22, v35;
	v37 =	vld [tilespmem:s26+$0xA40]  }
0x1d8: {  	[tilespmem:v38+s19+$0x0] =	vst.idx.add.f32.msk $0x1, v2  }
0x1d9: {  	v52 =	vld [tilespmem:s26+$0x300]  }
0x1da: {  	v49 =	vshll.u32 v38, $0x7;
	v48 =	vshll.u32 v38, $0x9;
	[tilespmem:v60+s20+$0x0] =	vst.idx.add.f32.msk $0xffff, v41  }
0x1db: {  	v63 =	vor.u32 v12, v36;
	v50 =	vand.u32 $0xFFFFF000, v48;
	v51 =	vand.u32 $0x380, v49;
	v41 =	vld [tilespmem:s26+$0x6A0]  }
0x1dc: {  	[tilespmem:v62+s20+$0x0] =	vst.idx.add.f32.msk $0xffff, v37;
	v37 =	vor.u32 v51, v50  }
0x1dd: {  	v54 =	vshll.u32 v40, $0x9;
	v55 =	vshll.u32 v40, $0x7;
	[tilespmem:v40+s19+$0x0] =	vst.idx.add.f32.msk $0x1, v2;
	v53 =	vor.u32 v0, v37  }
0x1de: {  	v61 =	vor.u32 v23, v35;
	v38 =	vand.u32 $0xFFFFF000, v54;
	v56 =	vand.u32 $0x380, v55;
	v59 =	vld [tilespmem:s26+$0xA50]  }
0x1df: {  	v38 =	vor.u32 v56, v38;
	v40 =	vld [tilespmem:s26+$0x380]  }
0x1e0: {  	[tilespmem:v63+s20+$0x0] =	vst.idx.add.f32.msk $0xffff, v41;
	v41 =	vor.u32 v0, v38  }
0x1e1: {  	v43 =	vld [tilespmem:s26+$0x6B0]  }
0x1e2: {  	[tilespmem:v53+s20+$0x0] =	vst.idx.add.f32.msk $0xffff, v52  }
0x1e3: {  	v57 =	vor.u32 v13, v36;
	[tilespmem:v61+s20+$0x0] =	vst.idx.add.f32.msk $0xffff, v59  }
0x1e4: {  	v58 =	vor.u32 v3, v37;
	v39 =	vld [tilespmem:s26+$0x310]  }
0x1e5: {  	[tilespmem:v41+s20+$0x0] =	vst.idx.add.f32.msk $0xffff, v40  }
0x1e6: {  	v60 =	vor.u32 v3, v38;
	v40 =	vld [tilespmem:s26+$0x390]  }
0x1e7: {  	v45 =	vld [tilespmem:s26+$0xA60]  }
0x1e8: {  	[tilespmem:v57+s20+$0x0] =	vst.idx.add.f32.msk $0xffff, v43  }
0x1e9: {  	v55 =	vor.u32 v24, v35;
	[tilespmem:v58+s20+$0x0] =	vst.idx.add.f32.msk $0xffff, v39  }
0x1ea: {  	v62 =	vor.u32 v4, v37;
	v39 =	vld [tilespmem:s26+$0x320]  }
0x1eb: {  	[tilespmem:v60+s20+$0x0] =	vst.idx.add.f32.msk $0xffff, v40  }
0x1ec: {  	v48 =	vor.u32 v4, v38;
	v40 =	vld [tilespmem:s26+$0x3A0]  }
0x1ed: {  	v44 =	vld [tilespmem:s26+$0x6C0]  }
0x1ee: {  	v63 =	vor.u32 v14, v36;
	[tilespmem:v55+s20+$0x0] =	vst.idx.add.f32.msk $0xffff, v45  }
0x1ef: {  	[tilespmem:v62+s20+$0x0] =	vst.idx.add.f32.msk $0xffff, v39  }
0x1f0: {  	v49 =	vor.u32 v5, v37;
	v39 =	vld [tilespmem:s26+$0x330]  }
0x1f1: {  	[tilespmem:v48+s20+$0x0] =	vst.idx.add.f32.msk $0xffff, v40  }
0x1f2: {  	v50 =	vor.u32 v5, v38;
	v40 =	vld [tilespmem:s26+$0x3B0]  }
0x1f3: {  	[tilespmem:v63+s20+$0x0] =	vst.idx.add.f32.msk $0xffff, v44  }
0x1f4: {  	v52 =	vor.u32 v15, v36;
	v51 =	vld [tilespmem:s26+$0x6D0]  }
0x1f5: {  	[tilespmem:v49+s20+$0x0] =	vst.idx.add.f32.msk $0xffff, v39  }
0x1f6: {  	v53 =	vor.u32 v6, v37;
	v39 =	vld [tilespmem:s26+$0x340]  }
0x1f7: {  	[tilespmem:v50+s20+$0x0] =	vst.idx.add.f32.msk $0xffff, v40  }
0x1f8: {  	v54 =	vor.u32 v6, v38;
	v40 =	vld [tilespmem:s26+$0x3C0]  }
0x1f9: {  	[tilespmem:v52+s20+$0x0] =	vst.idx.add.f32.msk $0xffff, v51  }
0x1fa: {  	v44 =	vld [tilespmem:s26+$0x6E0]  }
0x1fb: {  	v57 =	vor.u32 v16, v36;
	[tilespmem:v53+s20+$0x0] =	vst.idx.add.f32.msk $0xffff, v39  }
0x1fc: {  	v56 =	vor.u32 v7, v37;
	v39 =	vld [tilespmem:s26+$0x350]  }
0x1fd: {  	[tilespmem:v54+s20+$0x0] =	vst.idx.add.f32.msk $0xffff, v40  }
0x1fe: {  	v58 =	vor.u32 v7, v38;
	v40 =	vld [tilespmem:s26+$0x3D0]  }
0x1ff: {  	v45 =	vld [tilespmem:s26+$0xA70]  }
0x200: {  	[tilespmem:v57+s20+$0x0] =	vst.idx.add.f32.msk $0xffff, v44  }
0x201: {  	v49 =	vor.u32 v25, v35;
	[tilespmem:v56+s20+$0x0] =	vst.idx.add.f32.msk $0xffff, v39  }
0x202: {  	v59 =	vor.u32 v8, v37;
	v39 =	vld [tilespmem:s26+$0x360]  }
0x203: {  	[tilespmem:v58+s20+$0x0] =	vst.idx.add.f32.msk $0xffff, v40  }
0x204: {  	v60 =	vor.u32 v8, v38;
	v40 =	vld [tilespmem:s26+$0x3E0]  }
0x205: {  	v61 =	vld [tilespmem:s26+$0x6F0]  }
0x206: {  	v62 =	vor.u32 v17, v36;
	[tilespmem:v49+s20+$0x0] =	vst.idx.add.f32.msk $0xffff, v45  }
0x207: {  	[tilespmem:v59+s20+$0x0] =	vst.idx.add.f32.msk $0xffff, v39  }
0x208: {  	v63 =	vor.u32 v9, v37;
	v39 =	vld [tilespmem:s26+$0x370]  }
0x209: {  	[tilespmem:v60+s20+$0x0] =	vst.idx.add.f32.msk $0xffff, v40  }
0x20a: {  	v48 =	vor.u32 v9, v38;
	v40 =	vld [tilespmem:s26+$0x3F0]  }
0x20b: {  	[tilespmem:v62+s20+$0x0] =	vst.idx.add.f32.msk $0xffff, v61  }
0x20c: {  	v51 =	vor.u32 v18, v36;
	v44 =	vld [tilespmem:s26+$0xA80]  }
0x20d: {  	[tilespmem:v63+s20+$0x0] =	vst.idx.add.f32.msk $0xffff, v39  }
0x20e: {  	v50 =	vor.u32 v10, v37;
	v39 =	vld [tilespmem:s26+$0x700]  }
0x20f: {  	[tilespmem:v48+s20+$0x0] =	vst.idx.add.f32.msk $0xffff, v40  }
0x210: {  	v52 =	vor.u32 v10, v38;
	v40 =	vld [tilespmem:s26+$0x780]  }
0x211: {  	[tilespmem:v51+s20+$0x0] =	vst.idx.add.f32.msk $0xffff, v44  }
0x212: {  	v55 =	vld [tilespmem:s26+$0xA90]  }
0x213: {  	v56 =	vor.u32 v19, v36;
	[tilespmem:v50+s20+$0x0] =	vst.idx.add.f32.msk $0xffff, v39  }
0x214: {  	v53 =	vor.u32 v11, v37;
	v39 =	vld [tilespmem:s26+$0x710]  }
0x215: {  	[tilespmem:v52+s20+$0x0] =	vst.idx.add.f32.msk $0xffff, v40  }
0x216: {  	v54 =	vor.u32 v11, v38;
	v40 =	vld [tilespmem:s26+$0x790]  }
0x217: {  	v45 =	vld [tilespmem:s26+$0xE00]  }
0x218: {  	[tilespmem:v56+s20+$0x0] =	vst.idx.add.f32.msk $0xffff, v55  }
0x219: {  	v59 =	vor.u32 v26, v35;
	[tilespmem:v53+s20+$0x0] =	vst.idx.add.f32.msk $0xffff, v39  }
0x21a: {  	v57 =	vor.u32 v12, v37;
	v39 =	vld [tilespmem:s26+$0x720]  }
0x21b: {  	[tilespmem:v54+s20+$0x0] =	vst.idx.add.f32.msk $0xffff, v40  }
0x21c: {  	v58 =	vor.u32 v12, v38;
	v40 =	vld [tilespmem:s26+$0x7A0]  }
0x21d: {  	v44 =	vld [tilespmem:s26+$0xAA0]  }
0x21e: {  	v61 =	vor.u32 v20, v36;
	[tilespmem:v59+s20+$0x0] =	vst.idx.add.f32.msk $0xffff, v45  }
0x21f: {  	[tilespmem:v57+s20+$0x0] =	vst.idx.add.f32.msk $0xffff, v39  }
0x220: {  	v60 =	vor.u32 v13, v37;
	v39 =	vld [tilespmem:s26+$0x730]  }
0x221: {  	[tilespmem:v58+s20+$0x0] =	vst.idx.add.f32.msk $0xffff, v40  }
0x222: {  	v62 =	vor.u32 v13, v38;
	v40 =	vld [tilespmem:s26+$0x7B0]  }
0x223: {  	[tilespmem:v61+s20+$0x0] =	vst.idx.add.f32.msk $0xffff, v44  }
0x224: {  	v49 =	vld [tilespmem:s26+$0xAB0]  }
0x225: {  	v50 =	vor.u32 v21, v36;
	[tilespmem:v60+s20+$0x0] =	vst.idx.add.f32.msk $0xffff, v39  }
0x226: {  	v63 =	vor.u32 v14, v37;
	v39 =	vld [tilespmem:s26+$0x740]  }
0x227: {  	[tilespmem:v62+s20+$0x0] =	vst.idx.add.f32.msk $0xffff, v40  }
0x228: {  	v48 =	vor.u32 v14, v38;
	v40 =	vld [tilespmem:s26+$0x7C0]  }
0x229: {  	v45 =	vld [tilespmem:s26+$0xE10]  }
0x22a: {  	[tilespmem:v50+s20+$0x0] =	vst.idx.add.f32.msk $0xffff, v49  }
0x22b: {  	v53 =	vor.u32 v27, v35;
	[tilespmem:v63+s20+$0x0] =	vst.idx.add.f32.msk $0xffff, v39  }
0x22c: {  	v51 =	vor.u32 v15, v37;
	v39 =	vld [tilespmem:s26+$0x750]  }
0x22d: {  	[tilespmem:v48+s20+$0x0] =	vst.idx.add.f32.msk $0xffff, v40  }
0x22e: {  	v52 =	vor.u32 v15, v38;
	v40 =	vld [tilespmem:s26+$0x7D0]  }
0x22f: {  	v44 =	vld [tilespmem:s26+$0xAC0]  }
0x230: {  	v55 =	vor.u32 v22, v36;
	[tilespmem:v53+s20+$0x0] =	vst.idx.add.f32.msk $0xffff, v45  }
0x231: {  	[tilespmem:v51+s20+$0x0] =	vst.idx.add.f32.msk $0xffff, v39  }
0x232: {  	v54 =	vor.u32 v16, v37;
	v39 =	vld [tilespmem:s26+$0x760]  }
0x233: {  	[tilespmem:v52+s20+$0x0] =	vst.idx.add.f32.msk $0xffff, v40  }
0x234: {  	v56 =	vor.u32 v16, v38;
	v40 =	vld [tilespmem:s26+$0x7E0]  }
0x235: {  	[tilespmem:v55+s20+$0x0] =	vst.idx.add.f32.msk $0xffff, v44  }
0x236: {  	v59 =	vld [tilespmem:s26+$0xAD0]  }
0x237: {  	v60 =	vor.u32 v23, v36;
	[tilespmem:v54+s20+$0x0] =	vst.idx.add.f32.msk $0xffff, v39  }
0x238: {  	v57 =	vor.u32 v17, v37;
	v39 =	vld [tilespmem:s26+$0x770]  }
0x239: {  	[tilespmem:v56+s20+$0x0] =	vst.idx.add.f32.msk $0xffff, v40  }
0x23a: {  	v58 =	vor.u32 v17, v38;
	v40 =	vld [tilespmem:s26+$0x7F0]  }
0x23b: {  	v45 =	vld [tilespmem:s26+$0xE20]  }
0x23c: {  	[tilespmem:v60+s20+$0x0] =	vst.idx.add.f32.msk $0xffff, v59  }
0x23d: {  	v63 =	vor.u32 v28, v35;
	[tilespmem:v57+s20+$0x0] =	vst.idx.add.f32.msk $0xffff, v39  }
0x23e: {  	v61 =	vor.u32 v18, v37;
	v39 =	vld [tilespmem:s26+$0xB00]  }
0x23f: {  	[tilespmem:v58+s20+$0x0] =	vst.idx.add.f32.msk $0xffff, v40  }
0x240: {  	v62 =	vor.u32 v18, v38;
	v40 =	vld [tilespmem:s26+$0xB80]  }
0x241: {  	v44 =	vld [tilespmem:s26+$0xAE0]  }
0x242: {  	v49 =	vor.u32 v24, v36;
	[tilespmem:v63+s20+$0x0] =	vst.idx.add.f32.msk $0xffff, v45  }
0x243: {  	[tilespmem:v61+s20+$0x0] =	vst.idx.add.f32.msk $0xffff, v39  }
0x244: {  	v48 =	vor.u32 v19, v37;
	v39 =	vld [tilespmem:s26+$0xB10]  }
0x245: {  	[tilespmem:v62+s20+$0x0] =	vst.idx.add.f32.msk $0xffff, v40  }
0x246: {  	v50 =	vor.u32 v19, v38;
	v40 =	vld [tilespmem:s26+$0xB90]  }
0x247: {  	[tilespmem:v49+s20+$0x0] =	vst.idx.add.f32.msk $0xffff, v44  }
0x248: {  	v53 =	vld [tilespmem:s26+$0xAF0]  }
0x249: {  	v54 =	vor.u32 v25, v36;
	[tilespmem:v48+s20+$0x0] =	vst.idx.add.f32.msk $0xffff, v39  }
0x24a: {  	v51 =	vor.u32 v20, v37;
	v39 =	vld [tilespmem:s26+$0xB20]  }
0x24b: {  	[tilespmem:v50+s20+$0x0] =	vst.idx.add.f32.msk $0xffff, v40  }
0x24c: {  	v52 =	vor.u32 v20, v38;
	v40 =	vld [tilespmem:s26+$0xBA0]  }
0x24d: {  	v45 =	vld [tilespmem:s26+$0xE30]  }
0x24e: {  	[tilespmem:v54+s20+$0x0] =	vst.idx.add.f32.msk $0xffff, v53  }
0x24f: {  	v57 =	vor.u32 v29, v35;
	[tilespmem:v51+s20+$0x0] =	vst.idx.add.f32.msk $0xffff, v39  }
0x250: {  	v55 =	vor.u32 v21, v37;
	v39 =	vld [tilespmem:s26+$0xB30]  }
0x251: {  	[tilespmem:v52+s20+$0x0] =	vst.idx.add.f32.msk $0xffff, v40  }
0x252: {  	v56 =	vor.u32 v21, v38;
	v40 =	vld [tilespmem:s26+$0xBB0]  }
0x253: {  	v44 =	vld [tilespmem:s26+$0xE80]  }
0x254: {  	v59 =	vor.u32 v26, v36;
	[tilespmem:v57+s20+$0x0] =	vst.idx.add.f32.msk $0xffff, v45  }
0x255: {  	[tilespmem:v55+s20+$0x0] =	vst.idx.add.f32.msk $0xffff, v39  }
0x256: {  	v58 =	vor.u32 v22, v37;
	v39 =	vld [tilespmem:s26+$0xB40]  }
0x257: {  	[tilespmem:v56+s20+$0x0] =	vst.idx.add.f32.msk $0xffff, v40  }
0x258: {  	v60 =	vor.u32 v22, v38;
	v40 =	vld [tilespmem:s26+$0xBC0]  }
0x259: {  	[tilespmem:v59+s20+$0x0] =	vst.idx.add.f32.msk $0xffff, v44  }
0x25a: {  	v63 =	vld [tilespmem:s26+$0xE90]  }
0x25b: {  	v48 =	vor.u32 v27, v36;
	[tilespmem:v58+s20+$0x0] =	vst.idx.add.f32.msk $0xffff, v39  }
0x25c: {  	v61 =	vor.u32 v23, v37;
	v39 =	vld [tilespmem:s26+$0xB50]  }
0x25d: {  	[tilespmem:v60+s20+$0x0] =	vst.idx.add.f32.msk $0xffff, v40  }
0x25e: {  	v62 =	vor.u32 v23, v38;
	v40 =	vld [tilespmem:s26+$0xBD0]  }
0x25f: {  	v45 =	vld [tilespmem:s26+$0xE40]  }
0x260: {  	[tilespmem:v48+s20+$0x0] =	vst.idx.add.f32.msk $0xffff, v63  }
0x261: {  	v51 =	vor.u32 v30, v35;
	[tilespmem:v61+s20+$0x0] =	vst.idx.add.f32.msk $0xffff, v39  }
0x262: {  	v49 =	vor.u32 v24, v37;
	v39 =	vld [tilespmem:s26+$0xB60]  }
0x263: {  	[tilespmem:v62+s20+$0x0] =	vst.idx.add.f32.msk $0xffff, v40  }
0x264: {  	v50 =	vor.u32 v24, v38;
	v40 =	vld [tilespmem:s26+$0xBE0]  }
0x265: {  	v44 =	vld [tilespmem:s26+$0xEA0]  }
0x266: {  	v53 =	vor.u32 v28, v36;
	[tilespmem:v51+s20+$0x0] =	vst.idx.add.f32.msk $0xffff, v45  }
0x267: {  	[tilespmem:v49+s20+$0x0] =	vst.idx.add.f32.msk $0xffff, v39  }
0x268: {  	v52 =	vor.u32 v25, v37;
	v39 =	vld [tilespmem:s26+$0xB70]  }
0x269: {  	[tilespmem:v50+s20+$0x0] =	vst.idx.add.f32.msk $0xffff, v40  }
0x26a: {  	v54 =	vor.u32 v25, v38;
	v40 =	vld [tilespmem:s26+$0xBF0]  }
0x26b: {  	[tilespmem:v53+s20+$0x0] =	vst.idx.add.f32.msk $0xffff, v44  }
0x26c: {  	v57 =	vld [tilespmem:s26+$0xEB0]  }
0x26d: {  	v58 =	vor.u32 v29, v36;
	[tilespmem:v52+s20+$0x0] =	vst.idx.add.f32.msk $0xffff, v39  }
0x26e: {  	v55 =	vor.u32 v26, v37;
	v39 =	vld [tilespmem:s26+$0xF00]  }
0x26f: {  	[tilespmem:v54+s20+$0x0] =	vst.idx.add.f32.msk $0xffff, v40  }
0x270: {  	v56 =	vor.u32 v26, v38;
	v40 =	vld [tilespmem:s26+$0xF80]  }
0x271: {  	v45 =	vld [tilespmem:s26+$0xE50]  }
0x272: {  	[tilespmem:v58+s20+$0x0] =	vst.idx.add.f32.msk $0xffff, v57  }
0x273: {  	v61 =	vor.u32 v31, v35;
	[tilespmem:v55+s20+$0x0] =	vst.idx.add.f32.msk $0xffff, v39  }
0x274: {  	v59 =	vor.u32 v27, v37;
	v39 =	vld [tilespmem:s26+$0xF10]  }
0x275: {  	[tilespmem:v56+s20+$0x0] =	vst.idx.add.f32.msk $0xffff, v40  }
0x276: {  	v60 =	vor.u32 v27, v38;
	v40 =	vld [tilespmem:s26+$0xF90]  }
0x277: {  	v44 =	vld [tilespmem:s26+$0xEC0]  }
0x278: {  	v63 =	vor.u32 v30, v36;
	[tilespmem:v61+s20+$0x0] =	vst.idx.add.f32.msk $0xffff, v45  }
0x279: {  	[tilespmem:v59+s20+$0x0] =	vst.idx.add.f32.msk $0xffff, v39  }
0x27a: {  	v62 =	vor.u32 v28, v37;
	v39 =	vld [tilespmem:s26+$0xF20]  }
0x27b: {  	[tilespmem:v60+s20+$0x0] =	vst.idx.add.f32.msk $0xffff, v40  }
0x27c: {  	v47 =	vor.u32 v28, v38;
	v40 =	vld [tilespmem:s26+$0xFA0]  }
0x27d: {  	[tilespmem:v63+s20+$0x0] =	vst.idx.add.f32.msk $0xffff, v44  }
0x27e: {  	v50 =	vld [tilespmem:s26+$0xED0]  }
0x27f: {  	v51 =	vor.u32 v31, v36;
	[tilespmem:v62+s20+$0x0] =	vst.idx.add.f32.msk $0xffff, v39  }
0x280: {  	v48 =	vor.u32 v29, v37;
	v39 =	vld [tilespmem:s26+$0xF30]  }
0x281: {  	[tilespmem:v47+s20+$0x0] =	vst.idx.add.f32.msk $0xffff, v40  }
0x282: {  	v49 =	vor.u32 v29, v38;
	v40 =	vld [tilespmem:s26+$0xFB0]  }
0x283: {  	v45 =	vld [tilespmem:s26+$0xE60]  }
0x284: {  	[tilespmem:v51+s20+$0x0] =	vst.idx.add.f32.msk $0xffff, v50  }
0x285: {  	v54 =	vor.u32 v32, v35;
	[tilespmem:v48+s20+$0x0] =	vst.idx.add.f32.msk $0xffff, v39  }
0x286: {  	v52 =	vor.u32 v30, v37;
	v39 =	vld [tilespmem:s26+$0xF40]  }
0x287: {  	[tilespmem:v49+s20+$0x0] =	vst.idx.add.f32.msk $0xffff, v40  }
0x288: {  	v53 =	vor.u32 v30, v38;
	v40 =	vld [tilespmem:s26+$0xFC0]  }
0x289: {  	v44 =	vld [tilespmem:s26+$0xEE0]  }
0x28a: {  	[tilespmem:v54+s20+$0x0] =	vst.idx.add.f32.msk $0xffff, v45  }
0x28b: {  	v56 =	vor.u32 v32, v36;
	[tilespmem:v52+s20+$0x0] =	vst.idx.add.f32.msk $0xffff, v39  }
0x28c: {  	v55 =	vor.u32 v31, v37;
	v39 =	vld [tilespmem:s26+$0xF50]  }
0x28d: {  	[tilespmem:v53+s20+$0x0] =	vst.idx.add.f32.msk $0xffff, v40  }
0x28e: {  	v57 =	vor.u32 v31, v38;
	v40 =	vld [tilespmem:s26+$0xFD0]  }
0x28f: {  	v61 =	vld [tilespmem:s26+$0xE70]  }
0x290: {  	[tilespmem:v56+s20+$0x0] =	vst.idx.add.f32.msk $0xffff, v44  }
0x291: {  	[tilespmem:v55+s20+$0x0] =	vst.idx.add.f32.msk $0xffff, v39  }
0x292: {  	v58 =	vor.u32 v32, v37;
	v39 =	vld [tilespmem:s26+$0xF60]  }
0x293: {  	[tilespmem:v57+s20+$0x0] =	vst.idx.add.f32.msk $0xffff, v40  }
0x294: {  	v59 =	vor.u32 v32, v38;
	v40 =	vld [tilespmem:s26+$0xFE0]  }
0x295: {  	v60 =	vld [tilespmem:s26+$0xDF0]  }
0x296: {  	v35 =	vor.u32 v33, v35;
	v62 =	vld [tilespmem:s26+$0xEF0]  }
0x297: {  	v34 =	vor.u32 v33, v34;
	[tilespmem:v58+s20+$0x0] =	vst.idx.add.f32.msk $0xffff, v39  }
0x298: {  	v36 =	vor.u32 v33, v36;
	v63 =	vld [tilespmem:s26+$0xF70]  }
0x299: {  	v37 =	vor.u32 v33, v37;
	[tilespmem:v59+s20+$0x0] =	vst.idx.add.f32.msk $0xffff, v40  }
0x29a: {  	p0 =	slt.u32 s25, $0x38;
	v38 =	vor.u32 v33, v38;
	v41 =	vld [tilespmem:s26+$0xFF0]  }
.Ltmp1:
0x29b: {  	[tilespmem:v35+s20+$0x0] =	vst.idx.add.f32.msk $0xffff, v61;
	(pc) =	sbr.rel @p0 .LBB2_4-.Ltmp1, $4  }
0x29c: {  	[tilespmem:v34+s20+$0x0] =	vst.idx.add.f32.msk $0xffff, v60  }
0x29d: {  	[tilespmem:v36+s20+$0x0] =	vst.idx.add.f32.msk $0xffff, v62  }
0x29e: {  	s31 =	sadd.s32 $0x8, s25;
	[tilespmem:v37+s20+$0x0] =	vst.idx.add.f32.msk $0xffff, v63  }
0x29f: {  	s25 =	smov.u32 s31;
	[tilespmem:v38+s20+$0x0] =	vst.idx.add.f32.msk $0xffff, v41  }
0x2a0: {  	_ =	swait.ge [sflag:s21], $0x8000  }
0x2a1: {  	[sflag:s21] =	ssyncset.done $0x0  }
0x2a2: {  	[sflag:s21] =	ssyncadd.s32 $0xFFFF8000  }
0x2a3: {  	_ =	swait.ge [sflag:s22], $0x40  }
0x2a4: {  	[sflag:s22] =	ssyncset.done $0x0  }
0x2a5: {  	s25 =	simm.s32 $0x0;
	[sflag:s22] =	ssyncadd.s32 $0xFFFFFFC0  }
0x2a6: {  	[tilespmem:s25], [sflag:$0x1] =	stream.linear.gather [hbm4b:s7+s25], $0x8000, $0x38;
	[tilespmem:$0x18180] =	vst v63  }
0x2a7: {  	_ = 	snop  }
0x2a8: {  	[tilespmem:s14], [sflag:$0x3] =	stream.linear.gather [hbm4b:s8+s25], $0x40, $0x38;
	[tilespmem:$0x18180] =	vst v63  }
.LBB2_6:
0x2a9: {  	v34 =	vmov s25  }
0x2aa: {  	v34 =	vand.u32 $0xFFFFFFF8, v34  }
0x2ab: {  	v34 =	vbroadcast v34, $0x0;
	_ =	sdelay $0x5  }
0x2ac: {  	v34 =	vld.idx.msk [tilespmem:v34+s18+$0x0], $0xffff;
	_ =	sdelay $0x5  }
0x2ad: {  	v35 =	vshll.u32 v34, $0x9;
	v36 =	vshll.u32 v34, $0x7  }
0x2ae: {  	s26 =	sshll.u32 s25, $0x9;
	v35 =	vand.u32 $0xFFFFF000, v35;
	v36 =	vand.u32 $0x380, v36  }
0x2af: {  	s26 =	sand.u32 $0x3FFFFE00, s26;
	v36 =	vor.u32 v36, v35;
	[tilespmem:v34+s19+$0x0] =	vst.idx.add.f32.msk $0x1, v2  }
0x2b0: {  	v35 =	vor.u32 v0, v36;
	v34 =	vld [tilespmem:s26+$0x8000];
	_ =	sdelay $0x4  }
0x2b1: {  	[tilespmem:v35+s20+$0x0] =	vst.idx.add.f32.msk $0xffff, v34  }
0x2b2: {  	v45 =	vor.u32 v3, v36;
	v34 =	vld [tilespmem:s26+$0x8010];
	_ =	sdelay $0x4  }
0x2b3: {  	[tilespmem:v45+s20+$0x0] =	vst.idx.add.f32.msk $0xffff, v34  }
0x2b4: {  	v46 =	vor.u32 v4, v36;
	v34 =	vld [tilespmem:s26+$0x8020];
	_ =	sdelay $0x4  }
0x2b5: {  	[tilespmem:v46+s20+$0x0] =	vst.idx.add.f32.msk $0xffff, v34  }
0x2b6: {  	v47 =	vor.u32 v5, v36;
	v34 =	vld [tilespmem:s26+$0x8030];
	_ =	sdelay $0x4  }
0x2b7: {  	[tilespmem:v47+s20+$0x0] =	vst.idx.add.f32.msk $0xffff, v34  }
0x2b8: {  	v48 =	vor.u32 v6, v36;
	v34 =	vld [tilespmem:s26+$0x8040];
	_ =	sdelay $0x4  }
0x2b9: {  	[tilespmem:v48+s20+$0x0] =	vst.idx.add.f32.msk $0xffff, v34  }
0x2ba: {  	v49 =	vor.u32 v7, v36;
	v34 =	vld [tilespmem:s26+$0x8050];
	_ =	sdelay $0x4  }
0x2bb: {  	[tilespmem:v49+s20+$0x0] =	vst.idx.add.f32.msk $0xffff, v34  }
0x2bc: {  	v50 =	vor.u32 v8, v36;
	v34 =	vld [tilespmem:s26+$0x8060];
	_ =	sdelay $0x4  }
0x2bd: {  	[tilespmem:v50+s20+$0x0] =	vst.idx.add.f32.msk $0xffff, v34  }
0x2be: {  	v51 =	vor.u32 v9, v36;
	v34 =	vld [tilespmem:s26+$0x8070];
	_ =	sdelay $0x4  }
0x2bf: {  	[tilespmem:v51+s20+$0x0] =	vst.idx.add.f32.msk $0xffff, v34  }
0x2c0: {  	v52 =	vor.u32 v10, v36;
	v34 =	vld [tilespmem:s26+$0x8400];
	_ =	sdelay $0x4  }
0x2c1: {  	[tilespmem:v52+s20+$0x0] =	vst.idx.add.f32.msk $0xffff, v34  }
0x2c2: {  	v53 =	vor.u32 v11, v36;
	v34 =	vld [tilespmem:s26+$0x8410];
	_ =	sdelay $0x4  }
0x2c3: {  	[tilespmem:v53+s20+$0x0] =	vst.idx.add.f32.msk $0xffff, v34  }
0x2c4: {  	v54 =	vor.u32 v12, v36;
	v34 =	vld [tilespmem:s26+$0x8420];
	_ =	sdelay $0x4  }
0x2c5: {  	[tilespmem:v54+s20+$0x0] =	vst.idx.add.f32.msk $0xffff, v34  }
0x2c6: {  	v55 =	vor.u32 v13, v36;
	v34 =	vld [tilespmem:s26+$0x8430];
	_ =	sdelay $0x3  }
0x2c7: {  	s28 =	sor.u32 $0x1, s25  }
0x2c8: {  	v56 =	vmov s28;
	[tilespmem:v55+s20+$0x0] =	vst.idx.add.f32.msk $0xffff, v34  }
0x2c9: {  	v37 =	vor.u32 v14, v36;
	v34 =	vand.u32 $0xFFFFFFF9, v56;
	v35 =	vld [tilespmem:s26+$0x8440]  }
0x2ca: {  	v34 =	vbroadcast v34, $0x0;
	_ =	sdelay $0x3  }
0x2cb: {  	[tilespmem:v37+s20+$0x0] =	vst.idx.add.f32.msk $0xffff, v35  }
0x2cc: {  	v35 =	vld [tilespmem:s26+$0x8450]  }
0x2cd: {  	v34 =	vld.idx.msk [tilespmem:v34+s18+$0x0], $0xffff  }
0x2ce: {  	v57 =	vor.u32 v15, v36;
	_ =	sdelay $0x4  }
0x2cf: {  	[tilespmem:v57+s20+$0x0] =	vst.idx.add.f32.msk $0xffff, v35;
	v58 =	vshll.u32 v34, $0x9;
	v59 =	vshll.u32 v34, $0x7  }
0x2d0: {  	v39 =	vor.u32 v16, v36;
	v38 =	vld [tilespmem:s26+$0x8460];
	v35 =	vand.u32 $0xFFFFF000, v58;
	v37 =	vand.u32 $0x380, v59  }
0x2d1: {  	v37 =	vor.u32 v37, v35;
	[tilespmem:v34+s19+$0x0] =	vst.idx.add.f32.msk $0x1, v2  }
0x2d2: {  	v35 =	vor.u32 v0, v37;
	v34 =	vld [tilespmem:s26+$0x8080];
	_ =	sdelay $0x2  }
0x2d3: {  	[tilespmem:v39+s20+$0x0] =	vst.idx.add.f32.msk $0xffff, v38  }
0x2d4: {  	v60 =	vor.u32 v17, v36;
	v38 =	vld [tilespmem:s26+$0x8470]  }
0x2d5: {  	[tilespmem:v35+s20+$0x0] =	vst.idx.add.f32.msk $0xffff, v34  }
0x2d6: {  	v61 =	vor.u32 v3, v37;
	v34 =	vld [tilespmem:s26+$0x8090];
	_ =	sdelay $0x2  }
0x2d7: {  	[tilespmem:v60+s20+$0x0] =	vst.idx.add.f32.msk $0xffff, v38  }
0x2d8: {  	v62 =	vor.u32 v18, v36;
	v38 =	vld [tilespmem:s26+$0x8800]  }
0x2d9: {  	[tilespmem:v61+s20+$0x0] =	vst.idx.add.f32.msk $0xffff, v34  }
0x2da: {  	v63 =	vor.u32 v4, v37;
	v34 =	vld [tilespmem:s26+$0x80A0];
	_ =	sdelay $0x2  }
0x2db: {  	[tilespmem:v62+s20+$0x0] =	vst.idx.add.f32.msk $0xffff, v38  }
0x2dc: {  	v42 =	vor.u32 v19, v36;
	v38 =	vld [tilespmem:s26+$0x8810]  }
0x2dd: {  	[tilespmem:v63+s20+$0x0] =	vst.idx.add.f32.msk $0xffff, v34  }
0x2de: {  	v43 =	vor.u32 v5, v37;
	v34 =	vld [tilespmem:s26+$0x80B0];
	_ =	sdelay $0x2  }
0x2df: {  	[tilespmem:v42+s20+$0x0] =	vst.idx.add.f32.msk $0xffff, v38  }
0x2e0: {  	v44 =	vor.u32 v20, v36;
	v38 =	vld [tilespmem:s26+$0x8820]  }
0x2e1: {  	[tilespmem:v43+s20+$0x0] =	vst.idx.add.f32.msk $0xffff, v34  }
0x2e2: {  	v45 =	vor.u32 v6, v37;
	v34 =	vld [tilespmem:s26+$0x80C0];
	_ =	sdelay $0x2  }
0x2e3: {  	[tilespmem:v44+s20+$0x0] =	vst.idx.add.f32.msk $0xffff, v38  }
0x2e4: {  	v46 =	vor.u32 v21, v36;
	v38 =	vld [tilespmem:s26+$0x8830]  }
0x2e5: {  	[tilespmem:v45+s20+$0x0] =	vst.idx.add.f32.msk $0xffff, v34  }
0x2e6: {  	v47 =	vor.u32 v7, v37;
	v34 =	vld [tilespmem:s26+$0x80D0];
	_ =	sdelay $0x2  }
0x2e7: {  	[tilespmem:v46+s20+$0x0] =	vst.idx.add.f32.msk $0xffff, v38  }
0x2e8: {  	v48 =	vor.u32 v22, v36;
	v38 =	vld [tilespmem:s26+$0x8840]  }
0x2e9: {  	[tilespmem:v47+s20+$0x0] =	vst.idx.add.f32.msk $0xffff, v34  }
0x2ea: {  	v49 =	vor.u32 v8, v37;
	v34 =	vld [tilespmem:s26+$0x80E0];
	_ =	sdelay $0x2  }
0x2eb: {  	[tilespmem:v48+s20+$0x0] =	vst.idx.add.f32.msk $0xffff, v38  }
0x2ec: {  	v50 =	vor.u32 v23, v36;
	v38 =	vld [tilespmem:s26+$0x8850]  }
0x2ed: {  	[tilespmem:v49+s20+$0x0] =	vst.idx.add.f32.msk $0xffff, v34  }
0x2ee: {  	v51 =	vor.u32 v9, v37;
	v34 =	vld [tilespmem:s26+$0x80F0];
	_ =	sdelay $0x2  }
0x2ef: {  	[tilespmem:v50+s20+$0x0] =	vst.idx.add.f32.msk $0xffff, v38  }
0x2f0: {  	v52 =	vor.u32 v24, v36;
	v38 =	vld [tilespmem:s26+$0x8860]  }
0x2f1: {  	[tilespmem:v51+s20+$0x0] =	vst.idx.add.f32.msk $0xffff, v34  }
0x2f2: {  	v53 =	vor.u32 v10, v37;
	v34 =	vld [tilespmem:s26+$0x8480];
	_ =	sdelay $0x2  }
0x2f3: {  	[tilespmem:v52+s20+$0x0] =	vst.idx.add.f32.msk $0xffff, v38  }
0x2f4: {  	v54 =	vor.u32 v25, v36;
	v38 =	vld [tilespmem:s26+$0x8870]  }
0x2f5: {  	[tilespmem:v53+s20+$0x0] =	vst.idx.add.f32.msk $0xffff, v34  }
0x2f6: {  	v55 =	vor.u32 v11, v37;
	v34 =	vld [tilespmem:s26+$0x8490];
	_ =	sdelay $0x2  }
0x2f7: {  	s31 =	sor.u32 $0x2, s25;
	[tilespmem:v54+s20+$0x0] =	vst.idx.add.f32.msk $0xffff, v38  }
0x2f8: {  	v40 =	vmov s31;
	v56 =	vor.u32 v26, v36;
	v38 =	vld [tilespmem:s26+$0x8C00]  }
0x2f9: {  	v57 =	vand.u32 $0xFFFFFFFA, v40;
	[tilespmem:v55+s20+$0x0] =	vst.idx.add.f32.msk $0xffff, v34  }
0x2fa: {  	v58 =	vor.u32 v12, v37;
	v34 =	vbroadcast v57, $0x0;
	v35 =	vld [tilespmem:s26+$0x84A0];
	_ =	sdelay $0x2  }
0x2fb: {  	[tilespmem:v56+s20+$0x0] =	vst.idx.add.f32.msk $0xffff, v38  }
0x2fc: {  	v38 =	vld [tilespmem:s26+$0x8C10]  }
0x2fd: {  	v59 =	vor.u32 v27, v36;
	[tilespmem:v58+s20+$0x0] =	vst.idx.add.f32.msk $0xffff, v35  }
0x2fe: {  	v34 =	vld.idx.msk [tilespmem:v34+s18+$0x0], $0xffff  }
0x2ff: {  	v60 =	vor.u32 v13, v37;
	v35 =	vld [tilespmem:s26+$0x84B0];
	_ =	sdelay $0x2  }
0x300: {  	[tilespmem:v59+s20+$0x0] =	vst.idx.add.f32.msk $0xffff, v38  }
0x301: {  	v41 =	vor.u32 v28, v36;
	v39 =	vld [tilespmem:s26+$0x8C20]  }
0x302: {  	v61 =	vshll.u32 v34, $0x9;
	v62 =	vshll.u32 v34, $0x7;
	[tilespmem:v60+s20+$0x0] =	vst.idx.add.f32.msk $0xffff, v35  }
0x303: {  	v42 =	vor.u32 v14, v37;
	v35 =	vand.u32 $0xFFFFF000, v61;
	v38 =	vand.u32 $0x380, v62;
	v40 =	vld [tilespmem:s26+$0x84C0]  }
0x304: {  	v38 =	vor.u32 v38, v35;
	[tilespmem:v34+s19+$0x0] =	vst.idx.add.f32.msk $0x1, v2  }
0x305: {  	v35 =	vor.u32 v0, v38;
	v34 =	vld [tilespmem:s26+$0x8100]  }
0x306: {  	[tilespmem:v41+s20+$0x0] =	vst.idx.add.f32.msk $0xffff, v39  }
0x307: {  	v63 =	vor.u32 v29, v36;
	v39 =	vld [tilespmem:s26+$0x8C30]  }
0x308: {  	[tilespmem:v42+s20+$0x0] =	vst.idx.add.f32.msk $0xffff, v40  }
0x309: {  	v45 =	vor.u32 v15, v37;
	v40 =	vld [tilespmem:s26+$0x84D0]  }
0x30a: {  	[tilespmem:v35+s20+$0x0] =	vst.idx.add.f32.msk $0xffff, v34  }
0x30b: {  	v46 =	vor.u32 v3, v38;
	v34 =	vld [tilespmem:s26+$0x8110]  }
0x30c: {  	[tilespmem:v63+s20+$0x0] =	vst.idx.add.f32.msk $0xffff, v39  }
0x30d: {  	v47 =	vor.u32 v30, v36;
	v39 =	vld [tilespmem:s26+$0x8C40]  }
0x30e: {  	[tilespmem:v45+s20+$0x0] =	vst.idx.add.f32.msk $0xffff, v40  }
0x30f: {  	v48 =	vor.u32 v16, v37;
	v40 =	vld [tilespmem:s26+$0x84E0]  }
0x310: {  	[tilespmem:v46+s20+$0x0] =	vst.idx.add.f32.msk $0xffff, v34  }
0x311: {  	v49 =	vor.u32 v4, v38;
	v34 =	vld [tilespmem:s26+$0x8120]  }
0x312: {  	[tilespmem:v47+s20+$0x0] =	vst.idx.add.f32.msk $0xffff, v39  }
0x313: {  	v50 =	vor.u32 v31, v36;
	v39 =	vld [tilespmem:s26+$0x8C50]  }
0x314: {  	s29 =	sor.u32 $0x3, s25;
	[tilespmem:v48+s20+$0x0] =	vst.idx.add.f32.msk $0xffff, v40  }
0x315: {  	v43 =	vmov s29;
	v51 =	vor.u32 v17, v37;
	v40 =	vld [tilespmem:s26+$0x84F0]  }
0x316: {  	v52 =	vand.u32 $0xFFFFFFFB, v43;
	[tilespmem:v49+s20+$0x0] =	vst.idx.add.f32.msk $0xffff, v34  }
0x317: {  	v53 =	vor.u32 v5, v38;
	v34 =	vbroadcast v52, $0x0;
	v35 =	vld [tilespmem:s26+$0x8130]  }
0x318: {  	[tilespmem:v50+s20+$0x0] =	vst.idx.add.f32.msk $0xffff, v39  }
0x319: {  	v39 =	vld [tilespmem:s26+$0x8C60]  }
0x31a: {  	v54 =	vor.u32 v32, v36;
	[tilespmem:v51+s20+$0x0] =	vst.idx.add.f32.msk $0xffff, v40  }
0x31b: {  	v40 =	vld [tilespmem:s26+$0x8880]  }
0x31c: {  	v55 =	vor.u32 v18, v37;
	[tilespmem:v53+s20+$0x0] =	vst.idx.add.f32.msk $0xffff, v35  }
0x31d: {  	v34 =	vld.idx.msk [tilespmem:v34+s18+$0x0], $0xffff  }
0x31e: {  	v56 =	vor.u32 v6, v38;
	v35 =	vld [tilespmem:s26+$0x8140]  }
0x31f: {  	[tilespmem:v54+s20+$0x0] =	vst.idx.add.f32.msk $0xffff, v39  }
0x320: {  	v36 =	vor.u32 v33, v36;
	v39 =	vld [tilespmem:s26+$0x8C70]  }
0x321: {  	[tilespmem:v55+s20+$0x0] =	vst.idx.add.f32.msk $0xffff, v40  }
0x322: {  	v40 =	vld [tilespmem:s26+$0x8890]  }
0x323: {  	v57 =	vor.u32 v19, v37;
	[tilespmem:v56+s20+$0x0] =	vst.idx.add.f32.msk $0xffff, v35  }
0x324: {  	v58 =	vshll.u32 v34, $0x9;
	v59 =	vshll.u32 v34, $0x7;
	v43 =	vld [tilespmem:s26+$0x8150]  }
0x325: {  	v44 =	vor.u32 v7, v38;
	v35 =	vand.u32 $0xFFFFF000, v58;
	v42 =	vand.u32 $0x380, v59;
	[tilespmem:v36+s20+$0x0] =	vst.idx.add.f32.msk $0xffff, v39  }
0x326: {  	[tilespmem:v34+s19+$0x0] =	vst.idx.add.f32.msk $0x1, v2;
	v34 =	vor.u32 v42, v35  }
0x327: {  	v60 =	vld [tilespmem:s26+$0x8180];
	v42 =	vor.u32 v0, v34  }
0x328: {  	[tilespmem:v57+s20+$0x0] =	vst.idx.add.f32.msk $0xffff, v40  }
0x329: {  	v61 =	vor.u32 v20, v37;
	v40 =	vld [tilespmem:s26+$0x88A0]  }
0x32a: {  	[tilespmem:v44+s20+$0x0] =	vst.idx.add.f32.msk $0xffff, v43  }
0x32b: {  	v62 =	vor.u32 v8, v38;
	v43 =	vld [tilespmem:s26+$0x8160]  }
0x32c: {  	[tilespmem:v42+s20+$0x0] =	vst.idx.add.f32.msk $0xffff, v60  }
0x32d: {  	v63 =	vor.u32 v3, v34;
	v35 =	vld [tilespmem:s26+$0x8190]  }
0x32e: {  	[tilespmem:v61+s20+$0x0] =	vst.idx.add.f32.msk $0xffff, v40  }
0x32f: {  	v48 =	vor.u32 v21, v37;
	v40 =	vld [tilespmem:s26+$0x88B0]  }
0x330: {  	[tilespmem:v62+s20+$0x0] =	vst.idx.add.f32.msk $0xffff, v43  }
0x331: {  	v49 =	vor.u32 v9, v38;
	v43 =	vld [tilespmem:s26+$0x8170]  }
0x332: {  	[tilespmem:v63+s20+$0x0] =	vst.idx.add.f32.msk $0xffff, v35  }
0x333: {  	v50 =	vor.u32 v4, v34;
	v35 =	vld [tilespmem:s26+$0x81A0]  }
0x334: {  	[tilespmem:v48+s20+$0x0] =	vst.idx.add.f32.msk $0xffff, v40  }
0x335: {  	v51 =	vor.u32 v22, v37;
	v40 =	vld [tilespmem:s26+$0x88C0]  }
0x336: {  	[tilespmem:v49+s20+$0x0] =	vst.idx.add.f32.msk $0xffff, v43  }
0x337: {  	v52 =	vor.u32 v10, v38;
	v43 =	vld [tilespmem:s26+$0x8500]  }
0x338: {  	[tilespmem:v50+s20+$0x0] =	vst.idx.add.f32.msk $0xffff, v35  }
0x339: {  	v53 =	vor.u32 v5, v34;
	v35 =	vld [tilespmem:s26+$0x81B0]  }
0x33a: {  	[tilespmem:v51+s20+$0x0] =	vst.idx.add.f32.msk $0xffff, v40  }
0x33b: {  	v54 =	vor.u32 v23, v37;
	v40 =	vld [tilespmem:s26+$0x88D0]  }
0x33c: {  	[tilespmem:v52+s20+$0x0] =	vst.idx.add.f32.msk $0xffff, v43  }
0x33d: {  	v55 =	vor.u32 v11, v38;
	v43 =	vld [tilespmem:s26+$0x8510]  }
0x33e: {  	[tilespmem:v53+s20+$0x0] =	vst.idx.add.f32.msk $0xffff, v35  }
0x33f: {  	v56 =	vor.u32 v6, v34;
	v35 =	vld [tilespmem:s26+$0x81C0]  }
0x340: {  	[tilespmem:v54+s20+$0x0] =	vst.idx.add.f32.msk $0xffff, v40  }
0x341: {  	v57 =	vor.u32 v24, v37;
	v40 =	vld [tilespmem:s26+$0x88E0]  }
0x342: {  	[tilespmem:v55+s20+$0x0] =	vst.idx.add.f32.msk $0xffff, v43  }
0x343: {  	v58 =	vor.u32 v12, v38;
	v43 =	vld [tilespmem:s26+$0x8520]  }
0x344: {  	[tilespmem:v56+s20+$0x0] =	vst.idx.add.f32.msk $0xffff, v35  }
0x345: {  	v59 =	vor.u32 v7, v34;
	v35 =	vld [tilespmem:s26+$0x81D0]  }
0x346: {  	[tilespmem:v57+s20+$0x0] =	vst.idx.add.f32.msk $0xffff, v40  }
0x347: {  	v60 =	vor.u32 v25, v37;
	v40 =	vld [tilespmem:s26+$0x88F0]  }
0x348: {  	[tilespmem:v58+s20+$0x0] =	vst.idx.add.f32.msk $0xffff, v43  }
0x349: {  	v61 =	vor.u32 v13, v38;
	v43 =	vld [tilespmem:s26+$0x8530]  }
0x34a: {  	[tilespmem:v59+s20+$0x0] =	vst.idx.add.f32.msk $0xffff, v35  }
0x34b: {  	v62 =	vor.u32 v8, v34;
	v35 =	vld [tilespmem:s26+$0x81E0]  }
0x34c: {  	[tilespmem:v60+s20+$0x0] =	vst.idx.add.f32.msk $0xffff, v40  }
0x34d: {  	v63 =	vor.u32 v26, v37;
	v40 =	vld [tilespmem:s26+$0x8C80]  }
0x34e: {  	[tilespmem:v61+s20+$0x0] =	vst.idx.add.f32.msk $0xffff, v43  }
0x34f: {  	v48 =	vor.u32 v14, v38;
	v43 =	vld [tilespmem:s26+$0x8540]  }
0x350: {  	[tilespmem:v62+s20+$0x0] =	vst.idx.add.f32.msk $0xffff, v35  }
0x351: {  	v49 =	vor.u32 v9, v34;
	v35 =	vld [tilespmem:s26+$0x81F0]  }
0x352: {  	[tilespmem:v63+s20+$0x0] =	vst.idx.add.f32.msk $0xffff, v40  }
0x353: {  	v50 =	vor.u32 v27, v37;
	v40 =	vld [tilespmem:s26+$0x8C90]  }
0x354: {  	[tilespmem:v48+s20+$0x0] =	vst.idx.add.f32.msk $0xffff, v43  }
0x355: {  	v51 =	vor.u32 v15, v38;
	v43 =	vld [tilespmem:s26+$0x8550]  }
0x356: {  	[tilespmem:v49+s20+$0x0] =	vst.idx.add.f32.msk $0xffff, v35  }
0x357: {  	v52 =	vor.u32 v10, v34;
	v35 =	vld [tilespmem:s26+$0x8580]  }
0x358: {  	[tilespmem:v50+s20+$0x0] =	vst.idx.add.f32.msk $0xffff, v40  }
0x359: {  	v53 =	vor.u32 v28, v37;
	v40 =	vld [tilespmem:s26+$0x8CA0]  }
0x35a: {  	[tilespmem:v51+s20+$0x0] =	vst.idx.add.f32.msk $0xffff, v43  }
0x35b: {  	v54 =	vor.u32 v16, v38;
	v43 =	vld [tilespmem:s26+$0x8560]  }
0x35c: {  	[tilespmem:v52+s20+$0x0] =	vst.idx.add.f32.msk $0xffff, v35  }
0x35d: {  	v55 =	vor.u32 v11, v34;
	v35 =	vld [tilespmem:s26+$0x8590]  }
0x35e: {  	[tilespmem:v53+s20+$0x0] =	vst.idx.add.f32.msk $0xffff, v40  }
0x35f: {  	v56 =	vor.u32 v29, v37;
	v40 =	vld [tilespmem:s26+$0x8CB0]  }
0x360: {  	[tilespmem:v54+s20+$0x0] =	vst.idx.add.f32.msk $0xffff, v43  }
0x361: {  	v57 =	vor.u32 v17, v38;
	v43 =	vld [tilespmem:s26+$0x8570]  }
0x362: {  	[tilespmem:v55+s20+$0x0] =	vst.idx.add.f32.msk $0xffff, v35  }
0x363: {  	v58 =	vor.u32 v12, v34;
	v35 =	vld [tilespmem:s26+$0x85A0]  }
0x364: {  	[tilespmem:v56+s20+$0x0] =	vst.idx.add.f32.msk $0xffff, v40  }
0x365: {  	v59 =	vor.u32 v30, v37;
	v40 =	vld [tilespmem:s26+$0x8CC0]  }
0x366: {  	[tilespmem:v57+s20+$0x0] =	vst.idx.add.f32.msk $0xffff, v43  }
0x367: {  	v60 =	vor.u32 v18, v38;
	v43 =	vld [tilespmem:s26+$0x8900]  }
0x368: {  	[tilespmem:v58+s20+$0x0] =	vst.idx.add.f32.msk $0xffff, v35  }
0x369: {  	v61 =	vor.u32 v13, v34;
	v35 =	vld [tilespmem:s26+$0x85B0]  }
0x36a: {  	[tilespmem:v59+s20+$0x0] =	vst.idx.add.f32.msk $0xffff, v40  }
0x36b: {  	v62 =	vor.u32 v31, v37;
	v40 =	vld [tilespmem:s26+$0x8CD0]  }
0x36c: {  	s30 =	sor.u32 $0x4, s25;
	[tilespmem:v60+s20+$0x0] =	vst.idx.add.f32.msk $0xffff, v43  }
0x36d: {  	v45 =	vmov s30;
	v63 =	vor.u32 v19, v38;
	v43 =	vld [tilespmem:s26+$0x8910]  }
0x36e: {  	v48 =	vand.u32 $0xFFFFFFFC, v45;
	[tilespmem:v61+s20+$0x0] =	vst.idx.add.f32.msk $0xffff, v35  }
0x36f: {  	v49 =	vor.u32 v14, v34;
	v35 =	vbroadcast v48, $0x0;
	v42 =	vld [tilespmem:s26+$0x85C0]  }
0x370: {  	[tilespmem:v62+s20+$0x0] =	vst.idx.add.f32.msk $0xffff, v40  }
0x371: {  	v40 =	vld [tilespmem:s26+$0x8CE0]  }
0x372: {  	v50 =	vor.u32 v32, v37;
	[tilespmem:v63+s20+$0x0] =	vst.idx.add.f32.msk $0xffff, v43  }
0x373: {  	v43 =	vld [tilespmem:s26+$0x8920]  }
0x374: {  	v51 =	vor.u32 v20, v38;
	[tilespmem:v49+s20+$0x0] =	vst.idx.add.f32.msk $0xffff, v42  }
0x375: {  	v35 =	vld.idx.msk [tilespmem:v35+s18+$0x0], $0xffff  }
0x376: {  	v52 =	vor.u32 v15, v34;
	v42 =	vld [tilespmem:s26+$0x85D0]  }
0x377: {  	[tilespmem:v50+s20+$0x0] =	vst.idx.add.f32.msk $0xffff, v40  }
0x378: {  	v40 =	vld [tilespmem:s26+$0x8CF0]  }
0x379: {  	v37 =	vor.u32 v33, v37;
	[tilespmem:v51+s20+$0x0] =	vst.idx.add.f32.msk $0xffff, v43  }
0x37a: {  	v53 =	vld [tilespmem:s26+$0x8930]  }
0x37b: {  	v54 =	vor.u32 v21, v38;
	[tilespmem:v52+s20+$0x0] =	vst.idx.add.f32.msk $0xffff, v42  }
0x37c: {  	v55 =	vshll.u32 v35, $0x9;
	v56 =	vshll.u32 v35, $0x7;
	v45 =	vld [tilespmem:s26+$0x85E0]  }
0x37d: {  	v46 =	vor.u32 v16, v34;
	v42 =	vand.u32 $0xFFFFF000, v55;
	v44 =	vand.u32 $0x380, v56;
	[tilespmem:v35+s19+$0x0] =	vst.idx.add.f32.msk $0x1, v2  }
0x37e: {  	v35 =	vor.u32 v44, v42;
	[tilespmem:v37+s20+$0x0] =	vst.idx.add.f32.msk $0xffff, v40  }
0x37f: {  	v57 =	vld [tilespmem:s26+$0x8200];
	v44 =	vor.u32 v0, v35  }
0x380: {  	[tilespmem:v54+s20+$0x0] =	vst.idx.add.f32.msk $0xffff, v53  }
0x381: {  	v58 =	vor.u32 v22, v38;
	v41 =	vld [tilespmem:s26+$0x8940]  }
0x382: {  	[tilespmem:v46+s20+$0x0] =	vst.idx.add.f32.msk $0xffff, v45  }
0x383: {  	v59 =	vor.u32 v17, v34;
	v45 =	vld [tilespmem:s26+$0x85F0]  }
0x384: {  	[tilespmem:v44+s20+$0x0] =	vst.idx.add.f32.msk $0xffff, v57  }
0x385: {  	v60 =	vor.u32 v3, v35;
	v42 =	vld [tilespmem:s26+$0x8210]  }
0x386: {  	[tilespmem:v58+s20+$0x0] =	vst.idx.add.f32.msk $0xffff, v41  }
0x387: {  	v61 =	vor.u32 v23, v38;
	v41 =	vld [tilespmem:s26+$0x8950]  }
0x388: {  	[tilespmem:v59+s20+$0x0] =	vst.idx.add.f32.msk $0xffff, v45  }
0x389: {  	v62 =	vor.u32 v18, v34;
	v45 =	vld [tilespmem:s26+$0x8980]  }
0x38a: {  	[tilespmem:v60+s20+$0x0] =	vst.idx.add.f32.msk $0xffff, v42  }
0x38b: {  	v63 =	vor.u32 v4, v35;
	v42 =	vld [tilespmem:s26+$0x8220]  }
0x38c: {  	[tilespmem:v61+s20+$0x0] =	vst.idx.add.f32.msk $0xffff, v41  }
0x38d: {  	v48 =	vor.u32 v24, v38;
	v41 =	vld [tilespmem:s26+$0x8960]  }
0x38e: {  	[tilespmem:v62+s20+$0x0] =	vst.idx.add.f32.msk $0xffff, v45  }
0x38f: {  	v49 =	vor.u32 v19, v34;
	v45 =	vld [tilespmem:s26+$0x8990]  }
0x390: {  	[tilespmem:v63+s20+$0x0] =	vst.idx.add.f32.msk $0xffff, v42  }
0x391: {  	v50 =	vor.u32 v5, v35;
	v42 =	vld [tilespmem:s26+$0x8230]  }
0x392: {  	[tilespmem:v48+s20+$0x0] =	vst.idx.add.f32.msk $0xffff, v41  }
0x393: {  	v51 =	vor.u32 v25, v38;
	v41 =	vld [tilespmem:s26+$0x8970]  }
0x394: {  	[tilespmem:v49+s20+$0x0] =	vst.idx.add.f32.msk $0xffff, v45  }
0x395: {  	v52 =	vor.u32 v20, v34;
	v45 =	vld [tilespmem:s26+$0x89A0]  }
0x396: {  	[tilespmem:v50+s20+$0x0] =	vst.idx.add.f32.msk $0xffff, v42  }
0x397: {  	v53 =	vor.u32 v6, v35;
	v42 =	vld [tilespmem:s26+$0x8240]  }
0x398: {  	[tilespmem:v51+s20+$0x0] =	vst.idx.add.f32.msk $0xffff, v41  }
0x399: {  	v54 =	vor.u32 v26, v38;
	v41 =	vld [tilespmem:s26+$0x8D00]  }
0x39a: {  	[tilespmem:v52+s20+$0x0] =	vst.idx.add.f32.msk $0xffff, v45  }
0x39b: {  	v55 =	vor.u32 v21, v34;
	v45 =	vld [tilespmem:s26+$0x89B0]  }
0x39c: {  	[tilespmem:v53+s20+$0x0] =	vst.idx.add.f32.msk $0xffff, v42  }
0x39d: {  	v56 =	vor.u32 v7, v35;
	v42 =	vld [tilespmem:s26+$0x8250]  }
0x39e: {  	[tilespmem:v54+s20+$0x0] =	vst.idx.add.f32.msk $0xffff, v41  }
0x39f: {  	v57 =	vor.u32 v27, v38;
	v41 =	vld [tilespmem:s26+$0x8D10]  }
0x3a0: {  	[tilespmem:v55+s20+$0x0] =	vst.idx.add.f32.msk $0xffff, v45  }
0x3a1: {  	v58 =	vor.u32 v22, v34;
	v45 =	vld [tilespmem:s26+$0x89C0]  }
0x3a2: {  	[tilespmem:v56+s20+$0x0] =	vst.idx.add.f32.msk $0xffff, v42  }
0x3a3: {  	v59 =	vor.u32 v8, v35;
	v42 =	vld [tilespmem:s26+$0x8260]  }
0x3a4: {  	[tilespmem:v57+s20+$0x0] =	vst.idx.add.f32.msk $0xffff, v41  }
0x3a5: {  	v60 =	vor.u32 v28, v38;
	v41 =	vld [tilespmem:s26+$0x8D20]  }
0x3a6: {  	[tilespmem:v58+s20+$0x0] =	vst.idx.add.f32.msk $0xffff, v45  }
0x3a7: {  	v61 =	vor.u32 v23, v34;
	v45 =	vld [tilespmem:s26+$0x89D0]  }
0x3a8: {  	[tilespmem:v59+s20+$0x0] =	vst.idx.add.f32.msk $0xffff, v42  }
0x3a9: {  	v62 =	vor.u32 v9, v35;
	v42 =	vld [tilespmem:s26+$0x8270]  }
0x3aa: {  	[tilespmem:v60+s20+$0x0] =	vst.idx.add.f32.msk $0xffff, v41  }
0x3ab: {  	v63 =	vor.u32 v29, v38;
	v41 =	vld [tilespmem:s26+$0x8D30]  }
0x3ac: {  	s31 =	sor.u32 $0x5, s25;
	[tilespmem:v61+s20+$0x0] =	vst.idx.add.f32.msk $0xffff, v45  }
0x3ad: {  	v48 =	vor.u32 v24, v34;
	v49 =	vmov s31;
	v45 =	vld [tilespmem:s26+$0x89E0]  }
0x3ae: {  	[tilespmem:v62+s20+$0x0] =	vst.idx.add.f32.msk $0xffff, v42;
	v42 =	vand.u32 $0xFFFFFFFD, v49  }
0x3af: {  	v47 =	vor.u32 v10, v35;
	v44 =	vld [tilespmem:s26+$0x8600];
	v50 =	vbroadcast v42, $0x0  }
0x3b0: {  	[tilespmem:v63+s20+$0x0] =	vst.idx.add.f32.msk $0xffff, v41  }
0x3b1: {  	v51 =	vld [tilespmem:s26+$0x8D40]  }
0x3b2: {  	v53 =	vor.u32 v30, v38;
	[tilespmem:v48+s20+$0x0] =	vst.idx.add.f32.msk $0xffff, v45  }
0x3b3: {  	v52 =	vld [tilespmem:s26+$0x89F0]  }
0x3b4: {  	v54 =	vor.u32 v25, v34;
	[tilespmem:v47+s20+$0x0] =	vst.idx.add.f32.msk $0xffff, v44  }
0x3b5: {  	v41 =	vld.idx.msk [tilespmem:v50+s18+$0x0], $0xffff  }
0x3b6: {  	v56 =	vor.u32 v11, v35;
	v55 =	vld [tilespmem:s26+$0x8610]  }
0x3b7: {  	[tilespmem:v53+s20+$0x0] =	vst.idx.add.f32.msk $0xffff, v51  }
0x3b8: {  	v49 =	vld [tilespmem:s26+$0x8D50]  }
0x3b9: {  	[tilespmem:v54+s20+$0x0] =	vst.idx.add.f32.msk $0xffff, v52  }
0x3ba: {  	v62 =	vor.u32 v26, v34;
	v61 =	vld [tilespmem:s26+$0x8D80]  }
0x3bb: {  	[tilespmem:v56+s20+$0x0] =	vst.idx.add.f32.msk $0xffff, v55  }
0x3bc: {  	v58 =	vor.u32 v12, v35;
	v59 =	vshll.u32 v41, $0x9;
	v60 =	vshll.u32 v41, $0x7;
	v57 =	vld [tilespmem:s26+$0x8620]  }
0x3bd: {  	v36 =	vand.u32 $0xFFFFF000, v59;
	v40 =	vand.u32 $0x380, v60;
	[tilespmem:v41+s19+$0x0] =	vst.idx.add.f32.msk $0x1, v2  }
0x3be: {  	v51 =	vor.u32 v31, v38;
	v36 =	vor.u32 v40, v36;
	v63 =	vld [tilespmem:s26+$0x8280]  }
0x3bf: {  	v48 =	vor.u32 v0, v36;
	[tilespmem:v62+s20+$0x0] =	vst.idx.add.f32.msk $0xffff, v61  }
0x3c0: {  	v43 =	vld [tilespmem:s26+$0x8D90]  }
0x3c1: {  	v53 =	vor.u32 v27, v34;
	[tilespmem:v58+s20+$0x0] =	vst.idx.add.f32.msk $0xffff, v57  }
0x3c2: {  	v50 =	vor.u32 v13, v35;
	v37 =	vld [tilespmem:s26+$0x8630]  }
0x3c3: {  	[tilespmem:v51+s20+$0x0] =	vst.idx.add.f32.msk $0xffff, v49  }
0x3c4: {  	[tilespmem:v48+s20+$0x0] =	vst.idx.add.f32.msk $0xffff, v63  }
0x3c5: {  	v52 =	vor.u32 v3, v36;
	v40 =	vld [tilespmem:s26+$0x8290]  }
0x3c6: {  	[tilespmem:v53+s20+$0x0] =	vst.idx.add.f32.msk $0xffff, v43  }
0x3c7: {  	[tilespmem:v50+s20+$0x0] =	vst.idx.add.f32.msk $0xffff, v37  }
0x3c8: {  	v54 =	vor.u32 v14, v35;
	v37 =	vld [tilespmem:s26+$0x8640]  }
0x3c9: {  	v57 =	vld [tilespmem:s26+$0x8DA0]  }
0x3ca: {  	v58 =	vor.u32 v28, v34;
	[tilespmem:v52+s20+$0x0] =	vst.idx.add.f32.msk $0xffff, v40  }
0x3cb: {  	v55 =	vor.u32 v4, v36;
	v40 =	vld [tilespmem:s26+$0x82A0]  }
0x3cc: {  	v44 =	vld [tilespmem:s26+$0x8D60]  }
0x3cd: {  	[tilespmem:v54+s20+$0x0] =	vst.idx.add.f32.msk $0xffff, v37  }
0x3ce: {  	v56 =	vor.u32 v15, v35;
	v37 =	vld [tilespmem:s26+$0x8650]  }
0x3cf: {  	[tilespmem:v58+s20+$0x0] =	vst.idx.add.f32.msk $0xffff, v57  }
0x3d0: {  	v61 =	vor.u32 v32, v38;
	[tilespmem:v55+s20+$0x0] =	vst.idx.add.f32.msk $0xffff, v40  }
0x3d1: {  	v59 =	vor.u32 v5, v36;
	v40 =	vld [tilespmem:s26+$0x82B0]  }
0x3d2: {  	v43 =	vld [tilespmem:s26+$0x8DB0]  }
0x3d3: {  	v63 =	vor.u32 v29, v34;
	[tilespmem:v56+s20+$0x0] =	vst.idx.add.f32.msk $0xffff, v37  }
0x3d4: {  	v60 =	vor.u32 v16, v35;
	v37 =	vld [tilespmem:s26+$0x8660]  }
0x3d5: {  	[tilespmem:v61+s20+$0x0] =	vst.idx.add.f32.msk $0xffff, v44  }
0x3d6: {  	[tilespmem:v59+s20+$0x0] =	vst.idx.add.f32.msk $0xffff, v40  }
0x3d7: {  	v62 =	vor.u32 v6, v36;
	v40 =	vld [tilespmem:s26+$0x82C0]  }
0x3d8: {  	[tilespmem:v63+s20+$0x0] =	vst.idx.add.f32.msk $0xffff, v43  }
0x3d9: {  	[tilespmem:v60+s20+$0x0] =	vst.idx.add.f32.msk $0xffff, v37  }
0x3da: {  	v46 =	vor.u32 v17, v35;
	v37 =	vld [tilespmem:s26+$0x8670]  }
0x3db: {  	v49 =	vld [tilespmem:s26+$0x8DC0]  }
0x3dc: {  	v50 =	vor.u32 v30, v34;
	[tilespmem:v62+s20+$0x0] =	vst.idx.add.f32.msk $0xffff, v40  }
0x3dd: {  	v47 =	vor.u32 v7, v36;
	v40 =	vld [tilespmem:s26+$0x82D0]  }
0x3de: {  	v44 =	vld [tilespmem:s26+$0x8D70]  }
0x3df: {  	[tilespmem:v46+s20+$0x0] =	vst.idx.add.f32.msk $0xffff, v37  }
0x3e0: {  	v48 =	vor.u32 v18, v35;
	v37 =	vld [tilespmem:s26+$0x8A00]  }
0x3e1: {  	[tilespmem:v50+s20+$0x0] =	vst.idx.add.f32.msk $0xffff, v49  }
0x3e2: {  	v38 =	vor.u32 v33, v38;
	[tilespmem:v47+s20+$0x0] =	vst.idx.add.f32.msk $0xffff, v40  }
0x3e3: {  	v51 =	vor.u32 v8, v36;
	v40 =	vld [tilespmem:s26+$0x82E0]  }
0x3e4: {  	v42 =	vld [tilespmem:s26+$0x8DD0]  }
0x3e5: {  	v54 =	vor.u32 v31, v34;
	[tilespmem:v48+s20+$0x0] =	vst.idx.add.f32.msk $0xffff, v37  }
0x3e6: {  	v52 =	vor.u32 v19, v35;
	v37 =	vld [tilespmem:s26+$0x8A10]  }
0x3e7: {  	s29 =	sor.u32 $0x6, s25;
	[tilespmem:v38+s20+$0x0] =	vst.idx.add.f32.msk $0xffff, v44  }
0x3e8: {  	v56 =	vmov s29;
	[tilespmem:v51+s20+$0x0] =	vst.idx.add.f32.msk $0xffff, v40  }
0x3e9: {  	v53 =	vor.u32 v9, v36;
	v38 =	vand.u32 $0xFFFFFFFE, v56;
	v40 =	vld [tilespmem:s26+$0x82F0]  }
0x3ea: {  	v38 =	vbroadcast v38, $0x0;
	[tilespmem:v54+s20+$0x0] =	vst.idx.add.f32.msk $0xffff, v42  }
0x3eb: {  	[tilespmem:v52+s20+$0x0] =	vst.idx.add.f32.msk $0xffff, v37  }
0x3ec: {  	v55 =	vor.u32 v20, v35;
	v37 =	vld [tilespmem:s26+$0x8A20]  }
0x3ed: {  	v42 =	vld [tilespmem:s26+$0x8DE0]  }
0x3ee: {  	v61 =	vor.u32 v32, v34;
	[tilespmem:v53+s20+$0x0] =	vst.idx.add.f32.msk $0xffff, v40  }
0x3ef: {  	s30 =	sor.u32 $0x7, s25;
	v57 =	vor.u32 v10, v36;
	v40 =	vld [tilespmem:s26+$0x8680]  }
0x3f0: {  	v59 =	vmov s30;
	v38 =	vld.idx.msk [tilespmem:v38+s18+$0x0], $0xffff  }
0x3f1: {  	[tilespmem:v55+s20+$0x0] =	vst.idx.add.f32.msk $0xffff, v37  }
0x3f2: {  	v58 =	vor.u32 v21, v35;
	v37 =	vld [tilespmem:s26+$0x8A30]  }
0x3f3: {  	[tilespmem:v61+s20+$0x0] =	vst.idx.add.f32.msk $0xffff, v42  }
0x3f4: {  	[tilespmem:v57+s20+$0x0] =	vst.idx.add.f32.msk $0xffff, v40  }
0x3f5: {  	v40 =	vld.idx.msk [tilespmem:v59+s18+$0x0], $0xffff  }
0x3f6: {  	v60 =	vor.u32 v11, v36;
	v41 =	vld [tilespmem:s26+$0x8690]  }
0x3f7: {  	[tilespmem:v58+s20+$0x0] =	vst.idx.add.f32.msk $0xffff, v37  }
0x3f8: {  	v62 =	vor.u32 v22, v35;
	v37 =	vld [tilespmem:s26+$0x8A40]  }
0x3f9: {  	[tilespmem:v38+s19+$0x0] =	vst.idx.add.f32.msk $0x1, v2  }
0x3fa: {  	v52 =	vld [tilespmem:s26+$0x8300]  }
0x3fb: {  	v49 =	vshll.u32 v38, $0x7;
	v48 =	vshll.u32 v38, $0x9;
	[tilespmem:v60+s20+$0x0] =	vst.idx.add.f32.msk $0xffff, v41  }
0x3fc: {  	v63 =	vor.u32 v12, v36;
	v50 =	vand.u32 $0xFFFFF000, v48;
	v51 =	vand.u32 $0x380, v49;
	v41 =	vld [tilespmem:s26+$0x86A0]  }
0x3fd: {  	[tilespmem:v62+s20+$0x0] =	vst.idx.add.f32.msk $0xffff, v37;
	v37 =	vor.u32 v51, v50  }
0x3fe: {  	v54 =	vshll.u32 v40, $0x9;
	v55 =	vshll.u32 v40, $0x7;
	[tilespmem:v40+s19+$0x0] =	vst.idx.add.f32.msk $0x1, v2;
	v53 =	vor.u32 v0, v37  }
0x3ff: {  	v61 =	vor.u32 v23, v35;
	v38 =	vand.u32 $0xFFFFF000, v54;
	v56 =	vand.u32 $0x380, v55;
	v59 =	vld [tilespmem:s26+$0x8A50]  }
0x400: {  	v38 =	vor.u32 v56, v38;
	v40 =	vld [tilespmem:s26+$0x8380]  }
0x401: {  	[tilespmem:v63+s20+$0x0] =	vst.idx.add.f32.msk $0xffff, v41;
	v41 =	vor.u32 v0, v38  }
0x402: {  	v43 =	vld [tilespmem:s26+$0x86B0]  }
0x403: {  	[tilespmem:v53+s20+$0x0] =	vst.idx.add.f32.msk $0xffff, v52  }
0x404: {  	v57 =	vor.u32 v13, v36;
	[tilespmem:v61+s20+$0x0] =	vst.idx.add.f32.msk $0xffff, v59  }
0x405: {  	v58 =	vor.u32 v3, v37;
	v39 =	vld [tilespmem:s26+$0x8310]  }
0x406: {  	[tilespmem:v41+s20+$0x0] =	vst.idx.add.f32.msk $0xffff, v40  }
0x407: {  	v60 =	vor.u32 v3, v38;
	v40 =	vld [tilespmem:s26+$0x8390]  }
0x408: {  	v45 =	vld [tilespmem:s26+$0x8A60]  }
0x409: {  	[tilespmem:v57+s20+$0x0] =	vst.idx.add.f32.msk $0xffff, v43  }
0x40a: {  	v55 =	vor.u32 v24, v35;
	[tilespmem:v58+s20+$0x0] =	vst.idx.add.f32.msk $0xffff, v39  }
0x40b: {  	v62 =	vor.u32 v4, v37;
	v39 =	vld [tilespmem:s26+$0x8320]  }
0x40c: {  	[tilespmem:v60+s20+$0x0] =	vst.idx.add.f32.msk $0xffff, v40  }
0x40d: {  	v48 =	vor.u32 v4, v38;
	v40 =	vld [tilespmem:s26+$0x83A0]  }
0x40e: {  	v44 =	vld [tilespmem:s26+$0x86C0]  }
0x40f: {  	v63 =	vor.u32 v14, v36;
	[tilespmem:v55+s20+$0x0] =	vst.idx.add.f32.msk $0xffff, v45  }
0x410: {  	[tilespmem:v62+s20+$0x0] =	vst.idx.add.f32.msk $0xffff, v39  }
0x411: {  	v49 =	vor.u32 v5, v37;
	v39 =	vld [tilespmem:s26+$0x8330]  }
0x412: {  	[tilespmem:v48+s20+$0x0] =	vst.idx.add.f32.msk $0xffff, v40  }
0x413: {  	v50 =	vor.u32 v5, v38;
	v40 =	vld [tilespmem:s26+$0x83B0]  }
0x414: {  	[tilespmem:v63+s20+$0x0] =	vst.idx.add.f32.msk $0xffff, v44  }
0x415: {  	v52 =	vor.u32 v15, v36;
	v51 =	vld [tilespmem:s26+$0x86D0]  }
0x416: {  	[tilespmem:v49+s20+$0x0] =	vst.idx.add.f32.msk $0xffff, v39  }
0x417: {  	v53 =	vor.u32 v6, v37;
	v39 =	vld [tilespmem:s26+$0x8340]  }
0x418: {  	[tilespmem:v50+s20+$0x0] =	vst.idx.add.f32.msk $0xffff, v40  }
0x419: {  	v54 =	vor.u32 v6, v38;
	v40 =	vld [tilespmem:s26+$0x83C0]  }
0x41a: {  	[tilespmem:v52+s20+$0x0] =	vst.idx.add.f32.msk $0xffff, v51  }
0x41b: {  	v44 =	vld [tilespmem:s26+$0x86E0]  }
0x41c: {  	v57 =	vor.u32 v16, v36;
	[tilespmem:v53+s20+$0x0] =	vst.idx.add.f32.msk $0xffff, v39  }
0x41d: {  	v56 =	vor.u32 v7, v37;
	v39 =	vld [tilespmem:s26+$0x8350]  }
0x41e: {  	[tilespmem:v54+s20+$0x0] =	vst.idx.add.f32.msk $0xffff, v40  }
0x41f: {  	v58 =	vor.u32 v7, v38;
	v40 =	vld [tilespmem:s26+$0x83D0]  }
0x420: {  	v45 =	vld [tilespmem:s26+$0x8A70]  }
0x421: {  	[tilespmem:v57+s20+$0x0] =	vst.idx.add.f32.msk $0xffff, v44  }
0x422: {  	v49 =	vor.u32 v25, v35;
	[tilespmem:v56+s20+$0x0] =	vst.idx.add.f32.msk $0xffff, v39  }
0x423: {  	v59 =	vor.u32 v8, v37;
	v39 =	vld [tilespmem:s26+$0x8360]  }
0x424: {  	[tilespmem:v58+s20+$0x0] =	vst.idx.add.f32.msk $0xffff, v40  }
0x425: {  	v60 =	vor.u32 v8, v38;
	v40 =	vld [tilespmem:s26+$0x83E0]  }
0x426: {  	v61 =	vld [tilespmem:s26+$0x86F0]  }
0x427: {  	v62 =	vor.u32 v17, v36;
	[tilespmem:v49+s20+$0x0] =	vst.idx.add.f32.msk $0xffff, v45  }
0x428: {  	[tilespmem:v59+s20+$0x0] =	vst.idx.add.f32.msk $0xffff, v39  }
0x429: {  	v63 =	vor.u32 v9, v37;
	v39 =	vld [tilespmem:s26+$0x8370]  }
0x42a: {  	[tilespmem:v60+s20+$0x0] =	vst.idx.add.f32.msk $0xffff, v40  }
0x42b: {  	v48 =	vor.u32 v9, v38;
	v40 =	vld [tilespmem:s26+$0x83F0]  }
0x42c: {  	[tilespmem:v62+s20+$0x0] =	vst.idx.add.f32.msk $0xffff, v61  }
0x42d: {  	v51 =	vor.u32 v18, v36;
	v44 =	vld [tilespmem:s26+$0x8A80]  }
0x42e: {  	[tilespmem:v63+s20+$0x0] =	vst.idx.add.f32.msk $0xffff, v39  }
0x42f: {  	v50 =	vor.u32 v10, v37;
	v39 =	vld [tilespmem:s26+$0x8700]  }
0x430: {  	[tilespmem:v48+s20+$0x0] =	vst.idx.add.f32.msk $0xffff, v40  }
0x431: {  	v52 =	vor.u32 v10, v38;
	v40 =	vld [tilespmem:s26+$0x8780]  }
0x432: {  	[tilespmem:v51+s20+$0x0] =	vst.idx.add.f32.msk $0xffff, v44  }
0x433: {  	v55 =	vld [tilespmem:s26+$0x8A90]  }
0x434: {  	v56 =	vor.u32 v19, v36;
	[tilespmem:v50+s20+$0x0] =	vst.idx.add.f32.msk $0xffff, v39  }
0x435: {  	v53 =	vor.u32 v11, v37;
	v39 =	vld [tilespmem:s26+$0x8710]  }
0x436: {  	[tilespmem:v52+s20+$0x0] =	vst.idx.add.f32.msk $0xffff, v40  }
0x437: {  	v54 =	vor.u32 v11, v38;
	v40 =	vld [tilespmem:s26+$0x8790]  }
0x438: {  	v45 =	vld [tilespmem:s26+$0x8E00]  }
0x439: {  	[tilespmem:v56+s20+$0x0] =	vst.idx.add.f32.msk $0xffff, v55  }
0x43a: {  	v59 =	vor.u32 v26, v35;
	[tilespmem:v53+s20+$0x0] =	vst.idx.add.f32.msk $0xffff, v39  }
0x43b: {  	v57 =	vor.u32 v12, v37;
	v39 =	vld [tilespmem:s26+$0x8720]  }
0x43c: {  	[tilespmem:v54+s20+$0x0] =	vst.idx.add.f32.msk $0xffff, v40  }
0x43d: {  	v58 =	vor.u32 v12, v38;
	v40 =	vld [tilespmem:s26+$0x87A0]  }
0x43e: {  	v44 =	vld [tilespmem:s26+$0x8AA0]  }
0x43f: {  	v61 =	vor.u32 v20, v36;
	[tilespmem:v59+s20+$0x0] =	vst.idx.add.f32.msk $0xffff, v45  }
0x440: {  	[tilespmem:v57+s20+$0x0] =	vst.idx.add.f32.msk $0xffff, v39  }
0x441: {  	v60 =	vor.u32 v13, v37;
	v39 =	vld [tilespmem:s26+$0x8730]  }
0x442: {  	[tilespmem:v58+s20+$0x0] =	vst.idx.add.f32.msk $0xffff, v40  }
0x443: {  	v62 =	vor.u32 v13, v38;
	v40 =	vld [tilespmem:s26+$0x87B0]  }
0x444: {  	[tilespmem:v61+s20+$0x0] =	vst.idx.add.f32.msk $0xffff, v44  }
0x445: {  	v49 =	vld [tilespmem:s26+$0x8AB0]  }
0x446: {  	v50 =	vor.u32 v21, v36;
	[tilespmem:v60+s20+$0x0] =	vst.idx.add.f32.msk $0xffff, v39  }
0x447: {  	v63 =	vor.u32 v14, v37;
	v39 =	vld [tilespmem:s26+$0x8740]  }
0x448: {  	[tilespmem:v62+s20+$0x0] =	vst.idx.add.f32.msk $0xffff, v40  }
0x449: {  	v48 =	vor.u32 v14, v38;
	v40 =	vld [tilespmem:s26+$0x87C0]  }
0x44a: {  	v45 =	vld [tilespmem:s26+$0x8E10]  }
0x44b: {  	[tilespmem:v50+s20+$0x0] =	vst.idx.add.f32.msk $0xffff, v49  }
0x44c: {  	v53 =	vor.u32 v27, v35;
	[tilespmem:v63+s20+$0x0] =	vst.idx.add.f32.msk $0xffff, v39  }
0x44d: {  	v51 =	vor.u32 v15, v37;
	v39 =	vld [tilespmem:s26+$0x8750]  }
0x44e: {  	[tilespmem:v48+s20+$0x0] =	vst.idx.add.f32.msk $0xffff, v40  }
0x44f: {  	v52 =	vor.u32 v15, v38;
	v40 =	vld [tilespmem:s26+$0x87D0]  }
0x450: {  	v44 =	vld [tilespmem:s26+$0x8AC0]  }
0x451: {  	v55 =	vor.u32 v22, v36;
	[tilespmem:v53+s20+$0x0] =	vst.idx.add.f32.msk $0xffff, v45  }
0x452: {  	[tilespmem:v51+s20+$0x0] =	vst.idx.add.f32.msk $0xffff, v39  }
0x453: {  	v54 =	vor.u32 v16, v37;
	v39 =	vld [tilespmem:s26+$0x8760]  }
0x454: {  	[tilespmem:v52+s20+$0x0] =	vst.idx.add.f32.msk $0xffff, v40  }
0x455: {  	v56 =	vor.u32 v16, v38;
	v40 =	vld [tilespmem:s26+$0x87E0]  }
0x456: {  	[tilespmem:v55+s20+$0x0] =	vst.idx.add.f32.msk $0xffff, v44  }
0x457: {  	v59 =	vld [tilespmem:s26+$0x8AD0]  }
0x458: {  	v60 =	vor.u32 v23, v36;
	[tilespmem:v54+s20+$0x0] =	vst.idx.add.f32.msk $0xffff, v39  }
0x459: {  	v57 =	vor.u32 v17, v37;
	v39 =	vld [tilespmem:s26+$0x8770]  }
0x45a: {  	[tilespmem:v56+s20+$0x0] =	vst.idx.add.f32.msk $0xffff, v40  }
0x45b: {  	v58 =	vor.u32 v17, v38;
	v40 =	vld [tilespmem:s26+$0x87F0]  }
0x45c: {  	v45 =	vld [tilespmem:s26+$0x8E20]  }
0x45d: {  	[tilespmem:v60+s20+$0x0] =	vst.idx.add.f32.msk $0xffff, v59  }
0x45e: {  	v63 =	vor.u32 v28, v35;
	[tilespmem:v57+s20+$0x0] =	vst.idx.add.f32.msk $0xffff, v39  }
0x45f: {  	v61 =	vor.u32 v18, v37;
	v39 =	vld [tilespmem:s26+$0x8B00]  }
0x460: {  	[tilespmem:v58+s20+$0x0] =	vst.idx.add.f32.msk $0xffff, v40  }
0x461: {  	v62 =	vor.u32 v18, v38;
	v40 =	vld [tilespmem:s26+$0x8B80]  }
0x462: {  	v44 =	vld [tilespmem:s26+$0x8AE0]  }
0x463: {  	v49 =	vor.u32 v24, v36;
	[tilespmem:v63+s20+$0x0] =	vst.idx.add.f32.msk $0xffff, v45  }
0x464: {  	[tilespmem:v61+s20+$0x0] =	vst.idx.add.f32.msk $0xffff, v39  }
0x465: {  	v48 =	vor.u32 v19, v37;
	v39 =	vld [tilespmem:s26+$0x8B10]  }
0x466: {  	[tilespmem:v62+s20+$0x0] =	vst.idx.add.f32.msk $0xffff, v40  }
0x467: {  	v50 =	vor.u32 v19, v38;
	v40 =	vld [tilespmem:s26+$0x8B90]  }
0x468: {  	[tilespmem:v49+s20+$0x0] =	vst.idx.add.f32.msk $0xffff, v44  }
0x469: {  	v53 =	vld [tilespmem:s26+$0x8AF0]  }
0x46a: {  	v54 =	vor.u32 v25, v36;
	[tilespmem:v48+s20+$0x0] =	vst.idx.add.f32.msk $0xffff, v39  }
0x46b: {  	v51 =	vor.u32 v20, v37;
	v39 =	vld [tilespmem:s26+$0x8B20]  }
0x46c: {  	[tilespmem:v50+s20+$0x0] =	vst.idx.add.f32.msk $0xffff, v40  }
0x46d: {  	v52 =	vor.u32 v20, v38;
	v40 =	vld [tilespmem:s26+$0x8BA0]  }
0x46e: {  	v45 =	vld [tilespmem:s26+$0x8E30]  }
0x46f: {  	[tilespmem:v54+s20+$0x0] =	vst.idx.add.f32.msk $0xffff, v53  }
0x470: {  	v57 =	vor.u32 v29, v35;
	[tilespmem:v51+s20+$0x0] =	vst.idx.add.f32.msk $0xffff, v39  }
0x471: {  	v55 =	vor.u32 v21, v37;
	v39 =	vld [tilespmem:s26+$0x8B30]  }
0x472: {  	[tilespmem:v52+s20+$0x0] =	vst.idx.add.f32.msk $0xffff, v40  }
0x473: {  	v56 =	vor.u32 v21, v38;
	v40 =	vld [tilespmem:s26+$0x8BB0]  }
0x474: {  	v44 =	vld [tilespmem:s26+$0x8E80]  }
0x475: {  	v59 =	vor.u32 v26, v36;
	[tilespmem:v57+s20+$0x0] =	vst.idx.add.f32.msk $0xffff, v45  }
0x476: {  	[tilespmem:v55+s20+$0x0] =	vst.idx.add.f32.msk $0xffff, v39  }
0x477: {  	v58 =	vor.u32 v22, v37;
	v39 =	vld [tilespmem:s26+$0x8B40]  }
0x478: {  	[tilespmem:v56+s20+$0x0] =	vst.idx.add.f32.msk $0xffff, v40  }
0x479: {  	v60 =	vor.u32 v22, v38;
	v40 =	vld [tilespmem:s26+$0x8BC0]  }
0x47a: {  	[tilespmem:v59+s20+$0x0] =	vst.idx.add.f32.msk $0xffff, v44  }
0x47b: {  	v63 =	vld [tilespmem:s26+$0x8E90]  }
0x47c: {  	v48 =	vor.u32 v27, v36;
	[tilespmem:v58+s20+$0x0] =	vst.idx.add.f32.msk $0xffff, v39  }
0x47d: {  	v61 =	vor.u32 v23, v37;
	v39 =	vld [tilespmem:s26+$0x8B50]  }
0x47e: {  	[tilespmem:v60+s20+$0x0] =	vst.idx.add.f32.msk $0xffff, v40  }
0x47f: {  	v62 =	vor.u32 v23, v38;
	v40 =	vld [tilespmem:s26+$0x8BD0]  }
0x480: {  	v45 =	vld [tilespmem:s26+$0x8E40]  }
0x481: {  	[tilespmem:v48+s20+$0x0] =	vst.idx.add.f32.msk $0xffff, v63  }
0x482: {  	v51 =	vor.u32 v30, v35;
	[tilespmem:v61+s20+$0x0] =	vst.idx.add.f32.msk $0xffff, v39  }
0x483: {  	v49 =	vor.u32 v24, v37;
	v39 =	vld [tilespmem:s26+$0x8B60]  }
0x484: {  	[tilespmem:v62+s20+$0x0] =	vst.idx.add.f32.msk $0xffff, v40  }
0x485: {  	v50 =	vor.u32 v24, v38;
	v40 =	vld [tilespmem:s26+$0x8BE0]  }
0x486: {  	v44 =	vld [tilespmem:s26+$0x8EA0]  }
0x487: {  	v53 =	vor.u32 v28, v36;
	[tilespmem:v51+s20+$0x0] =	vst.idx.add.f32.msk $0xffff, v45  }
0x488: {  	[tilespmem:v49+s20+$0x0] =	vst.idx.add.f32.msk $0xffff, v39  }
0x489: {  	v52 =	vor.u32 v25, v37;
	v39 =	vld [tilespmem:s26+$0x8B70]  }
0x48a: {  	[tilespmem:v50+s20+$0x0] =	vst.idx.add.f32.msk $0xffff, v40  }
0x48b: {  	v54 =	vor.u32 v25, v38;
	v40 =	vld [tilespmem:s26+$0x8BF0]  }
0x48c: {  	[tilespmem:v53+s20+$0x0] =	vst.idx.add.f32.msk $0xffff, v44  }
0x48d: {  	v57 =	vld [tilespmem:s26+$0x8EB0]  }
0x48e: {  	v58 =	vor.u32 v29, v36;
	[tilespmem:v52+s20+$0x0] =	vst.idx.add.f32.msk $0xffff, v39  }
0x48f: {  	v55 =	vor.u32 v26, v37;
	v39 =	vld [tilespmem:s26+$0x8F00]  }
0x490: {  	[tilespmem:v54+s20+$0x0] =	vst.idx.add.f32.msk $0xffff, v40  }
0x491: {  	v56 =	vor.u32 v26, v38;
	v40 =	vld [tilespmem:s26+$0x8F80]  }
0x492: {  	v45 =	vld [tilespmem:s26+$0x8E50]  }
0x493: {  	[tilespmem:v58+s20+$0x0] =	vst.idx.add.f32.msk $0xffff, v57  }
0x494: {  	v61 =	vor.u32 v31, v35;
	[tilespmem:v55+s20+$0x0] =	vst.idx.add.f32.msk $0xffff, v39  }
0x495: {  	v59 =	vor.u32 v27, v37;
	v39 =	vld [tilespmem:s26+$0x8F10]  }
0x496: {  	[tilespmem:v56+s20+$0x0] =	vst.idx.add.f32.msk $0xffff, v40  }
0x497: {  	v60 =	vor.u32 v27, v38;
	v40 =	vld [tilespmem:s26+$0x8F90]  }
0x498: {  	v44 =	vld [tilespmem:s26+$0x8EC0]  }
0x499: {  	v63 =	vor.u32 v30, v36;
	[tilespmem:v61+s20+$0x0] =	vst.idx.add.f32.msk $0xffff, v45  }
0x49a: {  	[tilespmem:v59+s20+$0x0] =	vst.idx.add.f32.msk $0xffff, v39  }
0x49b: {  	v62 =	vor.u32 v28, v37;
	v39 =	vld [tilespmem:s26+$0x8F20]  }
0x49c: {  	[tilespmem:v60+s20+$0x0] =	vst.idx.add.f32.msk $0xffff, v40  }
0x49d: {  	v47 =	vor.u32 v28, v38;
	v40 =	vld [tilespmem:s26+$0x8FA0]  }
0x49e: {  	[tilespmem:v63+s20+$0x0] =	vst.idx.add.f32.msk $0xffff, v44  }
0x49f: {  	v50 =	vld [tilespmem:s26+$0x8ED0]  }
0x4a0: {  	v51 =	vor.u32 v31, v36;
	[tilespmem:v62+s20+$0x0] =	vst.idx.add.f32.msk $0xffff, v39  }
0x4a1: {  	v48 =	vor.u32 v29, v37;
	v39 =	vld [tilespmem:s26+$0x8F30]  }
0x4a2: {  	[tilespmem:v47+s20+$0x0] =	vst.idx.add.f32.msk $0xffff, v40  }
0x4a3: {  	v49 =	vor.u32 v29, v38;
	v40 =	vld [tilespmem:s26+$0x8FB0]  }
0x4a4: {  	v45 =	vld [tilespmem:s26+$0x8E60]  }
0x4a5: {  	[tilespmem:v51+s20+$0x0] =	vst.idx.add.f32.msk $0xffff, v50  }
0x4a6: {  	v54 =	vor.u32 v32, v35;
	[tilespmem:v48+s20+$0x0] =	vst.idx.add.f32.msk $0xffff, v39  }
0x4a7: {  	v52 =	vor.u32 v30, v37;
	v39 =	vld [tilespmem:s26+$0x8F40]  }
0x4a8: {  	[tilespmem:v49+s20+$0x0] =	vst.idx.add.f32.msk $0xffff, v40  }
0x4a9: {  	v53 =	vor.u32 v30, v38;
	v40 =	vld [tilespmem:s26+$0x8FC0]  }
0x4aa: {  	v44 =	vld [tilespmem:s26+$0x8EE0]  }
0x4ab: {  	[tilespmem:v54+s20+$0x0] =	vst.idx.add.f32.msk $0xffff, v45  }
0x4ac: {  	v56 =	vor.u32 v32, v36;
	[tilespmem:v52+s20+$0x0] =	vst.idx.add.f32.msk $0xffff, v39  }
0x4ad: {  	v55 =	vor.u32 v31, v37;
	v39 =	vld [tilespmem:s26+$0x8F50]  }
0x4ae: {  	[tilespmem:v53+s20+$0x0] =	vst.idx.add.f32.msk $0xffff, v40  }
0x4af: {  	v57 =	vor.u32 v31, v38;
	v40 =	vld [tilespmem:s26+$0x8FD0]  }
0x4b0: {  	v61 =	vld [tilespmem:s26+$0x8E70]  }
0x4b1: {  	[tilespmem:v56+s20+$0x0] =	vst.idx.add.f32.msk $0xffff, v44  }
0x4b2: {  	[tilespmem:v55+s20+$0x0] =	vst.idx.add.f32.msk $0xffff, v39  }
0x4b3: {  	v58 =	vor.u32 v32, v37;
	v39 =	vld [tilespmem:s26+$0x8F60]  }
0x4b4: {  	[tilespmem:v57+s20+$0x0] =	vst.idx.add.f32.msk $0xffff, v40  }
0x4b5: {  	v59 =	vor.u32 v32, v38;
	v40 =	vld [tilespmem:s26+$0x8FE0]  }
0x4b6: {  	v60 =	vld [tilespmem:s26+$0x8DF0]  }
0x4b7: {  	v35 =	vor.u32 v33, v35;
	v62 =	vld [tilespmem:s26+$0x8EF0]  }
0x4b8: {  	v34 =	vor.u32 v33, v34;
	[tilespmem:v58+s20+$0x0] =	vst.idx.add.f32.msk $0xffff, v39  }
0x4b9: {  	v36 =	vor.u32 v33, v36;
	v63 =	vld [tilespmem:s26+$0x8F70]  }
0x4ba: {  	v37 =	vor.u32 v33, v37;
	[tilespmem:v59+s20+$0x0] =	vst.idx.add.f32.msk $0xffff, v40  }
0x4bb: {  	p0 =	slt.u32 s25, $0x38;
	v38 =	vor.u32 v33, v38;
	v41 =	vld [tilespmem:s26+$0x8FF0]  }
.Ltmp2:
0x4bc: {  	[tilespmem:v35+s20+$0x0] =	vst.idx.add.f32.msk $0xffff, v61;
	(pc) =	sbr.rel @p0 .LBB2_6-.Ltmp2, $4  }
0x4bd: {  	[tilespmem:v34+s20+$0x0] =	vst.idx.add.f32.msk $0xffff, v60  }
0x4be: {  	[tilespmem:v36+s20+$0x0] =	vst.idx.add.f32.msk $0xffff, v62  }
0x4bf: {  	s31 =	sadd.s32 $0x8, s25;
	[tilespmem:v37+s20+$0x0] =	vst.idx.add.f32.msk $0xffff, v63  }
0x4c0: {  	s25 =	smov.u32 s31;
	[tilespmem:v38+s20+$0x0] =	vst.idx.add.f32.msk $0xffff, v41  }
0x4c1: {  	_ =	swait.ge [sflag:s15], $0x8000  }
0x4c2: {  	[sflag:s15] =	ssyncset.done $0x0  }
0x4c3: {  	[sflag:s15] =	ssyncadd.s32 $0xFFFF8000  }
0x4c4: {  	_ =	swait.ge [sflag:s16], $0x40  }
0x4c5: {  	[sflag:s16] =	ssyncset.done $0x0  }
0x4c6: {  	s25 =	simm.s32 $0x0;
	[sflag:s16] =	ssyncadd.s32 $0xFFFFFFC0  }
0x4c7: {  	[tilespmem:s17], [sflag:$0x2] =	stream.linear.gather [hbm4b:s9+s25], $0x8000, $0x38;
	[tilespmem:$0x18180] =	vst v63  }
0x4c8: {  	_ = 	snop  }
0x4c9: {  	[tilespmem:s18], [sflag:$0x4] =	stream.linear.gather [hbm4b:s10+s25], $0x40, $0x38;
	[tilespmem:$0x18180] =	vst v63  }
.LBB2_8:
0x4ca: {  	v34 =	vmov s25  }
0x4cb: {  	v34 =	vand.u32 $0xFFFFFFF8, v34  }
0x4cc: {  	v34 =	vbroadcast v34, $0x0;
	_ =	sdelay $0x5  }
0x4cd: {  	v34 =	vld.idx.msk [tilespmem:v34+s14+$0x0], $0xffff;
	_ =	sdelay $0x5  }
0x4ce: {  	v35 =	vshll.u32 v34, $0x9;
	v36 =	vshll.u32 v34, $0x7  }
0x4cf: {  	s26 =	sshll.u32 s25, $0x9;
	v35 =	vand.u32 $0xFFFFF000, v35;
	v36 =	vand.u32 $0x380, v36  }
0x4d0: {  	s26 =	sand.u32 $0x3FFFFE00, s26;
	v36 =	vor.u32 v36, v35;
	[tilespmem:v34+s19+$0x0] =	vst.idx.add.f32.msk $0x1, v2  }
0x4d1: {  	v35 =	vor.u32 v0, v36;
	v34 =	vld [tilespmem:s26+$0x0];
	_ =	sdelay $0x4  }
0x4d2: {  	[tilespmem:v35+s20+$0x0] =	vst.idx.add.f32.msk $0xffff, v34  }
0x4d3: {  	v45 =	vor.u32 v3, v36;
	v34 =	vld [tilespmem:s26+$0x10];
	_ =	sdelay $0x4  }
0x4d4: {  	[tilespmem:v45+s20+$0x0] =	vst.idx.add.f32.msk $0xffff, v34  }
0x4d5: {  	v46 =	vor.u32 v4, v36;
	v34 =	vld [tilespmem:s26+$0x20];
	_ =	sdelay $0x4  }
0x4d6: {  	[tilespmem:v46+s20+$0x0] =	vst.idx.add.f32.msk $0xffff, v34  }
0x4d7: {  	v47 =	vor.u32 v5, v36;
	v34 =	vld [tilespmem:s26+$0x30];
	_ =	sdelay $0x4  }
0x4d8: {  	[tilespmem:v47+s20+$0x0] =	vst.idx.add.f32.msk $0xffff, v34  }
0x4d9: {  	v48 =	vor.u32 v6, v36;
	v34 =	vld [tilespmem:s26+$0x40];
	_ =	sdelay $0x4  }
0x4da: {  	[tilespmem:v48+s20+$0x0] =	vst.idx.add.f32.msk $0xffff, v34  }
0x4db: {  	v49 =	vor.u32 v7, v36;
	v34 =	vld [tilespmem:s26+$0x50];
	_ =	sdelay $0x4  }
0x4dc: {  	[tilespmem:v49+s20+$0x0] =	vst.idx.add.f32.msk $0xffff, v34  }
0x4dd: {  	v50 =	vor.u32 v8, v36;
	v34 =	vld [tilespmem:s26+$0x60];
	_ =	sdelay $0x4  }
0x4de: {  	[tilespmem:v50+s20+$0x0] =	vst.idx.add.f32.msk $0xffff, v34  }
0x4df: {  	v51 =	vor.u32 v9, v36;
	v34 =	vld [tilespmem:s26+$0x70];
	_ =	sdelay $0x4  }
0x4e0: {  	[tilespmem:v51+s20+$0x0] =	vst.idx.add.f32.msk $0xffff, v34  }
0x4e1: {  	v52 =	vor.u32 v10, v36;
	v34 =	vld [tilespmem:s26+$0x400];
	_ =	sdelay $0x4  }
0x4e2: {  	[tilespmem:v52+s20+$0x0] =	vst.idx.add.f32.msk $0xffff, v34  }
0x4e3: {  	v53 =	vor.u32 v11, v36;
	v34 =	vld [tilespmem:s26+$0x410];
	_ =	sdelay $0x4  }
0x4e4: {  	[tilespmem:v53+s20+$0x0] =	vst.idx.add.f32.msk $0xffff, v34  }
0x4e5: {  	v54 =	vor.u32 v12, v36;
	v34 =	vld [tilespmem:s26+$0x420];
	_ =	sdelay $0x4  }
0x4e6: {  	[tilespmem:v54+s20+$0x0] =	vst.idx.add.f32.msk $0xffff, v34  }
0x4e7: {  	v55 =	vor.u32 v13, v36;
	v34 =	vld [tilespmem:s26+$0x430];
	_ =	sdelay $0x3  }
0x4e8: {  	s28 =	sor.u32 $0x1, s25  }
0x4e9: {  	v56 =	vmov s28;
	[tilespmem:v55+s20+$0x0] =	vst.idx.add.f32.msk $0xffff, v34  }
0x4ea: {  	v37 =	vor.u32 v14, v36;
	v34 =	vand.u32 $0xFFFFFFF9, v56;
	v35 =	vld [tilespmem:s26+$0x440]  }
0x4eb: {  	v34 =	vbroadcast v34, $0x0;
	_ =	sdelay $0x3  }
0x4ec: {  	[tilespmem:v37+s20+$0x0] =	vst.idx.add.f32.msk $0xffff, v35  }
0x4ed: {  	v35 =	vld [tilespmem:s26+$0x450]  }
0x4ee: {  	v34 =	vld.idx.msk [tilespmem:v34+s14+$0x0], $0xffff  }
0x4ef: {  	v57 =	vor.u32 v15, v36;
	_ =	sdelay $0x4  }
0x4f0: {  	[tilespmem:v57+s20+$0x0] =	vst.idx.add.f32.msk $0xffff, v35;
	v58 =	vshll.u32 v34, $0x9;
	v59 =	vshll.u32 v34, $0x7  }
0x4f1: {  	v39 =	vor.u32 v16, v36;
	v38 =	vld [tilespmem:s26+$0x460];
	v35 =	vand.u32 $0xFFFFF000, v58;
	v37 =	vand.u32 $0x380, v59  }
0x4f2: {  	v37 =	vor.u32 v37, v35;
	[tilespmem:v34+s19+$0x0] =	vst.idx.add.f32.msk $0x1, v2  }
0x4f3: {  	v35 =	vor.u32 v0, v37;
	v34 =	vld [tilespmem:s26+$0x80];
	_ =	sdelay $0x2  }
0x4f4: {  	[tilespmem:v39+s20+$0x0] =	vst.idx.add.f32.msk $0xffff, v38  }
0x4f5: {  	v60 =	vor.u32 v17, v36;
	v38 =	vld [tilespmem:s26+$0x470]  }
0x4f6: {  	[tilespmem:v35+s20+$0x0] =	vst.idx.add.f32.msk $0xffff, v34  }
0x4f7: {  	v61 =	vor.u32 v3, v37;
	v34 =	vld [tilespmem:s26+$0x90];
	_ =	sdelay $0x2  }
0x4f8: {  	[tilespmem:v60+s20+$0x0] =	vst.idx.add.f32.msk $0xffff, v38  }
0x4f9: {  	v62 =	vor.u32 v18, v36;
	v38 =	vld [tilespmem:s26+$0x800]  }
0x4fa: {  	[tilespmem:v61+s20+$0x0] =	vst.idx.add.f32.msk $0xffff, v34  }
0x4fb: {  	v63 =	vor.u32 v4, v37;
	v34 =	vld [tilespmem:s26+$0xA0];
	_ =	sdelay $0x2  }
0x4fc: {  	[tilespmem:v62+s20+$0x0] =	vst.idx.add.f32.msk $0xffff, v38  }
0x4fd: {  	v42 =	vor.u32 v19, v36;
	v38 =	vld [tilespmem:s26+$0x810]  }
0x4fe: {  	[tilespmem:v63+s20+$0x0] =	vst.idx.add.f32.msk $0xffff, v34  }
0x4ff: {  	v43 =	vor.u32 v5, v37;
	v34 =	vld [tilespmem:s26+$0xB0];
	_ =	sdelay $0x2  }
0x500: {  	[tilespmem:v42+s20+$0x0] =	vst.idx.add.f32.msk $0xffff, v38  }
0x501: {  	v44 =	vor.u32 v20, v36;
	v38 =	vld [tilespmem:s26+$0x820]  }
0x502: {  	[tilespmem:v43+s20+$0x0] =	vst.idx.add.f32.msk $0xffff, v34  }
0x503: {  	v45 =	vor.u32 v6, v37;
	v34 =	vld [tilespmem:s26+$0xC0];
	_ =	sdelay $0x2  }
0x504: {  	[tilespmem:v44+s20+$0x0] =	vst.idx.add.f32.msk $0xffff, v38  }
0x505: {  	v46 =	vor.u32 v21, v36;
	v38 =	vld [tilespmem:s26+$0x830]  }
0x506: {  	[tilespmem:v45+s20+$0x0] =	vst.idx.add.f32.msk $0xffff, v34  }
0x507: {  	v47 =	vor.u32 v7, v37;
	v34 =	vld [tilespmem:s26+$0xD0];
	_ =	sdelay $0x2  }
0x508: {  	[tilespmem:v46+s20+$0x0] =	vst.idx.add.f32.msk $0xffff, v38  }
0x509: {  	v48 =	vor.u32 v22, v36;
	v38 =	vld [tilespmem:s26+$0x840]  }
0x50a: {  	[tilespmem:v47+s20+$0x0] =	vst.idx.add.f32.msk $0xffff, v34  }
0x50b: {  	v49 =	vor.u32 v8, v37;
	v34 =	vld [tilespmem:s26+$0xE0];
	_ =	sdelay $0x2  }
0x50c: {  	[tilespmem:v48+s20+$0x0] =	vst.idx.add.f32.msk $0xffff, v38  }
0x50d: {  	v50 =	vor.u32 v23, v36;
	v38 =	vld [tilespmem:s26+$0x850]  }
0x50e: {  	[tilespmem:v49+s20+$0x0] =	vst.idx.add.f32.msk $0xffff, v34  }
0x50f: {  	v51 =	vor.u32 v9, v37;
	v34 =	vld [tilespmem:s26+$0xF0];
	_ =	sdelay $0x2  }
0x510: {  	[tilespmem:v50+s20+$0x0] =	vst.idx.add.f32.msk $0xffff, v38  }
0x511: {  	v52 =	vor.u32 v24, v36;
	v38 =	vld [tilespmem:s26+$0x860]  }
0x512: {  	[tilespmem:v51+s20+$0x0] =	vst.idx.add.f32.msk $0xffff, v34  }
0x513: {  	v53 =	vor.u32 v10, v37;
	v34 =	vld [tilespmem:s26+$0x480];
	_ =	sdelay $0x2  }
0x514: {  	[tilespmem:v52+s20+$0x0] =	vst.idx.add.f32.msk $0xffff, v38  }
0x515: {  	v54 =	vor.u32 v25, v36;
	v38 =	vld [tilespmem:s26+$0x870]  }
0x516: {  	[tilespmem:v53+s20+$0x0] =	vst.idx.add.f32.msk $0xffff, v34  }
0x517: {  	v55 =	vor.u32 v11, v37;
	v34 =	vld [tilespmem:s26+$0x490];
	_ =	sdelay $0x2  }
0x518: {  	s31 =	sor.u32 $0x2, s25;
	[tilespmem:v54+s20+$0x0] =	vst.idx.add.f32.msk $0xffff, v38  }
0x519: {  	v40 =	vmov s31;
	v56 =	vor.u32 v26, v36;
	v38 =	vld [tilespmem:s26+$0xC00]  }
0x51a: {  	v57 =	vand.u32 $0xFFFFFFFA, v40;
	[tilespmem:v55+s20+$0x0] =	vst.idx.add.f32.msk $0xffff, v34  }
0x51b: {  	v58 =	vor.u32 v12, v37;
	v34 =	vbroadcast v57, $0x0;
	v35 =	vld [tilespmem:s26+$0x4A0];
	_ =	sdelay $0x2  }
0x51c: {  	[tilespmem:v56+s20+$0x0] =	vst.idx.add.f32.msk $0xffff, v38  }
0x51d: {  	v38 =	vld [tilespmem:s26+$0xC10]  }
0x51e: {  	v59 =	vor.u32 v27, v36;
	[tilespmem:v58+s20+$0x0] =	vst.idx.add.f32.msk $0xffff, v35  }
0x51f: {  	v34 =	vld.idx.msk [tilespmem:v34+s14+$0x0], $0xffff  }
0x520: {  	v60 =	vor.u32 v13, v37;
	v35 =	vld [tilespmem:s26+$0x4B0];
	_ =	sdelay $0x2  }
0x521: {  	[tilespmem:v59+s20+$0x0] =	vst.idx.add.f32.msk $0xffff, v38  }
0x522: {  	v41 =	vor.u32 v28, v36;
	v39 =	vld [tilespmem:s26+$0xC20]  }
0x523: {  	v61 =	vshll.u32 v34, $0x9;
	v62 =	vshll.u32 v34, $0x7;
	[tilespmem:v60+s20+$0x0] =	vst.idx.add.f32.msk $0xffff, v35  }
0x524: {  	v42 =	vor.u32 v14, v37;
	v35 =	vand.u32 $0xFFFFF000, v61;
	v38 =	vand.u32 $0x380, v62;
	v40 =	vld [tilespmem:s26+$0x4C0]  }
0x525: {  	v38 =	vor.u32 v38, v35;
	[tilespmem:v34+s19+$0x0] =	vst.idx.add.f32.msk $0x1, v2  }
0x526: {  	v35 =	vor.u32 v0, v38;
	v34 =	vld [tilespmem:s26+$0x100]  }
0x527: {  	[tilespmem:v41+s20+$0x0] =	vst.idx.add.f32.msk $0xffff, v39  }
0x528: {  	v63 =	vor.u32 v29, v36;
	v39 =	vld [tilespmem:s26+$0xC30]  }
0x529: {  	[tilespmem:v42+s20+$0x0] =	vst.idx.add.f32.msk $0xffff, v40  }
0x52a: {  	v45 =	vor.u32 v15, v37;
	v40 =	vld [tilespmem:s26+$0x4D0]  }
0x52b: {  	[tilespmem:v35+s20+$0x0] =	vst.idx.add.f32.msk $0xffff, v34  }
0x52c: {  	v46 =	vor.u32 v3, v38;
	v34 =	vld [tilespmem:s26+$0x110]  }
0x52d: {  	[tilespmem:v63+s20+$0x0] =	vst.idx.add.f32.msk $0xffff, v39  }
0x52e: {  	v47 =	vor.u32 v30, v36;
	v39 =	vld [tilespmem:s26+$0xC40]  }
0x52f: {  	[tilespmem:v45+s20+$0x0] =	vst.idx.add.f32.msk $0xffff, v40  }
0x530: {  	v48 =	vor.u32 v16, v37;
	v40 =	vld [tilespmem:s26+$0x4E0]  }
0x531: {  	[tilespmem:v46+s20+$0x0] =	vst.idx.add.f32.msk $0xffff, v34  }
0x532: {  	v49 =	vor.u32 v4, v38;
	v34 =	vld [tilespmem:s26+$0x120]  }
0x533: {  	[tilespmem:v47+s20+$0x0] =	vst.idx.add.f32.msk $0xffff, v39  }
0x534: {  	v50 =	vor.u32 v31, v36;
	v39 =	vld [tilespmem:s26+$0xC50]  }
0x535: {  	s29 =	sor.u32 $0x3, s25;
	[tilespmem:v48+s20+$0x0] =	vst.idx.add.f32.msk $0xffff, v40  }
0x536: {  	v43 =	vmov s29;
	v51 =	vor.u32 v17, v37;
	v40 =	vld [tilespmem:s26+$0x4F0]  }
0x537: {  	v52 =	vand.u32 $0xFFFFFFFB, v43;
	[tilespmem:v49+s20+$0x0] =	vst.idx.add.f32.msk $0xffff, v34  }
0x538: {  	v53 =	vor.u32 v5, v38;
	v34 =	vbroadcast v52, $0x0;
	v35 =	vld [tilespmem:s26+$0x130]  }
0x539: {  	[tilespmem:v50+s20+$0x0] =	vst.idx.add.f32.msk $0xffff, v39  }
0x53a: {  	v39 =	vld [tilespmem:s26+$0xC60]  }
0x53b: {  	v54 =	vor.u32 v32, v36;
	[tilespmem:v51+s20+$0x0] =	vst.idx.add.f32.msk $0xffff, v40  }
0x53c: {  	v40 =	vld [tilespmem:s26+$0x880]  }
0x53d: {  	v55 =	vor.u32 v18, v37;
	[tilespmem:v53+s20+$0x0] =	vst.idx.add.f32.msk $0xffff, v35  }
0x53e: {  	v34 =	vld.idx.msk [tilespmem:v34+s14+$0x0], $0xffff  }
0x53f: {  	v56 =	vor.u32 v6, v38;
	v35 =	vld [tilespmem:s26+$0x140]  }
0x540: {  	[tilespmem:v54+s20+$0x0] =	vst.idx.add.f32.msk $0xffff, v39  }
0x541: {  	v36 =	vor.u32 v33, v36;
	v39 =	vld [tilespmem:s26+$0xC70]  }
0x542: {  	[tilespmem:v55+s20+$0x0] =	vst.idx.add.f32.msk $0xffff, v40  }
0x543: {  	v40 =	vld [tilespmem:s26+$0x890]  }
0x544: {  	v57 =	vor.u32 v19, v37;
	[tilespmem:v56+s20+$0x0] =	vst.idx.add.f32.msk $0xffff, v35  }
0x545: {  	v58 =	vshll.u32 v34, $0x9;
	v59 =	vshll.u32 v34, $0x7;
	v43 =	vld [tilespmem:s26+$0x150]  }
0x546: {  	v44 =	vor.u32 v7, v38;
	v35 =	vand.u32 $0xFFFFF000, v58;
	v42 =	vand.u32 $0x380, v59;
	[tilespmem:v36+s20+$0x0] =	vst.idx.add.f32.msk $0xffff, v39  }
0x547: {  	[tilespmem:v34+s19+$0x0] =	vst.idx.add.f32.msk $0x1, v2;
	v34 =	vor.u32 v42, v35  }
0x548: {  	v60 =	vld [tilespmem:s26+$0x180];
	v42 =	vor.u32 v0, v34  }
0x549: {  	[tilespmem:v57+s20+$0x0] =	vst.idx.add.f32.msk $0xffff, v40  }
0x54a: {  	v61 =	vor.u32 v20, v37;
	v40 =	vld [tilespmem:s26+$0x8A0]  }
0x54b: {  	[tilespmem:v44+s20+$0x0] =	vst.idx.add.f32.msk $0xffff, v43  }
0x54c: {  	v62 =	vor.u32 v8, v38;
	v43 =	vld [tilespmem:s26+$0x160]  }
0x54d: {  	[tilespmem:v42+s20+$0x0] =	vst.idx.add.f32.msk $0xffff, v60  }
0x54e: {  	v63 =	vor.u32 v3, v34;
	v35 =	vld [tilespmem:s26+$0x190]  }
0x54f: {  	[tilespmem:v61+s20+$0x0] =	vst.idx.add.f32.msk $0xffff, v40  }
0x550: {  	v48 =	vor.u32 v21, v37;
	v40 =	vld [tilespmem:s26+$0x8B0]  }
0x551: {  	[tilespmem:v62+s20+$0x0] =	vst.idx.add.f32.msk $0xffff, v43  }
0x552: {  	v49 =	vor.u32 v9, v38;
	v43 =	vld [tilespmem:s26+$0x170]  }
0x553: {  	[tilespmem:v63+s20+$0x0] =	vst.idx.add.f32.msk $0xffff, v35  }
0x554: {  	v50 =	vor.u32 v4, v34;
	v35 =	vld [tilespmem:s26+$0x1A0]  }
0x555: {  	[tilespmem:v48+s20+$0x0] =	vst.idx.add.f32.msk $0xffff, v40  }
0x556: {  	v51 =	vor.u32 v22, v37;
	v40 =	vld [tilespmem:s26+$0x8C0]  }
0x557: {  	[tilespmem:v49+s20+$0x0] =	vst.idx.add.f32.msk $0xffff, v43  }
0x558: {  	v52 =	vor.u32 v10, v38;
	v43 =	vld [tilespmem:s26+$0x500]  }
0x559: {  	[tilespmem:v50+s20+$0x0] =	vst.idx.add.f32.msk $0xffff, v35  }
0x55a: {  	v53 =	vor.u32 v5, v34;
	v35 =	vld [tilespmem:s26+$0x1B0]  }
0x55b: {  	[tilespmem:v51+s20+$0x0] =	vst.idx.add.f32.msk $0xffff, v40  }
0x55c: {  	v54 =	vor.u32 v23, v37;
	v40 =	vld [tilespmem:s26+$0x8D0]  }
0x55d: {  	[tilespmem:v52+s20+$0x0] =	vst.idx.add.f32.msk $0xffff, v43  }
0x55e: {  	v55 =	vor.u32 v11, v38;
	v43 =	vld [tilespmem:s26+$0x510]  }
0x55f: {  	[tilespmem:v53+s20+$0x0] =	vst.idx.add.f32.msk $0xffff, v35  }
0x560: {  	v56 =	vor.u32 v6, v34;
	v35 =	vld [tilespmem:s26+$0x1C0]  }
0x561: {  	[tilespmem:v54+s20+$0x0] =	vst.idx.add.f32.msk $0xffff, v40  }
0x562: {  	v57 =	vor.u32 v24, v37;
	v40 =	vld [tilespmem:s26+$0x8E0]  }
0x563: {  	[tilespmem:v55+s20+$0x0] =	vst.idx.add.f32.msk $0xffff, v43  }
0x564: {  	v58 =	vor.u32 v12, v38;
	v43 =	vld [tilespmem:s26+$0x520]  }
0x565: {  	[tilespmem:v56+s20+$0x0] =	vst.idx.add.f32.msk $0xffff, v35  }
0x566: {  	v59 =	vor.u32 v7, v34;
	v35 =	vld [tilespmem:s26+$0x1D0]  }
0x567: {  	[tilespmem:v57+s20+$0x0] =	vst.idx.add.f32.msk $0xffff, v40  }
0x568: {  	v60 =	vor.u32 v25, v37;
	v40 =	vld [tilespmem:s26+$0x8F0]  }
0x569: {  	[tilespmem:v58+s20+$0x0] =	vst.idx.add.f32.msk $0xffff, v43  }
0x56a: {  	v61 =	vor.u32 v13, v38;
	v43 =	vld [tilespmem:s26+$0x530]  }
0x56b: {  	[tilespmem:v59+s20+$0x0] =	vst.idx.add.f32.msk $0xffff, v35  }
0x56c: {  	v62 =	vor.u32 v8, v34;
	v35 =	vld [tilespmem:s26+$0x1E0]  }
0x56d: {  	[tilespmem:v60+s20+$0x0] =	vst.idx.add.f32.msk $0xffff, v40  }
0x56e: {  	v63 =	vor.u32 v26, v37;
	v40 =	vld [tilespmem:s26+$0xC80]  }
0x56f: {  	[tilespmem:v61+s20+$0x0] =	vst.idx.add.f32.msk $0xffff, v43  }
0x570: {  	v48 =	vor.u32 v14, v38;
	v43 =	vld [tilespmem:s26+$0x540]  }
0x571: {  	[tilespmem:v62+s20+$0x0] =	vst.idx.add.f32.msk $0xffff, v35  }
0x572: {  	v49 =	vor.u32 v9, v34;
	v35 =	vld [tilespmem:s26+$0x1F0]  }
0x573: {  	[tilespmem:v63+s20+$0x0] =	vst.idx.add.f32.msk $0xffff, v40  }
0x574: {  	v50 =	vor.u32 v27, v37;
	v40 =	vld [tilespmem:s26+$0xC90]  }
0x575: {  	[tilespmem:v48+s20+$0x0] =	vst.idx.add.f32.msk $0xffff, v43  }
0x576: {  	v51 =	vor.u32 v15, v38;
	v43 =	vld [tilespmem:s26+$0x550]  }
0x577: {  	[tilespmem:v49+s20+$0x0] =	vst.idx.add.f32.msk $0xffff, v35  }
0x578: {  	v52 =	vor.u32 v10, v34;
	v35 =	vld [tilespmem:s26+$0x580]  }
0x579: {  	[tilespmem:v50+s20+$0x0] =	vst.idx.add.f32.msk $0xffff, v40  }
0x57a: {  	v53 =	vor.u32 v28, v37;
	v40 =	vld [tilespmem:s26+$0xCA0]  }
0x57b: {  	[tilespmem:v51+s20+$0x0] =	vst.idx.add.f32.msk $0xffff, v43  }
0x57c: {  	v54 =	vor.u32 v16, v38;
	v43 =	vld [tilespmem:s26+$0x560]  }
0x57d: {  	[tilespmem:v52+s20+$0x0] =	vst.idx.add.f32.msk $0xffff, v35  }
0x57e: {  	v55 =	vor.u32 v11, v34;
	v35 =	vld [tilespmem:s26+$0x590]  }
0x57f: {  	[tilespmem:v53+s20+$0x0] =	vst.idx.add.f32.msk $0xffff, v40  }
0x580: {  	v56 =	vor.u32 v29, v37;
	v40 =	vld [tilespmem:s26+$0xCB0]  }
0x581: {  	[tilespmem:v54+s20+$0x0] =	vst.idx.add.f32.msk $0xffff, v43  }
0x582: {  	v57 =	vor.u32 v17, v38;
	v43 =	vld [tilespmem:s26+$0x570]  }
0x583: {  	[tilespmem:v55+s20+$0x0] =	vst.idx.add.f32.msk $0xffff, v35  }
0x584: {  	v58 =	vor.u32 v12, v34;
	v35 =	vld [tilespmem:s26+$0x5A0]  }
0x585: {  	[tilespmem:v56+s20+$0x0] =	vst.idx.add.f32.msk $0xffff, v40  }
0x586: {  	v59 =	vor.u32 v30, v37;
	v40 =	vld [tilespmem:s26+$0xCC0]  }
0x587: {  	[tilespmem:v57+s20+$0x0] =	vst.idx.add.f32.msk $0xffff, v43  }
0x588: {  	v60 =	vor.u32 v18, v38;
	v43 =	vld [tilespmem:s26+$0x900]  }
0x589: {  	[tilespmem:v58+s20+$0x0] =	vst.idx.add.f32.msk $0xffff, v35  }
0x58a: {  	v61 =	vor.u32 v13, v34;
	v35 =	vld [tilespmem:s26+$0x5B0]  }
0x58b: {  	[tilespmem:v59+s20+$0x0] =	vst.idx.add.f32.msk $0xffff, v40  }
0x58c: {  	v62 =	vor.u32 v31, v37;
	v40 =	vld [tilespmem:s26+$0xCD0]  }
0x58d: {  	s30 =	sor.u32 $0x4, s25;
	[tilespmem:v60+s20+$0x0] =	vst.idx.add.f32.msk $0xffff, v43  }
0x58e: {  	v45 =	vmov s30;
	v63 =	vor.u32 v19, v38;
	v43 =	vld [tilespmem:s26+$0x910]  }
0x58f: {  	v48 =	vand.u32 $0xFFFFFFFC, v45;
	[tilespmem:v61+s20+$0x0] =	vst.idx.add.f32.msk $0xffff, v35  }
0x590: {  	v49 =	vor.u32 v14, v34;
	v35 =	vbroadcast v48, $0x0;
	v42 =	vld [tilespmem:s26+$0x5C0]  }
0x591: {  	[tilespmem:v62+s20+$0x0] =	vst.idx.add.f32.msk $0xffff, v40  }
0x592: {  	v40 =	vld [tilespmem:s26+$0xCE0]  }
0x593: {  	v50 =	vor.u32 v32, v37;
	[tilespmem:v63+s20+$0x0] =	vst.idx.add.f32.msk $0xffff, v43  }
0x594: {  	v43 =	vld [tilespmem:s26+$0x920]  }
0x595: {  	v51 =	vor.u32 v20, v38;
	[tilespmem:v49+s20+$0x0] =	vst.idx.add.f32.msk $0xffff, v42  }
0x596: {  	v35 =	vld.idx.msk [tilespmem:v35+s14+$0x0], $0xffff  }
0x597: {  	v52 =	vor.u32 v15, v34;
	v42 =	vld [tilespmem:s26+$0x5D0]  }
0x598: {  	[tilespmem:v50+s20+$0x0] =	vst.idx.add.f32.msk $0xffff, v40  }
0x599: {  	v40 =	vld [tilespmem:s26+$0xCF0]  }
0x59a: {  	v37 =	vor.u32 v33, v37;
	[tilespmem:v51+s20+$0x0] =	vst.idx.add.f32.msk $0xffff, v43  }
0x59b: {  	v53 =	vld [tilespmem:s26+$0x930]  }
0x59c: {  	v54 =	vor.u32 v21, v38;
	[tilespmem:v52+s20+$0x0] =	vst.idx.add.f32.msk $0xffff, v42  }
0x59d: {  	v55 =	vshll.u32 v35, $0x9;
	v56 =	vshll.u32 v35, $0x7;
	v45 =	vld [tilespmem:s26+$0x5E0]  }
0x59e: {  	v46 =	vor.u32 v16, v34;
	v42 =	vand.u32 $0xFFFFF000, v55;
	v44 =	vand.u32 $0x380, v56;
	[tilespmem:v35+s19+$0x0] =	vst.idx.add.f32.msk $0x1, v2  }
0x59f: {  	v35 =	vor.u32 v44, v42;
	[tilespmem:v37+s20+$0x0] =	vst.idx.add.f32.msk $0xffff, v40  }
0x5a0: {  	v57 =	vld [tilespmem:s26+$0x200];
	v44 =	vor.u32 v0, v35  }
0x5a1: {  	[tilespmem:v54+s20+$0x0] =	vst.idx.add.f32.msk $0xffff, v53  }
0x5a2: {  	v58 =	vor.u32 v22, v38;
	v41 =	vld [tilespmem:s26+$0x940]  }
0x5a3: {  	[tilespmem:v46+s20+$0x0] =	vst.idx.add.f32.msk $0xffff, v45  }
0x5a4: {  	v59 =	vor.u32 v17, v34;
	v45 =	vld [tilespmem:s26+$0x5F0]  }
0x5a5: {  	[tilespmem:v44+s20+$0x0] =	vst.idx.add.f32.msk $0xffff, v57  }
0x5a6: {  	v60 =	vor.u32 v3, v35;
	v42 =	vld [tilespmem:s26+$0x210]  }
0x5a7: {  	[tilespmem:v58+s20+$0x0] =	vst.idx.add.f32.msk $0xffff, v41  }
0x5a8: {  	v61 =	vor.u32 v23, v38;
	v41 =	vld [tilespmem:s26+$0x950]  }
0x5a9: {  	[tilespmem:v59+s20+$0x0] =	vst.idx.add.f32.msk $0xffff, v45  }
0x5aa: {  	v62 =	vor.u32 v18, v34;
	v45 =	vld [tilespmem:s26+$0x980]  }
0x5ab: {  	[tilespmem:v60+s20+$0x0] =	vst.idx.add.f32.msk $0xffff, v42  }
0x5ac: {  	v63 =	vor.u32 v4, v35;
	v42 =	vld [tilespmem:s26+$0x220]  }
0x5ad: {  	[tilespmem:v61+s20+$0x0] =	vst.idx.add.f32.msk $0xffff, v41  }
0x5ae: {  	v48 =	vor.u32 v24, v38;
	v41 =	vld [tilespmem:s26+$0x960]  }
0x5af: {  	[tilespmem:v62+s20+$0x0] =	vst.idx.add.f32.msk $0xffff, v45  }
0x5b0: {  	v49 =	vor.u32 v19, v34;
	v45 =	vld [tilespmem:s26+$0x990]  }
0x5b1: {  	[tilespmem:v63+s20+$0x0] =	vst.idx.add.f32.msk $0xffff, v42  }
0x5b2: {  	v50 =	vor.u32 v5, v35;
	v42 =	vld [tilespmem:s26+$0x230]  }
0x5b3: {  	[tilespmem:v48+s20+$0x0] =	vst.idx.add.f32.msk $0xffff, v41  }
0x5b4: {  	v51 =	vor.u32 v25, v38;
	v41 =	vld [tilespmem:s26+$0x970]  }
0x5b5: {  	[tilespmem:v49+s20+$0x0] =	vst.idx.add.f32.msk $0xffff, v45  }
0x5b6: {  	v52 =	vor.u32 v20, v34;
	v45 =	vld [tilespmem:s26+$0x9A0]  }
0x5b7: {  	[tilespmem:v50+s20+$0x0] =	vst.idx.add.f32.msk $0xffff, v42  }
0x5b8: {  	v53 =	vor.u32 v6, v35;
	v42 =	vld [tilespmem:s26+$0x240]  }
0x5b9: {  	[tilespmem:v51+s20+$0x0] =	vst.idx.add.f32.msk $0xffff, v41  }
0x5ba: {  	v54 =	vor.u32 v26, v38;
	v41 =	vld [tilespmem:s26+$0xD00]  }
0x5bb: {  	[tilespmem:v52+s20+$0x0] =	vst.idx.add.f32.msk $0xffff, v45  }
0x5bc: {  	v55 =	vor.u32 v21, v34;
	v45 =	vld [tilespmem:s26+$0x9B0]  }
0x5bd: {  	[tilespmem:v53+s20+$0x0] =	vst.idx.add.f32.msk $0xffff, v42  }
0x5be: {  	v56 =	vor.u32 v7, v35;
	v42 =	vld [tilespmem:s26+$0x250]  }
0x5bf: {  	[tilespmem:v54+s20+$0x0] =	vst.idx.add.f32.msk $0xffff, v41  }
0x5c0: {  	v57 =	vor.u32 v27, v38;
	v41 =	vld [tilespmem:s26+$0xD10]  }
0x5c1: {  	[tilespmem:v55+s20+$0x0] =	vst.idx.add.f32.msk $0xffff, v45  }
0x5c2: {  	v58 =	vor.u32 v22, v34;
	v45 =	vld [tilespmem:s26+$0x9C0]  }
0x5c3: {  	[tilespmem:v56+s20+$0x0] =	vst.idx.add.f32.msk $0xffff, v42  }
0x5c4: {  	v59 =	vor.u32 v8, v35;
	v42 =	vld [tilespmem:s26+$0x260]  }
0x5c5: {  	[tilespmem:v57+s20+$0x0] =	vst.idx.add.f32.msk $0xffff, v41  }
0x5c6: {  	v60 =	vor.u32 v28, v38;
	v41 =	vld [tilespmem:s26+$0xD20]  }
0x5c7: {  	[tilespmem:v58+s20+$0x0] =	vst.idx.add.f32.msk $0xffff, v45  }
0x5c8: {  	v61 =	vor.u32 v23, v34;
	v45 =	vld [tilespmem:s26+$0x9D0]  }
0x5c9: {  	[tilespmem:v59+s20+$0x0] =	vst.idx.add.f32.msk $0xffff, v42  }
0x5ca: {  	v62 =	vor.u32 v9, v35;
	v42 =	vld [tilespmem:s26+$0x270]  }
0x5cb: {  	[tilespmem:v60+s20+$0x0] =	vst.idx.add.f32.msk $0xffff, v41  }
0x5cc: {  	v63 =	vor.u32 v29, v38;
	v41 =	vld [tilespmem:s26+$0xD30]  }
0x5cd: {  	s31 =	sor.u32 $0x5, s25;
	[tilespmem:v61+s20+$0x0] =	vst.idx.add.f32.msk $0xffff, v45  }
0x5ce: {  	v48 =	vor.u32 v24, v34;
	v49 =	vmov s31;
	v45 =	vld [tilespmem:s26+$0x9E0]  }
0x5cf: {  	[tilespmem:v62+s20+$0x0] =	vst.idx.add.f32.msk $0xffff, v42;
	v42 =	vand.u32 $0xFFFFFFFD, v49  }
0x5d0: {  	v47 =	vor.u32 v10, v35;
	v44 =	vld [tilespmem:s26+$0x600];
	v50 =	vbroadcast v42, $0x0  }
0x5d1: {  	[tilespmem:v63+s20+$0x0] =	vst.idx.add.f32.msk $0xffff, v41  }
0x5d2: {  	v51 =	vld [tilespmem:s26+$0xD40]  }
0x5d3: {  	v53 =	vor.u32 v30, v38;
	[tilespmem:v48+s20+$0x0] =	vst.idx.add.f32.msk $0xffff, v45  }
0x5d4: {  	v52 =	vld [tilespmem:s26+$0x9F0]  }
0x5d5: {  	v54 =	vor.u32 v25, v34;
	[tilespmem:v47+s20+$0x0] =	vst.idx.add.f32.msk $0xffff, v44  }
0x5d6: {  	v41 =	vld.idx.msk [tilespmem:v50+s14+$0x0], $0xffff  }
0x5d7: {  	v56 =	vor.u32 v11, v35;
	v55 =	vld [tilespmem:s26+$0x610]  }
0x5d8: {  	[tilespmem:v53+s20+$0x0] =	vst.idx.add.f32.msk $0xffff, v51  }
0x5d9: {  	v49 =	vld [tilespmem:s26+$0xD50]  }
0x5da: {  	[tilespmem:v54+s20+$0x0] =	vst.idx.add.f32.msk $0xffff, v52  }
0x5db: {  	v62 =	vor.u32 v26, v34;
	v61 =	vld [tilespmem:s26+$0xD80]  }
0x5dc: {  	[tilespmem:v56+s20+$0x0] =	vst.idx.add.f32.msk $0xffff, v55  }
0x5dd: {  	v58 =	vor.u32 v12, v35;
	v59 =	vshll.u32 v41, $0x9;
	v60 =	vshll.u32 v41, $0x7;
	v57 =	vld [tilespmem:s26+$0x620]  }
0x5de: {  	v36 =	vand.u32 $0xFFFFF000, v59;
	v40 =	vand.u32 $0x380, v60;
	[tilespmem:v41+s19+$0x0] =	vst.idx.add.f32.msk $0x1, v2  }
0x5df: {  	v51 =	vor.u32 v31, v38;
	v36 =	vor.u32 v40, v36;
	v63 =	vld [tilespmem:s26+$0x280]  }
0x5e0: {  	v48 =	vor.u32 v0, v36;
	[tilespmem:v62+s20+$0x0] =	vst.idx.add.f32.msk $0xffff, v61  }
0x5e1: {  	v43 =	vld [tilespmem:s26+$0xD90]  }
0x5e2: {  	v53 =	vor.u32 v27, v34;
	[tilespmem:v58+s20+$0x0] =	vst.idx.add.f32.msk $0xffff, v57  }
0x5e3: {  	v50 =	vor.u32 v13, v35;
	v37 =	vld [tilespmem:s26+$0x630]  }
0x5e4: {  	[tilespmem:v51+s20+$0x0] =	vst.idx.add.f32.msk $0xffff, v49  }
0x5e5: {  	[tilespmem:v48+s20+$0x0] =	vst.idx.add.f32.msk $0xffff, v63  }
0x5e6: {  	v52 =	vor.u32 v3, v36;
	v40 =	vld [tilespmem:s26+$0x290]  }
0x5e7: {  	[tilespmem:v53+s20+$0x0] =	vst.idx.add.f32.msk $0xffff, v43  }
0x5e8: {  	[tilespmem:v50+s20+$0x0] =	vst.idx.add.f32.msk $0xffff, v37  }
0x5e9: {  	v54 =	vor.u32 v14, v35;
	v37 =	vld [tilespmem:s26+$0x640]  }
0x5ea: {  	v57 =	vld [tilespmem:s26+$0xDA0]  }
0x5eb: {  	v58 =	vor.u32 v28, v34;
	[tilespmem:v52+s20+$0x0] =	vst.idx.add.f32.msk $0xffff, v40  }
0x5ec: {  	v55 =	vor.u32 v4, v36;
	v40 =	vld [tilespmem:s26+$0x2A0]  }
0x5ed: {  	v44 =	vld [tilespmem:s26+$0xD60]  }
0x5ee: {  	[tilespmem:v54+s20+$0x0] =	vst.idx.add.f32.msk $0xffff, v37  }
0x5ef: {  	v56 =	vor.u32 v15, v35;
	v37 =	vld [tilespmem:s26+$0x650]  }
0x5f0: {  	[tilespmem:v58+s20+$0x0] =	vst.idx.add.f32.msk $0xffff, v57  }
0x5f1: {  	v61 =	vor.u32 v32, v38;
	[tilespmem:v55+s20+$0x0] =	vst.idx.add.f32.msk $0xffff, v40  }
0x5f2: {  	v59 =	vor.u32 v5, v36;
	v40 =	vld [tilespmem:s26+$0x2B0]  }
0x5f3: {  	v43 =	vld [tilespmem:s26+$0xDB0]  }
0x5f4: {  	v63 =	vor.u32 v29, v34;
	[tilespmem:v56+s20+$0x0] =	vst.idx.add.f32.msk $0xffff, v37  }
0x5f5: {  	v60 =	vor.u32 v16, v35;
	v37 =	vld [tilespmem:s26+$0x660]  }
0x5f6: {  	[tilespmem:v61+s20+$0x0] =	vst.idx.add.f32.msk $0xffff, v44  }
0x5f7: {  	[tilespmem:v59+s20+$0x0] =	vst.idx.add.f32.msk $0xffff, v40  }
0x5f8: {  	v62 =	vor.u32 v6, v36;
	v40 =	vld [tilespmem:s26+$0x2C0]  }
0x5f9: {  	[tilespmem:v63+s20+$0x0] =	vst.idx.add.f32.msk $0xffff, v43  }
0x5fa: {  	[tilespmem:v60+s20+$0x0] =	vst.idx.add.f32.msk $0xffff, v37  }
0x5fb: {  	v46 =	vor.u32 v17, v35;
	v37 =	vld [tilespmem:s26+$0x670]  }
0x5fc: {  	v49 =	vld [tilespmem:s26+$0xDC0]  }
0x5fd: {  	v50 =	vor.u32 v30, v34;
	[tilespmem:v62+s20+$0x0] =	vst.idx.add.f32.msk $0xffff, v40  }
0x5fe: {  	v47 =	vor.u32 v7, v36;
	v40 =	vld [tilespmem:s26+$0x2D0]  }
0x5ff: {  	v44 =	vld [tilespmem:s26+$0xD70]  }
0x600: {  	[tilespmem:v46+s20+$0x0] =	vst.idx.add.f32.msk $0xffff, v37  }
0x601: {  	v48 =	vor.u32 v18, v35;
	v37 =	vld [tilespmem:s26+$0xA00]  }
0x602: {  	[tilespmem:v50+s20+$0x0] =	vst.idx.add.f32.msk $0xffff, v49  }
0x603: {  	v38 =	vor.u32 v33, v38;
	[tilespmem:v47+s20+$0x0] =	vst.idx.add.f32.msk $0xffff, v40  }
0x604: {  	v51 =	vor.u32 v8, v36;
	v40 =	vld [tilespmem:s26+$0x2E0]  }
0x605: {  	v42 =	vld [tilespmem:s26+$0xDD0]  }
0x606: {  	v54 =	vor.u32 v31, v34;
	[tilespmem:v48+s20+$0x0] =	vst.idx.add.f32.msk $0xffff, v37  }
0x607: {  	v52 =	vor.u32 v19, v35;
	v37 =	vld [tilespmem:s26+$0xA10]  }
0x608: {  	s29 =	sor.u32 $0x6, s25;
	[tilespmem:v38+s20+$0x0] =	vst.idx.add.f32.msk $0xffff, v44  }
0x609: {  	v56 =	vmov s29;
	[tilespmem:v51+s20+$0x0] =	vst.idx.add.f32.msk $0xffff, v40  }
0x60a: {  	v53 =	vor.u32 v9, v36;
	v38 =	vand.u32 $0xFFFFFFFE, v56;
	v40 =	vld [tilespmem:s26+$0x2F0]  }
0x60b: {  	v38 =	vbroadcast v38, $0x0;
	[tilespmem:v54+s20+$0x0] =	vst.idx.add.f32.msk $0xffff, v42  }
0x60c: {  	[tilespmem:v52+s20+$0x0] =	vst.idx.add.f32.msk $0xffff, v37  }
0x60d: {  	v55 =	vor.u32 v20, v35;
	v37 =	vld [tilespmem:s26+$0xA20]  }
0x60e: {  	v42 =	vld [tilespmem:s26+$0xDE0]  }
0x60f: {  	v61 =	vor.u32 v32, v34;
	[tilespmem:v53+s20+$0x0] =	vst.idx.add.f32.msk $0xffff, v40  }
0x610: {  	s30 =	sor.u32 $0x7, s25;
	v57 =	vor.u32 v10, v36;
	v40 =	vld [tilespmem:s26+$0x680]  }
0x611: {  	v59 =	vmov s30;
	v38 =	vld.idx.msk [tilespmem:v38+s14+$0x0], $0xffff  }
0x612: {  	[tilespmem:v55+s20+$0x0] =	vst.idx.add.f32.msk $0xffff, v37  }
0x613: {  	v58 =	vor.u32 v21, v35;
	v37 =	vld [tilespmem:s26+$0xA30]  }
0x614: {  	[tilespmem:v61+s20+$0x0] =	vst.idx.add.f32.msk $0xffff, v42  }
0x615: {  	[tilespmem:v57+s20+$0x0] =	vst.idx.add.f32.msk $0xffff, v40  }
0x616: {  	v40 =	vld.idx.msk [tilespmem:v59+s14+$0x0], $0xffff  }
0x617: {  	v60 =	vor.u32 v11, v36;
	v41 =	vld [tilespmem:s26+$0x690]  }
0x618: {  	[tilespmem:v58+s20+$0x0] =	vst.idx.add.f32.msk $0xffff, v37  }
0x619: {  	v62 =	vor.u32 v22, v35;
	v37 =	vld [tilespmem:s26+$0xA40]  }
0x61a: {  	[tilespmem:v38+s19+$0x0] =	vst.idx.add.f32.msk $0x1, v2  }
0x61b: {  	v52 =	vld [tilespmem:s26+$0x300]  }
0x61c: {  	v49 =	vshll.u32 v38, $0x7;
	v48 =	vshll.u32 v38, $0x9;
	[tilespmem:v60+s20+$0x0] =	vst.idx.add.f32.msk $0xffff, v41  }
0x61d: {  	v63 =	vor.u32 v12, v36;
	v50 =	vand.u32 $0xFFFFF000, v48;
	v51 =	vand.u32 $0x380, v49;
	v41 =	vld [tilespmem:s26+$0x6A0]  }
0x61e: {  	[tilespmem:v62+s20+$0x0] =	vst.idx.add.f32.msk $0xffff, v37;
	v37 =	vor.u32 v51, v50  }
0x61f: {  	v54 =	vshll.u32 v40, $0x9;
	v55 =	vshll.u32 v40, $0x7;
	[tilespmem:v40+s19+$0x0] =	vst.idx.add.f32.msk $0x1, v2;
	v53 =	vor.u32 v0, v37  }
0x620: {  	v61 =	vor.u32 v23, v35;
	v38 =	vand.u32 $0xFFFFF000, v54;
	v56 =	vand.u32 $0x380, v55;
	v59 =	vld [tilespmem:s26+$0xA50]  }
0x621: {  	v38 =	vor.u32 v56, v38;
	v40 =	vld [tilespmem:s26+$0x380]  }
0x622: {  	[tilespmem:v63+s20+$0x0] =	vst.idx.add.f32.msk $0xffff, v41;
	v41 =	vor.u32 v0, v38  }
0x623: {  	v43 =	vld [tilespmem:s26+$0x6B0]  }
0x624: {  	[tilespmem:v53+s20+$0x0] =	vst.idx.add.f32.msk $0xffff, v52  }
0x625: {  	v57 =	vor.u32 v13, v36;
	[tilespmem:v61+s20+$0x0] =	vst.idx.add.f32.msk $0xffff, v59  }
0x626: {  	v58 =	vor.u32 v3, v37;
	v39 =	vld [tilespmem:s26+$0x310]  }
0x627: {  	[tilespmem:v41+s20+$0x0] =	vst.idx.add.f32.msk $0xffff, v40  }
0x628: {  	v60 =	vor.u32 v3, v38;
	v40 =	vld [tilespmem:s26+$0x390]  }
0x629: {  	v45 =	vld [tilespmem:s26+$0xA60]  }
0x62a: {  	[tilespmem:v57+s20+$0x0] =	vst.idx.add.f32.msk $0xffff, v43  }
0x62b: {  	v55 =	vor.u32 v24, v35;
	[tilespmem:v58+s20+$0x0] =	vst.idx.add.f32.msk $0xffff, v39  }
0x62c: {  	v62 =	vor.u32 v4, v37;
	v39 =	vld [tilespmem:s26+$0x320]  }
0x62d: {  	[tilespmem:v60+s20+$0x0] =	vst.idx.add.f32.msk $0xffff, v40  }
0x62e: {  	v48 =	vor.u32 v4, v38;
	v40 =	vld [tilespmem:s26+$0x3A0]  }
0x62f: {  	v44 =	vld [tilespmem:s26+$0x6C0]  }
0x630: {  	v63 =	vor.u32 v14, v36;
	[tilespmem:v55+s20+$0x0] =	vst.idx.add.f32.msk $0xffff, v45  }
0x631: {  	[tilespmem:v62+s20+$0x0] =	vst.idx.add.f32.msk $0xffff, v39  }
0x632: {  	v49 =	vor.u32 v5, v37;
	v39 =	vld [tilespmem:s26+$0x330]  }
0x633: {  	[tilespmem:v48+s20+$0x0] =	vst.idx.add.f32.msk $0xffff, v40  }
0x634: {  	v50 =	vor.u32 v5, v38;
	v40 =	vld [tilespmem:s26+$0x3B0]  }
0x635: {  	[tilespmem:v63+s20+$0x0] =	vst.idx.add.f32.msk $0xffff, v44  }
0x636: {  	v52 =	vor.u32 v15, v36;
	v51 =	vld [tilespmem:s26+$0x6D0]  }
0x637: {  	[tilespmem:v49+s20+$0x0] =	vst.idx.add.f32.msk $0xffff, v39  }
0x638: {  	v53 =	vor.u32 v6, v37;
	v39 =	vld [tilespmem:s26+$0x340]  }
0x639: {  	[tilespmem:v50+s20+$0x0] =	vst.idx.add.f32.msk $0xffff, v40  }
0x63a: {  	v54 =	vor.u32 v6, v38;
	v40 =	vld [tilespmem:s26+$0x3C0]  }
0x63b: {  	[tilespmem:v52+s20+$0x0] =	vst.idx.add.f32.msk $0xffff, v51  }
0x63c: {  	v44 =	vld [tilespmem:s26+$0x6E0]  }
0x63d: {  	v57 =	vor.u32 v16, v36;
	[tilespmem:v53+s20+$0x0] =	vst.idx.add.f32.msk $0xffff, v39  }
0x63e: {  	v56 =	vor.u32 v7, v37;
	v39 =	vld [tilespmem:s26+$0x350]  }
0x63f: {  	[tilespmem:v54+s20+$0x0] =	vst.idx.add.f32.msk $0xffff, v40  }
0x640: {  	v58 =	vor.u32 v7, v38;
	v40 =	vld [tilespmem:s26+$0x3D0]  }
0x641: {  	v45 =	vld [tilespmem:s26+$0xA70]  }
0x642: {  	[tilespmem:v57+s20+$0x0] =	vst.idx.add.f32.msk $0xffff, v44  }
0x643: {  	v49 =	vor.u32 v25, v35;
	[tilespmem:v56+s20+$0x0] =	vst.idx.add.f32.msk $0xffff, v39  }
0x644: {  	v59 =	vor.u32 v8, v37;
	v39 =	vld [tilespmem:s26+$0x360]  }
0x645: {  	[tilespmem:v58+s20+$0x0] =	vst.idx.add.f32.msk $0xffff, v40  }
0x646: {  	v60 =	vor.u32 v8, v38;
	v40 =	vld [tilespmem:s26+$0x3E0]  }
0x647: {  	v61 =	vld [tilespmem:s26+$0x6F0]  }
0x648: {  	v62 =	vor.u32 v17, v36;
	[tilespmem:v49+s20+$0x0] =	vst.idx.add.f32.msk $0xffff, v45  }
0x649: {  	[tilespmem:v59+s20+$0x0] =	vst.idx.add.f32.msk $0xffff, v39  }
0x64a: {  	v63 =	vor.u32 v9, v37;
	v39 =	vld [tilespmem:s26+$0x370]  }
0x64b: {  	[tilespmem:v60+s20+$0x0] =	vst.idx.add.f32.msk $0xffff, v40  }
0x64c: {  	v48 =	vor.u32 v9, v38;
	v40 =	vld [tilespmem:s26+$0x3F0]  }
0x64d: {  	[tilespmem:v62+s20+$0x0] =	vst.idx.add.f32.msk $0xffff, v61  }
0x64e: {  	v51 =	vor.u32 v18, v36;
	v44 =	vld [tilespmem:s26+$0xA80]  }
0x64f: {  	[tilespmem:v63+s20+$0x0] =	vst.idx.add.f32.msk $0xffff, v39  }
0x650: {  	v50 =	vor.u32 v10, v37;
	v39 =	vld [tilespmem:s26+$0x700]  }
0x651: {  	[tilespmem:v48+s20+$0x0] =	vst.idx.add.f32.msk $0xffff, v40  }
0x652: {  	v52 =	vor.u32 v10, v38;
	v40 =	vld [tilespmem:s26+$0x780]  }
0x653: {  	[tilespmem:v51+s20+$0x0] =	vst.idx.add.f32.msk $0xffff, v44  }
0x654: {  	v55 =	vld [tilespmem:s26+$0xA90]  }
0x655: {  	v56 =	vor.u32 v19, v36;
	[tilespmem:v50+s20+$0x0] =	vst.idx.add.f32.msk $0xffff, v39  }
0x656: {  	v53 =	vor.u32 v11, v37;
	v39 =	vld [tilespmem:s26+$0x710]  }
0x657: {  	[tilespmem:v52+s20+$0x0] =	vst.idx.add.f32.msk $0xffff, v40  }
0x658: {  	v54 =	vor.u32 v11, v38;
	v40 =	vld [tilespmem:s26+$0x790]  }
0x659: {  	v45 =	vld [tilespmem:s26+$0xE00]  }
0x65a: {  	[tilespmem:v56+s20+$0x0] =	vst.idx.add.f32.msk $0xffff, v55  }
0x65b: {  	v59 =	vor.u32 v26, v35;
	[tilespmem:v53+s20+$0x0] =	vst.idx.add.f32.msk $0xffff, v39  }
0x65c: {  	v57 =	vor.u32 v12, v37;
	v39 =	vld [tilespmem:s26+$0x720]  }
0x65d: {  	[tilespmem:v54+s20+$0x0] =	vst.idx.add.f32.msk $0xffff, v40  }
0x65e: {  	v58 =	vor.u32 v12, v38;
	v40 =	vld [tilespmem:s26+$0x7A0]  }
0x65f: {  	v44 =	vld [tilespmem:s26+$0xAA0]  }
0x660: {  	v61 =	vor.u32 v20, v36;
	[tilespmem:v59+s20+$0x0] =	vst.idx.add.f32.msk $0xffff, v45  }
0x661: {  	[tilespmem:v57+s20+$0x0] =	vst.idx.add.f32.msk $0xffff, v39  }
0x662: {  	v60 =	vor.u32 v13, v37;
	v39 =	vld [tilespmem:s26+$0x730]  }
0x663: {  	[tilespmem:v58+s20+$0x0] =	vst.idx.add.f32.msk $0xffff, v40  }
0x664: {  	v62 =	vor.u32 v13, v38;
	v40 =	vld [tilespmem:s26+$0x7B0]  }
0x665: {  	[tilespmem:v61+s20+$0x0] =	vst.idx.add.f32.msk $0xffff, v44  }
0x666: {  	v49 =	vld [tilespmem:s26+$0xAB0]  }
0x667: {  	v50 =	vor.u32 v21, v36;
	[tilespmem:v60+s20+$0x0] =	vst.idx.add.f32.msk $0xffff, v39  }
0x668: {  	v63 =	vor.u32 v14, v37;
	v39 =	vld [tilespmem:s26+$0x740]  }
0x669: {  	[tilespmem:v62+s20+$0x0] =	vst.idx.add.f32.msk $0xffff, v40  }
0x66a: {  	v48 =	vor.u32 v14, v38;
	v40 =	vld [tilespmem:s26+$0x7C0]  }
0x66b: {  	v45 =	vld [tilespmem:s26+$0xE10]  }
0x66c: {  	[tilespmem:v50+s20+$0x0] =	vst.idx.add.f32.msk $0xffff, v49  }
0x66d: {  	v53 =	vor.u32 v27, v35;
	[tilespmem:v63+s20+$0x0] =	vst.idx.add.f32.msk $0xffff, v39  }
0x66e: {  	v51 =	vor.u32 v15, v37;
	v39 =	vld [tilespmem:s26+$0x750]  }
0x66f: {  	[tilespmem:v48+s20+$0x0] =	vst.idx.add.f32.msk $0xffff, v40  }
0x670: {  	v52 =	vor.u32 v15, v38;
	v40 =	vld [tilespmem:s26+$0x7D0]  }
0x671: {  	v44 =	vld [tilespmem:s26+$0xAC0]  }
0x672: {  	v55 =	vor.u32 v22, v36;
	[tilespmem:v53+s20+$0x0] =	vst.idx.add.f32.msk $0xffff, v45  }
0x673: {  	[tilespmem:v51+s20+$0x0] =	vst.idx.add.f32.msk $0xffff, v39  }
0x674: {  	v54 =	vor.u32 v16, v37;
	v39 =	vld [tilespmem:s26+$0x760]  }
0x675: {  	[tilespmem:v52+s20+$0x0] =	vst.idx.add.f32.msk $0xffff, v40  }
0x676: {  	v56 =	vor.u32 v16, v38;
	v40 =	vld [tilespmem:s26+$0x7E0]  }
0x677: {  	[tilespmem:v55+s20+$0x0] =	vst.idx.add.f32.msk $0xffff, v44  }
0x678: {  	v59 =	vld [tilespmem:s26+$0xAD0]  }
0x679: {  	v60 =	vor.u32 v23, v36;
	[tilespmem:v54+s20+$0x0] =	vst.idx.add.f32.msk $0xffff, v39  }
0x67a: {  	v57 =	vor.u32 v17, v37;
	v39 =	vld [tilespmem:s26+$0x770]  }
0x67b: {  	[tilespmem:v56+s20+$0x0] =	vst.idx.add.f32.msk $0xffff, v40  }
0x67c: {  	v58 =	vor.u32 v17, v38;
	v40 =	vld [tilespmem:s26+$0x7F0]  }
0x67d: {  	v45 =	vld [tilespmem:s26+$0xE20]  }
0x67e: {  	[tilespmem:v60+s20+$0x0] =	vst.idx.add.f32.msk $0xffff, v59  }
0x67f: {  	v63 =	vor.u32 v28, v35;
	[tilespmem:v57+s20+$0x0] =	vst.idx.add.f32.msk $0xffff, v39  }
0x680: {  	v61 =	vor.u32 v18, v37;
	v39 =	vld [tilespmem:s26+$0xB00]  }
0x681: {  	[tilespmem:v58+s20+$0x0] =	vst.idx.add.f32.msk $0xffff, v40  }
0x682: {  	v62 =	vor.u32 v18, v38;
	v40 =	vld [tilespmem:s26+$0xB80]  }
0x683: {  	v44 =	vld [tilespmem:s26+$0xAE0]  }
0x684: {  	v49 =	vor.u32 v24, v36;
	[tilespmem:v63+s20+$0x0] =	vst.idx.add.f32.msk $0xffff, v45  }
0x685: {  	[tilespmem:v61+s20+$0x0] =	vst.idx.add.f32.msk $0xffff, v39  }
0x686: {  	v48 =	vor.u32 v19, v37;
	v39 =	vld [tilespmem:s26+$0xB10]  }
0x687: {  	[tilespmem:v62+s20+$0x0] =	vst.idx.add.f32.msk $0xffff, v40  }
0x688: {  	v50 =	vor.u32 v19, v38;
	v40 =	vld [tilespmem:s26+$0xB90]  }
0x689: {  	[tilespmem:v49+s20+$0x0] =	vst.idx.add.f32.msk $0xffff, v44  }
0x68a: {  	v53 =	vld [tilespmem:s26+$0xAF0]  }
0x68b: {  	v54 =	vor.u32 v25, v36;
	[tilespmem:v48+s20+$0x0] =	vst.idx.add.f32.msk $0xffff, v39  }
0x68c: {  	v51 =	vor.u32 v20, v37;
	v39 =	vld [tilespmem:s26+$0xB20]  }
0x68d: {  	[tilespmem:v50+s20+$0x0] =	vst.idx.add.f32.msk $0xffff, v40  }
0x68e: {  	v52 =	vor.u32 v20, v38;
	v40 =	vld [tilespmem:s26+$0xBA0]  }
0x68f: {  	v45 =	vld [tilespmem:s26+$0xE30]  }
0x690: {  	[tilespmem:v54+s20+$0x0] =	vst.idx.add.f32.msk $0xffff, v53  }
0x691: {  	v57 =	vor.u32 v29, v35;
	[tilespmem:v51+s20+$0x0] =	vst.idx.add.f32.msk $0xffff, v39  }
0x692: {  	v55 =	vor.u32 v21, v37;
	v39 =	vld [tilespmem:s26+$0xB30]  }
0x693: {  	[tilespmem:v52+s20+$0x0] =	vst.idx.add.f32.msk $0xffff, v40  }
0x694: {  	v56 =	vor.u32 v21, v38;
	v40 =	vld [tilespmem:s26+$0xBB0]  }
0x695: {  	v44 =	vld [tilespmem:s26+$0xE80]  }
0x696: {  	v59 =	vor.u32 v26, v36;
	[tilespmem:v57+s20+$0x0] =	vst.idx.add.f32.msk $0xffff, v45  }
0x697: {  	[tilespmem:v55+s20+$0x0] =	vst.idx.add.f32.msk $0xffff, v39  }
0x698: {  	v58 =	vor.u32 v22, v37;
	v39 =	vld [tilespmem:s26+$0xB40]  }
0x699: {  	[tilespmem:v56+s20+$0x0] =	vst.idx.add.f32.msk $0xffff, v40  }
0x69a: {  	v60 =	vor.u32 v22, v38;
	v40 =	vld [tilespmem:s26+$0xBC0]  }
0x69b: {  	[tilespmem:v59+s20+$0x0] =	vst.idx.add.f32.msk $0xffff, v44  }
0x69c: {  	v63 =	vld [tilespmem:s26+$0xE90]  }
0x69d: {  	v48 =	vor.u32 v27, v36;
	[tilespmem:v58+s20+$0x0] =	vst.idx.add.f32.msk $0xffff, v39  }
0x69e: {  	v61 =	vor.u32 v23, v37;
	v39 =	vld [tilespmem:s26+$0xB50]  }
0x69f: {  	[tilespmem:v60+s20+$0x0] =	vst.idx.add.f32.msk $0xffff, v40  }
0x6a0: {  	v62 =	vor.u32 v23, v38;
	v40 =	vld [tilespmem:s26+$0xBD0]  }
0x6a1: {  	v45 =	vld [tilespmem:s26+$0xE40]  }
0x6a2: {  	[tilespmem:v48+s20+$0x0] =	vst.idx.add.f32.msk $0xffff, v63  }
0x6a3: {  	v51 =	vor.u32 v30, v35;
	[tilespmem:v61+s20+$0x0] =	vst.idx.add.f32.msk $0xffff, v39  }
0x6a4: {  	v49 =	vor.u32 v24, v37;
	v39 =	vld [tilespmem:s26+$0xB60]  }
0x6a5: {  	[tilespmem:v62+s20+$0x0] =	vst.idx.add.f32.msk $0xffff, v40  }
0x6a6: {  	v50 =	vor.u32 v24, v38;
	v40 =	vld [tilespmem:s26+$0xBE0]  }
0x6a7: {  	v44 =	vld [tilespmem:s26+$0xEA0]  }
0x6a8: {  	v53 =	vor.u32 v28, v36;
	[tilespmem:v51+s20+$0x0] =	vst.idx.add.f32.msk $0xffff, v45  }
0x6a9: {  	[tilespmem:v49+s20+$0x0] =	vst.idx.add.f32.msk $0xffff, v39  }
0x6aa: {  	v52 =	vor.u32 v25, v37;
	v39 =	vld [tilespmem:s26+$0xB70]  }
0x6ab: {  	[tilespmem:v50+s20+$0x0] =	vst.idx.add.f32.msk $0xffff, v40  }
0x6ac: {  	v54 =	vor.u32 v25, v38;
	v40 =	vld [tilespmem:s26+$0xBF0]  }
0x6ad: {  	[tilespmem:v53+s20+$0x0] =	vst.idx.add.f32.msk $0xffff, v44  }
0x6ae: {  	v57 =	vld [tilespmem:s26+$0xEB0]  }
0x6af: {  	v58 =	vor.u32 v29, v36;
	[tilespmem:v52+s20+$0x0] =	vst.idx.add.f32.msk $0xffff, v39  }
0x6b0: {  	v55 =	vor.u32 v26, v37;
	v39 =	vld [tilespmem:s26+$0xF00]  }
0x6b1: {  	[tilespmem:v54+s20+$0x0] =	vst.idx.add.f32.msk $0xffff, v40  }
0x6b2: {  	v56 =	vor.u32 v26, v38;
	v40 =	vld [tilespmem:s26+$0xF80]  }
0x6b3: {  	v45 =	vld [tilespmem:s26+$0xE50]  }
0x6b4: {  	[tilespmem:v58+s20+$0x0] =	vst.idx.add.f32.msk $0xffff, v57  }
0x6b5: {  	v61 =	vor.u32 v31, v35;
	[tilespmem:v55+s20+$0x0] =	vst.idx.add.f32.msk $0xffff, v39  }
0x6b6: {  	v59 =	vor.u32 v27, v37;
	v39 =	vld [tilespmem:s26+$0xF10]  }
0x6b7: {  	[tilespmem:v56+s20+$0x0] =	vst.idx.add.f32.msk $0xffff, v40  }
0x6b8: {  	v60 =	vor.u32 v27, v38;
	v40 =	vld [tilespmem:s26+$0xF90]  }
0x6b9: {  	v44 =	vld [tilespmem:s26+$0xEC0]  }
0x6ba: {  	v63 =	vor.u32 v30, v36;
	[tilespmem:v61+s20+$0x0] =	vst.idx.add.f32.msk $0xffff, v45  }
0x6bb: {  	[tilespmem:v59+s20+$0x0] =	vst.idx.add.f32.msk $0xffff, v39  }
0x6bc: {  	v62 =	vor.u32 v28, v37;
	v39 =	vld [tilespmem:s26+$0xF20]  }
0x6bd: {  	[tilespmem:v60+s20+$0x0] =	vst.idx.add.f32.msk $0xffff, v40  }
0x6be: {  	v47 =	vor.u32 v28, v38;
	v40 =	vld [tilespmem:s26+$0xFA0]  }
0x6bf: {  	[tilespmem:v63+s20+$0x0] =	vst.idx.add.f32.msk $0xffff, v44  }
0x6c0: {  	v50 =	vld [tilespmem:s26+$0xED0]  }
0x6c1: {  	v51 =	vor.u32 v31, v36;
	[tilespmem:v62+s20+$0x0] =	vst.idx.add.f32.msk $0xffff, v39  }
0x6c2: {  	v48 =	vor.u32 v29, v37;
	v39 =	vld [tilespmem:s26+$0xF30]  }
0x6c3: {  	[tilespmem:v47+s20+$0x0] =	vst.idx.add.f32.msk $0xffff, v40  }
0x6c4: {  	v49 =	vor.u32 v29, v38;
	v40 =	vld [tilespmem:s26+$0xFB0]  }
0x6c5: {  	v45 =	vld [tilespmem:s26+$0xE60]  }
0x6c6: {  	[tilespmem:v51+s20+$0x0] =	vst.idx.add.f32.msk $0xffff, v50  }
0x6c7: {  	v54 =	vor.u32 v32, v35;
	[tilespmem:v48+s20+$0x0] =	vst.idx.add.f32.msk $0xffff, v39  }
0x6c8: {  	v52 =	vor.u32 v30, v37;
	v39 =	vld [tilespmem:s26+$0xF40]  }
0x6c9: {  	[tilespmem:v49+s20+$0x0] =	vst.idx.add.f32.msk $0xffff, v40  }
0x6ca: {  	v53 =	vor.u32 v30, v38;
	v40 =	vld [tilespmem:s26+$0xFC0]  }
0x6cb: {  	v44 =	vld [tilespmem:s26+$0xEE0]  }
0x6cc: {  	[tilespmem:v54+s20+$0x0] =	vst.idx.add.f32.msk $0xffff, v45  }
0x6cd: {  	v56 =	vor.u32 v32, v36;
	[tilespmem:v52+s20+$0x0] =	vst.idx.add.f32.msk $0xffff, v39  }
0x6ce: {  	v55 =	vor.u32 v31, v37;
	v39 =	vld [tilespmem:s26+$0xF50]  }
0x6cf: {  	[tilespmem:v53+s20+$0x0] =	vst.idx.add.f32.msk $0xffff, v40  }
0x6d0: {  	v57 =	vor.u32 v31, v38;
	v40 =	vld [tilespmem:s26+$0xFD0]  }
0x6d1: {  	v61 =	vld [tilespmem:s26+$0xE70]  }
0x6d2: {  	[tilespmem:v56+s20+$0x0] =	vst.idx.add.f32.msk $0xffff, v44  }
0x6d3: {  	[tilespmem:v55+s20+$0x0] =	vst.idx.add.f32.msk $0xffff, v39  }
0x6d4: {  	v58 =	vor.u32 v32, v37;
	v39 =	vld [tilespmem:s26+$0xF60]  }
0x6d5: {  	[tilespmem:v57+s20+$0x0] =	vst.idx.add.f32.msk $0xffff, v40  }
0x6d6: {  	v59 =	vor.u32 v32, v38;
	v40 =	vld [tilespmem:s26+$0xFE0]  }
0x6d7: {  	v60 =	vld [tilespmem:s26+$0xDF0]  }
0x6d8: {  	v35 =	vor.u32 v33, v35;
	v62 =	vld [tilespmem:s26+$0xEF0]  }
0x6d9: {  	v34 =	vor.u32 v33, v34;
	[tilespmem:v58+s20+$0x0] =	vst.idx.add.f32.msk $0xffff, v39  }
0x6da: {  	v36 =	vor.u32 v33, v36;
	v63 =	vld [tilespmem:s26+$0xF70]  }
0x6db: {  	v37 =	vor.u32 v33, v37;
	[tilespmem:v59+s20+$0x0] =	vst.idx.add.f32.msk $0xffff, v40  }
0x6dc: {  	p0 =	slt.u32 s25, $0x38;
	v38 =	vor.u32 v33, v38;
	v41 =	vld [tilespmem:s26+$0xFF0]  }
.Ltmp3:
0x6dd: {  	[tilespmem:v35+s20+$0x0] =	vst.idx.add.f32.msk $0xffff, v61;
	(pc) =	sbr.rel @p0 .LBB2_8-.Ltmp3, $4  }
0x6de: {  	[tilespmem:v34+s20+$0x0] =	vst.idx.add.f32.msk $0xffff, v60  }
0x6df: {  	[tilespmem:v36+s20+$0x0] =	vst.idx.add.f32.msk $0xffff, v62  }
0x6e0: {  	s31 =	sadd.s32 $0x8, s25;
	[tilespmem:v37+s20+$0x0] =	vst.idx.add.f32.msk $0xffff, v63  }
0x6e1: {  	s25 =	smov.u32 s31;
	[tilespmem:v38+s20+$0x0] =	vst.idx.add.f32.msk $0xffff, v41  }
0x6e2: {  	_ =	swait.ge [sflag:s21], $0x8000  }
0x6e3: {  	[sflag:s21] =	ssyncset.done $0x0  }
0x6e4: {  	[sflag:s21] =	ssyncadd.s32 $0xFFFF8000  }
0x6e5: {  	_ =	swait.ge [sflag:s22], $0x40  }
0x6e6: {  	[sflag:s22] =	ssyncset.done $0x0  }
0x6e7: {  	s25 =	simm.s32 $0x0;
	[sflag:s22] =	ssyncadd.s32 $0xFFFFFFC0  }
.LBB2_10:
0x6e8: {  	v34 =	vmov s25  }
0x6e9: {  	v34 =	vand.u32 $0xFFFFFFF8, v34  }
0x6ea: {  	v34 =	vbroadcast v34, $0x0;
	_ =	sdelay $0x5  }
0x6eb: {  	v34 =	vld.idx.msk [tilespmem:v34+s18+$0x0], $0xffff;
	_ =	sdelay $0x5  }
0x6ec: {  	v35 =	vshll.u32 v34, $0x9;
	v36 =	vshll.u32 v34, $0x7  }
0x6ed: {  	s26 =	sshll.u32 s25, $0x9;
	v35 =	vand.u32 $0xFFFFF000, v35;
	v36 =	vand.u32 $0x380, v36  }
0x6ee: {  	s26 =	sand.u32 $0x3FFFFE00, s26;
	v36 =	vor.u32 v36, v35;
	[tilespmem:v34+s19+$0x0] =	vst.idx.add.f32.msk $0x1, v2  }
0x6ef: {  	v35 =	vor.u32 v0, v36;
	v34 =	vld [tilespmem:s26+$0x8000];
	_ =	sdelay $0x4  }
0x6f0: {  	[tilespmem:v35+s20+$0x0] =	vst.idx.add.f32.msk $0xffff, v34  }
0x6f1: {  	v45 =	vor.u32 v3, v36;
	v34 =	vld [tilespmem:s26+$0x8010];
	_ =	sdelay $0x4  }
0x6f2: {  	[tilespmem:v45+s20+$0x0] =	vst.idx.add.f32.msk $0xffff, v34  }
0x6f3: {  	v46 =	vor.u32 v4, v36;
	v34 =	vld [tilespmem:s26+$0x8020];
	_ =	sdelay $0x4  }
0x6f4: {  	[tilespmem:v46+s20+$0x0] =	vst.idx.add.f32.msk $0xffff, v34  }
0x6f5: {  	v47 =	vor.u32 v5, v36;
	v34 =	vld [tilespmem:s26+$0x8030];
	_ =	sdelay $0x4  }
0x6f6: {  	[tilespmem:v47+s20+$0x0] =	vst.idx.add.f32.msk $0xffff, v34  }
0x6f7: {  	v48 =	vor.u32 v6, v36;
	v34 =	vld [tilespmem:s26+$0x8040];
	_ =	sdelay $0x4  }
0x6f8: {  	[tilespmem:v48+s20+$0x0] =	vst.idx.add.f32.msk $0xffff, v34  }
0x6f9: {  	v49 =	vor.u32 v7, v36;
	v34 =	vld [tilespmem:s26+$0x8050];
	_ =	sdelay $0x4  }
0x6fa: {  	[tilespmem:v49+s20+$0x0] =	vst.idx.add.f32.msk $0xffff, v34  }
0x6fb: {  	v50 =	vor.u32 v8, v36;
	v34 =	vld [tilespmem:s26+$0x8060];
	_ =	sdelay $0x4  }
0x6fc: {  	[tilespmem:v50+s20+$0x0] =	vst.idx.add.f32.msk $0xffff, v34  }
0x6fd: {  	v51 =	vor.u32 v9, v36;
	v34 =	vld [tilespmem:s26+$0x8070];
	_ =	sdelay $0x4  }
0x6fe: {  	[tilespmem:v51+s20+$0x0] =	vst.idx.add.f32.msk $0xffff, v34  }
0x6ff: {  	v52 =	vor.u32 v10, v36;
	v34 =	vld [tilespmem:s26+$0x8400];
	_ =	sdelay $0x4  }
0x700: {  	[tilespmem:v52+s20+$0x0] =	vst.idx.add.f32.msk $0xffff, v34  }
0x701: {  	v53 =	vor.u32 v11, v36;
	v34 =	vld [tilespmem:s26+$0x8410];
	_ =	sdelay $0x4  }
0x702: {  	[tilespmem:v53+s20+$0x0] =	vst.idx.add.f32.msk $0xffff, v34  }
0x703: {  	v54 =	vor.u32 v12, v36;
	v34 =	vld [tilespmem:s26+$0x8420];
	_ =	sdelay $0x4  }
0x704: {  	[tilespmem:v54+s20+$0x0] =	vst.idx.add.f32.msk $0xffff, v34  }
0x705: {  	v55 =	vor.u32 v13, v36;
	v34 =	vld [tilespmem:s26+$0x8430];
	_ =	sdelay $0x3  }
0x706: {  	s28 =	sor.u32 $0x1, s25  }
0x707: {  	v56 =	vmov s28;
	[tilespmem:v55+s20+$0x0] =	vst.idx.add.f32.msk $0xffff, v34  }
0x708: {  	v37 =	vor.u32 v14, v36;
	v34 =	vand.u32 $0xFFFFFFF9, v56;
	v35 =	vld [tilespmem:s26+$0x8440]  }
0x709: {  	v34 =	vbroadcast v34, $0x0;
	_ =	sdelay $0x3  }
0x70a: {  	[tilespmem:v37+s20+$0x0] =	vst.idx.add.f32.msk $0xffff, v35  }
0x70b: {  	v35 =	vld [tilespmem:s26+$0x8450]  }
0x70c: {  	v34 =	vld.idx.msk [tilespmem:v34+s18+$0x0], $0xffff  }
0x70d: {  	v57 =	vor.u32 v15, v36;
	_ =	sdelay $0x4  }
0x70e: {  	[tilespmem:v57+s20+$0x0] =	vst.idx.add.f32.msk $0xffff, v35;
	v58 =	vshll.u32 v34, $0x9;
	v59 =	vshll.u32 v34, $0x7  }
0x70f: {  	v39 =	vor.u32 v16, v36;
	v38 =	vld [tilespmem:s26+$0x8460];
	v35 =	vand.u32 $0xFFFFF000, v58;
	v37 =	vand.u32 $0x380, v59  }
0x710: {  	v37 =	vor.u32 v37, v35;
	[tilespmem:v34+s19+$0x0] =	vst.idx.add.f32.msk $0x1, v2  }
0x711: {  	v35 =	vor.u32 v0, v37;
	v34 =	vld [tilespmem:s26+$0x8080];
	_ =	sdelay $0x2  }
0x712: {  	[tilespmem:v39+s20+$0x0] =	vst.idx.add.f32.msk $0xffff, v38  }
0x713: {  	v60 =	vor.u32 v17, v36;
	v38 =	vld [tilespmem:s26+$0x8470]  }
0x714: {  	[tilespmem:v35+s20+$0x0] =	vst.idx.add.f32.msk $0xffff, v34  }
0x715: {  	v61 =	vor.u32 v3, v37;
	v34 =	vld [tilespmem:s26+$0x8090];
	_ =	sdelay $0x2  }
0x716: {  	[tilespmem:v60+s20+$0x0] =	vst.idx.add.f32.msk $0xffff, v38  }
0x717: {  	v62 =	vor.u32 v18, v36;
	v38 =	vld [tilespmem:s26+$0x8800]  }
0x718: {  	[tilespmem:v61+s20+$0x0] =	vst.idx.add.f32.msk $0xffff, v34  }
0x719: {  	v63 =	vor.u32 v4, v37;
	v34 =	vld [tilespmem:s26+$0x80A0];
	_ =	sdelay $0x2  }
0x71a: {  	[tilespmem:v62+s20+$0x0] =	vst.idx.add.f32.msk $0xffff, v38  }
0x71b: {  	v42 =	vor.u32 v19, v36;
	v38 =	vld [tilespmem:s26+$0x8810]  }
0x71c: {  	[tilespmem:v63+s20+$0x0] =	vst.idx.add.f32.msk $0xffff, v34  }
0x71d: {  	v43 =	vor.u32 v5, v37;
	v34 =	vld [tilespmem:s26+$0x80B0];
	_ =	sdelay $0x2  }
0x71e: {  	[tilespmem:v42+s20+$0x0] =	vst.idx.add.f32.msk $0xffff, v38  }
0x71f: {  	v44 =	vor.u32 v20, v36;
	v38 =	vld [tilespmem:s26+$0x8820]  }
0x720: {  	[tilespmem:v43+s20+$0x0] =	vst.idx.add.f32.msk $0xffff, v34  }
0x721: {  	v45 =	vor.u32 v6, v37;
	v34 =	vld [tilespmem:s26+$0x80C0];
	_ =	sdelay $0x2  }
0x722: {  	[tilespmem:v44+s20+$0x0] =	vst.idx.add.f32.msk $0xffff, v38  }
0x723: {  	v46 =	vor.u32 v21, v36;
	v38 =	vld [tilespmem:s26+$0x8830]  }
0x724: {  	[tilespmem:v45+s20+$0x0] =	vst.idx.add.f32.msk $0xffff, v34  }
0x725: {  	v47 =	vor.u32 v7, v37;
	v34 =	vld [tilespmem:s26+$0x80D0];
	_ =	sdelay $0x2  }
0x726: {  	[tilespmem:v46+s20+$0x0] =	vst.idx.add.f32.msk $0xffff, v38  }
0x727: {  	v48 =	vor.u32 v22, v36;
	v38 =	vld [tilespmem:s26+$0x8840]  }
0x728: {  	[tilespmem:v47+s20+$0x0] =	vst.idx.add.f32.msk $0xffff, v34  }
0x729: {  	v49 =	vor.u32 v8, v37;
	v34 =	vld [tilespmem:s26+$0x80E0];
	_ =	sdelay $0x2  }
0x72a: {  	[tilespmem:v48+s20+$0x0] =	vst.idx.add.f32.msk $0xffff, v38  }
0x72b: {  	v50 =	vor.u32 v23, v36;
	v38 =	vld [tilespmem:s26+$0x8850]  }
0x72c: {  	[tilespmem:v49+s20+$0x0] =	vst.idx.add.f32.msk $0xffff, v34  }
0x72d: {  	v51 =	vor.u32 v9, v37;
	v34 =	vld [tilespmem:s26+$0x80F0];
	_ =	sdelay $0x2  }
0x72e: {  	[tilespmem:v50+s20+$0x0] =	vst.idx.add.f32.msk $0xffff, v38  }
0x72f: {  	v52 =	vor.u32 v24, v36;
	v38 =	vld [tilespmem:s26+$0x8860]  }
0x730: {  	[tilespmem:v51+s20+$0x0] =	vst.idx.add.f32.msk $0xffff, v34  }
0x731: {  	v53 =	vor.u32 v10, v37;
	v34 =	vld [tilespmem:s26+$0x8480];
	_ =	sdelay $0x2  }
0x732: {  	[tilespmem:v52+s20+$0x0] =	vst.idx.add.f32.msk $0xffff, v38  }
0x733: {  	v54 =	vor.u32 v25, v36;
	v38 =	vld [tilespmem:s26+$0x8870]  }
0x734: {  	[tilespmem:v53+s20+$0x0] =	vst.idx.add.f32.msk $0xffff, v34  }
0x735: {  	v55 =	vor.u32 v11, v37;
	v34 =	vld [tilespmem:s26+$0x8490];
	_ =	sdelay $0x2  }
0x736: {  	s31 =	sor.u32 $0x2, s25;
	[tilespmem:v54+s20+$0x0] =	vst.idx.add.f32.msk $0xffff, v38  }
0x737: {  	v40 =	vmov s31;
	v56 =	vor.u32 v26, v36;
	v38 =	vld [tilespmem:s26+$0x8C00]  }
0x738: {  	v57 =	vand.u32 $0xFFFFFFFA, v40;
	[tilespmem:v55+s20+$0x0] =	vst.idx.add.f32.msk $0xffff, v34  }
0x739: {  	v58 =	vor.u32 v12, v37;
	v34 =	vbroadcast v57, $0x0;
	v35 =	vld [tilespmem:s26+$0x84A0];
	_ =	sdelay $0x2  }
0x73a: {  	[tilespmem:v56+s20+$0x0] =	vst.idx.add.f32.msk $0xffff, v38  }
0x73b: {  	v38 =	vld [tilespmem:s26+$0x8C10]  }
0x73c: {  	v59 =	vor.u32 v27, v36;
	[tilespmem:v58+s20+$0x0] =	vst.idx.add.f32.msk $0xffff, v35  }
0x73d: {  	v34 =	vld.idx.msk [tilespmem:v34+s18+$0x0], $0xffff  }
0x73e: {  	v60 =	vor.u32 v13, v37;
	v35 =	vld [tilespmem:s26+$0x84B0];
	_ =	sdelay $0x2  }
0x73f: {  	[tilespmem:v59+s20+$0x0] =	vst.idx.add.f32.msk $0xffff, v38  }
0x740: {  	v41 =	vor.u32 v28, v36;
	v39 =	vld [tilespmem:s26+$0x8C20]  }
0x741: {  	v61 =	vshll.u32 v34, $0x9;
	v62 =	vshll.u32 v34, $0x7;
	[tilespmem:v60+s20+$0x0] =	vst.idx.add.f32.msk $0xffff, v35  }
0x742: {  	v42 =	vor.u32 v14, v37;
	v35 =	vand.u32 $0xFFFFF000, v61;
	v38 =	vand.u32 $0x380, v62;
	v40 =	vld [tilespmem:s26+$0x84C0]  }
0x743: {  	v38 =	vor.u32 v38, v35;
	[tilespmem:v34+s19+$0x0] =	vst.idx.add.f32.msk $0x1, v2  }
0x744: {  	v35 =	vor.u32 v0, v38;
	v34 =	vld [tilespmem:s26+$0x8100]  }
0x745: {  	[tilespmem:v41+s20+$0x0] =	vst.idx.add.f32.msk $0xffff, v39  }
0x746: {  	v63 =	vor.u32 v29, v36;
	v39 =	vld [tilespmem:s26+$0x8C30]  }
0x747: {  	[tilespmem:v42+s20+$0x0] =	vst.idx.add.f32.msk $0xffff, v40  }
0x748: {  	v45 =	vor.u32 v15, v37;
	v40 =	vld [tilespmem:s26+$0x84D0]  }
0x749: {  	[tilespmem:v35+s20+$0x0] =	vst.idx.add.f32.msk $0xffff, v34  }
0x74a: {  	v46 =	vor.u32 v3, v38;
	v34 =	vld [tilespmem:s26+$0x8110]  }
0x74b: {  	[tilespmem:v63+s20+$0x0] =	vst.idx.add.f32.msk $0xffff, v39  }
0x74c: {  	v47 =	vor.u32 v30, v36;
	v39 =	vld [tilespmem:s26+$0x8C40]  }
0x74d: {  	[tilespmem:v45+s20+$0x0] =	vst.idx.add.f32.msk $0xffff, v40  }
0x74e: {  	v48 =	vor.u32 v16, v37;
	v40 =	vld [tilespmem:s26+$0x84E0]  }
0x74f: {  	[tilespmem:v46+s20+$0x0] =	vst.idx.add.f32.msk $0xffff, v34  }
0x750: {  	v49 =	vor.u32 v4, v38;
	v34 =	vld [tilespmem:s26+$0x8120]  }
0x751: {  	[tilespmem:v47+s20+$0x0] =	vst.idx.add.f32.msk $0xffff, v39  }
0x752: {  	v50 =	vor.u32 v31, v36;
	v39 =	vld [tilespmem:s26+$0x8C50]  }
0x753: {  	s29 =	sor.u32 $0x3, s25;
	[tilespmem:v48+s20+$0x0] =	vst.idx.add.f32.msk $0xffff, v40  }
0x754: {  	v43 =	vmov s29;
	v51 =	vor.u32 v17, v37;
	v40 =	vld [tilespmem:s26+$0x84F0]  }
0x755: {  	v52 =	vand.u32 $0xFFFFFFFB, v43;
	[tilespmem:v49+s20+$0x0] =	vst.idx.add.f32.msk $0xffff, v34  }
0x756: {  	v53 =	vor.u32 v5, v38;
	v34 =	vbroadcast v52, $0x0;
	v35 =	vld [tilespmem:s26+$0x8130]  }
0x757: {  	[tilespmem:v50+s20+$0x0] =	vst.idx.add.f32.msk $0xffff, v39  }
0x758: {  	v39 =	vld [tilespmem:s26+$0x8C60]  }
0x759: {  	v54 =	vor.u32 v32, v36;
	[tilespmem:v51+s20+$0x0] =	vst.idx.add.f32.msk $0xffff, v40  }
0x75a: {  	v40 =	vld [tilespmem:s26+$0x8880]  }
0x75b: {  	v55 =	vor.u32 v18, v37;
	[tilespmem:v53+s20+$0x0] =	vst.idx.add.f32.msk $0xffff, v35  }
0x75c: {  	v34 =	vld.idx.msk [tilespmem:v34+s18+$0x0], $0xffff  }
0x75d: {  	v56 =	vor.u32 v6, v38;
	v35 =	vld [tilespmem:s26+$0x8140]  }
0x75e: {  	[tilespmem:v54+s20+$0x0] =	vst.idx.add.f32.msk $0xffff, v39  }
0x75f: {  	v36 =	vor.u32 v33, v36;
	v39 =	vld [tilespmem:s26+$0x8C70]  }
0x760: {  	[tilespmem:v55+s20+$0x0] =	vst.idx.add.f32.msk $0xffff, v40  }
0x761: {  	v40 =	vld [tilespmem:s26+$0x8890]  }
0x762: {  	v57 =	vor.u32 v19, v37;
	[tilespmem:v56+s20+$0x0] =	vst.idx.add.f32.msk $0xffff, v35  }
0x763: {  	v58 =	vshll.u32 v34, $0x9;
	v59 =	vshll.u32 v34, $0x7;
	v43 =	vld [tilespmem:s26+$0x8150]  }
0x764: {  	v44 =	vor.u32 v7, v38;
	v35 =	vand.u32 $0xFFFFF000, v58;
	v42 =	vand.u32 $0x380, v59;
	[tilespmem:v36+s20+$0x0] =	vst.idx.add.f32.msk $0xffff, v39  }
0x765: {  	[tilespmem:v34+s19+$0x0] =	vst.idx.add.f32.msk $0x1, v2;
	v34 =	vor.u32 v42, v35  }
0x766: {  	v60 =	vld [tilespmem:s26+$0x8180];
	v42 =	vor.u32 v0, v34  }
0x767: {  	[tilespmem:v57+s20+$0x0] =	vst.idx.add.f32.msk $0xffff, v40  }
0x768: {  	v61 =	vor.u32 v20, v37;
	v40 =	vld [tilespmem:s26+$0x88A0]  }
0x769: {  	[tilespmem:v44+s20+$0x0] =	vst.idx.add.f32.msk $0xffff, v43  }
0x76a: {  	v62 =	vor.u32 v8, v38;
	v43 =	vld [tilespmem:s26+$0x8160]  }
0x76b: {  	[tilespmem:v42+s20+$0x0] =	vst.idx.add.f32.msk $0xffff, v60  }
0x76c: {  	v63 =	vor.u32 v3, v34;
	v35 =	vld [tilespmem:s26+$0x8190]  }
0x76d: {  	[tilespmem:v61+s20+$0x0] =	vst.idx.add.f32.msk $0xffff, v40  }
0x76e: {  	v48 =	vor.u32 v21, v37;
	v40 =	vld [tilespmem:s26+$0x88B0]  }
0x76f: {  	[tilespmem:v62+s20+$0x0] =	vst.idx.add.f32.msk $0xffff, v43  }
0x770: {  	v49 =	vor.u32 v9, v38;
	v43 =	vld [tilespmem:s26+$0x8170]  }
0x771: {  	[tilespmem:v63+s20+$0x0] =	vst.idx.add.f32.msk $0xffff, v35  }
0x772: {  	v50 =	vor.u32 v4, v34;
	v35 =	vld [tilespmem:s26+$0x81A0]  }
0x773: {  	[tilespmem:v48+s20+$0x0] =	vst.idx.add.f32.msk $0xffff, v40  }
0x774: {  	v51 =	vor.u32 v22, v37;
	v40 =	vld [tilespmem:s26+$0x88C0]  }
0x775: {  	[tilespmem:v49+s20+$0x0] =	vst.idx.add.f32.msk $0xffff, v43  }
0x776: {  	v52 =	vor.u32 v10, v38;
	v43 =	vld [tilespmem:s26+$0x8500]  }
0x777: {  	[tilespmem:v50+s20+$0x0] =	vst.idx.add.f32.msk $0xffff, v35  }
0x778: {  	v53 =	vor.u32 v5, v34;
	v35 =	vld [tilespmem:s26+$0x81B0]  }
0x779: {  	[tilespmem:v51+s20+$0x0] =	vst.idx.add.f32.msk $0xffff, v40  }
0x77a: {  	v54 =	vor.u32 v23, v37;
	v40 =	vld [tilespmem:s26+$0x88D0]  }
0x77b: {  	[tilespmem:v52+s20+$0x0] =	vst.idx.add.f32.msk $0xffff, v43  }
0x77c: {  	v55 =	vor.u32 v11, v38;
	v43 =	vld [tilespmem:s26+$0x8510]  }
0x77d: {  	[tilespmem:v53+s20+$0x0] =	vst.idx.add.f32.msk $0xffff, v35  }
0x77e: {  	v56 =	vor.u32 v6, v34;
	v35 =	vld [tilespmem:s26+$0x81C0]  }
0x77f: {  	[tilespmem:v54+s20+$0x0] =	vst.idx.add.f32.msk $0xffff, v40  }
0x780: {  	v57 =	vor.u32 v24, v37;
	v40 =	vld [tilespmem:s26+$0x88E0]  }
0x781: {  	[tilespmem:v55+s20+$0x0] =	vst.idx.add.f32.msk $0xffff, v43  }
0x782: {  	v58 =	vor.u32 v12, v38;
	v43 =	vld [tilespmem:s26+$0x8520]  }
0x783: {  	[tilespmem:v56+s20+$0x0] =	vst.idx.add.f32.msk $0xffff, v35  }
0x784: {  	v59 =	vor.u32 v7, v34;
	v35 =	vld [tilespmem:s26+$0x81D0]  }
0x785: {  	[tilespmem:v57+s20+$0x0] =	vst.idx.add.f32.msk $0xffff, v40  }
0x786: {  	v60 =	vor.u32 v25, v37;
	v40 =	vld [tilespmem:s26+$0x88F0]  }
0x787: {  	[tilespmem:v58+s20+$0x0] =	vst.idx.add.f32.msk $0xffff, v43  }
0x788: {  	v61 =	vor.u32 v13, v38;
	v43 =	vld [tilespmem:s26+$0x8530]  }
0x789: {  	[tilespmem:v59+s20+$0x0] =	vst.idx.add.f32.msk $0xffff, v35  }
0x78a: {  	v62 =	vor.u32 v8, v34;
	v35 =	vld [tilespmem:s26+$0x81E0]  }
0x78b: {  	[tilespmem:v60+s20+$0x0] =	vst.idx.add.f32.msk $0xffff, v40  }
0x78c: {  	v63 =	vor.u32 v26, v37;
	v40 =	vld [tilespmem:s26+$0x8C80]  }
0x78d: {  	[tilespmem:v61+s20+$0x0] =	vst.idx.add.f32.msk $0xffff, v43  }
0x78e: {  	v48 =	vor.u32 v14, v38;
	v43 =	vld [tilespmem:s26+$0x8540]  }
0x78f: {  	[tilespmem:v62+s20+$0x0] =	vst.idx.add.f32.msk $0xffff, v35  }
0x790: {  	v49 =	vor.u32 v9, v34;
	v35 =	vld [tilespmem:s26+$0x81F0]  }
0x791: {  	[tilespmem:v63+s20+$0x0] =	vst.idx.add.f32.msk $0xffff, v40  }
0x792: {  	v50 =	vor.u32 v27, v37;
	v40 =	vld [tilespmem:s26+$0x8C90]  }
0x793: {  	[tilespmem:v48+s20+$0x0] =	vst.idx.add.f32.msk $0xffff, v43  }
0x794: {  	v51 =	vor.u32 v15, v38;
	v43 =	vld [tilespmem:s26+$0x8550]  }
0x795: {  	[tilespmem:v49+s20+$0x0] =	vst.idx.add.f32.msk $0xffff, v35  }
0x796: {  	v52 =	vor.u32 v10, v34;
	v35 =	vld [tilespmem:s26+$0x8580]  }
0x797: {  	[tilespmem:v50+s20+$0x0] =	vst.idx.add.f32.msk $0xffff, v40  }
0x798: {  	v53 =	vor.u32 v28, v37;
	v40 =	vld [tilespmem:s26+$0x8CA0]  }
0x799: {  	[tilespmem:v51+s20+$0x0] =	vst.idx.add.f32.msk $0xffff, v43  }
0x79a: {  	v54 =	vor.u32 v16, v38;
	v43 =	vld [tilespmem:s26+$0x8560]  }
0x79b: {  	[tilespmem:v52+s20+$0x0] =	vst.idx.add.f32.msk $0xffff, v35  }
0x79c: {  	v55 =	vor.u32 v11, v34;
	v35 =	vld [tilespmem:s26+$0x8590]  }
0x79d: {  	[tilespmem:v53+s20+$0x0] =	vst.idx.add.f32.msk $0xffff, v40  }
0x79e: {  	v56 =	vor.u32 v29, v37;
	v40 =	vld [tilespmem:s26+$0x8CB0]  }
0x79f: {  	[tilespmem:v54+s20+$0x0] =	vst.idx.add.f32.msk $0xffff, v43  }
0x7a0: {  	v57 =	vor.u32 v17, v38;
	v43 =	vld [tilespmem:s26+$0x8570]  }
0x7a1: {  	[tilespmem:v55+s20+$0x0] =	vst.idx.add.f32.msk $0xffff, v35  }
0x7a2: {  	v58 =	vor.u32 v12, v34;
	v35 =	vld [tilespmem:s26+$0x85A0]  }
0x7a3: {  	[tilespmem:v56+s20+$0x0] =	vst.idx.add.f32.msk $0xffff, v40  }
0x7a4: {  	v59 =	vor.u32 v30, v37;
	v40 =	vld [tilespmem:s26+$0x8CC0]  }
0x7a5: {  	[tilespmem:v57+s20+$0x0] =	vst.idx.add.f32.msk $0xffff, v43  }
0x7a6: {  	v60 =	vor.u32 v18, v38;
	v43 =	vld [tilespmem:s26+$0x8900]  }
0x7a7: {  	[tilespmem:v58+s20+$0x0] =	vst.idx.add.f32.msk $0xffff, v35  }
0x7a8: {  	v61 =	vor.u32 v13, v34;
	v35 =	vld [tilespmem:s26+$0x85B0]  }
0x7a9: {  	[tilespmem:v59+s20+$0x0] =	vst.idx.add.f32.msk $0xffff, v40  }
0x7aa: {  	v62 =	vor.u32 v31, v37;
	v40 =	vld [tilespmem:s26+$0x8CD0]  }
0x7ab: {  	s30 =	sor.u32 $0x4, s25;
	[tilespmem:v60+s20+$0x0] =	vst.idx.add.f32.msk $0xffff, v43  }
0x7ac: {  	v45 =	vmov s30;
	v63 =	vor.u32 v19, v38;
	v43 =	vld [tilespmem:s26+$0x8910]  }
0x7ad: {  	v48 =	vand.u32 $0xFFFFFFFC, v45;
	[tilespmem:v61+s20+$0x0] =	vst.idx.add.f32.msk $0xffff, v35  }
0x7ae: {  	v49 =	vor.u32 v14, v34;
	v35 =	vbroadcast v48, $0x0;
	v42 =	vld [tilespmem:s26+$0x85C0]  }
0x7af: {  	[tilespmem:v62+s20+$0x0] =	vst.idx.add.f32.msk $0xffff, v40  }
0x7b0: {  	v40 =	vld [tilespmem:s26+$0x8CE0]  }
0x7b1: {  	v50 =	vor.u32 v32, v37;
	[tilespmem:v63+s20+$0x0] =	vst.idx.add.f32.msk $0xffff, v43  }
0x7b2: {  	v43 =	vld [tilespmem:s26+$0x8920]  }
0x7b3: {  	v51 =	vor.u32 v20, v38;
	[tilespmem:v49+s20+$0x0] =	vst.idx.add.f32.msk $0xffff, v42  }
0x7b4: {  	v35 =	vld.idx.msk [tilespmem:v35+s18+$0x0], $0xffff  }
0x7b5: {  	v52 =	vor.u32 v15, v34;
	v42 =	vld [tilespmem:s26+$0x85D0]  }
0x7b6: {  	[tilespmem:v50+s20+$0x0] =	vst.idx.add.f32.msk $0xffff, v40  }
0x7b7: {  	v40 =	vld [tilespmem:s26+$0x8CF0]  }
0x7b8: {  	v37 =	vor.u32 v33, v37;
	[tilespmem:v51+s20+$0x0] =	vst.idx.add.f32.msk $0xffff, v43  }
0x7b9: {  	v53 =	vld [tilespmem:s26+$0x8930]  }
0x7ba: {  	v54 =	vor.u32 v21, v38;
	[tilespmem:v52+s20+$0x0] =	vst.idx.add.f32.msk $0xffff, v42  }
0x7bb: {  	v55 =	vshll.u32 v35, $0x9;
	v56 =	vshll.u32 v35, $0x7;
	v45 =	vld [tilespmem:s26+$0x85E0]  }
0x7bc: {  	v46 =	vor.u32 v16, v34;
	v42 =	vand.u32 $0xFFFFF000, v55;
	v44 =	vand.u32 $0x380, v56;
	[tilespmem:v35+s19+$0x0] =	vst.idx.add.f32.msk $0x1, v2  }
0x7bd: {  	v35 =	vor.u32 v44, v42;
	[tilespmem:v37+s20+$0x0] =	vst.idx.add.f32.msk $0xffff, v40  }
0x7be: {  	v57 =	vld [tilespmem:s26+$0x8200];
	v44 =	vor.u32 v0, v35  }
0x7bf: {  	[tilespmem:v54+s20+$0x0] =	vst.idx.add.f32.msk $0xffff, v53  }
0x7c0: {  	v58 =	vor.u32 v22, v38;
	v41 =	vld [tilespmem:s26+$0x8940]  }
0x7c1: {  	[tilespmem:v46+s20+$0x0] =	vst.idx.add.f32.msk $0xffff, v45  }
0x7c2: {  	v59 =	vor.u32 v17, v34;
	v45 =	vld [tilespmem:s26+$0x85F0]  }
0x7c3: {  	[tilespmem:v44+s20+$0x0] =	vst.idx.add.f32.msk $0xffff, v57  }
0x7c4: {  	v60 =	vor.u32 v3, v35;
	v42 =	vld [tilespmem:s26+$0x8210]  }
0x7c5: {  	[tilespmem:v58+s20+$0x0] =	vst.idx.add.f32.msk $0xffff, v41  }
0x7c6: {  	v61 =	vor.u32 v23, v38;
	v41 =	vld [tilespmem:s26+$0x8950]  }
0x7c7: {  	[tilespmem:v59+s20+$0x0] =	vst.idx.add.f32.msk $0xffff, v45  }
0x7c8: {  	v62 =	vor.u32 v18, v34;
	v45 =	vld [tilespmem:s26+$0x8980]  }
0x7c9: {  	[tilespmem:v60+s20+$0x0] =	vst.idx.add.f32.msk $0xffff, v42  }
0x7ca: {  	v63 =	vor.u32 v4, v35;
	v42 =	vld [tilespmem:s26+$0x8220]  }
0x7cb: {  	[tilespmem:v61+s20+$0x0] =	vst.idx.add.f32.msk $0xffff, v41  }
0x7cc: {  	v48 =	vor.u32 v24, v38;
	v41 =	vld [tilespmem:s26+$0x8960]  }
0x7cd: {  	[tilespmem:v62+s20+$0x0] =	vst.idx.add.f32.msk $0xffff, v45  }
0x7ce: {  	v49 =	vor.u32 v19, v34;
	v45 =	vld [tilespmem:s26+$0x8990]  }
0x7cf: {  	[tilespmem:v63+s20+$0x0] =	vst.idx.add.f32.msk $0xffff, v42  }
0x7d0: {  	v50 =	vor.u32 v5, v35;
	v42 =	vld [tilespmem:s26+$0x8230]  }
0x7d1: {  	[tilespmem:v48+s20+$0x0] =	vst.idx.add.f32.msk $0xffff, v41  }
0x7d2: {  	v51 =	vor.u32 v25, v38;
	v41 =	vld [tilespmem:s26+$0x8970]  }
0x7d3: {  	[tilespmem:v49+s20+$0x0] =	vst.idx.add.f32.msk $0xffff, v45  }
0x7d4: {  	v52 =	vor.u32 v20, v34;
	v45 =	vld [tilespmem:s26+$0x89A0]  }
0x7d5: {  	[tilespmem:v50+s20+$0x0] =	vst.idx.add.f32.msk $0xffff, v42  }
0x7d6: {  	v53 =	vor.u32 v6, v35;
	v42 =	vld [tilespmem:s26+$0x8240]  }
0x7d7: {  	[tilespmem:v51+s20+$0x0] =	vst.idx.add.f32.msk $0xffff, v41  }
0x7d8: {  	v54 =	vor.u32 v26, v38;
	v41 =	vld [tilespmem:s26+$0x8D00]  }
0x7d9: {  	[tilespmem:v52+s20+$0x0] =	vst.idx.add.f32.msk $0xffff, v45  }
0x7da: {  	v55 =	vor.u32 v21, v34;
	v45 =	vld [tilespmem:s26+$0x89B0]  }
0x7db: {  	[tilespmem:v53+s20+$0x0] =	vst.idx.add.f32.msk $0xffff, v42  }
0x7dc: {  	v56 =	vor.u32 v7, v35;
	v42 =	vld [tilespmem:s26+$0x8250]  }
0x7dd: {  	[tilespmem:v54+s20+$0x0] =	vst.idx.add.f32.msk $0xffff, v41  }
0x7de: {  	v57 =	vor.u32 v27, v38;
	v41 =	vld [tilespmem:s26+$0x8D10]  }
0x7df: {  	[tilespmem:v55+s20+$0x0] =	vst.idx.add.f32.msk $0xffff, v45  }
0x7e0: {  	v58 =	vor.u32 v22, v34;
	v45 =	vld [tilespmem:s26+$0x89C0]  }
0x7e1: {  	[tilespmem:v56+s20+$0x0] =	vst.idx.add.f32.msk $0xffff, v42  }
0x7e2: {  	v59 =	vor.u32 v8, v35;
	v42 =	vld [tilespmem:s26+$0x8260]  }
0x7e3: {  	[tilespmem:v57+s20+$0x0] =	vst.idx.add.f32.msk $0xffff, v41  }
0x7e4: {  	v60 =	vor.u32 v28, v38;
	v41 =	vld [tilespmem:s26+$0x8D20]  }
0x7e5: {  	[tilespmem:v58+s20+$0x0] =	vst.idx.add.f32.msk $0xffff, v45  }
0x7e6: {  	v61 =	vor.u32 v23, v34;
	v45 =	vld [tilespmem:s26+$0x89D0]  }
0x7e7: {  	[tilespmem:v59+s20+$0x0] =	vst.idx.add.f32.msk $0xffff, v42  }
0x7e8: {  	v62 =	vor.u32 v9, v35;
	v42 =	vld [tilespmem:s26+$0x8270]  }
0x7e9: {  	[tilespmem:v60+s20+$0x0] =	vst.idx.add.f32.msk $0xffff, v41  }
0x7ea: {  	v63 =	vor.u32 v29, v38;
	v41 =	vld [tilespmem:s26+$0x8D30]  }
0x7eb: {  	s31 =	sor.u32 $0x5, s25;
	[tilespmem:v61+s20+$0x0] =	vst.idx.add.f32.msk $0xffff, v45  }
0x7ec: {  	v48 =	vor.u32 v24, v34;
	v49 =	vmov s31;
	v45 =	vld [tilespmem:s26+$0x89E0]  }
0x7ed: {  	[tilespmem:v62+s20+$0x0] =	vst.idx.add.f32.msk $0xffff, v42;
	v42 =	vand.u32 $0xFFFFFFFD, v49  }
0x7ee: {  	v47 =	vor.u32 v10, v35;
	v44 =	vld [tilespmem:s26+$0x8600];
	v50 =	vbroadcast v42, $0x0  }
0x7ef: {  	[tilespmem:v63+s20+$0x0] =	vst.idx.add.f32.msk $0xffff, v41  }
0x7f0: {  	v51 =	vld [tilespmem:s26+$0x8D40]  }
0x7f1: {  	v53 =	vor.u32 v30, v38;
	[tilespmem:v48+s20+$0x0] =	vst.idx.add.f32.msk $0xffff, v45  }
0x7f2: {  	v52 =	vld [tilespmem:s26+$0x89F0]  }
0x7f3: {  	v54 =	vor.u32 v25, v34;
	[tilespmem:v47+s20+$0x0] =	vst.idx.add.f32.msk $0xffff, v44  }
0x7f4: {  	v41 =	vld.idx.msk [tilespmem:v50+s18+$0x0], $0xffff  }
0x7f5: {  	v56 =	vor.u32 v11, v35;
	v55 =	vld [tilespmem:s26+$0x8610]  }
0x7f6: {  	[tilespmem:v53+s20+$0x0] =	vst.idx.add.f32.msk $0xffff, v51  }
0x7f7: {  	v49 =	vld [tilespmem:s26+$0x8D50]  }
0x7f8: {  	[tilespmem:v54+s20+$0x0] =	vst.idx.add.f32.msk $0xffff, v52  }
0x7f9: {  	v62 =	vor.u32 v26, v34;
	v61 =	vld [tilespmem:s26+$0x8D80]  }
0x7fa: {  	[tilespmem:v56+s20+$0x0] =	vst.idx.add.f32.msk $0xffff, v55  }
0x7fb: {  	v58 =	vor.u32 v12, v35;
	v59 =	vshll.u32 v41, $0x9;
	v60 =	vshll.u32 v41, $0x7;
	v57 =	vld [tilespmem:s26+$0x8620]  }
0x7fc: {  	v36 =	vand.u32 $0xFFFFF000, v59;
	v40 =	vand.u32 $0x380, v60;
	[tilespmem:v41+s19+$0x0] =	vst.idx.add.f32.msk $0x1, v2  }
0x7fd: {  	v51 =	vor.u32 v31, v38;
	v36 =	vor.u32 v40, v36;
	v63 =	vld [tilespmem:s26+$0x8280]  }
0x7fe: {  	v48 =	vor.u32 v0, v36;
	[tilespmem:v62+s20+$0x0] =	vst.idx.add.f32.msk $0xffff, v61  }
0x7ff: {  	v43 =	vld [tilespmem:s26+$0x8D90]  }
0x800: {  	v53 =	vor.u32 v27, v34;
	[tilespmem:v58+s20+$0x0] =	vst.idx.add.f32.msk $0xffff, v57  }
0x801: {  	v50 =	vor.u32 v13, v35;
	v37 =	vld [tilespmem:s26+$0x8630]  }
0x802: {  	[tilespmem:v51+s20+$0x0] =	vst.idx.add.f32.msk $0xffff, v49  }
0x803: {  	[tilespmem:v48+s20+$0x0] =	vst.idx.add.f32.msk $0xffff, v63  }
0x804: {  	v52 =	vor.u32 v3, v36;
	v40 =	vld [tilespmem:s26+$0x8290]  }
0x805: {  	[tilespmem:v53+s20+$0x0] =	vst.idx.add.f32.msk $0xffff, v43  }
0x806: {  	[tilespmem:v50+s20+$0x0] =	vst.idx.add.f32.msk $0xffff, v37  }
0x807: {  	v54 =	vor.u32 v14, v35;
	v37 =	vld [tilespmem:s26+$0x8640]  }
0x808: {  	v57 =	vld [tilespmem:s26+$0x8DA0]  }
0x809: {  	v58 =	vor.u32 v28, v34;
	[tilespmem:v52+s20+$0x0] =	vst.idx.add.f32.msk $0xffff, v40  }
0x80a: {  	v55 =	vor.u32 v4, v36;
	v40 =	vld [tilespmem:s26+$0x82A0]  }
0x80b: {  	v44 =	vld [tilespmem:s26+$0x8D60]  }
0x80c: {  	[tilespmem:v54+s20+$0x0] =	vst.idx.add.f32.msk $0xffff, v37  }
0x80d: {  	v56 =	vor.u32 v15, v35;
	v37 =	vld [tilespmem:s26+$0x8650]  }
0x80e: {  	[tilespmem:v58+s20+$0x0] =	vst.idx.add.f32.msk $0xffff, v57  }
0x80f: {  	v61 =	vor.u32 v32, v38;
	[tilespmem:v55+s20+$0x0] =	vst.idx.add.f32.msk $0xffff, v40  }
0x810: {  	v59 =	vor.u32 v5, v36;
	v40 =	vld [tilespmem:s26+$0x82B0]  }
0x811: {  	v43 =	vld [tilespmem:s26+$0x8DB0]  }
0x812: {  	v63 =	vor.u32 v29, v34;
	[tilespmem:v56+s20+$0x0] =	vst.idx.add.f32.msk $0xffff, v37  }
0x813: {  	v60 =	vor.u32 v16, v35;
	v37 =	vld [tilespmem:s26+$0x8660]  }
0x814: {  	[tilespmem:v61+s20+$0x0] =	vst.idx.add.f32.msk $0xffff, v44  }
0x815: {  	[tilespmem:v59+s20+$0x0] =	vst.idx.add.f32.msk $0xffff, v40  }
0x816: {  	v62 =	vor.u32 v6, v36;
	v40 =	vld [tilespmem:s26+$0x82C0]  }
0x817: {  	[tilespmem:v63+s20+$0x0] =	vst.idx.add.f32.msk $0xffff, v43  }
0x818: {  	[tilespmem:v60+s20+$0x0] =	vst.idx.add.f32.msk $0xffff, v37  }
0x819: {  	v46 =	vor.u32 v17, v35;
	v37 =	vld [tilespmem:s26+$0x8670]  }
0x81a: {  	v49 =	vld [tilespmem:s26+$0x8DC0]  }
0x81b: {  	v50 =	vor.u32 v30, v34;
	[tilespmem:v62+s20+$0x0] =	vst.idx.add.f32.msk $0xffff, v40  }
0x81c: {  	v47 =	vor.u32 v7, v36;
	v40 =	vld [tilespmem:s26+$0x82D0]  }
0x81d: {  	v44 =	vld [tilespmem:s26+$0x8D70]  }
0x81e: {  	[tilespmem:v46+s20+$0x0] =	vst.idx.add.f32.msk $0xffff, v37  }
0x81f: {  	v48 =	vor.u32 v18, v35;
	v37 =	vld [tilespmem:s26+$0x8A00]  }
0x820: {  	[tilespmem:v50+s20+$0x0] =	vst.idx.add.f32.msk $0xffff, v49  }
0x821: {  	v38 =	vor.u32 v33, v38;
	[tilespmem:v47+s20+$0x0] =	vst.idx.add.f32.msk $0xffff, v40  }
0x822: {  	v51 =	vor.u32 v8, v36;
	v40 =	vld [tilespmem:s26+$0x82E0]  }
0x823: {  	v42 =	vld [tilespmem:s26+$0x8DD0]  }
0x824: {  	v54 =	vor.u32 v31, v34;
	[tilespmem:v48+s20+$0x0] =	vst.idx.add.f32.msk $0xffff, v37  }
0x825: {  	v52 =	vor.u32 v19, v35;
	v37 =	vld [tilespmem:s26+$0x8A10]  }
0x826: {  	s29 =	sor.u32 $0x6, s25;
	[tilespmem:v38+s20+$0x0] =	vst.idx.add.f32.msk $0xffff, v44  }
0x827: {  	v56 =	vmov s29;
	[tilespmem:v51+s20+$0x0] =	vst.idx.add.f32.msk $0xffff, v40  }
0x828: {  	v53 =	vor.u32 v9, v36;
	v38 =	vand.u32 $0xFFFFFFFE, v56;
	v40 =	vld [tilespmem:s26+$0x82F0]  }
0x829: {  	v38 =	vbroadcast v38, $0x0;
	[tilespmem:v54+s20+$0x0] =	vst.idx.add.f32.msk $0xffff, v42  }
0x82a: {  	[tilespmem:v52+s20+$0x0] =	vst.idx.add.f32.msk $0xffff, v37  }
0x82b: {  	v55 =	vor.u32 v20, v35;
	v37 =	vld [tilespmem:s26+$0x8A20]  }
0x82c: {  	v42 =	vld [tilespmem:s26+$0x8DE0]  }
0x82d: {  	v61 =	vor.u32 v32, v34;
	[tilespmem:v53+s20+$0x0] =	vst.idx.add.f32.msk $0xffff, v40  }
0x82e: {  	s30 =	sor.u32 $0x7, s25;
	v57 =	vor.u32 v10, v36;
	v40 =	vld [tilespmem:s26+$0x8680]  }
0x82f: {  	v59 =	vmov s30;
	v38 =	vld.idx.msk [tilespmem:v38+s18+$0x0], $0xffff  }
0x830: {  	[tilespmem:v55+s20+$0x0] =	vst.idx.add.f32.msk $0xffff, v37  }
0x831: {  	v58 =	vor.u32 v21, v35;
	v37 =	vld [tilespmem:s26+$0x8A30]  }
0x832: {  	[tilespmem:v61+s20+$0x0] =	vst.idx.add.f32.msk $0xffff, v42  }
0x833: {  	[tilespmem:v57+s20+$0x0] =	vst.idx.add.f32.msk $0xffff, v40  }
0x834: {  	v40 =	vld.idx.msk [tilespmem:v59+s18+$0x0], $0xffff  }
0x835: {  	v60 =	vor.u32 v11, v36;
	v41 =	vld [tilespmem:s26+$0x8690]  }
0x836: {  	[tilespmem:v58+s20+$0x0] =	vst.idx.add.f32.msk $0xffff, v37  }
0x837: {  	v62 =	vor.u32 v22, v35;
	v37 =	vld [tilespmem:s26+$0x8A40]  }
0x838: {  	[tilespmem:v38+s19+$0x0] =	vst.idx.add.f32.msk $0x1, v2  }
0x839: {  	v52 =	vld [tilespmem:s26+$0x8300]  }
0x83a: {  	v49 =	vshll.u32 v38, $0x7;
	v48 =	vshll.u32 v38, $0x9;
	[tilespmem:v60+s20+$0x0] =	vst.idx.add.f32.msk $0xffff, v41  }
0x83b: {  	v63 =	vor.u32 v12, v36;
	v50 =	vand.u32 $0xFFFFF000, v48;
	v51 =	vand.u32 $0x380, v49;
	v41 =	vld [tilespmem:s26+$0x86A0]  }
0x83c: {  	[tilespmem:v62+s20+$0x0] =	vst.idx.add.f32.msk $0xffff, v37;
	v37 =	vor.u32 v51, v50  }
0x83d: {  	v54 =	vshll.u32 v40, $0x9;
	v55 =	vshll.u32 v40, $0x7;
	[tilespmem:v40+s19+$0x0] =	vst.idx.add.f32.msk $0x1, v2;
	v53 =	vor.u32 v0, v37  }
0x83e: {  	v61 =	vor.u32 v23, v35;
	v38 =	vand.u32 $0xFFFFF000, v54;
	v56 =	vand.u32 $0x380, v55;
	v59 =	vld [tilespmem:s26+$0x8A50]  }
0x83f: {  	v38 =	vor.u32 v56, v38;
	v40 =	vld [tilespmem:s26+$0x8380]  }
0x840: {  	[tilespmem:v63+s20+$0x0] =	vst.idx.add.f32.msk $0xffff, v41;
	v41 =	vor.u32 v0, v38  }
0x841: {  	v43 =	vld [tilespmem:s26+$0x86B0]  }
0x842: {  	[tilespmem:v53+s20+$0x0] =	vst.idx.add.f32.msk $0xffff, v52  }
0x843: {  	v57 =	vor.u32 v13, v36;
	[tilespmem:v61+s20+$0x0] =	vst.idx.add.f32.msk $0xffff, v59  }
0x844: {  	v58 =	vor.u32 v3, v37;
	v39 =	vld [tilespmem:s26+$0x8310]  }
0x845: {  	[tilespmem:v41+s20+$0x0] =	vst.idx.add.f32.msk $0xffff, v40  }
0x846: {  	v60 =	vor.u32 v3, v38;
	v40 =	vld [tilespmem:s26+$0x8390]  }
0x847: {  	v45 =	vld [tilespmem:s26+$0x8A60]  }
0x848: {  	[tilespmem:v57+s20+$0x0] =	vst.idx.add.f32.msk $0xffff, v43  }
0x849: {  	v55 =	vor.u32 v24, v35;
	[tilespmem:v58+s20+$0x0] =	vst.idx.add.f32.msk $0xffff, v39  }
0x84a: {  	v62 =	vor.u32 v4, v37;
	v39 =	vld [tilespmem:s26+$0x8320]  }
0x84b: {  	[tilespmem:v60+s20+$0x0] =	vst.idx.add.f32.msk $0xffff, v40  }
0x84c: {  	v48 =	vor.u32 v4, v38;
	v40 =	vld [tilespmem:s26+$0x83A0]  }
0x84d: {  	v44 =	vld [tilespmem:s26+$0x86C0]  }
0x84e: {  	v63 =	vor.u32 v14, v36;
	[tilespmem:v55+s20+$0x0] =	vst.idx.add.f32.msk $0xffff, v45  }
0x84f: {  	[tilespmem:v62+s20+$0x0] =	vst.idx.add.f32.msk $0xffff, v39  }
0x850: {  	v49 =	vor.u32 v5, v37;
	v39 =	vld [tilespmem:s26+$0x8330]  }
0x851: {  	[tilespmem:v48+s20+$0x0] =	vst.idx.add.f32.msk $0xffff, v40  }
0x852: {  	v50 =	vor.u32 v5, v38;
	v40 =	vld [tilespmem:s26+$0x83B0]  }
0x853: {  	[tilespmem:v63+s20+$0x0] =	vst.idx.add.f32.msk $0xffff, v44  }
0x854: {  	v52 =	vor.u32 v15, v36;
	v51 =	vld [tilespmem:s26+$0x86D0]  }
0x855: {  	[tilespmem:v49+s20+$0x0] =	vst.idx.add.f32.msk $0xffff, v39  }
0x856: {  	v53 =	vor.u32 v6, v37;
	v39 =	vld [tilespmem:s26+$0x8340]  }
0x857: {  	[tilespmem:v50+s20+$0x0] =	vst.idx.add.f32.msk $0xffff, v40  }
0x858: {  	v54 =	vor.u32 v6, v38;
	v40 =	vld [tilespmem:s26+$0x83C0]  }
0x859: {  	[tilespmem:v52+s20+$0x0] =	vst.idx.add.f32.msk $0xffff, v51  }
0x85a: {  	v44 =	vld [tilespmem:s26+$0x86E0]  }
0x85b: {  	v57 =	vor.u32 v16, v36;
	[tilespmem:v53+s20+$0x0] =	vst.idx.add.f32.msk $0xffff, v39  }
0x85c: {  	v56 =	vor.u32 v7, v37;
	v39 =	vld [tilespmem:s26+$0x8350]  }
0x85d: {  	[tilespmem:v54+s20+$0x0] =	vst.idx.add.f32.msk $0xffff, v40  }
0x85e: {  	v58 =	vor.u32 v7, v38;
	v40 =	vld [tilespmem:s26+$0x83D0]  }
0x85f: {  	v45 =	vld [tilespmem:s26+$0x8A70]  }
0x860: {  	[tilespmem:v57+s20+$0x0] =	vst.idx.add.f32.msk $0xffff, v44  }
0x861: {  	v49 =	vor.u32 v25, v35;
	[tilespmem:v56+s20+$0x0] =	vst.idx.add.f32.msk $0xffff, v39  }
0x862: {  	v59 =	vor.u32 v8, v37;
	v39 =	vld [tilespmem:s26+$0x8360]  }
0x863: {  	[tilespmem:v58+s20+$0x0] =	vst.idx.add.f32.msk $0xffff, v40  }
0x864: {  	v60 =	vor.u32 v8, v38;
	v40 =	vld [tilespmem:s26+$0x83E0]  }
0x865: {  	v61 =	vld [tilespmem:s26+$0x86F0]  }
0x866: {  	v62 =	vor.u32 v17, v36;
	[tilespmem:v49+s20+$0x0] =	vst.idx.add.f32.msk $0xffff, v45  }
0x867: {  	[tilespmem:v59+s20+$0x0] =	vst.idx.add.f32.msk $0xffff, v39  }
0x868: {  	v63 =	vor.u32 v9, v37;
	v39 =	vld [tilespmem:s26+$0x8370]  }
0x869: {  	[tilespmem:v60+s20+$0x0] =	vst.idx.add.f32.msk $0xffff, v40  }
0x86a: {  	v48 =	vor.u32 v9, v38;
	v40 =	vld [tilespmem:s26+$0x83F0]  }
0x86b: {  	[tilespmem:v62+s20+$0x0] =	vst.idx.add.f32.msk $0xffff, v61  }
0x86c: {  	v51 =	vor.u32 v18, v36;
	v44 =	vld [tilespmem:s26+$0x8A80]  }
0x86d: {  	[tilespmem:v63+s20+$0x0] =	vst.idx.add.f32.msk $0xffff, v39  }
0x86e: {  	v50 =	vor.u32 v10, v37;
	v39 =	vld [tilespmem:s26+$0x8700]  }
0x86f: {  	[tilespmem:v48+s20+$0x0] =	vst.idx.add.f32.msk $0xffff, v40  }
0x870: {  	v52 =	vor.u32 v10, v38;
	v40 =	vld [tilespmem:s26+$0x8780]  }
0x871: {  	[tilespmem:v51+s20+$0x0] =	vst.idx.add.f32.msk $0xffff, v44  }
0x872: {  	v55 =	vld [tilespmem:s26+$0x8A90]  }
0x873: {  	v56 =	vor.u32 v19, v36;
	[tilespmem:v50+s20+$0x0] =	vst.idx.add.f32.msk $0xffff, v39  }
0x874: {  	v53 =	vor.u32 v11, v37;
	v39 =	vld [tilespmem:s26+$0x8710]  }
0x875: {  	[tilespmem:v52+s20+$0x0] =	vst.idx.add.f32.msk $0xffff, v40  }
0x876: {  	v54 =	vor.u32 v11, v38;
	v40 =	vld [tilespmem:s26+$0x8790]  }
0x877: {  	v45 =	vld [tilespmem:s26+$0x8E00]  }
0x878: {  	[tilespmem:v56+s20+$0x0] =	vst.idx.add.f32.msk $0xffff, v55  }
0x879: {  	v59 =	vor.u32 v26, v35;
	[tilespmem:v53+s20+$0x0] =	vst.idx.add.f32.msk $0xffff, v39  }
0x87a: {  	v57 =	vor.u32 v12, v37;
	v39 =	vld [tilespmem:s26+$0x8720]  }
0x87b: {  	[tilespmem:v54+s20+$0x0] =	vst.idx.add.f32.msk $0xffff, v40  }
0x87c: {  	v58 =	vor.u32 v12, v38;
	v40 =	vld [tilespmem:s26+$0x87A0]  }
0x87d: {  	v44 =	vld [tilespmem:s26+$0x8AA0]  }
0x87e: {  	v61 =	vor.u32 v20, v36;
	[tilespmem:v59+s20+$0x0] =	vst.idx.add.f32.msk $0xffff, v45  }
0x87f: {  	[tilespmem:v57+s20+$0x0] =	vst.idx.add.f32.msk $0xffff, v39  }
0x880: {  	v60 =	vor.u32 v13, v37;
	v39 =	vld [tilespmem:s26+$0x8730]  }
0x881: {  	[tilespmem:v58+s20+$0x0] =	vst.idx.add.f32.msk $0xffff, v40  }
0x882: {  	v62 =	vor.u32 v13, v38;
	v40 =	vld [tilespmem:s26+$0x87B0]  }
0x883: {  	[tilespmem:v61+s20+$0x0] =	vst.idx.add.f32.msk $0xffff, v44  }
0x884: {  	v49 =	vld [tilespmem:s26+$0x8AB0]  }
0x885: {  	v50 =	vor.u32 v21, v36;
	[tilespmem:v60+s20+$0x0] =	vst.idx.add.f32.msk $0xffff, v39  }
0x886: {  	v63 =	vor.u32 v14, v37;
	v39 =	vld [tilespmem:s26+$0x8740]  }
0x887: {  	[tilespmem:v62+s20+$0x0] =	vst.idx.add.f32.msk $0xffff, v40  }
0x888: {  	v48 =	vor.u32 v14, v38;
	v40 =	vld [tilespmem:s26+$0x87C0]  }
0x889: {  	v45 =	vld [tilespmem:s26+$0x8E10]  }
0x88a: {  	[tilespmem:v50+s20+$0x0] =	vst.idx.add.f32.msk $0xffff, v49  }
0x88b: {  	v53 =	vor.u32 v27, v35;
	[tilespmem:v63+s20+$0x0] =	vst.idx.add.f32.msk $0xffff, v39  }
0x88c: {  	v51 =	vor.u32 v15, v37;
	v39 =	vld [tilespmem:s26+$0x8750]  }
0x88d: {  	[tilespmem:v48+s20+$0x0] =	vst.idx.add.f32.msk $0xffff, v40  }
0x88e: {  	v52 =	vor.u32 v15, v38;
	v40 =	vld [tilespmem:s26+$0x87D0]  }
0x88f: {  	v44 =	vld [tilespmem:s26+$0x8AC0]  }
0x890: {  	v55 =	vor.u32 v22, v36;
	[tilespmem:v53+s20+$0x0] =	vst.idx.add.f32.msk $0xffff, v45  }
0x891: {  	[tilespmem:v51+s20+$0x0] =	vst.idx.add.f32.msk $0xffff, v39  }
0x892: {  	v54 =	vor.u32 v16, v37;
	v39 =	vld [tilespmem:s26+$0x8760]  }
0x893: {  	[tilespmem:v52+s20+$0x0] =	vst.idx.add.f32.msk $0xffff, v40  }
0x894: {  	v56 =	vor.u32 v16, v38;
	v40 =	vld [tilespmem:s26+$0x87E0]  }
0x895: {  	[tilespmem:v55+s20+$0x0] =	vst.idx.add.f32.msk $0xffff, v44  }
0x896: {  	v59 =	vld [tilespmem:s26+$0x8AD0]  }
0x897: {  	v60 =	vor.u32 v23, v36;
	[tilespmem:v54+s20+$0x0] =	vst.idx.add.f32.msk $0xffff, v39  }
0x898: {  	v57 =	vor.u32 v17, v37;
	v39 =	vld [tilespmem:s26+$0x8770]  }
0x899: {  	[tilespmem:v56+s20+$0x0] =	vst.idx.add.f32.msk $0xffff, v40  }
0x89a: {  	v58 =	vor.u32 v17, v38;
	v40 =	vld [tilespmem:s26+$0x87F0]  }
0x89b: {  	v45 =	vld [tilespmem:s26+$0x8E20]  }
0x89c: {  	[tilespmem:v60+s20+$0x0] =	vst.idx.add.f32.msk $0xffff, v59  }
0x89d: {  	v63 =	vor.u32 v28, v35;
	[tilespmem:v57+s20+$0x0] =	vst.idx.add.f32.msk $0xffff, v39  }
0x89e: {  	v61 =	vor.u32 v18, v37;
	v39 =	vld [tilespmem:s26+$0x8B00]  }
0x89f: {  	[tilespmem:v58+s20+$0x0] =	vst.idx.add.f32.msk $0xffff, v40  }
0x8a0: {  	v62 =	vor.u32 v18, v38;
	v40 =	vld [tilespmem:s26+$0x8B80]  }
0x8a1: {  	v44 =	vld [tilespmem:s26+$0x8AE0]  }
0x8a2: {  	v49 =	vor.u32 v24, v36;
	[tilespmem:v63+s20+$0x0] =	vst.idx.add.f32.msk $0xffff, v45  }
0x8a3: {  	[tilespmem:v61+s20+$0x0] =	vst.idx.add.f32.msk $0xffff, v39  }
0x8a4: {  	v48 =	vor.u32 v19, v37;
	v39 =	vld [tilespmem:s26+$0x8B10]  }
0x8a5: {  	[tilespmem:v62+s20+$0x0] =	vst.idx.add.f32.msk $0xffff, v40  }
0x8a6: {  	v50 =	vor.u32 v19, v38;
	v40 =	vld [tilespmem:s26+$0x8B90]  }
0x8a7: {  	[tilespmem:v49+s20+$0x0] =	vst.idx.add.f32.msk $0xffff, v44  }
0x8a8: {  	v53 =	vld [tilespmem:s26+$0x8AF0]  }
0x8a9: {  	v54 =	vor.u32 v25, v36;
	[tilespmem:v48+s20+$0x0] =	vst.idx.add.f32.msk $0xffff, v39  }
0x8aa: {  	v51 =	vor.u32 v20, v37;
	v39 =	vld [tilespmem:s26+$0x8B20]  }
0x8ab: {  	[tilespmem:v50+s20+$0x0] =	vst.idx.add.f32.msk $0xffff, v40  }
0x8ac: {  	v52 =	vor.u32 v20, v38;
	v40 =	vld [tilespmem:s26+$0x8BA0]  }
0x8ad: {  	v45 =	vld [tilespmem:s26+$0x8E30]  }
0x8ae: {  	[tilespmem:v54+s20+$0x0] =	vst.idx.add.f32.msk $0xffff, v53  }
0x8af: {  	v57 =	vor.u32 v29, v35;
	[tilespmem:v51+s20+$0x0] =	vst.idx.add.f32.msk $0xffff, v39  }
0x8b0: {  	v55 =	vor.u32 v21, v37;
	v39 =	vld [tilespmem:s26+$0x8B30]  }
0x8b1: {  	[tilespmem:v52+s20+$0x0] =	vst.idx.add.f32.msk $0xffff, v40  }
0x8b2: {  	v56 =	vor.u32 v21, v38;
	v40 =	vld [tilespmem:s26+$0x8BB0]  }
0x8b3: {  	v44 =	vld [tilespmem:s26+$0x8E80]  }
0x8b4: {  	v59 =	vor.u32 v26, v36;
	[tilespmem:v57+s20+$0x0] =	vst.idx.add.f32.msk $0xffff, v45  }
0x8b5: {  	[tilespmem:v55+s20+$0x0] =	vst.idx.add.f32.msk $0xffff, v39  }
0x8b6: {  	v58 =	vor.u32 v22, v37;
	v39 =	vld [tilespmem:s26+$0x8B40]  }
0x8b7: {  	[tilespmem:v56+s20+$0x0] =	vst.idx.add.f32.msk $0xffff, v40  }
0x8b8: {  	v60 =	vor.u32 v22, v38;
	v40 =	vld [tilespmem:s26+$0x8BC0]  }
0x8b9: {  	[tilespmem:v59+s20+$0x0] =	vst.idx.add.f32.msk $0xffff, v44  }
0x8ba: {  	v63 =	vld [tilespmem:s26+$0x8E90]  }
0x8bb: {  	v48 =	vor.u32 v27, v36;
	[tilespmem:v58+s20+$0x0] =	vst.idx.add.f32.msk $0xffff, v39  }
0x8bc: {  	v61 =	vor.u32 v23, v37;
	v39 =	vld [tilespmem:s26+$0x8B50]  }
0x8bd: {  	[tilespmem:v60+s20+$0x0] =	vst.idx.add.f32.msk $0xffff, v40  }
0x8be: {  	v62 =	vor.u32 v23, v38;
	v40 =	vld [tilespmem:s26+$0x8BD0]  }
0x8bf: {  	v45 =	vld [tilespmem:s26+$0x8E40]  }
0x8c0: {  	[tilespmem:v48+s20+$0x0] =	vst.idx.add.f32.msk $0xffff, v63  }
0x8c1: {  	v51 =	vor.u32 v30, v35;
	[tilespmem:v61+s20+$0x0] =	vst.idx.add.f32.msk $0xffff, v39  }
0x8c2: {  	v49 =	vor.u32 v24, v37;
	v39 =	vld [tilespmem:s26+$0x8B60]  }
0x8c3: {  	[tilespmem:v62+s20+$0x0] =	vst.idx.add.f32.msk $0xffff, v40  }
0x8c4: {  	v50 =	vor.u32 v24, v38;
	v40 =	vld [tilespmem:s26+$0x8BE0]  }
0x8c5: {  	v44 =	vld [tilespmem:s26+$0x8EA0]  }
0x8c6: {  	v53 =	vor.u32 v28, v36;
	[tilespmem:v51+s20+$0x0] =	vst.idx.add.f32.msk $0xffff, v45  }
0x8c7: {  	[tilespmem:v49+s20+$0x0] =	vst.idx.add.f32.msk $0xffff, v39  }
0x8c8: {  	v52 =	vor.u32 v25, v37;
	v39 =	vld [tilespmem:s26+$0x8B70]  }
0x8c9: {  	[tilespmem:v50+s20+$0x0] =	vst.idx.add.f32.msk $0xffff, v40  }
0x8ca: {  	v54 =	vor.u32 v25, v38;
	v40 =	vld [tilespmem:s26+$0x8BF0]  }
0x8cb: {  	[tilespmem:v53+s20+$0x0] =	vst.idx.add.f32.msk $0xffff, v44  }
0x8cc: {  	v57 =	vld [tilespmem:s26+$0x8EB0]  }
0x8cd: {  	v58 =	vor.u32 v29, v36;
	[tilespmem:v52+s20+$0x0] =	vst.idx.add.f32.msk $0xffff, v39  }
0x8ce: {  	v55 =	vor.u32 v26, v37;
	v39 =	vld [tilespmem:s26+$0x8F00]  }
0x8cf: {  	[tilespmem:v54+s20+$0x0] =	vst.idx.add.f32.msk $0xffff, v40  }
0x8d0: {  	v56 =	vor.u32 v26, v38;
	v40 =	vld [tilespmem:s26+$0x8F80]  }
0x8d1: {  	v45 =	vld [tilespmem:s26+$0x8E50]  }
0x8d2: {  	[tilespmem:v58+s20+$0x0] =	vst.idx.add.f32.msk $0xffff, v57  }
0x8d3: {  	v61 =	vor.u32 v31, v35;
	[tilespmem:v55+s20+$0x0] =	vst.idx.add.f32.msk $0xffff, v39  }
0x8d4: {  	v59 =	vor.u32 v27, v37;
	v39 =	vld [tilespmem:s26+$0x8F10]  }
0x8d5: {  	[tilespmem:v56+s20+$0x0] =	vst.idx.add.f32.msk $0xffff, v40  }
0x8d6: {  	v60 =	vor.u32 v27, v38;
	v40 =	vld [tilespmem:s26+$0x8F90]  }
0x8d7: {  	v44 =	vld [tilespmem:s26+$0x8EC0]  }
0x8d8: {  	v63 =	vor.u32 v30, v36;
	[tilespmem:v61+s20+$0x0] =	vst.idx.add.f32.msk $0xffff, v45  }
0x8d9: {  	[tilespmem:v59+s20+$0x0] =	vst.idx.add.f32.msk $0xffff, v39  }
0x8da: {  	v62 =	vor.u32 v28, v37;
	v39 =	vld [tilespmem:s26+$0x8F20]  }
0x8db: {  	[tilespmem:v60+s20+$0x0] =	vst.idx.add.f32.msk $0xffff, v40  }
0x8dc: {  	v47 =	vor.u32 v28, v38;
	v40 =	vld [tilespmem:s26+$0x8FA0]  }
0x8dd: {  	[tilespmem:v63+s20+$0x0] =	vst.idx.add.f32.msk $0xffff, v44  }
0x8de: {  	v50 =	vld [tilespmem:s26+$0x8ED0]  }
0x8df: {  	v51 =	vor.u32 v31, v36;
	[tilespmem:v62+s20+$0x0] =	vst.idx.add.f32.msk $0xffff, v39  }
0x8e0: {  	v48 =	vor.u32 v29, v37;
	v39 =	vld [tilespmem:s26+$0x8F30]  }
0x8e1: {  	[tilespmem:v47+s20+$0x0] =	vst.idx.add.f32.msk $0xffff, v40  }
0x8e2: {  	v49 =	vor.u32 v29, v38;
	v40 =	vld [tilespmem:s26+$0x8FB0]  }
0x8e3: {  	v45 =	vld [tilespmem:s26+$0x8E60]  }
0x8e4: {  	[tilespmem:v51+s20+$0x0] =	vst.idx.add.f32.msk $0xffff, v50  }
0x8e5: {  	v54 =	vor.u32 v32, v35;
	[tilespmem:v48+s20+$0x0] =	vst.idx.add.f32.msk $0xffff, v39  }
0x8e6: {  	v52 =	vor.u32 v30, v37;
	v39 =	vld [tilespmem:s26+$0x8F40]  }
0x8e7: {  	[tilespmem:v49+s20+$0x0] =	vst.idx.add.f32.msk $0xffff, v40  }
0x8e8: {  	v53 =	vor.u32 v30, v38;
	v40 =	vld [tilespmem:s26+$0x8FC0]  }
0x8e9: {  	v44 =	vld [tilespmem:s26+$0x8EE0]  }
0x8ea: {  	[tilespmem:v54+s20+$0x0] =	vst.idx.add.f32.msk $0xffff, v45  }
0x8eb: {  	v56 =	vor.u32 v32, v36;
	[tilespmem:v52+s20+$0x0] =	vst.idx.add.f32.msk $0xffff, v39  }
0x8ec: {  	v55 =	vor.u32 v31, v37;
	v39 =	vld [tilespmem:s26+$0x8F50]  }
0x8ed: {  	[tilespmem:v53+s20+$0x0] =	vst.idx.add.f32.msk $0xffff, v40  }
0x8ee: {  	v57 =	vor.u32 v31, v38;
	v40 =	vld [tilespmem:s26+$0x8FD0]  }
0x8ef: {  	v61 =	vld [tilespmem:s26+$0x8E70]  }
0x8f0: {  	[tilespmem:v56+s20+$0x0] =	vst.idx.add.f32.msk $0xffff, v44  }
0x8f1: {  	[tilespmem:v55+s20+$0x0] =	vst.idx.add.f32.msk $0xffff, v39  }
0x8f2: {  	v58 =	vor.u32 v32, v37;
	v39 =	vld [tilespmem:s26+$0x8F60]  }
0x8f3: {  	[tilespmem:v57+s20+$0x0] =	vst.idx.add.f32.msk $0xffff, v40  }
0x8f4: {  	v59 =	vor.u32 v32, v38;
	v40 =	vld [tilespmem:s26+$0x8FE0]  }
0x8f5: {  	v60 =	vld [tilespmem:s26+$0x8DF0]  }
0x8f6: {  	v35 =	vor.u32 v33, v35;
	v62 =	vld [tilespmem:s26+$0x8EF0]  }
0x8f7: {  	v34 =	vor.u32 v33, v34;
	[tilespmem:v58+s20+$0x0] =	vst.idx.add.f32.msk $0xffff, v39  }
0x8f8: {  	v36 =	vor.u32 v33, v36;
	v63 =	vld [tilespmem:s26+$0x8F70]  }
0x8f9: {  	v37 =	vor.u32 v33, v37;
	[tilespmem:v59+s20+$0x0] =	vst.idx.add.f32.msk $0xffff, v40  }
0x8fa: {  	p0 =	slt.u32 s25, $0x38;
	v38 =	vor.u32 v33, v38;
	v41 =	vld [tilespmem:s26+$0x8FF0]  }
.Ltmp4:
0x8fb: {  	[tilespmem:v35+s20+$0x0] =	vst.idx.add.f32.msk $0xffff, v61;
	(pc) =	sbr.rel @p0 .LBB2_10-.Ltmp4, $4  }
0x8fc: {  	[tilespmem:v34+s20+$0x0] =	vst.idx.add.f32.msk $0xffff, v60  }
0x8fd: {  	[tilespmem:v36+s20+$0x0] =	vst.idx.add.f32.msk $0xffff, v62  }
0x8fe: {  	s31 =	sadd.s32 $0x8, s25;
	[tilespmem:v37+s20+$0x0] =	vst.idx.add.f32.msk $0xffff, v63  }
0x8ff: {  	s25 =	smov.u32 s31;
	[tilespmem:v38+s20+$0x0] =	vst.idx.add.f32.msk $0xffff, v41  }
0x900: {  	[hbm4b:s11+s2] =	stream.linear.scatter [tilespmem:s20], [sflag:$0x5], $0x8000, $0x38;
	[tilespmem:$0x18180] =	vst v63  }
0x901: {  	s24 =	sadd.s32 $0x1, s24;
	_ =	swait.ge [sflag:s23], $0x8000  }
0x902: {  	p0 =	sne.s32 s24, s13;
	[sflag:s23] =	ssyncset.done $0x0  }
.Ltmp5:
0x903: {  	[sflag:s23] =	ssyncadd.s32 $0xFFFF8000;
	(pc) =	sbr.rel @p0 .LBB2_1-.Ltmp5, $4  }
0x904: {  	[hbm4b:s12+s2] =	stream.linear.scatter [tilespmem:s19], [sflag:$0x5], $0x80, $0x38;
	[tilespmem:$0x18180] =	vst v63  }
0x905: {  	_ =	swait.ge [sflag:s23], $0x80  }
0x906: {  	[sflag:s23] =	ssyncset.done $0x0  }
0x907: {  	[sflag:s23] =	ssyncadd.s32 $0xFFFFFF80  }
0x908: {  	_ =	sfence.sel $0x180000  }
0x909: {  	[bflag:$0x0] =	sbarrier.arrive $0xFFFF  }
0x90a: {  	p0 =	sne.s32 s1, $0x0;
	_ =	strace $0x90000047  }
0x90b: {  	s0 =	sadd.s32 @!p0 $0x100000, s0;
	[bflag:$0x2] =	sbarrier.arrive $0xFFFF  }
0x90c: {  	[sflag:s0] =	ssyncadd.tile.s32 @!p0 $0x1;
	_ =	shalt  }
.Lfunc_end2:
_tile_overlayer_lowered:
.L_overlay_start_2:
0x90d: {  	(tag) =	ssettag $0x2  }
0x90e: {  	s0 =	rddreg [dreg:$0x0];
	s2 =	stileid.u32  }
0x90f: {  	s1 =	rddreg [dreg:$0x1];
	p0 =	sne.s32 s2, $0x0  }
0x910: {  	s3 =	rddreg [dreg:$0x2];
	[bflag:$0x3] =	sbarrier.arrive $0xFFFF;
	s2 =	simm.s32 @!p0 $0x1C05  }
0x911: {  	[timem:s3], [sflag:s2] =	dma.local @!p0 [hbm:s0], s1  }
0x912: {  	s0 =	simm.s32 @!p0 $0x5  }
0x913: {  	_ =	swait.ge @!p0 [sflag:s0], s1  }
0x914: {  	s1 =	ssub.s32 @!p0 $0x0, s1;
	[sflag:s0] =	ssyncset.done @!p0 $0x0  }
0x915: {  	[sflag:s0] =	ssyncadd.s32 @!p0 s1  }
0x916: {  	[bflag:$0x3] =	sbarrier.arrive $0xFFFF  }
0x917: {  	_ =	shalt  }

</sc_bundles>
